<compile_context>
chip_gen: v7x
topology: tpu7x:2x2x1
jax: 0.10.2.dev20260603
libtpu: 0.0.44.dev20260713+nightly
codegen_flags: <defaults>
</compile_context>

<pallas_src>
import jax
import jax.numpy as jnp
from jax import lax
from jax.experimental import pallas as pl
from jax.experimental.pallas import tpu as pltpu
from jax.experimental.pallas import tpu_sc as plsc

N = 10000
C = 128
PN = 10240
PE = 327680
NC = 2
NS = 16
NW = NC * NS
EPS = PE // NW
CHUNK = 128
LCAP = EPS // CHUNK
HALF = PN // NC
TRASH = HALF
ACCR = HALF + 128
RPT = ACCR // NS
DEGW = 16
SHIFT = 14
MASK = (1 << SHIFT) - 1
P_TRASH = MASK << SHIFT
DEGN = 6144
DPT = DEGN // NS

_mesh = plsc.VectorSubcoreMesh(core_axis_name="c", subcore_axis_name="s")


def _fill_const(ref, nrows, ncols, value, dtype=jnp.float32):
    v = jnp.full((16,), value, dtype)
    per = ncols // 16

    def body(i, _):
        ref[i // per, pl.ds((i % per) * 16, 16)] = v
        return 0

    lax.fori_loop(0, nrows * per, body, 0)


def _count_chunks(pidx):
    def body(r, n):
        g = pidx[r, pl.ds(0, 16)]
        real = jnp.sum((g != P_TRASH).astype(jnp.int32))
        return n + jnp.minimum(real, 1)

    return lax.fori_loop(0, LCAP, body, 0)


def _part_body(edges_hbm, plist, pidx, l0, l1, r0, r1):
    c = lax.axis_index("c")
    s = lax.axis_index("s")
    w = c * NS + s
    pltpu.sync_copy(edges_hbm.at[w], pidx)
    trash = jnp.full((16,), P_TRASH, jnp.int32)

    def prefill(i, _):
        l0[pl.ds(i * 16, 16)] = trash
        l1[pl.ds(i * 16, 16)] = trash
        return 0

    lax.fori_loop(0, (EPS + 16) // 16, prefill, 0)

    def compact(g, pos):
        pos0, pos1 = pos
        p = pidx[g // 8, pl.ds((g % 8) * 16, 16)]
        d = lax.shift_right_logical(p, SHIFT)
        m0 = d < HALF
        m1 = d >= HALF
        one = jnp.full((16,), 1, jnp.int32)
        zero = jnp.full((16,), 0, jnp.int32)
        mi0 = jnp.where(m0, one, zero)
        mi1 = jnp.where(m1, one, zero)
        cum0 = plsc.cumsum(mi0) - mi0
        cum1 = plsc.cumsum(mi1) - mi1
        plsc.store_scatter(l0, [pos0 + cum0], p, mask=m0)
        plsc.store_scatter(l1, [pos1 + cum1], p, mask=m1)
        c0 = jnp.sum(mi0)
        return pos0 + c0, pos1 + (16 - c0)

    lax.fori_loop(0, EPS // 16, compact, (0, 0))

    def repack(g, _):
        r = g // 8
        sl = pl.ds((g % 8) * 16, 16)
        r0[r, sl] = l0[pl.ds(g * 16, 16)]
        r1[r, sl] = l1[pl.ds(g * 16, 16)]
        return 0

    lax.fori_loop(0, EPS // 16, repack, 0)
    pltpu.sync_copy(r0, plist.at[0].at[w])
    pltpu.sync_copy(r1, plist.at[1].at[w])


_part_call = pl.kernel(
    _part_body,
    out_type=jax.ShapeDtypeStruct((NC, NW, LCAP, CHUNK), jnp.int32),
    mesh=_mesh,
    compiler_params=pltpu.CompilerParams(needs_layout_passes=False),
    scratch_types=[
        pltpu.VMEM((LCAP, CHUNK), jnp.int32),
        pltpu.VMEM((EPS + 16,), jnp.int32),
        pltpu.VMEM((EPS + 16,), jnp.int32),
        pltpu.VMEM((LCAP, CHUNK), jnp.int32),
        pltpu.VMEM((LCAP, CHUNK), jnp.int32),
    ],
)


def _deg_body(plist, deg_out, pidx, didx, ones_v, zero_v, deg_tab):
    c = lax.axis_index("c")
    s = lax.axis_index("s")
    lo = c * HALF
    one16 = jnp.full((16,), 1.0, jnp.float32)
    zero16 = jnp.full((16,), 0.0, jnp.float32)

    def fill1(i, _):
        ones_v[pl.ds(i * 16, 16)] = one16
        return 0

    lax.fori_loop(0, CHUNK // 16, fill1, 0)

    def fill0(i, _):
        zero_v[pl.ds(i * 16, 16)] = zero16
        return 0

    lax.fori_loop(0, DPT // 16, fill0, 0)
    pltpu.sync_copy(zero_v, deg_tab.at[pl.ds(s * DPT, DPT)])
    plsc.subcore_barrier()

    for li in range(2):
        w = 2 * s + li
        pltpu.sync_copy(plist.at[c].at[w], pidx)
        nch = _count_chunks(pidx)

        def unpack(g, _):
            p = pidx[g // 8, pl.ds((g % 8) * 16, 16)]
            d = lax.shift_right_logical(p, SHIFT) - lo
            spread = TRASH + lax.bitwise_and(lax.iota(jnp.int32, 16) + g, 127)
            didx[g // 8, pl.ds((g % 8) * 16, 16)] = jnp.minimum(d, spread)
            return 0

        lax.fori_loop(0, nch * 8, unpack, 0)

        def scat(j, _):
            pltpu.sync_copy(ones_v, deg_tab.at[didx.at[j]], add=True)
            return 0

        lax.fori_loop(0, nch, scat, 0)

    plsc.subcore_barrier()
    sl = pl.ds(s * DPT, DPT)
    pltpu.sync_copy(deg_tab.at[sl], deg_out.at[c].at[sl])


_deg_call = pl.kernel(
    _deg_body,
    out_type=jax.ShapeDtypeStruct((NC, DEGN), jnp.float32),
    mesh=_mesh,
    compiler_params=pltpu.CompilerParams(needs_layout_passes=False),
    scratch_types=[
        pltpu.VMEM((LCAP, CHUNK), jnp.int32),
        pltpu.VMEM((LCAP, CHUNK), jnp.int32),
        pltpu.VMEM((CHUNK,), jnp.float32),
        pltpu.VMEM((DPT,), jnp.float32),
        pltpu.VMEM_SHARED((DEGN,), jnp.float32),
    ],
)


def _agg_body(y_hbm, plist, acc_out, pidx, didx,
              buf0, buf1, zero_v, acc_tab, g0, g1):
    c = lax.axis_index("c")
    s = lax.axis_index("s")
    lo = c * HALF
    _fill_const(zero_v, 56, C, 0.0)
    for k in range(5):
        pltpu.sync_copy(zero_v, acc_tab.at[pl.ds(s * RPT + k * 56, 56)])
    pltpu.sync_copy(zero_v.at[pl.ds(0, 48)], acc_tab.at[pl.ds(s * RPT + 280, 48)])
    plsc.subcore_barrier()

    for li in range(2):
        w = 2 * s + li
        pltpu.sync_copy(plist.at[c].at[w], pidx)
        nch = _count_chunks(pidx)

        def unpack(g, _):
            r = g // 8
            sl = pl.ds((g % 8) * 16, 16)
            p = pidx[r, sl]
            d = lax.shift_right_logical(p, SHIFT) - lo
            spread = TRASH + lax.bitwise_and(lax.iota(jnp.int32, 16) + r, 127)
            didx[r, sl] = jnp.minimum(d, spread)
            pidx[r, sl] = lax.bitwise_and(p, MASK)
            return 0

        lax.fori_loop(0, nch * 8, unpack, 0)

        bufs = (buf0, buf1)
        gsem = (g0, g1)

        @pl.when(nch > 0)
        def _():
            pltpu.async_copy(y_hbm.at[pidx.at[0]], buf0, g0)

            def body(j, _):
                @pl.when(j + 1 < nch)
                def _():
                    for k in range(2):
                        @pl.when((j + 1) % 2 == k)
                        def _():
                            pltpu.async_copy(y_hbm.at[pidx.at[j + 1]], bufs[k], gsem[k])

                for k in range(2):
                    @pl.when(j % 2 == k)
                    def _():
                        pltpu.make_async_copy(y_hbm.at[pidx.at[j]], bufs[k], gsem[k]).wait()
                        pltpu.sync_copy(bufs[k], acc_tab.at[didx.at[j]], add=True)
                return 0

            lax.fori_loop(0, nch, body, 0)

    plsc.subcore_barrier()
    sl = pl.ds(s * RPT, RPT)
    pltpu.sync_copy(acc_tab.at[sl], acc_out.at[c].at[sl])


_agg_call = pl.kernel(
    _agg_body,
    out_type=jax.ShapeDtypeStruct((NC, ACCR, C), jnp.float32),
    mesh=_mesh,
    compiler_params=pltpu.CompilerParams(needs_layout_passes=False),
    scratch_types=[
        pltpu.VMEM((LCAP, CHUNK), jnp.int32),
        pltpu.VMEM((LCAP, CHUNK), jnp.int32),
        pltpu.VMEM((CHUNK, C), jnp.float32),
        pltpu.VMEM((CHUNK, C), jnp.float32),
        pltpu.VMEM((56, C), jnp.float32),
        pltpu.VMEM_SHARED((ACCR, C), jnp.float32),
        pltpu.SemaphoreType.DMA,
        pltpu.SemaphoreType.DMA,
    ],
)


def _dinv_of(deg_ref):
    deg = jnp.where(pl.program_id(0) < _PER, deg_ref[0], deg_ref[1])
    return lax.rsqrt(deg + 1.0)


def _tc1_body(x_ref, w_ref, deg_ref, y_ref):
    dinv = _dinv_of(deg_ref)
    xw = jnp.dot(x_ref[...], w_ref[...], preferred_element_type=jnp.float32)
    y_ref[...] = xw * dinv[:, None]


def _tc2_body(acc_ref, y1_ref, deg_ref, w_ref, b_ref, y2_ref):
    dinv = _dinv_of(deg_ref)
    h = (acc_ref[0] + y1_ref[...]) * dinv[:, None] + b_ref[...]
    h = jnp.maximum(h, 0.0)
    y2_ref[...] = jnp.dot(h, w_ref[...], preferred_element_type=jnp.float32) * dinv[:, None]


def _tc3_body(acc_ref, y2_ref, deg_ref, b_ref, out_ref):
    dinv = _dinv_of(deg_ref)
    out_ref[...] = (acc_ref[0] + y2_ref[...]) * dinv[:, None] + b_ref[...]


_BLK = 1280
_GRID = PN // _BLK
_PER = HALF // _BLK

_row_spec = pl.BlockSpec((_BLK, C), lambda i: (i, 0))
_deg_spec = pl.BlockSpec((2, _BLK), lambda i: (0, i % _PER))
_acc_spec = pl.BlockSpec((1, _BLK, C), lambda i: (i // _PER, i % _PER, 0))
_w_spec = pl.BlockSpec((C, C), lambda i: (0, 0))
_b_spec = pl.BlockSpec((1, C), lambda i: (0, 0))
_out_shape = jax.ShapeDtypeStruct((PN, C), jnp.float32)

_tc1 = pl.pallas_call(
    _tc1_body,
    grid=(_GRID,),
    in_specs=[_row_spec, _w_spec, _deg_spec],
    out_specs=_row_spec,
    out_shape=_out_shape,
)

_tc2 = pl.pallas_call(
    _tc2_body,
    grid=(_GRID,),
    in_specs=[_acc_spec, _row_spec, _deg_spec, _w_spec, _b_spec],
    out_specs=_row_spec,
    out_shape=_out_shape,
)

_tc3 = pl.pallas_call(
    _tc3_body,
    grid=(_GRID,),
    in_specs=[_acc_spec, _row_spec, _deg_spec, _b_spec],
    out_specs=_row_spec,
    out_shape=_out_shape,
)


@jax.jit
def kernel(x, edge_index, W1, b1, W2, b2):
    src = edge_index[0]
    dst = edge_index[1]
    e = src.shape[0]
    x_pad = jnp.zeros((PN, C), jnp.float32).at[:N].set(x)
    pad = jnp.full((PE - e,), P_TRASH, jnp.int32)
    packed = src + (dst << SHIFT)
    edges = jnp.concatenate([packed, pad]).reshape(NW, LCAP, CHUNK)
    plist = _part_call(edges)
    deg = _deg_call(plist)
    y1 = _tc1(x_pad, W1, deg)
    acc1 = _agg_call(y1, plist)
    y2 = _tc2(acc1, y1, deg, W2, b1.reshape(1, C))
    acc2 = _agg_call(y2, plist)
    out = _tc3(acc2, y2, deg, b2.reshape(1, C))
    return out[:N]

# --- scband reference (transcript-rebuilt; emitter-appended) ---
"""Pipeline reference for scband-link-level-gnn-18459769438574 (READ-ONLY COPY).

The authoritative reference and input builder live on the scoring server;
editing this copy changes nothing except your own understanding.
"""

import jax, jax.numpy as jnp
import numpy as np

N_NODES = 10000
N_EDGES = 320000
IN_CH = 128
HID_CH = 128


def _glorot(key, shape):
    fan_in, fan_out = shape[0], shape[1]
    limit = jnp.sqrt(6.0 / (fan_in + fan_out))
    return jax.random.uniform(key, shape, dtype=jnp.float32, minval=-limit, maxval=limit)


def setup_inputs(seed: int = 0) -> dict:
    key = jax.random.key(seed)
    k_x, k_e, k_w1, k_w2 = jax.random.split(key, 4)
    x = jax.random.normal(k_x, (N_NODES, IN_CH), dtype=jnp.float32)
    edge_index = jax.random.randint(k_e, (2, N_EDGES), 0, N_NODES, dtype=jnp.int64 if jax.config.jax_enable_x64 else jnp.int32).astype(jnp.int32)
    W1 = _glorot(k_w1, (IN_CH, HID_CH))
    b1 = jnp.zeros((HID_CH,), dtype=jnp.float32)
    W2 = _glorot(k_w2, (HID_CH, HID_CH))
    b2 = jnp.zeros((HID_CH,), dtype=jnp.float32)
    return {"x": x, "edge_index": edge_index, "W1": W1, "b1": b1, "W2": W2, "b2": b2}


def _gcn_conv(x, W, b, src, dst, n):
    # GCNConv with add_self_loops=True and symmetric normalization
    xw = x @ W
    loop = jnp.arange(n, dtype=src.dtype)
    src2 = jnp.concatenate([src, loop])
    dst2 = jnp.concatenate([dst, loop])
    deg = jnp.zeros((n,), dtype=jnp.float32).at[dst2].add(1.0)
    dinv = jnp.where(deg > 0, jax.lax.rsqrt(deg), 0.0)
    norm = dinv[src2] * dinv[dst2]
    msg = xw[src2] * norm[:, None]
    out = jnp.zeros((n, W.shape[1]), dtype=jnp.float32).at[dst2].add(msg)
    return out + b


def reference(x, edge_index, W1, b1, W2, b2):
    src = edge_index[0]
    dst = edge_index[1]
    n = x.shape[0]
    h = _gcn_conv(x, W1, b1, src, dst, n)
    h = jax.nn.relu(h)  # dropout is identity in eval mode
    out = _gcn_conv(h, W2, b2, src, dst, n)
    return out

if __name__ == "__main__":
    import jax
    _d = setup_inputs()
    print(jax.jit(kernel)(*tuple(_d.values())))

</pallas_src>

<mosaic_0001>
#map = affine_map<(d0, d1) -> (0, 0)>
#map1 = affine_map<(d0, d1) -> (0, 0, 0, 0)>
#map2 = affine_map<(d0, d1) -> (0, 0, 0)>
module attributes {stable_mosaic.version = 14 : i64} {
  func.func @_agg_body(%arg0: i32, %arg1: i32, %arg2: memref<10240x128xf32, #tpu.memory_space<hbm>>, %arg3: memref<2x32x80x128xi32, #tpu.memory_space<hbm>>, %arg4: memref<2x5248x128xf32, #tpu.memory_space<hbm>>, %arg5: memref<80x128xi32, #tpu.memory_space<vmem>>, %arg6: memref<80x128xi32, #tpu.memory_space<vmem>>, %arg7: memref<128x128xf32, #tpu.memory_space<vmem>>, %arg8: memref<128x128xf32, #tpu.memory_space<vmem>>, %arg9: memref<56x128xf32, #tpu.memory_space<vmem>>, %arg10: memref<5248x128xf32, #tpu.memory_space<vmem_shared>>, %arg11: memref<!tpu.dma_semaphore, #tpu.memory_space<semaphore_mem>>, %arg12: memref<!tpu.dma_semaphore, #tpu.memory_space<semaphore_mem>>) attributes {dimension_semantics = [#tpu.dimension_semantics<core_parallel>, #tpu.dimension_semantics<subcore_parallel>], iteration_bounds = array<i64: 2, 16>, scalar_prefetch = 0 : i64, scratch_operands = 8 : i64, tpu.core_type = #tpu.core_type<sc_vector_subcore>, window_params = [{transform_indices = #map}, {transform_indices = #map1}, {transform_indices = #map2}]} {
    %mul3A = arith.constant 5120 : i32
    %mul3A_0 = arith.muli %arg0, %mul3A : i32
    %broadcast_in_dim3A = arith.constant 0.000000e+00 : f32
    %broadcast_in_dim3A_1 = vector.broadcast %broadcast_in_dim3A : f32 to vector<16xf32>
    %scan3A = arith.constant 0 : i32
    %scan3A_2 = arith.constant 0 : i32
    %scan3A_3 = arith.constant 448 : i32
    %scan3A_4 = arith.addi %scan3A_2, %scan3A_3 : i32
    %scan3A_5 = arith.constant 1 : i32
    %scan3A_6 = scf.for %scan3A_90 = %scan3A_2 to %scan3A_4 step %scan3A_5 iter_args(%scan3A_91 = %scan3A) -> (i32)  : i32 {
      %jit3A = arith.constant 8 : i32
      %div3A = arith.divsi %scan3A_90, %jit3A : i32
      %sign3A = arith.constant 0 : i32
      %sign3A_92 = arith.cmpi sgt, %scan3A_90, %sign3A : i32
      %sign3A_93 = arith.extui %sign3A_92 : i1 to i32
      %sign3A_94 = arith.constant 0 : i32
      %sign3A_95 = arith.cmpi slt, %scan3A_90, %sign3A_94 : i32
      %sign3A_96 = arith.extui %sign3A_95 : i1 to i32
      %sign3A_97 = arith.subi %sign3A_93, %sign3A_96 : i32
      %sign3A_98 = arith.constant 0 : i32
      %sign3A_99 = arith.cmpi sgt, %jit3A, %sign3A_98 : i32
      %sign3A_100 = arith.extui %sign3A_99 : i1 to i32
      %sign3A_101 = arith.constant 0 : i32
      %sign3A_102 = arith.cmpi slt, %jit3A, %sign3A_101 : i32
      %sign3A_103 = arith.extui %sign3A_102 : i1 to i32
      %sign3A_104 = arith.subi %sign3A_100, %sign3A_103 : i32
      %ne3A = arith.cmpi ne, %sign3A_97, %sign3A_104 : i32
      %rem3A = arith.remsi %scan3A_90, %jit3A : i32
      %ne3A_105 = arith.constant 0 : i32
      %ne3A_106 = arith.cmpi ne, %rem3A, %ne3A_105 : i32
      %and3A = arith.andi %ne3A, %ne3A_106 : i1
      %sub3A = arith.constant 1 : i32
      %sub3A_107 = arith.subi %div3A, %sub3A : i32
      %select_n3A = arith.select %and3A, %sub3A_107, %div3A : i32
      %jit3A_108 = arith.constant 8 : i32
      %eq3A = arith.constant 0 : i32
      %eq3A_109 = arith.cmpi eq, %jit3A_108, %eq3A : i32
      %jit3A_110 = arith.constant 1 : i32
      %select_n3A_111 = arith.select %eq3A_109, %jit3A_110, %jit3A_108 : i32
      %rem3A_112 = arith.remsi %scan3A_90, %select_n3A_111 : i32
      %ne3A_113 = arith.constant 0 : i32
      %ne3A_114 = arith.cmpi ne, %rem3A_112, %ne3A_113 : i32
      %lt3A = arith.constant 0 : i32
      %lt3A_115 = arith.cmpi slt, %rem3A_112, %lt3A : i32
      %lt3A_116 = arith.constant 0 : i32
      %lt3A_117 = arith.cmpi slt, %select_n3A_111, %lt3A_116 : i32
      %ne3A_118 = arith.xori %lt3A_115, %lt3A_117 : i1
      %and3A_119 = arith.andi %ne3A_118, %ne3A_114 : i1
      %add3A_120 = arith.addi %rem3A_112, %select_n3A_111 : i32
      %select_n3A_121 = arith.select %and3A_119, %add3A_120, %rem3A_112 : i32
      %mul3A_122 = arith.constant 16 : i32
      %mul3A_123 = arith.muli %select_n3A_121, %mul3A_122 : i32
      %swap3A = arith.index_cast %select_n3A : i32 to index
      %swap3A_124 = arith.index_cast %mul3A_123 : i32 to index
      %swap3A_125 = tpu.vector_load %arg9[%swap3A, %swap3A_124] {strides = array<i32>} : memref<56x128xf32, #tpu.memory_space<vmem>>, vector<16xf32>,
      tpu.vector_store %arg9[%swap3A, %swap3A_124], %broadcast_in_dim3A_1 {strides = array<i32>} : memref<56x128xf32, #tpu.memory_space<vmem>>, vector<16xf32>,
      %scan3A_126 = arith.constant 0 : i32
      scf.yield %scan3A_126 : i32
    }
    %scan3A_7 = arith.constant 448 : i32
    %mul3A_8 = arith.constant 328 : i32
    %mul3A_9 = arith.muli %arg1, %mul3A_8 : i32
    %add3A = arith.constant 0 : i32
    %add3A_10 = arith.addi %mul3A_9, %add3A : i32
    "tpu.region"() ({
      %run_scoped3A = tpu.sem_alloc : memref<!tpu.dma_semaphore, #tpu.memory_space<semaphore_mem>>
      %dma_start3A = arith.constant 0 : i32
      %dma_start3A_90 = tpu.memref_slice %arg10[%add3A_10, %dma_start3A] : memref<5248x128xf32, #tpu.memory_space<vmem_shared>> -> memref<56x128xf32, #tpu.memory_space<vmem_shared>>
      %dma_start3A_91 = arith.constant 0 : i32
      %dma_start3A_92 = tpu.memref_slice %arg10[%add3A_10, %dma_start3A_91] : memref<5248x128xf32, #tpu.memory_space<vmem_shared>> -> memref<56x128xf32, #tpu.memory_space<vmem_shared>>
      tpu.enqueue_dma source(%arg9 : memref<56x128xf32, #tpu.memory_space<vmem>>) target(%dma_start3A_92 : memref<56x128xf32, #tpu.memory_space<vmem_shared>>) target_semaphore(%run_scoped3A : memref<!tpu.dma_semaphore, #tpu.memory_space<semaphore_mem>>)
      %dma_wait3A = arith.constant 0 : i32
      %dma_wait3A_93 = tpu.memref_slice %arg10[%add3A_10, %dma_wait3A] : memref<5248x128xf32, #tpu.memory_space<vmem_shared>> -> memref<56x128xf32, #tpu.memory_space<vmem_shared>>
      %dma_wait3A_94 = arith.constant 0 : i32
      %dma_wait3A_95 = tpu.memref_slice %arg10[%add3A_10, %dma_wait3A_94] : memref<5248x128xf32, #tpu.memory_space<vmem_shared>> -> memref<56x128xf32, #tpu.memory_space<vmem_shared>>
      tpu.wait_dma2 semaphore(%run_scoped3A : memref<!tpu.dma_semaphore, #tpu.memory_space<semaphore_mem>>) src(%arg9 : memref<56x128xf32, #tpu.memory_space<vmem>>) dst(%dma_wait3A_95 : memref<56x128xf32, #tpu.memory_space<vmem_shared>>)
      tpu.yield
    }) : () -> ()
    %mul3A_11 = arith.constant 328 : i32
    %mul3A_12 = arith.muli %arg1, %mul3A_11 : i32
    %add3A_13 = arith.constant 56 : i32
    %add3A_14 = arith.addi %mul3A_12, %add3A_13 : i32
    "tpu.region"() ({
      %run_scoped3A = tpu.sem_alloc : memref<!tpu.dma_semaphore, #tpu.memory_space<semaphore_mem>>
      %dma_start3A = arith.constant 0 : i32
      %dma_start3A_90 = tpu.memref_slice %arg10[%add3A_14, %dma_start3A] : memref<5248x128xf32, #tpu.memory_space<vmem_shared>> -> memref<56x128xf32, #tpu.memory_space<vmem_shared>>
      %dma_start3A_91 = arith.constant 0 : i32
      %dma_start3A_92 = tpu.memref_slice %arg10[%add3A_14, %dma_start3A_91] : memref<5248x128xf32, #tpu.memory_space<vmem_shared>> -> memref<56x128xf32, #tpu.memory_space<vmem_shared>>
      tpu.enqueue_dma source(%arg9 : memref<56x128xf32, #tpu.memory_space<vmem>>) target(%dma_start3A_92 : memref<56x128xf32, #tpu.memory_space<vmem_shared>>) target_semaphore(%run_scoped3A : memref<!tpu.dma_semaphore, #tpu.memory_space<semaphore_mem>>)
      %dma_wait3A = arith.constant 0 : i32
      %dma_wait3A_93 = tpu.memref_slice %arg10[%add3A_14, %dma_wait3A] : memref<5248x128xf32, #tpu.memory_space<vmem_shared>> -> memref<56x128xf32, #tpu.memory_space<vmem_shared>>
      %dma_wait3A_94 = arith.constant 0 : i32
      %dma_wait3A_95 = tpu.memref_slice %arg10[%add3A_14, %dma_wait3A_94] : memref<5248x128xf32, #tpu.memory_space<vmem_shared>> -> memref<56x128xf32, #tpu.memory_space<vmem_shared>>
      tpu.wait_dma2 semaphore(%run_scoped3A : memref<!tpu.dma_semaphore, #tpu.memory_space<semaphore_mem>>) src(%arg9 : memref<56x128xf32, #tpu.memory_space<vmem>>) dst(%dma_wait3A_95 : memref<56x128xf32, #tpu.memory_space<vmem_shared>>)
      tpu.yield
    }) : () -> ()
    %mul3A_15 = arith.constant 328 : i32
    %mul3A_16 = arith.muli %arg1, %mul3A_15 : i32
    %add3A_17 = arith.constant 112 : i32
    %add3A_18 = arith.addi %mul3A_16, %add3A_17 : i32
    "tpu.region"() ({
      %run_scoped3A = tpu.sem_alloc : memref<!tpu.dma_semaphore, #tpu.memory_space<semaphore_mem>>
      %dma_start3A = arith.constant 0 : i32
      %dma_start3A_90 = tpu.memref_slice %arg10[%add3A_18, %dma_start3A] : memref<5248x128xf32, #tpu.memory_space<vmem_shared>> -> memref<56x128xf32, #tpu.memory_space<vmem_shared>>
      %dma_start3A_91 = arith.constant 0 : i32
      %dma_start3A_92 = tpu.memref_slice %arg10[%add3A_18, %dma_start3A_91] : memref<5248x128xf32, #tpu.memory_space<vmem_shared>> -> memref<56x128xf32, #tpu.memory_space<vmem_shared>>
      tpu.enqueue_dma source(%arg9 : memref<56x128xf32, #tpu.memory_space<vmem>>) target(%dma_start3A_92 : memref<56x128xf32, #tpu.memory_space<vmem_shared>>) target_semaphore(%run_scoped3A : memref<!tpu.dma_semaphore, #tpu.memory_space<semaphore_mem>>)
      %dma_wait3A = arith.constant 0 : i32
      %dma_wait3A_93 = tpu.memref_slice %arg10[%add3A_18, %dma_wait3A] : memref<5248x128xf32, #tpu.memory_space<vmem_shared>> -> memref<56x128xf32, #tpu.memory_space<vmem_shared>>
      %dma_wait3A_94 = arith.constant 0 : i32
      %dma_wait3A_95 = tpu.memref_slice %arg10[%add3A_18, %dma_wait3A_94] : memref<5248x128xf32, #tpu.memory_space<vmem_shared>> -> memref<56x128xf32, #tpu.memory_space<vmem_shared>>
      tpu.wait_dma2 semaphore(%run_scoped3A : memref<!tpu.dma_semaphore, #tpu.memory_space<semaphore_mem>>) src(%arg9 : memref<56x128xf32, #tpu.memory_space<vmem>>) dst(%dma_wait3A_95 : memref<56x128xf32, #tpu.memory_space<vmem_shared>>)
      tpu.yield
    }) : () -> ()
    %mul3A_19 = arith.constant 328 : i32
    %mul3A_20 = arith.muli %arg1, %mul3A_19 : i32
    %add3A_21 = arith.constant 168 : i32
    %add3A_22 = arith.addi %mul3A_20, %add3A_21 : i32
    "tpu.region"() ({
      %run_scoped3A = tpu.sem_alloc : memref<!tpu.dma_semaphore, #tpu.memory_space<semaphore_mem>>
      %dma_start3A = arith.constant 0 : i32
      %dma_start3A_90 = tpu.memref_slice %arg10[%add3A_22, %dma_start3A] : memref<5248x128xf32, #tpu.memory_space<vmem_shared>> -> memref<56x128xf32, #tpu.memory_space<vmem_shared>>
      %dma_start3A_91 = arith.constant 0 : i32
      %dma_start3A_92 = tpu.memref_slice %arg10[%add3A_22, %dma_start3A_91] : memref<5248x128xf32, #tpu.memory_space<vmem_shared>> -> memref<56x128xf32, #tpu.memory_space<vmem_shared>>
      tpu.enqueue_dma source(%arg9 : memref<56x128xf32, #tpu.memory_space<vmem>>) target(%dma_start3A_92 : memref<56x128xf32, #tpu.memory_space<vmem_shared>>) target_semaphore(%run_scoped3A : memref<!tpu.dma_semaphore, #tpu.memory_space<semaphore_mem>>)
      %dma_wait3A = arith.constant 0 : i32
      %dma_wait3A_93 = tpu.memref_slice %arg10[%add3A_22, %dma_wait3A] : memref<5248x128xf32, #tpu.memory_space<vmem_shared>> -> memref<56x128xf32, #tpu.memory_space<vmem_shared>>
      %dma_wait3A_94 = arith.constant 0 : i32
      %dma_wait3A_95 = tpu.memref_slice %arg10[%add3A_22, %dma_wait3A_94] : memref<5248x128xf32, #tpu.memory_space<vmem_shared>> -> memref<56x128xf32, #tpu.memory_space<vmem_shared>>
      tpu.wait_dma2 semaphore(%run_scoped3A : memref<!tpu.dma_semaphore, #tpu.memory_space<semaphore_mem>>) src(%arg9 : memref<56x128xf32, #tpu.memory_space<vmem>>) dst(%dma_wait3A_95 : memref<56x128xf32, #tpu.memory_space<vmem_shared>>)
      tpu.yield
    }) : () -> ()
    %mul3A_23 = arith.constant 328 : i32
    %mul3A_24 = arith.muli %arg1, %mul3A_23 : i32
    %add3A_25 = arith.constant 224 : i32
    %add3A_26 = arith.addi %mul3A_24, %add3A_25 : i32
    "tpu.region"() ({
      %run_scoped3A = tpu.sem_alloc : memref<!tpu.dma_semaphore, #tpu.memory_space<semaphore_mem>>
      %dma_start3A = arith.constant 0 : i32
      %dma_start3A_90 = tpu.memref_slice %arg10[%add3A_26, %dma_start3A] : memref<5248x128xf32, #tpu.memory_space<vmem_shared>> -> memref<56x128xf32, #tpu.memory_space<vmem_shared>>
      %dma_start3A_91 = arith.constant 0 : i32
      %dma_start3A_92 = tpu.memref_slice %arg10[%add3A_26, %dma_start3A_91] : memref<5248x128xf32, #tpu.memory_space<vmem_shared>> -> memref<56x128xf32, #tpu.memory_space<vmem_shared>>
      tpu.enqueue_dma source(%arg9 : memref<56x128xf32, #tpu.memory_space<vmem>>) target(%dma_start3A_92 : memref<56x128xf32, #tpu.memory_space<vmem_shared>>) target_semaphore(%run_scoped3A : memref<!tpu.dma_semaphore, #tpu.memory_space<semaphore_mem>>)
      %dma_wait3A = arith.constant 0 : i32
      %dma_wait3A_93 = tpu.memref_slice %arg10[%add3A_26, %dma_wait3A] : memref<5248x128xf32, #tpu.memory_space<vmem_shared>> -> memref<56x128xf32, #tpu.memory_space<vmem_shared>>
      %dma_wait3A_94 = arith.constant 0 : i32
      %dma_wait3A_95 = tpu.memref_slice %arg10[%add3A_26, %dma_wait3A_94] : memref<5248x128xf32, #tpu.memory_space<vmem_shared>> -> memref<56x128xf32, #tpu.memory_space<vmem_shared>>
      tpu.wait_dma2 semaphore(%run_scoped3A : memref<!tpu.dma_semaphore, #tpu.memory_space<semaphore_mem>>) src(%arg9 : memref<56x128xf32, #tpu.memory_space<vmem>>) dst(%dma_wait3A_95 : memref<56x128xf32, #tpu.memory_space<vmem_shared>>)
      tpu.yield
    }) : () -> ()
    %mul3A_27 = arith.constant 328 : i32
    %mul3A_28 = arith.muli %arg1, %mul3A_27 : i32
    %add3A_29 = arith.constant 280 : i32
    %add3A_30 = arith.addi %mul3A_28, %add3A_29 : i32
    "tpu.region"() ({
      %run_scoped3A = tpu.sem_alloc : memref<!tpu.dma_semaphore, #tpu.memory_space<semaphore_mem>>
      %dma_start3A = arith.constant 0 : i32
      %dma_start3A_90 = arith.constant 0 : i32
      %dma_start3A_91 = tpu.memref_slice %arg9[%dma_start3A, %dma_start3A_90] : memref<56x128xf32, #tpu.memory_space<vmem>> -> memref<48x128xf32, #tpu.memory_space<vmem>>
      %dma_start3A_92 = arith.constant 0 : i32
      %dma_start3A_93 = tpu.memref_slice %arg10[%add3A_30, %dma_start3A_92] : memref<5248x128xf32, #tpu.memory_space<vmem_shared>> -> memref<48x128xf32, #tpu.memory_space<vmem_shared>>
      %dma_start3A_94 = arith.constant 0 : i32
      %dma_start3A_95 = tpu.memref_slice %arg10[%add3A_30, %dma_start3A_94] : memref<5248x128xf32, #tpu.memory_space<vmem_shared>> -> memref<48x128xf32, #tpu.memory_space<vmem_shared>>
      %dma_start3A_96 = arith.constant 0 : i32
      %dma_start3A_97 = arith.constant 0 : i32
      %dma_start3A_98 = tpu.memref_slice %arg9[%dma_start3A_96, %dma_start3A_97] : memref<56x128xf32, #tpu.memory_space<vmem>> -> memref<48x128xf32, #tpu.memory_space<vmem>>
      tpu.enqueue_dma source(%dma_start3A_98 : memref<48x128xf32, #tpu.memory_space<vmem>>) target(%dma_start3A_95 : memref<48x128xf32, #tpu.memory_space<vmem_shared>>) target_semaphore(%run_scoped3A : memref<!tpu.dma_semaphore, #tpu.memory_space<semaphore_mem>>)
      %dma_wait3A = arith.constant 0 : i32
      %dma_wait3A_99 = arith.constant 0 : i32
      %dma_wait3A_100 = tpu.memref_slice %arg9[%dma_wait3A, %dma_wait3A_99] : memref<56x128xf32, #tpu.memory_space<vmem>> -> memref<48x128xf32, #tpu.memory_space<vmem>>
      %dma_wait3A_101 = arith.constant 0 : i32
      %dma_wait3A_102 = tpu.memref_slice %arg10[%add3A_30, %dma_wait3A_101] : memref<5248x128xf32, #tpu.memory_space<vmem_shared>> -> memref<48x128xf32, #tpu.memory_space<vmem_shared>>
      %dma_wait3A_103 = arith.constant 0 : i32
      %dma_wait3A_104 = tpu.memref_slice %arg10[%add3A_30, %dma_wait3A_103] : memref<5248x128xf32, #tpu.memory_space<vmem_shared>> -> memref<48x128xf32, #tpu.memory_space<vmem_shared>>
      %dma_wait3A_105 = arith.constant 0 : i32
      %dma_wait3A_106 = arith.constant 0 : i32
      %dma_wait3A_107 = tpu.memref_slice %arg9[%dma_wait3A_105, %dma_wait3A_106] : memref<56x128xf32, #tpu.memory_space<vmem>> -> memref<48x128xf32, #tpu.memory_space<vmem>>
      tpu.wait_dma2 semaphore(%run_scoped3A : memref<!tpu.dma_semaphore, #tpu.memory_space<semaphore_mem>>) src(%dma_wait3A_107 : memref<48x128xf32, #tpu.memory_space<vmem>>) dst(%dma_wait3A_104 : memref<48x128xf32, #tpu.memory_space<vmem_shared>>)
      tpu.yield
    }) : () -> ()
    %barrier3A = arith.constant 0 : index
    tpu.barrier barrier_id(%barrier3A)
    %mul3A_31 = arith.constant 2 : i32
    %mul3A_32 = arith.muli %mul3A_31, %arg1 : i32
    %add3A_33 = arith.constant 0 : i32
    %add3A_34 = arith.addi %mul3A_32, %add3A_33 : i32
    "tpu.region"() ({
      %run_scoped3A = tpu.sem_alloc : memref<!tpu.dma_semaphore, #tpu.memory_space<semaphore_mem>>
      %dma_start3A = arith.constant 0 : i32
      %dma_start3A_90 = arith.constant 0 : i32
      %dma_start3A_91 = arith.constant 0 : i32
      %dma_start3A_92 = tpu.memref_slice %arg3[%arg0, %dma_start3A, %dma_start3A_90, %dma_start3A_91] : memref<2x32x80x128xi32, #tpu.memory_space<hbm>> -> memref<1x32x80x128xi32, #tpu.memory_space<hbm>>
      %dma_start3A_93 = tpu.memref_squeeze %dma_start3A_92 : memref<1x32x80x128xi32, #tpu.memory_space<hbm>> -> memref<32x80x128xi32, #tpu.memory_space<hbm>>
      %dma_start3A_94 = arith.constant 0 : i32
      %dma_start3A_95 = arith.constant 0 : i32
      %dma_start3A_96 = tpu.memref_slice %dma_start3A_93[%add3A_34, %dma_start3A_94, %dma_start3A_95] : memref<32x80x128xi32, #tpu.memory_space<hbm>> -> memref<1x80x128xi32, #tpu.memory_space<hbm>>
      %dma_start3A_97 = tpu.memref_squeeze %dma_start3A_96 : memref<1x80x128xi32, #tpu.memory_space<hbm>> -> memref<80x128xi32, #tpu.memory_space<hbm>>
      %dma_start3A_98 = arith.constant 0 : i32
      %dma_start3A_99 = arith.constant 0 : i32
      %dma_start3A_100 = arith.constant 0 : i32
      %dma_start3A_101 = tpu.memref_slice %arg3[%arg0, %dma_start3A_98, %dma_start3A_99, %dma_start3A_100] : memref<2x32x80x128xi32, #tpu.memory_space<hbm>> -> memref<1x32x80x128xi32, #tpu.memory_space<hbm>>
      %dma_start3A_102 = tpu.memref_squeeze %dma_start3A_101 : memref<1x32x80x128xi32, #tpu.memory_space<hbm>> -> memref<32x80x128xi32, #tpu.memory_space<hbm>>
      %dma_start3A_103 = arith.constant 0 : i32
      %dma_start3A_104 = arith.constant 0 : i32
      %dma_start3A_105 = tpu.memref_slice %dma_start3A_102[%add3A_34, %dma_start3A_103, %dma_start3A_104] : memref<32x80x128xi32, #tpu.memory_space<hbm>> -> memref<1x80x128xi32, #tpu.memory_space<hbm>>
      %dma_start3A_106 = tpu.memref_squeeze %dma_start3A_105 : memref<1x80x128xi32, #tpu.memory_space<hbm>> -> memref<80x128xi32, #tpu.memory_space<hbm>>
      tpu.enqueue_dma source(%dma_start3A_106 : memref<80x128xi32, #tpu.memory_space<hbm>>) target(%arg5 : memref<80x128xi32, #tpu.memory_space<vmem>>) target_semaphore(%run_scoped3A : memref<!tpu.dma_semaphore, #tpu.memory_space<semaphore_mem>>)
      %dma_wait3A = arith.constant 0 : i32
      %dma_wait3A_107 = arith.constant 0 : i32
      %dma_wait3A_108 = arith.constant 0 : i32
      %dma_wait3A_109 = tpu.memref_slice %arg3[%arg0, %dma_wait3A, %dma_wait3A_107, %dma_wait3A_108] : memref<2x32x80x128xi32, #tpu.memory_space<hbm>> -> memref<1x32x80x128xi32, #tpu.memory_space<hbm>>
      %dma_wait3A_110 = tpu.memref_squeeze %dma_wait3A_109 : memref<1x32x80x128xi32, #tpu.memory_space<hbm>> -> memref<32x80x128xi32, #tpu.memory_space<hbm>>
      %dma_wait3A_111 = arith.constant 0 : i32
      %dma_wait3A_112 = arith.constant 0 : i32
      %dma_wait3A_113 = tpu.memref_slice %dma_wait3A_110[%add3A_34, %dma_wait3A_111, %dma_wait3A_112] : memref<32x80x128xi32, #tpu.memory_space<hbm>> -> memref<1x80x128xi32, #tpu.memory_space<hbm>>
      %dma_wait3A_114 = tpu.memref_squeeze %dma_wait3A_113 : memref<1x80x128xi32, #tpu.memory_space<hbm>> -> memref<80x128xi32, #tpu.memory_space<hbm>>
      %dma_wait3A_115 = arith.constant 0 : i32
      %dma_wait3A_116 = arith.constant 0 : i32
      %dma_wait3A_117 = arith.constant 0 : i32
      %dma_wait3A_118 = tpu.memref_slice %arg3[%arg0, %dma_wait3A_115, %dma_wait3A_116, %dma_wait3A_117] : memref<2x32x80x128xi32, #tpu.memory_space<hbm>> -> memref<1x32x80x128xi32, #tpu.memory_space<hbm>>
      %dma_wait3A_119 = tpu.memref_squeeze %dma_wait3A_118 : memref<1x32x80x128xi32, #tpu.memory_space<hbm>> -> memref<32x80x128xi32, #tpu.memory_space<hbm>>
      %dma_wait3A_120 = arith.constant 0 : i32
      %dma_wait3A_121 = arith.constant 0 : i32
      %dma_wait3A_122 = tpu.memref_slice %dma_wait3A_119[%add3A_34, %dma_wait3A_120, %dma_wait3A_121] : memref<32x80x128xi32, #tpu.memory_space<hbm>> -> memref<1x80x128xi32, #tpu.memory_space<hbm>>
      %dma_wait3A_123 = tpu.memref_squeeze %dma_wait3A_122 : memref<1x80x128xi32, #tpu.memory_space<hbm>> -> memref<80x128xi32, #tpu.memory_space<hbm>>
      tpu.wait_dma2 semaphore(%run_scoped3A : memref<!tpu.dma_semaphore, #tpu.memory_space<semaphore_mem>>) src(%dma_wait3A_123 : memref<80x128xi32, #tpu.memory_space<hbm>>) dst(%arg5 : memref<80x128xi32, #tpu.memory_space<vmem>>)
      tpu.yield
    }) : () -> ()
    %scan3A_35 = arith.constant 0 : i32
    %scan3A_36 = arith.constant 0 : i32
    %scan3A_37 = arith.constant 80 : i32
    %scan3A_38 = arith.addi %scan3A_36, %scan3A_37 : i32
    %scan3A_39 = arith.constant 1 : i32
    %scan3A_40 = scf.for %scan3A_90 = %scan3A_36 to %scan3A_38 step %scan3A_39 iter_args(%scan3A_91 = %scan3A_35) -> (i32)  : i32 {
      %get3A = arith.index_cast %scan3A_90 : i32 to index
      %get3A_92 = arith.constant 0 : index
      %get3A_93 = tpu.vector_load %arg5[%get3A, %get3A_92] {strides = array<i32>} : memref<80x128xi32, #tpu.memory_space<vmem>>, vector<16xi32>,
      %ne3A = arith.constant 268419072 : i32
      %ne3A_94 = vector.broadcast %ne3A : i32 to vector<16xi32>
      %ne3A_95 = arith.cmpi ne, %get3A_93, %ne3A_94 : vector<16xi32>
      %convert_element_type3A_96 = arith.extui %ne3A_95 : vector<16xi1> to vector<16xi32>
      %reduce_sum3A = arith.constant true
      %reduce_sum3A_97 = vector.broadcast %reduce_sum3A : i1 to vector<16xi1>
      %reduce_sum3A_98 = tpu.scan <sum>, %convert_element_type3A_96 masked %reduce_sum3A_97 : vector<16xi32>, vector<16xi1> -> vector<16xi32>
      %reduce_sum3A_99 = vector.extract %reduce_sum3A_98[15] : i32 from vector<16xi32>
      %min3A = arith.constant 1 : i32
      %min3A_100 = arith.minsi %reduce_sum3A_99, %min3A : i32
      %add3A_101 = arith.addi %scan3A_91, %min3A_100 : i32
      scf.yield %add3A_101 : i32
    }
    %scan3A_41 = arith.constant 80 : i32
    %mul3A_42 = arith.constant 8 : i32
    %mul3A_43 = arith.muli %scan3A_40, %mul3A_42 : i32
    %while3A = arith.constant 0 : i32
    %while3A_44 = arith.constant 0 : i32
    %while3A_45 = arith.subi %mul3A_43, %while3A : i32
    %while3A_46 = arith.addi %while3A, %while3A_45 : i32
    %while3A_47 = arith.constant 1 : i32
    %while3A_48 = arith.divsi %while3A_45, %while3A_47 : i32
    %while3A_49 = arith.muli %while3A_48, %while3A_47 : i32
    %while3A_50 = arith.addi %while3A, %while3A_49 : i32
    %while3A_51 = arith.constant 1 : i32
    %while3A_52 = scf.for %while3A_90 = %while3A to %while3A_50 step %while3A_51 iter_args(%while3A_91 = %while3A_44) -> (i32)  : i32 {
      %jit3A = arith.constant 8 : i32
      %div3A = arith.divsi %while3A_90, %jit3A : i32
      %sign3A = arith.constant 0 : i32
      %sign3A_92 = arith.cmpi sgt, %while3A_90, %sign3A : i32
      %sign3A_93 = arith.extui %sign3A_92 : i1 to i32
      %sign3A_94 = arith.constant 0 : i32
      %sign3A_95 = arith.cmpi slt, %while3A_90, %sign3A_94 : i32
      %sign3A_96 = arith.extui %sign3A_95 : i1 to i32
      %sign3A_97 = arith.subi %sign3A_93, %sign3A_96 : i32
      %sign3A_98 = arith.constant 0 : i32
      %sign3A_99 = arith.cmpi sgt, %jit3A, %sign3A_98 : i32
      %sign3A_100 = arith.extui %sign3A_99 : i1 to i32
      %sign3A_101 = arith.constant 0 : i32
      %sign3A_102 = arith.cmpi slt, %jit3A, %sign3A_101 : i32
      %sign3A_103 = arith.extui %sign3A_102 : i1 to i32
      %sign3A_104 = arith.subi %sign3A_100, %sign3A_103 : i32
      %ne3A = arith.cmpi ne, %sign3A_97, %sign3A_104 : i32
      %rem3A = arith.remsi %while3A_90, %jit3A : i32
      %ne3A_105 = arith.constant 0 : i32
      %ne3A_106 = arith.cmpi ne, %rem3A, %ne3A_105 : i32
      %and3A = arith.andi %ne3A, %ne3A_106 : i1
      %sub3A = arith.constant 1 : i32
      %sub3A_107 = arith.subi %div3A, %sub3A : i32
      %select_n3A = arith.select %and3A, %sub3A_107, %div3A : i32
      %jit3A_108 = arith.constant 8 : i32
      %eq3A = arith.constant 0 : i32
      %eq3A_109 = arith.cmpi eq, %jit3A_108, %eq3A : i32
      %jit3A_110 = arith.constant 1 : i32
      %select_n3A_111 = arith.select %eq3A_109, %jit3A_110, %jit3A_108 : i32
      %rem3A_112 = arith.remsi %while3A_90, %select_n3A_111 : i32
      %ne3A_113 = arith.constant 0 : i32
      %ne3A_114 = arith.cmpi ne, %rem3A_112, %ne3A_113 : i32
      %lt3A = arith.constant 0 : i32
      %lt3A_115 = arith.cmpi slt, %rem3A_112, %lt3A : i32
      %lt3A_116 = arith.constant 0 : i32
      %lt3A_117 = arith.cmpi slt, %select_n3A_111, %lt3A_116 : i32
      %ne3A_118 = arith.xori %lt3A_115, %lt3A_117 : i1
      %and3A_119 = arith.andi %ne3A_118, %ne3A_114 : i1
      %add3A_120 = arith.addi %rem3A_112, %select_n3A_111 : i32
      %select_n3A_121 = arith.select %and3A_119, %add3A_120, %rem3A_112 : i32
      %mul3A_122 = arith.constant 16 : i32
      %mul3A_123 = arith.muli %select_n3A_121, %mul3A_122 : i32
      %get3A = arith.index_cast %select_n3A : i32 to index
      %get3A_124 = arith.index_cast %mul3A_123 : i32 to index
      %get3A_125 = tpu.vector_load %arg5[%get3A, %get3A_124] {strides = array<i32>} : memref<80x128xi32, #tpu.memory_space<vmem>>, vector<16xi32>,
      %shift_right_logical3A = arith.constant 14 : i32
      %shift_right_logical3A_126 = vector.broadcast %shift_right_logical3A : i32 to vector<16xi32>
      %shift_right_logical3A_127 = arith.shrui %get3A_125, %shift_right_logical3A_126 : vector<16xi32>
      %sub3A_128 = vector.broadcast %mul3A_0 : i32 to vector<16xi32>
      %sub3A_129 = arith.subi %shift_right_logical3A_127, %sub3A_128 : vector<16xi32>
      %iota3A = tpu.iota {dimensions = array<i32: 0>} : vector<16xi32>
      %add3A_130 = vector.broadcast %select_n3A : i32 to vector<16xi32>
      %add3A_131 = arith.addi %iota3A, %add3A_130 : vector<16xi32>
      %and3A_132 = arith.constant 127 : i32
      %and3A_133 = vector.broadcast %and3A_132 : i32 to vector<16xi32>
      %and3A_134 = arith.andi %add3A_131, %and3A_133 : vector<16xi32>
      %add3A_135 = arith.constant 5120 : i32
      %add3A_136 = vector.broadcast %add3A_135 : i32 to vector<16xi32>
      %add3A_137 = arith.addi %add3A_136, %and3A_134 : vector<16xi32>
      %min3A = arith.minsi %sub3A_129, %add3A_137 : vector<16xi32>
      %swap3A = arith.index_cast %select_n3A : i32 to index
      %swap3A_138 = arith.index_cast %mul3A_123 : i32 to index
      %swap3A_139 = tpu.vector_load %arg6[%swap3A, %swap3A_138] {strides = array<i32>} : memref<80x128xi32, #tpu.memory_space<vmem>>, vector<16xi32>,
      tpu.vector_store %arg6[%swap3A, %swap3A_138], %min3A {strides = array<i32>} : memref<80x128xi32, #tpu.memory_space<vmem>>, vector<16xi32>,
      %and3A_140 = arith.constant 16383 : i32
      %and3A_141 = vector.broadcast %and3A_140 : i32 to vector<16xi32>
      %and3A_142 = arith.andi %get3A_125, %and3A_141 : vector<16xi32>
      %swap3A_143 = arith.index_cast %select_n3A : i32 to index
      %swap3A_144 = arith.index_cast %mul3A_123 : i32 to index
      %swap3A_145 = tpu.vector_load %arg5[%swap3A_143, %swap3A_144] {strides = array<i32>} : memref<80x128xi32, #tpu.memory_space<vmem>>, vector<16xi32>,
      tpu.vector_store %arg5[%swap3A_143, %swap3A_144], %and3A_142 {strides = array<i32>} : memref<80x128xi32, #tpu.memory_space<vmem>>, vector<16xi32>,
      %while3A_146 = arith.constant 0 : i32
      scf.yield %while3A_146 : i32
    }
    %while3A_53 = arith.constant 1 : i32
    %while3A_54 = scf.for %while3A_90 = %while3A_50 to %while3A_46 step %while3A_53 iter_args(%while3A_91 = %while3A_52) -> (i32)  : i32 {
      %jit3A = arith.constant 8 : i32
      %div3A = arith.divsi %while3A_90, %jit3A : i32
      %sign3A = arith.constant 0 : i32
      %sign3A_92 = arith.cmpi sgt, %while3A_90, %sign3A : i32
      %sign3A_93 = arith.extui %sign3A_92 : i1 to i32
      %sign3A_94 = arith.constant 0 : i32
      %sign3A_95 = arith.cmpi slt, %while3A_90, %sign3A_94 : i32
      %sign3A_96 = arith.extui %sign3A_95 : i1 to i32
      %sign3A_97 = arith.subi %sign3A_93, %sign3A_96 : i32
      %sign3A_98 = arith.constant 0 : i32
      %sign3A_99 = arith.cmpi sgt, %jit3A, %sign3A_98 : i32
      %sign3A_100 = arith.extui %sign3A_99 : i1 to i32
      %sign3A_101 = arith.constant 0 : i32
      %sign3A_102 = arith.cmpi slt, %jit3A, %sign3A_101 : i32
      %sign3A_103 = arith.extui %sign3A_102 : i1 to i32
      %sign3A_104 = arith.subi %sign3A_100, %sign3A_103 : i32
      %ne3A = arith.cmpi ne, %sign3A_97, %sign3A_104 : i32
      %rem3A = arith.remsi %while3A_90, %jit3A : i32
      %ne3A_105 = arith.constant 0 : i32
      %ne3A_106 = arith.cmpi ne, %rem3A, %ne3A_105 : i32
      %and3A = arith.andi %ne3A, %ne3A_106 : i1
      %sub3A = arith.constant 1 : i32
      %sub3A_107 = arith.subi %div3A, %sub3A : i32
      %select_n3A = arith.select %and3A, %sub3A_107, %div3A : i32
      %jit3A_108 = arith.constant 8 : i32
      %eq3A = arith.constant 0 : i32
      %eq3A_109 = arith.cmpi eq, %jit3A_108, %eq3A : i32
      %jit3A_110 = arith.constant 1 : i32
      %select_n3A_111 = arith.select %eq3A_109, %jit3A_110, %jit3A_108 : i32
      %rem3A_112 = arith.remsi %while3A_90, %select_n3A_111 : i32
      %ne3A_113 = arith.constant 0 : i32
      %ne3A_114 = arith.cmpi ne, %rem3A_112, %ne3A_113 : i32
      %lt3A = arith.constant 0 : i32
      %lt3A_115 = arith.cmpi slt, %rem3A_112, %lt3A : i32
      %lt3A_116 = arith.constant 0 : i32
      %lt3A_117 = arith.cmpi slt, %select_n3A_111, %lt3A_116 : i32
      %ne3A_118 = arith.xori %lt3A_115, %lt3A_117 : i1
      %and3A_119 = arith.andi %ne3A_118, %ne3A_114 : i1
      %add3A_120 = arith.addi %rem3A_112, %select_n3A_111 : i32
      %select_n3A_121 = arith.select %and3A_119, %add3A_120, %rem3A_112 : i32
      %mul3A_122 = arith.constant 16 : i32
      %mul3A_123 = arith.muli %select_n3A_121, %mul3A_122 : i32
      %get3A = arith.index_cast %select_n3A : i32 to index
      %get3A_124 = arith.index_cast %mul3A_123 : i32 to index
      %get3A_125 = tpu.vector_load %arg5[%get3A, %get3A_124] {strides = array<i32>} : memref<80x128xi32, #tpu.memory_space<vmem>>, vector<16xi32>,
      %shift_right_logical3A = arith.constant 14 : i32
      %shift_right_logical3A_126 = vector.broadcast %shift_right_logical3A : i32 to vector<16xi32>
      %shift_right_logical3A_127 = arith.shrui %get3A_125, %shift_right_logical3A_126 : vector<16xi32>
      %sub3A_128 = vector.broadcast %mul3A_0 : i32 to vector<16xi32>
      %sub3A_129 = arith.subi %shift_right_logical3A_127, %sub3A_128 : vector<16xi32>
      %iota3A = tpu.iota {dimensions = array<i32: 0>} : vector<16xi32>
      %add3A_130 = vector.broadcast %select_n3A : i32 to vector<16xi32>
      %add3A_131 = arith.addi %iota3A, %add3A_130 : vector<16xi32>
      %and3A_132 = arith.constant 127 : i32
      %and3A_133 = vector.broadcast %and3A_132 : i32 to vector<16xi32>
      %and3A_134 = arith.andi %add3A_131, %and3A_133 : vector<16xi32>
      %add3A_135 = arith.constant 5120 : i32
      %add3A_136 = vector.broadcast %add3A_135 : i32 to vector<16xi32>
      %add3A_137 = arith.addi %add3A_136, %and3A_134 : vector<16xi32>
      %min3A = arith.minsi %sub3A_129, %add3A_137 : vector<16xi32>
      %swap3A = arith.index_cast %select_n3A : i32 to index
      %swap3A_138 = arith.index_cast %mul3A_123 : i32 to index
      %swap3A_139 = tpu.vector_load %arg6[%swap3A, %swap3A_138] {strides = array<i32>} : memref<80x128xi32, #tpu.memory_space<vmem>>, vector<16xi32>,
      tpu.vector_store %arg6[%swap3A, %swap3A_138], %min3A {strides = array<i32>} : memref<80x128xi32, #tpu.memory_space<vmem>>, vector<16xi32>,
      %and3A_140 = arith.constant 16383 : i32
      %and3A_141 = vector.broadcast %and3A_140 : i32 to vector<16xi32>
      %and3A_142 = arith.andi %get3A_125, %and3A_141 : vector<16xi32>
      %swap3A_143 = arith.index_cast %select_n3A : i32 to index
      %swap3A_144 = arith.index_cast %mul3A_123 : i32 to index
      %swap3A_145 = tpu.vector_load %arg5[%swap3A_143, %swap3A_144] {strides = array<i32>} : memref<80x128xi32, #tpu.memory_space<vmem>>, vector<16xi32>,
      tpu.vector_store %arg5[%swap3A_143, %swap3A_144], %and3A_142 {strides = array<i32>} : memref<80x128xi32, #tpu.memory_space<vmem>>, vector<16xi32>,
      %while3A_146 = arith.constant 0 : i32
      scf.yield %while3A_146 : i32
    }
    %gt3A = arith.constant 0 : i32
    %gt3A_55 = arith.cmpi sgt, %scan3A_40, %gt3A : i32
    %convert_element_type3A = arith.extui %gt3A_55 : i1 to i32
    %cond3A = arith.constant 0 : i32
    %cond3A_56 = arith.cmpi ne, %convert_element_type3A, %cond3A : i32
    scf.if %cond3A_56 {
      %dma_start3A = arith.constant 0 : i32
      %dma_start3A_90 = arith.constant 0 : i32
      %dma_start3A_91 = tpu.memref_slice %arg5[%dma_start3A, %dma_start3A_90] : memref<80x128xi32, #tpu.memory_space<vmem>> -> memref<1x128xi32, #tpu.memory_space<vmem>>
      %dma_start3A_92 = tpu.memref_squeeze %dma_start3A_91 : memref<1x128xi32, #tpu.memory_space<vmem>> -> memref<128xi32, #tpu.memory_space<vmem>>
      %dma_start3A_93 = arith.constant 0 : i32
      %dma_start3A_94 = arith.constant 0 : i32
      %dma_start3A_95 = tpu.memref_slice %arg2[%dma_start3A_93, %dma_start3A_94] : memref<10240x128xf32, #tpu.memory_space<hbm>> -> memref<10240x128xf32, #tpu.memory_space<hbm>>
      tpu.enqueue_indirect_dma source(%dma_start3A_95 : memref<10240x128xf32, #tpu.memory_space<hbm>>) target(%arg7 : memref<128x128xf32, #tpu.memory_space<vmem>>) offsets(%dma_start3A_92 : memref<128xi32, #tpu.memory_space<vmem>>) semaphore(%arg11 : memref<!tpu.dma_semaphore, #tpu.memory_space<semaphore_mem>>)
      %while3A_96 = arith.constant 0 : i32
      %while3A_97 = arith.constant 0 : i32
      %while3A_98 = arith.subi %scan3A_40, %while3A_96 : i32
      %while3A_99 = arith.addi %while3A_96, %while3A_98 : i32
      %while3A_100 = arith.constant 1 : i32
      %while3A_101 = arith.divsi %while3A_98, %while3A_100 : i32
      %while3A_102 = arith.muli %while3A_101, %while3A_100 : i32
      %while3A_103 = arith.addi %while3A_96, %while3A_102 : i32
      %while3A_104 = arith.constant 1 : i32
      %while3A_105 = scf.for %while3A_108 = %while3A_96 to %while3A_103 step %while3A_104 iter_args(%while3A_109 = %while3A_97) -> (i32)  : i32 {
        %add3A_110 = arith.constant 1 : i32
        %add3A_111 = arith.addi %while3A_108, %add3A_110 : i32
        %lt3A = arith.cmpi slt, %add3A_111, %scan3A_40 : i32
        %convert_element_type3A_112 = arith.extui %lt3A : i1 to i32
        %cond3A_113 = arith.constant 0 : i32
        %cond3A_114 = arith.cmpi ne, %convert_element_type3A_112, %cond3A_113 : i32
        scf.if %cond3A_114 {
          %add3A_152 = arith.constant 1 : i32
          %add3A_153 = arith.addi %while3A_108, %add3A_152 : i32
          %jit3A_154 = arith.constant 2 : i32
          %eq3A_155 = arith.constant 0 : i32
          %eq3A_156 = arith.cmpi eq, %jit3A_154, %eq3A_155 : i32
          %jit3A_157 = arith.constant 1 : i32
          %select_n3A_158 = arith.select %eq3A_156, %jit3A_157, %jit3A_154 : i32
          %rem3A_159 = arith.remsi %add3A_153, %select_n3A_158 : i32
          %ne3A_160 = arith.constant 0 : i32
          %ne3A_161 = arith.cmpi ne, %rem3A_159, %ne3A_160 : i32
          %lt3A_162 = arith.constant 0 : i32
          %lt3A_163 = arith.cmpi slt, %rem3A_159, %lt3A_162 : i32
          %lt3A_164 = arith.constant 0 : i32
          %lt3A_165 = arith.cmpi slt, %select_n3A_158, %lt3A_164 : i32
          %ne3A_166 = arith.xori %lt3A_163, %lt3A_165 : i1
          %and3A_167 = arith.andi %ne3A_166, %ne3A_161 : i1
          %add3A_168 = arith.addi %rem3A_159, %select_n3A_158 : i32
          %select_n3A_169 = arith.select %and3A_167, %add3A_168, %rem3A_159 : i32
          %eq3A_170 = arith.constant 0 : i32
          %eq3A_171 = arith.cmpi eq, %select_n3A_169, %eq3A_170 : i32
          %convert_element_type3A_172 = arith.extui %eq3A_171 : i1 to i32
          %cond3A_173 = arith.constant 0 : i32
          %cond3A_174 = arith.cmpi ne, %convert_element_type3A_172, %cond3A_173 : i32
          scf.if %cond3A_174 {
            %add3A_198 = arith.constant 1 : i32
            %add3A_199 = arith.addi %while3A_108, %add3A_198 : i32
            %dma_start3A_200 = arith.constant 0 : i32
            %dma_start3A_201 = tpu.memref_slice %arg5[%add3A_199, %dma_start3A_200] : memref<80x128xi32, #tpu.memory_space<vmem>> -> memref<1x128xi32, #tpu.memory_space<vmem>>
            %dma_start3A_202 = tpu.memref_squeeze %dma_start3A_201 : memref<1x128xi32, #tpu.memory_space<vmem>> -> memref<128xi32, #tpu.memory_space<vmem>>
            %dma_start3A_203 = arith.constant 0 : i32
            %dma_start3A_204 = arith.constant 0 : i32
            %dma_start3A_205 = tpu.memref_slice %arg2[%dma_start3A_203, %dma_start3A_204] : memref<10240x128xf32, #tpu.memory_space<hbm>> -> memref<10240x128xf32, #tpu.memory_space<hbm>>
            tpu.enqueue_indirect_dma source(%dma_start3A_205 : memref<10240x128xf32, #tpu.memory_space<hbm>>) target(%arg7 : memref<128x128xf32, #tpu.memory_space<vmem>>) offsets(%dma_start3A_202 : memref<128xi32, #tpu.memory_space<vmem>>) semaphore(%arg11 : memref<!tpu.dma_semaphore, #tpu.memory_space<semaphore_mem>>)
          } else {
          }
          %add3A_175 = arith.constant 1 : i32
          %add3A_176 = arith.addi %while3A_108, %add3A_175 : i32
          %jit3A_177 = arith.constant 2 : i32
          %eq3A_178 = arith.constant 0 : i32
          %eq3A_179 = arith.cmpi eq, %jit3A_177, %eq3A_178 : i32
          %jit3A_180 = arith.constant 1 : i32
          %select_n3A_181 = arith.select %eq3A_179, %jit3A_180, %jit3A_177 : i32
          %rem3A_182 = arith.remsi %add3A_176, %select_n3A_181 : i32
          %ne3A_183 = arith.constant 0 : i32
          %ne3A_184 = arith.cmpi ne, %rem3A_182, %ne3A_183 : i32
          %lt3A_185 = arith.constant 0 : i32
          %lt3A_186 = arith.cmpi slt, %rem3A_182, %lt3A_185 : i32
          %lt3A_187 = arith.constant 0 : i32
          %lt3A_188 = arith.cmpi slt, %select_n3A_181, %lt3A_187 : i32
          %ne3A_189 = arith.xori %lt3A_186, %lt3A_188 : i1
          %and3A_190 = arith.andi %ne3A_189, %ne3A_184 : i1
          %add3A_191 = arith.addi %rem3A_182, %select_n3A_181 : i32
          %select_n3A_192 = arith.select %and3A_190, %add3A_191, %rem3A_182 : i32
          %eq3A_193 = arith.constant 1 : i32
          %eq3A_194 = arith.cmpi eq, %select_n3A_192, %eq3A_193 : i32
          %convert_element_type3A_195 = arith.extui %eq3A_194 : i1 to i32
          %cond3A_196 = arith.constant 0 : i32
          %cond3A_197 = arith.cmpi ne, %convert_element_type3A_195, %cond3A_196 : i32
          scf.if %cond3A_197 {
            %add3A_198 = arith.constant 1 : i32
            %add3A_199 = arith.addi %while3A_108, %add3A_198 : i32
            %dma_start3A_200 = arith.constant 0 : i32
            %dma_start3A_201 = tpu.memref_slice %arg5[%add3A_199, %dma_start3A_200] : memref<80x128xi32, #tpu.memory_space<vmem>> -> memref<1x128xi32, #tpu.memory_space<vmem>>
            %dma_start3A_202 = tpu.memref_squeeze %dma_start3A_201 : memref<1x128xi32, #tpu.memory_space<vmem>> -> memref<128xi32, #tpu.memory_space<vmem>>
            %dma_start3A_203 = arith.constant 0 : i32
            %dma_start3A_204 = arith.constant 0 : i32
            %dma_start3A_205 = tpu.memref_slice %arg2[%dma_start3A_203, %dma_start3A_204] : memref<10240x128xf32, #tpu.memory_space<hbm>> -> memref<10240x128xf32, #tpu.memory_space<hbm>>
            tpu.enqueue_indirect_dma source(%dma_start3A_205 : memref<10240x128xf32, #tpu.memory_space<hbm>>) target(%arg8 : memref<128x128xf32, #tpu.memory_space<vmem>>) offsets(%dma_start3A_202 : memref<128xi32, #tpu.memory_space<vmem>>) semaphore(%arg12 : memref<!tpu.dma_semaphore, #tpu.memory_space<semaphore_mem>>)
          } else {
          }
        } else {
        }
        %jit3A = arith.constant 2 : i32
        %eq3A = arith.constant 0 : i32
        %eq3A_115 = arith.cmpi eq, %jit3A, %eq3A : i32
        %jit3A_116 = arith.constant 1 : i32
        %select_n3A = arith.select %eq3A_115, %jit3A_116, %jit3A : i32
        %rem3A = arith.remsi %while3A_108, %select_n3A : i32
        %ne3A = arith.constant 0 : i32
        %ne3A_117 = arith.cmpi ne, %rem3A, %ne3A : i32
        %lt3A_118 = arith.constant 0 : i32
        %lt3A_119 = arith.cmpi slt, %rem3A, %lt3A_118 : i32
        %lt3A_120 = arith.constant 0 : i32
        %lt3A_121 = arith.cmpi slt, %select_n3A, %lt3A_120 : i32
        %ne3A_122 = arith.xori %lt3A_119, %lt3A_121 : i1
        %and3A = arith.andi %ne3A_122, %ne3A_117 : i1
        %add3A_123 = arith.addi %rem3A, %select_n3A : i32
        %select_n3A_124 = arith.select %and3A, %add3A_123, %rem3A : i32
        %eq3A_125 = arith.constant 0 : i32
        %eq3A_126 = arith.cmpi eq, %select_n3A_124, %eq3A_125 : i32
        %convert_element_type3A_127 = arith.extui %eq3A_126 : i1 to i32
        %cond3A_128 = arith.constant 0 : i32
        %cond3A_129 = arith.cmpi ne, %convert_element_type3A_127, %cond3A_128 : i32
        scf.if %cond3A_129 {
          %dma_wait3A = arith.constant 0 : i32
          %dma_wait3A_152 = tpu.memref_slice %arg5[%while3A_108, %dma_wait3A] : memref<80x128xi32, #tpu.memory_space<vmem>> -> memref<1x128xi32, #tpu.memory_space<vmem>>
          %dma_wait3A_153 = tpu.memref_squeeze %dma_wait3A_152 : memref<1x128xi32, #tpu.memory_space<vmem>> -> memref<128xi32, #tpu.memory_space<vmem>>
          %dma_wait3A_154 = arith.constant 0 : i32
          %dma_wait3A_155 = arith.constant 0 : i32
          %dma_wait3A_156 = tpu.memref_slice %arg2[%dma_wait3A_154, %dma_wait3A_155] : memref<10240x128xf32, #tpu.memory_space<hbm>> -> memref<10240x128xf32, #tpu.memory_space<hbm>>
          tpu.wait_indirect_dma semaphore(%arg11 : memref<!tpu.dma_semaphore, #tpu.memory_space<semaphore_mem>>) src(%dma_wait3A_156 : memref<10240x128xf32, #tpu.memory_space<hbm>>) dst(%arg7 : memref<128x128xf32, #tpu.memory_space<vmem>>)
          "tpu.region"() ({
            %run_scoped3A = tpu.sem_alloc : memref<!tpu.dma_semaphore, #tpu.memory_space<semaphore_mem>>
            %dma_start3A_157 = arith.constant 0 : i32
            %dma_start3A_158 = tpu.memref_slice %arg6[%while3A_108, %dma_start3A_157] : memref<80x128xi32, #tpu.memory_space<vmem>> -> memref<1x128xi32, #tpu.memory_space<vmem>>
            %dma_start3A_159 = tpu.memref_squeeze %dma_start3A_158 : memref<1x128xi32, #tpu.memory_space<vmem>> -> memref<128xi32, #tpu.memory_space<vmem>>
            %dma_start3A_160 = arith.constant 0 : i32
            %dma_start3A_161 = arith.constant 0 : i32
            %dma_start3A_162 = tpu.memref_slice %arg10[%dma_start3A_160, %dma_start3A_161] : memref<5248x128xf32, #tpu.memory_space<vmem_shared>> -> memref<5248x128xf32, #tpu.memory_space<vmem_shared>>
            tpu.enqueue_indirect_dma source(%arg7 : memref<128x128xf32, #tpu.memory_space<vmem>>) target(%dma_start3A_162 : memref<5248x128xf32, #tpu.memory_space<vmem_shared>>) offsets(%dma_start3A_159 : memref<128xi32, #tpu.memory_space<vmem>>) semaphore(%run_scoped3A : memref<!tpu.dma_semaphore, #tpu.memory_space<semaphore_mem>>) {add = true}
            %dma_wait3A_163 = arith.constant 0 : i32
            %dma_wait3A_164 = tpu.memref_slice %arg6[%while3A_108, %dma_wait3A_163] : memref<80x128xi32, #tpu.memory_space<vmem>> -> memref<1x128xi32, #tpu.memory_space<vmem>>
            %dma_wait3A_165 = tpu.memref_squeeze %dma_wait3A_164 : memref<1x128xi32, #tpu.memory_space<vmem>> -> memref<128xi32, #tpu.memory_space<vmem>>
            %dma_wait3A_166 = arith.constant 0 : i32
            %dma_wait3A_167 = arith.constant 0 : i32
            %dma_wait3A_168 = tpu.memref_slice %arg10[%dma_wait3A_166, %dma_wait3A_167] : memref<5248x128xf32, #tpu.memory_space<vmem_shared>> -> memref<5248x128xf32, #tpu.memory_space<vmem_shared>>
            tpu.wait_indirect_dma semaphore(%run_scoped3A : memref<!tpu.dma_semaphore, #tpu.memory_space<semaphore_mem>>) src(%arg7 : memref<128x128xf32, #tpu.memory_space<vmem>>) dst(%dma_wait3A_168 : memref<5248x128xf32, #tpu.memory_space<vmem_shared>>)
            tpu.yield
          }) : () -> ()
        } else {
        }
        %jit3A_130 = arith.constant 2 : i32
        %eq3A_131 = arith.constant 0 : i32
        %eq3A_132 = arith.cmpi eq, %jit3A_130, %eq3A_131 : i32
        %jit3A_133 = arith.constant 1 : i32
        %select_n3A_134 = arith.select %eq3A_132, %jit3A_133, %jit3A_130 : i32
        %rem3A_135 = arith.remsi %while3A_108, %select_n3A_134 : i32
        %ne3A_136 = arith.constant 0 : i32
        %ne3A_137 = arith.cmpi ne, %rem3A_135, %ne3A_136 : i32
        %lt3A_138 = arith.constant 0 : i32
        %lt3A_139 = arith.cmpi slt, %rem3A_135, %lt3A_138 : i32
        %lt3A_140 = arith.constant 0 : i32
        %lt3A_141 = arith.cmpi slt, %select_n3A_134, %lt3A_140 : i32
        %ne3A_142 = arith.xori %lt3A_139, %lt3A_141 : i1
        %and3A_143 = arith.andi %ne3A_142, %ne3A_137 : i1
        %add3A_144 = arith.addi %rem3A_135, %select_n3A_134 : i32
        %select_n3A_145 = arith.select %and3A_143, %add3A_144, %rem3A_135 : i32
        %eq3A_146 = arith.constant 1 : i32
        %eq3A_147 = arith.cmpi eq, %select_n3A_145, %eq3A_146 : i32
        %convert_element_type3A_148 = arith.extui %eq3A_147 : i1 to i32
        %cond3A_149 = arith.constant 0 : i32
        %cond3A_150 = arith.cmpi ne, %convert_element_type3A_148, %cond3A_149 : i32
        scf.if %cond3A_150 {
          %dma_wait3A = arith.constant 0 : i32
          %dma_wait3A_152 = tpu.memref_slice %arg5[%while3A_108, %dma_wait3A] : memref<80x128xi32, #tpu.memory_space<vmem>> -> memref<1x128xi32, #tpu.memory_space<vmem>>
          %dma_wait3A_153 = tpu.memref_squeeze %dma_wait3A_152 : memref<1x128xi32, #tpu.memory_space<vmem>> -> memref<128xi32, #tpu.memory_space<vmem>>
          %dma_wait3A_154 = arith.constant 0 : i32
          %dma_wait3A_155 = arith.constant 0 : i32
          %dma_wait3A_156 = tpu.memref_slice %arg2[%dma_wait3A_154, %dma_wait3A_155] : memref<10240x128xf32, #tpu.memory_space<hbm>> -> memref<10240x128xf32, #tpu.memory_space<hbm>>
          tpu.wait_indirect_dma semaphore(%arg12 : memref<!tpu.dma_semaphore, #tpu.memory_space<semaphore_mem>>) src(%dma_wait3A_156 : memref<10240x128xf32, #tpu.memory_space<hbm>>) dst(%arg8 : memref<128x128xf32, #tpu.memory_space<vmem>>)
          "tpu.region"() ({
            %run_scoped3A = tpu.sem_alloc : memref<!tpu.dma_semaphore, #tpu.memory_space<semaphore_mem>>
            %dma_start3A_157 = arith.constant 0 : i32
            %dma_start3A_158 = tpu.memref_slice %arg6[%while3A_108, %dma_start3A_157] : memref<80x128xi32, #tpu.memory_space<vmem>> -> memref<1x128xi32, #tpu.memory_space<vmem>>
            %dma_start3A_159 = tpu.memref_squeeze %dma_start3A_158 : memref<1x128xi32, #tpu.memory_space<vmem>> -> memref<128xi32, #tpu.memory_space<vmem>>
            %dma_start3A_160 = arith.constant 0 : i32
            %dma_start3A_161 = arith.constant 0 : i32
            %dma_start3A_162 = tpu.memref_slice %arg10[%dma_start3A_160, %dma_start3A_161] : memref<5248x128xf32, #tpu.memory_space<vmem_shared>> -> memref<5248x128xf32, #tpu.memory_space<vmem_shared>>
            tpu.enqueue_indirect_dma source(%arg8 : memref<128x128xf32, #tpu.memory_space<vmem>>) target(%dma_start3A_162 : memref<5248x128xf32, #tpu.memory_space<vmem_shared>>) offsets(%dma_start3A_159 : memref<128xi32, #tpu.memory_space<vmem>>) semaphore(%run_scoped3A : memref<!tpu.dma_semaphore, #tpu.memory_space<semaphore_mem>>) {add = true}
            %dma_wait3A_163 = arith.constant 0 : i32
            %dma_wait3A_164 = tpu.memref_slice %arg6[%while3A_108, %dma_wait3A_163] : memref<80x128xi32, #tpu.memory_space<vmem>> -> memref<1x128xi32, #tpu.memory_space<vmem>>
            %dma_wait3A_165 = tpu.memref_squeeze %dma_wait3A_164 : memref<1x128xi32, #tpu.memory_space<vmem>> -> memref<128xi32, #tpu.memory_space<vmem>>
            %dma_wait3A_166 = arith.constant 0 : i32
            %dma_wait3A_167 = arith.constant 0 : i32
            %dma_wait3A_168 = tpu.memref_slice %arg10[%dma_wait3A_166, %dma_wait3A_167] : memref<5248x128xf32, #tpu.memory_space<vmem_shared>> -> memref<5248x128xf32, #tpu.memory_space<vmem_shared>>
            tpu.wait_indirect_dma semaphore(%run_scoped3A : memref<!tpu.dma_semaphore, #tpu.memory_space<semaphore_mem>>) src(%arg8 : memref<128x128xf32, #tpu.memory_space<vmem>>) dst(%dma_wait3A_168 : memref<5248x128xf32, #tpu.memory_space<vmem_shared>>)
            tpu.yield
          }) : () -> ()
        } else {
        }
        %while3A_151 = arith.constant 0 : i32
        scf.yield %while3A_151 : i32
      }
      %while3A_106 = arith.constant 1 : i32
      %while3A_107 = scf.for %while3A_108 = %while3A_103 to %while3A_99 step %while3A_106 iter_args(%while3A_109 = %while3A_105) -> (i32)  : i32 {
        %add3A_110 = arith.constant 1 : i32
        %add3A_111 = arith.addi %while3A_108, %add3A_110 : i32
        %lt3A = arith.cmpi slt, %add3A_111, %scan3A_40 : i32
        %convert_element_type3A_112 = arith.extui %lt3A : i1 to i32
        %cond3A_113 = arith.constant 0 : i32
        %cond3A_114 = arith.cmpi ne, %convert_element_type3A_112, %cond3A_113 : i32
        scf.if %cond3A_114 {
          %add3A_152 = arith.constant 1 : i32
          %add3A_153 = arith.addi %while3A_108, %add3A_152 : i32
          %jit3A_154 = arith.constant 2 : i32
          %eq3A_155 = arith.constant 0 : i32
          %eq3A_156 = arith.cmpi eq, %jit3A_154, %eq3A_155 : i32
          %jit3A_157 = arith.constant 1 : i32
          %select_n3A_158 = arith.select %eq3A_156, %jit3A_157, %jit3A_154 : i32
          %rem3A_159 = arith.remsi %add3A_153, %select_n3A_158 : i32
          %ne3A_160 = arith.constant 0 : i32
          %ne3A_161 = arith.cmpi ne, %rem3A_159, %ne3A_160 : i32
          %lt3A_162 = arith.constant 0 : i32
          %lt3A_163 = arith.cmpi slt, %rem3A_159, %lt3A_162 : i32
          %lt3A_164 = arith.constant 0 : i32
          %lt3A_165 = arith.cmpi slt, %select_n3A_158, %lt3A_164 : i32
          %ne3A_166 = arith.xori %lt3A_163, %lt3A_165 : i1
          %and3A_167 = arith.andi %ne3A_166, %ne3A_161 : i1
          %add3A_168 = arith.addi %rem3A_159, %select_n3A_158 : i32
          %select_n3A_169 = arith.select %and3A_167, %add3A_168, %rem3A_159 : i32
          %eq3A_170 = arith.constant 0 : i32
          %eq3A_171 = arith.cmpi eq, %select_n3A_169, %eq3A_170 : i32
          %convert_element_type3A_172 = arith.extui %eq3A_171 : i1 to i32
          %cond3A_173 = arith.constant 0 : i32
          %cond3A_174 = arith.cmpi ne, %convert_element_type3A_172, %cond3A_173 : i32
          scf.if %cond3A_174 {
            %add3A_198 = arith.constant 1 : i32
            %add3A_199 = arith.addi %while3A_108, %add3A_198 : i32
            %dma_start3A_200 = arith.constant 0 : i32
            %dma_start3A_201 = tpu.memref_slice %arg5[%add3A_199, %dma_start3A_200] : memref<80x128xi32, #tpu.memory_space<vmem>> -> memref<1x128xi32, #tpu.memory_space<vmem>>
            %dma_start3A_202 = tpu.memref_squeeze %dma_start3A_201 : memref<1x128xi32, #tpu.memory_space<vmem>> -> memref<128xi32, #tpu.memory_space<vmem>>
            %dma_start3A_203 = arith.constant 0 : i32
            %dma_start3A_204 = arith.constant 0 : i32
            %dma_start3A_205 = tpu.memref_slice %arg2[%dma_start3A_203, %dma_start3A_204] : memref<10240x128xf32, #tpu.memory_space<hbm>> -> memref<10240x128xf32, #tpu.memory_space<hbm>>
            tpu.enqueue_indirect_dma source(%dma_start3A_205 : memref<10240x128xf32, #tpu.memory_space<hbm>>) target(%arg7 : memref<128x128xf32, #tpu.memory_space<vmem>>) offsets(%dma_start3A_202 : memref<128xi32, #tpu.memory_space<vmem>>) semaphore(%arg11 : memref<!tpu.dma_semaphore, #tpu.memory_space<semaphore_mem>>)
          } else {
          }
          %add3A_175 = arith.constant 1 : i32
          %add3A_176 = arith.addi %while3A_108, %add3A_175 : i32
          %jit3A_177 = arith.constant 2 : i32
          %eq3A_178 = arith.constant 0 : i32
          %eq3A_179 = arith.cmpi eq, %jit3A_177, %eq3A_178 : i32
          %jit3A_180 = arith.constant 1 : i32
          %select_n3A_181 = arith.select %eq3A_179, %jit3A_180, %jit3A_177 : i32
          %rem3A_182 = arith.remsi %add3A_176, %select_n3A_181 : i32
          %ne3A_183 = arith.constant 0 : i32
          %ne3A_184 = arith.cmpi ne, %rem3A_182, %ne3A_183 : i32
          %lt3A_185 = arith.constant 0 : i32
          %lt3A_186 = arith.cmpi slt, %rem3A_182, %lt3A_185 : i32
          %lt3A_187 = arith.constant 0 : i32
          %lt3A_188 = arith.cmpi slt, %select_n3A_181, %lt3A_187 : i32
          %ne3A_189 = arith.xori %lt3A_186, %lt3A_188 : i1
          %and3A_190 = arith.andi %ne3A_189, %ne3A_184 : i1
          %add3A_191 = arith.addi %rem3A_182, %select_n3A_181 : i32
          %select_n3A_192 = arith.select %and3A_190, %add3A_191, %rem3A_182 : i32
          %eq3A_193 = arith.constant 1 : i32
          %eq3A_194 = arith.cmpi eq, %select_n3A_192, %eq3A_193 : i32
          %convert_element_type3A_195 = arith.extui %eq3A_194 : i1 to i32
          %cond3A_196 = arith.constant 0 : i32
          %cond3A_197 = arith.cmpi ne, %convert_element_type3A_195, %cond3A_196 : i32
          scf.if %cond3A_197 {
            %add3A_198 = arith.constant 1 : i32
            %add3A_199 = arith.addi %while3A_108, %add3A_198 : i32
            %dma_start3A_200 = arith.constant 0 : i32
            %dma_start3A_201 = tpu.memref_slice %arg5[%add3A_199, %dma_start3A_200] : memref<80x128xi32, #tpu.memory_space<vmem>> -> memref<1x128xi32, #tpu.memory_space<vmem>>
            %dma_start3A_202 = tpu.memref_squeeze %dma_start3A_201 : memref<1x128xi32, #tpu.memory_space<vmem>> -> memref<128xi32, #tpu.memory_space<vmem>>
            %dma_start3A_203 = arith.constant 0 : i32
            %dma_start3A_204 = arith.constant 0 : i32
            %dma_start3A_205 = tpu.memref_slice %arg2[%dma_start3A_203, %dma_start3A_204] : memref<10240x128xf32, #tpu.memory_space<hbm>> -> memref<10240x128xf32, #tpu.memory_space<hbm>>
            tpu.enqueue_indirect_dma source(%dma_start3A_205 : memref<10240x128xf32, #tpu.memory_space<hbm>>) target(%arg8 : memref<128x128xf32, #tpu.memory_space<vmem>>) offsets(%dma_start3A_202 : memref<128xi32, #tpu.memory_space<vmem>>) semaphore(%arg12 : memref<!tpu.dma_semaphore, #tpu.memory_space<semaphore_mem>>)
          } else {
          }
        } else {
        }
        %jit3A = arith.constant 2 : i32
        %eq3A = arith.constant 0 : i32
        %eq3A_115 = arith.cmpi eq, %jit3A, %eq3A : i32
        %jit3A_116 = arith.constant 1 : i32
        %select_n3A = arith.select %eq3A_115, %jit3A_116, %jit3A : i32
        %rem3A = arith.remsi %while3A_108, %select_n3A : i32
        %ne3A = arith.constant 0 : i32
        %ne3A_117 = arith.cmpi ne, %rem3A, %ne3A : i32
        %lt3A_118 = arith.constant 0 : i32
        %lt3A_119 = arith.cmpi slt, %rem3A, %lt3A_118 : i32
        %lt3A_120 = arith.constant 0 : i32
        %lt3A_121 = arith.cmpi slt, %select_n3A, %lt3A_120 : i32
        %ne3A_122 = arith.xori %lt3A_119, %lt3A_121 : i1
        %and3A = arith.andi %ne3A_122, %ne3A_117 : i1
        %add3A_123 = arith.addi %rem3A, %select_n3A : i32
        %select_n3A_124 = arith.select %and3A, %add3A_123, %rem3A : i32
        %eq3A_125 = arith.constant 0 : i32
        %eq3A_126 = arith.cmpi eq, %select_n3A_124, %eq3A_125 : i32
        %convert_element_type3A_127 = arith.extui %eq3A_126 : i1 to i32
        %cond3A_128 = arith.constant 0 : i32
        %cond3A_129 = arith.cmpi ne, %convert_element_type3A_127, %cond3A_128 : i32
        scf.if %cond3A_129 {
          %dma_wait3A = arith.constant 0 : i32
          %dma_wait3A_152 = tpu.memref_slice %arg5[%while3A_108, %dma_wait3A] : memref<80x128xi32, #tpu.memory_space<vmem>> -> memref<1x128xi32, #tpu.memory_space<vmem>>
          %dma_wait3A_153 = tpu.memref_squeeze %dma_wait3A_152 : memref<1x128xi32, #tpu.memory_space<vmem>> -> memref<128xi32, #tpu.memory_space<vmem>>
          %dma_wait3A_154 = arith.constant 0 : i32
          %dma_wait3A_155 = arith.constant 0 : i32
          %dma_wait3A_156 = tpu.memref_slice %arg2[%dma_wait3A_154, %dma_wait3A_155] : memref<10240x128xf32, #tpu.memory_space<hbm>> -> memref<10240x128xf32, #tpu.memory_space<hbm>>
          tpu.wait_indirect_dma semaphore(%arg11 : memref<!tpu.dma_semaphore, #tpu.memory_space<semaphore_mem>>) src(%dma_wait3A_156 : memref<10240x128xf32, #tpu.memory_space<hbm>>) dst(%arg7 : memref<128x128xf32, #tpu.memory_space<vmem>>)
          "tpu.region"() ({
            %run_scoped3A = tpu.sem_alloc : memref<!tpu.dma_semaphore, #tpu.memory_space<semaphore_mem>>
            %dma_start3A_157 = arith.constant 0 : i32
            %dma_start3A_158 = tpu.memref_slice %arg6[%while3A_108, %dma_start3A_157] : memref<80x128xi32, #tpu.memory_space<vmem>> -> memref<1x128xi32, #tpu.memory_space<vmem>>
            %dma_start3A_159 = tpu.memref_squeeze %dma_start3A_158 : memref<1x128xi32, #tpu.memory_space<vmem>> -> memref<128xi32, #tpu.memory_space<vmem>>
            %dma_start3A_160 = arith.constant 0 : i32
            %dma_start3A_161 = arith.constant 0 : i32
            %dma_start3A_162 = tpu.memref_slice %arg10[%dma_start3A_160, %dma_start3A_161] : memref<5248x128xf32, #tpu.memory_space<vmem_shared>> -> memref<5248x128xf32, #tpu.memory_space<vmem_shared>>
            tpu.enqueue_indirect_dma source(%arg7 : memref<128x128xf32, #tpu.memory_space<vmem>>) target(%dma_start3A_162 : memref<5248x128xf32, #tpu.memory_space<vmem_shared>>) offsets(%dma_start3A_159 : memref<128xi32, #tpu.memory_space<vmem>>) semaphore(%run_scoped3A : memref<!tpu.dma_semaphore, #tpu.memory_space<semaphore_mem>>) {add = true}
            %dma_wait3A_163 = arith.constant 0 : i32
            %dma_wait3A_164 = tpu.memref_slice %arg6[%while3A_108, %dma_wait3A_163] : memref<80x128xi32, #tpu.memory_space<vmem>> -> memref<1x128xi32, #tpu.memory_space<vmem>>
            %dma_wait3A_165 = tpu.memref_squeeze %dma_wait3A_164 : memref<1x128xi32, #tpu.memory_space<vmem>> -> memref<128xi32, #tpu.memory_space<vmem>>
            %dma_wait3A_166 = arith.constant 0 : i32
            %dma_wait3A_167 = arith.constant 0 : i32
            %dma_wait3A_168 = tpu.memref_slice %arg10[%dma_wait3A_166, %dma_wait3A_167] : memref<5248x128xf32, #tpu.memory_space<vmem_shared>> -> memref<5248x128xf32, #tpu.memory_space<vmem_shared>>
            tpu.wait_indirect_dma semaphore(%run_scoped3A : memref<!tpu.dma_semaphore, #tpu.memory_space<semaphore_mem>>) src(%arg7 : memref<128x128xf32, #tpu.memory_space<vmem>>) dst(%dma_wait3A_168 : memref<5248x128xf32, #tpu.memory_space<vmem_shared>>)
            tpu.yield
          }) : () -> ()
        } else {
        }
        %jit3A_130 = arith.constant 2 : i32
        %eq3A_131 = arith.constant 0 : i32
        %eq3A_132 = arith.cmpi eq, %jit3A_130, %eq3A_131 : i32
        %jit3A_133 = arith.constant 1 : i32
        %select_n3A_134 = arith.select %eq3A_132, %jit3A_133, %jit3A_130 : i32
        %rem3A_135 = arith.remsi %while3A_108, %select_n3A_134 : i32
        %ne3A_136 = arith.constant 0 : i32
        %ne3A_137 = arith.cmpi ne, %rem3A_135, %ne3A_136 : i32
        %lt3A_138 = arith.constant 0 : i32
        %lt3A_139 = arith.cmpi slt, %rem3A_135, %lt3A_138 : i32
        %lt3A_140 = arith.constant 0 : i32
        %lt3A_141 = arith.cmpi slt, %select_n3A_134, %lt3A_140 : i32
        %ne3A_142 = arith.xori %lt3A_139, %lt3A_141 : i1
        %and3A_143 = arith.andi %ne3A_142, %ne3A_137 : i1
        %add3A_144 = arith.addi %rem3A_135, %select_n3A_134 : i32
        %select_n3A_145 = arith.select %and3A_143, %add3A_144, %rem3A_135 : i32
        %eq3A_146 = arith.constant 1 : i32
        %eq3A_147 = arith.cmpi eq, %select_n3A_145, %eq3A_146 : i32
        %convert_element_type3A_148 = arith.extui %eq3A_147 : i1 to i32
        %cond3A_149 = arith.constant 0 : i32
        %cond3A_150 = arith.cmpi ne, %convert_element_type3A_148, %cond3A_149 : i32
        scf.if %cond3A_150 {
          %dma_wait3A = arith.constant 0 : i32
          %dma_wait3A_152 = tpu.memref_slice %arg5[%while3A_108, %dma_wait3A] : memref<80x128xi32, #tpu.memory_space<vmem>> -> memref<1x128xi32, #tpu.memory_space<vmem>>
          %dma_wait3A_153 = tpu.memref_squeeze %dma_wait3A_152 : memref<1x128xi32, #tpu.memory_space<vmem>> -> memref<128xi32, #tpu.memory_space<vmem>>
          %dma_wait3A_154 = arith.constant 0 : i32
          %dma_wait3A_155 = arith.constant 0 : i32
          %dma_wait3A_156 = tpu.memref_slice %arg2[%dma_wait3A_154, %dma_wait3A_155] : memref<10240x128xf32, #tpu.memory_space<hbm>> -> memref<10240x128xf32, #tpu.memory_space<hbm>>
          tpu.wait_indirect_dma semaphore(%arg12 : memref<!tpu.dma_semaphore, #tpu.memory_space<semaphore_mem>>) src(%dma_wait3A_156 : memref<10240x128xf32, #tpu.memory_space<hbm>>) dst(%arg8 : memref<128x128xf32, #tpu.memory_space<vmem>>)
          "tpu.region"() ({
            %run_scoped3A = tpu.sem_alloc : memref<!tpu.dma_semaphore, #tpu.memory_space<semaphore_mem>>
            %dma_start3A_157 = arith.constant 0 : i32
            %dma_start3A_158 = tpu.memref_slice %arg6[%while3A_108, %dma_start3A_157] : memref<80x128xi32, #tpu.memory_space<vmem>> -> memref<1x128xi32, #tpu.memory_space<vmem>>
            %dma_start3A_159 = tpu.memref_squeeze %dma_start3A_158 : memref<1x128xi32, #tpu.memory_space<vmem>> -> memref<128xi32, #tpu.memory_space<vmem>>
            %dma_start3A_160 = arith.constant 0 : i32
            %dma_start3A_161 = arith.constant 0 : i32
            %dma_start3A_162 = tpu.memref_slice %arg10[%dma_start3A_160, %dma_start3A_161] : memref<5248x128xf32, #tpu.memory_space<vmem_shared>> -> memref<5248x128xf32, #tpu.memory_space<vmem_shared>>
            tpu.enqueue_indirect_dma source(%arg8 : memref<128x128xf32, #tpu.memory_space<vmem>>) target(%dma_start3A_162 : memref<5248x128xf32, #tpu.memory_space<vmem_shared>>) offsets(%dma_start3A_159 : memref<128xi32, #tpu.memory_space<vmem>>) semaphore(%run_scoped3A : memref<!tpu.dma_semaphore, #tpu.memory_space<semaphore_mem>>) {add = true}
            %dma_wait3A_163 = arith.constant 0 : i32
            %dma_wait3A_164 = tpu.memref_slice %arg6[%while3A_108, %dma_wait3A_163] : memref<80x128xi32, #tpu.memory_space<vmem>> -> memref<1x128xi32, #tpu.memory_space<vmem>>
            %dma_wait3A_165 = tpu.memref_squeeze %dma_wait3A_164 : memref<1x128xi32, #tpu.memory_space<vmem>> -> memref<128xi32, #tpu.memory_space<vmem>>
            %dma_wait3A_166 = arith.constant 0 : i32
            %dma_wait3A_167 = arith.constant 0 : i32
            %dma_wait3A_168 = tpu.memref_slice %arg10[%dma_wait3A_166, %dma_wait3A_167] : memref<5248x128xf32, #tpu.memory_space<vmem_shared>> -> memref<5248x128xf32, #tpu.memory_space<vmem_shared>>
            tpu.wait_indirect_dma semaphore(%run_scoped3A : memref<!tpu.dma_semaphore, #tpu.memory_space<semaphore_mem>>) src(%arg8 : memref<128x128xf32, #tpu.memory_space<vmem>>) dst(%dma_wait3A_168 : memref<5248x128xf32, #tpu.memory_space<vmem_shared>>)
            tpu.yield
          }) : () -> ()
        } else {
        }
        %while3A_151 = arith.constant 0 : i32
        scf.yield %while3A_151 : i32
      }
    } else {
    }
    %mul3A_57 = arith.constant 2 : i32
    %mul3A_58 = arith.muli %mul3A_57, %arg1 : i32
    %add3A_59 = arith.constant 1 : i32
    %add3A_60 = arith.addi %mul3A_58, %add3A_59 : i32
    "tpu.region"() ({
      %run_scoped3A = tpu.sem_alloc : memref<!tpu.dma_semaphore, #tpu.memory_space<semaphore_mem>>
      %dma_start3A = arith.constant 0 : i32
      %dma_start3A_90 = arith.constant 0 : i32
      %dma_start3A_91 = arith.constant 0 : i32
      %dma_start3A_92 = tpu.memref_slice %arg3[%arg0, %dma_start3A, %dma_start3A_90, %dma_start3A_91] : memref<2x32x80x128xi32, #tpu.memory_space<hbm>> -> memref<1x32x80x128xi32, #tpu.memory_space<hbm>>
      %dma_start3A_93 = tpu.memref_squeeze %dma_start3A_92 : memref<1x32x80x128xi32, #tpu.memory_space<hbm>> -> memref<32x80x128xi32, #tpu.memory_space<hbm>>
      %dma_start3A_94 = arith.constant 0 : i32
      %dma_start3A_95 = arith.constant 0 : i32
      %dma_start3A_96 = tpu.memref_slice %dma_start3A_93[%add3A_60, %dma_start3A_94, %dma_start3A_95] : memref<32x80x128xi32, #tpu.memory_space<hbm>> -> memref<1x80x128xi32, #tpu.memory_space<hbm>>
      %dma_start3A_97 = tpu.memref_squeeze %dma_start3A_96 : memref<1x80x128xi32, #tpu.memory_space<hbm>> -> memref<80x128xi32, #tpu.memory_space<hbm>>
      %dma_start3A_98 = arith.constant 0 : i32
      %dma_start3A_99 = arith.constant 0 : i32
      %dma_start3A_100 = arith.constant 0 : i32
      %dma_start3A_101 = tpu.memref_slice %arg3[%arg0, %dma_start3A_98, %dma_start3A_99, %dma_start3A_100] : memref<2x32x80x128xi32, #tpu.memory_space<hbm>> -> memref<1x32x80x128xi32, #tpu.memory_space<hbm>>
      %dma_start3A_102 = tpu.memref_squeeze %dma_start3A_101 : memref<1x32x80x128xi32, #tpu.memory_space<hbm>> -> memref<32x80x128xi32, #tpu.memory_space<hbm>>
      %dma_start3A_103 = arith.constant 0 : i32
      %dma_start3A_104 = arith.constant 0 : i32
      %dma_start3A_105 = tpu.memref_slice %dma_start3A_102[%add3A_60, %dma_start3A_103, %dma_start3A_104] : memref<32x80x128xi32, #tpu.memory_space<hbm>> -> memref<1x80x128xi32, #tpu.memory_space<hbm>>
      %dma_start3A_106 = tpu.memref_squeeze %dma_start3A_105 : memref<1x80x128xi32, #tpu.memory_space<hbm>> -> memref<80x128xi32, #tpu.memory_space<hbm>>
      tpu.enqueue_dma source(%dma_start3A_106 : memref<80x128xi32, #tpu.memory_space<hbm>>) target(%arg5 : memref<80x128xi32, #tpu.memory_space<vmem>>) target_semaphore(%run_scoped3A : memref<!tpu.dma_semaphore, #tpu.memory_space<semaphore_mem>>)
      %dma_wait3A = arith.constant 0 : i32
      %dma_wait3A_107 = arith.constant 0 : i32
      %dma_wait3A_108 = arith.constant 0 : i32
      %dma_wait3A_109 = tpu.memref_slice %arg3[%arg0, %dma_wait3A, %dma_wait3A_107, %dma_wait3A_108] : memref<2x32x80x128xi32, #tpu.memory_space<hbm>> -> memref<1x32x80x128xi32, #tpu.memory_space<hbm>>
      %dma_wait3A_110 = tpu.memref_squeeze %dma_wait3A_109 : memref<1x32x80x128xi32, #tpu.memory_space<hbm>> -> memref<32x80x128xi32, #tpu.memory_space<hbm>>
      %dma_wait3A_111 = arith.constant 0 : i32
      %dma_wait3A_112 = arith.constant 0 : i32
      %dma_wait3A_113 = tpu.memref_slice %dma_wait3A_110[%add3A_60, %dma_wait3A_111, %dma_wait3A_112] : memref<32x80x128xi32, #tpu.memory_space<hbm>> -> memref<1x80x128xi32, #tpu.memory_space<hbm>>
      %dma_wait3A_114 = tpu.memref_squeeze %dma_wait3A_113 : memref<1x80x128xi32, #tpu.memory_space<hbm>> -> memref<80x128xi32, #tpu.memory_space<hbm>>
      %dma_wait3A_115 = arith.constant 0 : i32
      %dma_wait3A_116 = arith.constant 0 : i32
      %dma_wait3A_117 = arith.constant 0 : i32
      %dma_wait3A_118 = tpu.memref_slice %arg3[%arg0, %dma_wait3A_115, %dma_wait3A_116, %dma_wait3A_117] : memref<2x32x80x128xi32, #tpu.memory_space<hbm>> -> memref<1x32x80x128xi32, #tpu.memory_space<hbm>>
      %dma_wait3A_119 = tpu.memref_squeeze %dma_wait3A_118 : memref<1x32x80x128xi32, #tpu.memory_space<hbm>> -> memref<32x80x128xi32, #tpu.memory_space<hbm>>
      %dma_wait3A_120 = arith.constant 0 : i32
      %dma_wait3A_121 = arith.constant 0 : i32
      %dma_wait3A_122 = tpu.memref_slice %dma_wait3A_119[%add3A_60, %dma_wait3A_120, %dma_wait3A_121] : memref<32x80x128xi32, #tpu.memory_space<hbm>> -> memref<1x80x128xi32, #tpu.memory_space<hbm>>
      %dma_wait3A_123 = tpu.memref_squeeze %dma_wait3A_122 : memref<1x80x128xi32, #tpu.memory_space<hbm>> -> memref<80x128xi32, #tpu.memory_space<hbm>>
      tpu.wait_dma2 semaphore(%run_scoped3A : memref<!tpu.dma_semaphore, #tpu.memory_space<semaphore_mem>>) src(%dma_wait3A_123 : memref<80x128xi32, #tpu.memory_space<hbm>>) dst(%arg5 : memref<80x128xi32, #tpu.memory_space<vmem>>)
      tpu.yield
    }) : () -> ()
    %scan3A_61 = arith.constant 0 : i32
    %scan3A_62 = arith.constant 0 : i32
    %scan3A_63 = arith.constant 80 : i32
    %scan3A_64 = arith.addi %scan3A_62, %scan3A_63 : i32
    %scan3A_65 = arith.constant 1 : i32
    %scan3A_66 = scf.for %scan3A_90 = %scan3A_62 to %scan3A_64 step %scan3A_65 iter_args(%scan3A_91 = %scan3A_61) -> (i32)  : i32 {
      %get3A = arith.index_cast %scan3A_90 : i32 to index
      %get3A_92 = arith.constant 0 : index
      %get3A_93 = tpu.vector_load %arg5[%get3A, %get3A_92] {strides = array<i32>} : memref<80x128xi32, #tpu.memory_space<vmem>>, vector<16xi32>,
      %ne3A = arith.constant 268419072 : i32
      %ne3A_94 = vector.broadcast %ne3A : i32 to vector<16xi32>
      %ne3A_95 = arith.cmpi ne, %get3A_93, %ne3A_94 : vector<16xi32>
      %convert_element_type3A_96 = arith.extui %ne3A_95 : vector<16xi1> to vector<16xi32>
      %reduce_sum3A = arith.constant true
      %reduce_sum3A_97 = vector.broadcast %reduce_sum3A : i1 to vector<16xi1>
      %reduce_sum3A_98 = tpu.scan <sum>, %convert_element_type3A_96 masked %reduce_sum3A_97 : vector<16xi32>, vector<16xi1> -> vector<16xi32>
      %reduce_sum3A_99 = vector.extract %reduce_sum3A_98[15] : i32 from vector<16xi32>
      %min3A = arith.constant 1 : i32
      %min3A_100 = arith.minsi %reduce_sum3A_99, %min3A : i32
      %add3A_101 = arith.addi %scan3A_91, %min3A_100 : i32
      scf.yield %add3A_101 : i32
    }
    %scan3A_67 = arith.constant 80 : i32
    %mul3A_68 = arith.constant 8 : i32
    %mul3A_69 = arith.muli %scan3A_66, %mul3A_68 : i32
    %while3A_70 = arith.constant 0 : i32
    %while3A_71 = arith.constant 0 : i32
    %while3A_72 = arith.subi %mul3A_69, %while3A_70 : i32
    %while3A_73 = arith.addi %while3A_70, %while3A_72 : i32
    %while3A_74 = arith.constant 1 : i32
    %while3A_75 = arith.divsi %while3A_72, %while3A_74 : i32
    %while3A_76 = arith.muli %while3A_75, %while3A_74 : i32
    %while3A_77 = arith.addi %while3A_70, %while3A_76 : i32
    %while3A_78 = arith.constant 1 : i32
    %while3A_79 = scf.for %while3A_90 = %while3A_70 to %while3A_77 step %while3A_78 iter_args(%while3A_91 = %while3A_71) -> (i32)  : i32 {
      %jit3A = arith.constant 8 : i32
      %div3A = arith.divsi %while3A_90, %jit3A : i32
      %sign3A = arith.constant 0 : i32
      %sign3A_92 = arith.cmpi sgt, %while3A_90, %sign3A : i32
      %sign3A_93 = arith.extui %sign3A_92 : i1 to i32
      %sign3A_94 = arith.constant 0 : i32
      %sign3A_95 = arith.cmpi slt, %while3A_90, %sign3A_94 : i32
      %sign3A_96 = arith.extui %sign3A_95 : i1 to i32
      %sign3A_97 = arith.subi %sign3A_93, %sign3A_96 : i32
      %sign3A_98 = arith.constant 0 : i32
      %sign3A_99 = arith.cmpi sgt, %jit3A, %sign3A_98 : i32
      %sign3A_100 = arith.extui %sign3A_99 : i1 to i32
      %sign3A_101 = arith.constant 0 : i32
      %sign3A_102 = arith.cmpi slt, %jit3A, %sign3A_101 : i32
      %sign3A_103 = arith.extui %sign3A_102 : i1 to i32
      %sign3A_104 = arith.subi %sign3A_100, %sign3A_103 : i32
      %ne3A = arith.cmpi ne, %sign3A_97, %sign3A_104 : i32
      %rem3A = arith.remsi %while3A_90, %jit3A : i32
      %ne3A_105 = arith.constant 0 : i32
      %ne3A_106 = arith.cmpi ne, %rem3A, %ne3A_105 : i32
      %and3A = arith.andi %ne3A, %ne3A_106 : i1
      %sub3A = arith.constant 1 : i32
      %sub3A_107 = arith.subi %div3A, %sub3A : i32
      %select_n3A = arith.select %and3A, %sub3A_107, %div3A : i32
      %jit3A_108 = arith.constant 8 : i32
      %eq3A = arith.constant 0 : i32
      %eq3A_109 = arith.cmpi eq, %jit3A_108, %eq3A : i32
      %jit3A_110 = arith.constant 1 : i32
      %select_n3A_111 = arith.select %eq3A_109, %jit3A_110, %jit3A_108 : i32
      %rem3A_112 = arith.remsi %while3A_90, %select_n3A_111 : i32
      %ne3A_113 = arith.constant 0 : i32
      %ne3A_114 = arith.cmpi ne, %rem3A_112, %ne3A_113 : i32
      %lt3A = arith.constant 0 : i32
      %lt3A_115 = arith.cmpi slt, %rem3A_112, %lt3A : i32
      %lt3A_116 = arith.constant 0 : i32
      %lt3A_117 = arith.cmpi slt, %select_n3A_111, %lt3A_116 : i32
      %ne3A_118 = arith.xori %lt3A_115, %lt3A_117 : i1
      %and3A_119 = arith.andi %ne3A_118, %ne3A_114 : i1
      %add3A_120 = arith.addi %rem3A_112, %select_n3A_111 : i32
      %select_n3A_121 = arith.select %and3A_119, %add3A_120, %rem3A_112 : i32
      %mul3A_122 = arith.constant 16 : i32
      %mul3A_123 = arith.muli %select_n3A_121, %mul3A_122 : i32
      %get3A = arith.index_cast %select_n3A : i32 to index
      %get3A_124 = arith.index_cast %mul3A_123 : i32 to index
      %get3A_125 = tpu.vector_load %arg5[%get3A, %get3A_124] {strides = array<i32>} : memref<80x128xi32, #tpu.memory_space<vmem>>, vector<16xi32>,
      %shift_right_logical3A = arith.constant 14 : i32
      %shift_right_logical3A_126 = vector.broadcast %shift_right_logical3A : i32 to vector<16xi32>
      %shift_right_logical3A_127 = arith.shrui %get3A_125, %shift_right_logical3A_126 : vector<16xi32>
      %sub3A_128 = vector.broadcast %mul3A_0 : i32 to vector<16xi32>
      %sub3A_129 = arith.subi %shift_right_logical3A_127, %sub3A_128 : vector<16xi32>
      %iota3A = tpu.iota {dimensions = array<i32: 0>} : vector<16xi32>
      %add3A_130 = vector.broadcast %select_n3A : i32 to vector<16xi32>
      %add3A_131 = arith.addi %iota3A, %add3A_130 : vector<16xi32>
      %and3A_132 = arith.constant 127 : i32
      %and3A_133 = vector.broadcast %and3A_132 : i32 to vector<16xi32>
      %and3A_134 = arith.andi %add3A_131, %and3A_133 : vector<16xi32>
      %add3A_135 = arith.constant 5120 : i32
      %add3A_136 = vector.broadcast %add3A_135 : i32 to vector<16xi32>
      %add3A_137 = arith.addi %add3A_136, %and3A_134 : vector<16xi32>
      %min3A = arith.minsi %sub3A_129, %add3A_137 : vector<16xi32>
      %swap3A = arith.index_cast %select_n3A : i32 to index
      %swap3A_138 = arith.index_cast %mul3A_123 : i32 to index
      %swap3A_139 = tpu.vector_load %arg6[%swap3A, %swap3A_138] {strides = array<i32>} : memref<80x128xi32, #tpu.memory_space<vmem>>, vector<16xi32>,
      tpu.vector_store %arg6[%swap3A, %swap3A_138], %min3A {strides = array<i32>} : memref<80x128xi32, #tpu.memory_space<vmem>>, vector<16xi32>,
      %and3A_140 = arith.constant 16383 : i32
      %and3A_141 = vector.broadcast %and3A_140 : i32 to vector<16xi32>
      %and3A_142 = arith.andi %get3A_125, %and3A_141 : vector<16xi32>
      %swap3A_143 = arith.index_cast %select_n3A : i32 to index
      %swap3A_144 = arith.index_cast %mul3A_123 : i32 to index
      %swap3A_145 = tpu.vector_load %arg5[%swap3A_143, %swap3A_144] {strides = array<i32>} : memref<80x128xi32, #tpu.memory_space<vmem>>, vector<16xi32>,
      tpu.vector_store %arg5[%swap3A_143, %swap3A_144], %and3A_142 {strides = array<i32>} : memref<80x128xi32, #tpu.memory_space<vmem>>, vector<16xi32>,
      %while3A_146 = arith.constant 0 : i32
      scf.yield %while3A_146 : i32
    }
    %while3A_80 = arith.constant 1 : i32
    %while3A_81 = scf.for %while3A_90 = %while3A_77 to %while3A_73 step %while3A_80 iter_args(%while3A_91 = %while3A_79) -> (i32)  : i32 {
      %jit3A = arith.constant 8 : i32
      %div3A = arith.divsi %while3A_90, %jit3A : i32
      %sign3A = arith.constant 0 : i32
      %sign3A_92 = arith.cmpi sgt, %while3A_90, %sign3A : i32
      %sign3A_93 = arith.extui %sign3A_92 : i1 to i32
      %sign3A_94 = arith.constant 0 : i32
      %sign3A_95 = arith.cmpi slt, %while3A_90, %sign3A_94 : i32
      %sign3A_96 = arith.extui %sign3A_95 : i1 to i32
      %sign3A_97 = arith.subi %sign3A_93, %sign3A_96 : i32
      %sign3A_98 = arith.constant 0 : i32
      %sign3A_99 = arith.cmpi sgt, %jit3A, %sign3A_98 : i32
      %sign3A_100 = arith.extui %sign3A_99 : i1 to i32
      %sign3A_101 = arith.constant 0 : i32
      %sign3A_102 = arith.cmpi slt, %jit3A, %sign3A_101 : i32
      %sign3A_103 = arith.extui %sign3A_102 : i1 to i32
      %sign3A_104 = arith.subi %sign3A_100, %sign3A_103 : i32
      %ne3A = arith.cmpi ne, %sign3A_97, %sign3A_104 : i32
      %rem3A = arith.remsi %while3A_90, %jit3A : i32
      %ne3A_105 = arith.constant 0 : i32
      %ne3A_106 = arith.cmpi ne, %rem3A, %ne3A_105 : i32
      %and3A = arith.andi %ne3A, %ne3A_106 : i1
      %sub3A = arith.constant 1 : i32
      %sub3A_107 = arith.subi %div3A, %sub3A : i32
      %select_n3A = arith.select %and3A, %sub3A_107, %div3A : i32
      %jit3A_108 = arith.constant 8 : i32
      %eq3A = arith.constant 0 : i32
      %eq3A_109 = arith.cmpi eq, %jit3A_108, %eq3A : i32
      %jit3A_110 = arith.constant 1 : i32
      %select_n3A_111 = arith.select %eq3A_109, %jit3A_110, %jit3A_108 : i32
      %rem3A_112 = arith.remsi %while3A_90, %select_n3A_111 : i32
      %ne3A_113 = arith.constant 0 : i32
      %ne3A_114 = arith.cmpi ne, %rem3A_112, %ne3A_113 : i32
      %lt3A = arith.constant 0 : i32
      %lt3A_115 = arith.cmpi slt, %rem3A_112, %lt3A : i32
      %lt3A_116 = arith.constant 0 : i32
      %lt3A_117 = arith.cmpi slt, %select_n3A_111, %lt3A_116 : i32
      %ne3A_118 = arith.xori %lt3A_115, %lt3A_117 : i1
      %and3A_119 = arith.andi %ne3A_118, %ne3A_114 : i1
      %add3A_120 = arith.addi %rem3A_112, %select_n3A_111 : i32
      %select_n3A_121 = arith.select %and3A_119, %add3A_120, %rem3A_112 : i32
      %mul3A_122 = arith.constant 16 : i32
      %mul3A_123 = arith.muli %select_n3A_121, %mul3A_122 : i32
      %get3A = arith.index_cast %select_n3A : i32 to index
      %get3A_124 = arith.index_cast %mul3A_123 : i32 to index
      %get3A_125 = tpu.vector_load %arg5[%get3A, %get3A_124] {strides = array<i32>} : memref<80x128xi32, #tpu.memory_space<vmem>>, vector<16xi32>,
      %shift_right_logical3A = arith.constant 14 : i32
      %shift_right_logical3A_126 = vector.broadcast %shift_right_logical3A : i32 to vector<16xi32>
      %shift_right_logical3A_127 = arith.shrui %get3A_125, %shift_right_logical3A_126 : vector<16xi32>
      %sub3A_128 = vector.broadcast %mul3A_0 : i32 to vector<16xi32>
      %sub3A_129 = arith.subi %shift_right_logical3A_127, %sub3A_128 : vector<16xi32>
      %iota3A = tpu.iota {dimensions = array<i32: 0>} : vector<16xi32>
      %add3A_130 = vector.broadcast %select_n3A : i32 to vector<16xi32>
      %add3A_131 = arith.addi %iota3A, %add3A_130 : vector<16xi32>
      %and3A_132 = arith.constant 127 : i32
      %and3A_133 = vector.broadcast %and3A_132 : i32 to vector<16xi32>
      %and3A_134 = arith.andi %add3A_131, %and3A_133 : vector<16xi32>
      %add3A_135 = arith.constant 5120 : i32
      %add3A_136 = vector.broadcast %add3A_135 : i32 to vector<16xi32>
      %add3A_137 = arith.addi %add3A_136, %and3A_134 : vector<16xi32>
      %min3A = arith.minsi %sub3A_129, %add3A_137 : vector<16xi32>
      %swap3A = arith.index_cast %select_n3A : i32 to index
      %swap3A_138 = arith.index_cast %mul3A_123 : i32 to index
      %swap3A_139 = tpu.vector_load %arg6[%swap3A, %swap3A_138] {strides = array<i32>} : memref<80x128xi32, #tpu.memory_space<vmem>>, vector<16xi32>,
      tpu.vector_store %arg6[%swap3A, %swap3A_138], %min3A {strides = array<i32>} : memref<80x128xi32, #tpu.memory_space<vmem>>, vector<16xi32>,
      %and3A_140 = arith.constant 16383 : i32
      %and3A_141 = vector.broadcast %and3A_140 : i32 to vector<16xi32>
      %and3A_142 = arith.andi %get3A_125, %and3A_141 : vector<16xi32>
      %swap3A_143 = arith.index_cast %select_n3A : i32 to index
      %swap3A_144 = arith.index_cast %mul3A_123 : i32 to index
      %swap3A_145 = tpu.vector_load %arg5[%swap3A_143, %swap3A_144] {strides = array<i32>} : memref<80x128xi32, #tpu.memory_space<vmem>>, vector<16xi32>,
      tpu.vector_store %arg5[%swap3A_143, %swap3A_144], %and3A_142 {strides = array<i32>} : memref<80x128xi32, #tpu.memory_space<vmem>>, vector<16xi32>,
      %while3A_146 = arith.constant 0 : i32
      scf.yield %while3A_146 : i32
    }
    %gt3A_82 = arith.constant 0 : i32
    %gt3A_83 = arith.cmpi sgt, %scan3A_66, %gt3A_82 : i32
    %convert_element_type3A_84 = arith.extui %gt3A_83 : i1 to i32
    %cond3A_85 = arith.constant 0 : i32
    %cond3A_86 = arith.cmpi ne, %convert_element_type3A_84, %cond3A_85 : i32
    scf.if %cond3A_86 {
      %dma_start3A = arith.constant 0 : i32
      %dma_start3A_90 = arith.constant 0 : i32
      %dma_start3A_91 = tpu.memref_slice %arg5[%dma_start3A, %dma_start3A_90] : memref<80x128xi32, #tpu.memory_space<vmem>> -> memref<1x128xi32, #tpu.memory_space<vmem>>
      %dma_start3A_92 = tpu.memref_squeeze %dma_start3A_91 : memref<1x128xi32, #tpu.memory_space<vmem>> -> memref<128xi32, #tpu.memory_space<vmem>>
      %dma_start3A_93 = arith.constant 0 : i32
      %dma_start3A_94 = arith.constant 0 : i32
      %dma_start3A_95 = tpu.memref_slice %arg2[%dma_start3A_93, %dma_start3A_94] : memref<10240x128xf32, #tpu.memory_space<hbm>> -> memref<10240x128xf32, #tpu.memory_space<hbm>>
      tpu.enqueue_indirect_dma source(%dma_start3A_95 : memref<10240x128xf32, #tpu.memory_space<hbm>>) target(%arg7 : memref<128x128xf32, #tpu.memory_space<vmem>>) offsets(%dma_start3A_92 : memref<128xi32, #tpu.memory_space<vmem>>) semaphore(%arg11 : memref<!tpu.dma_semaphore, #tpu.memory_space<semaphore_mem>>)
      %while3A_96 = arith.constant 0 : i32
      %while3A_97 = arith.constant 0 : i32
      %while3A_98 = arith.subi %scan3A_66, %while3A_96 : i32
      %while3A_99 = arith.addi %while3A_96, %while3A_98 : i32
      %while3A_100 = arith.constant 1 : i32
      %while3A_101 = arith.divsi %while3A_98, %while3A_100 : i32
      %while3A_102 = arith.muli %while3A_101, %while3A_100 : i32
      %while3A_103 = arith.addi %while3A_96, %while3A_102 : i32
      %while3A_104 = arith.constant 1 : i32
      %while3A_105 = scf.for %while3A_108 = %while3A_96 to %while3A_103 step %while3A_104 iter_args(%while3A_109 = %while3A_97) -> (i32)  : i32 {
        %add3A_110 = arith.constant 1 : i32
        %add3A_111 = arith.addi %while3A_108, %add3A_110 : i32
        %lt3A = arith.cmpi slt, %add3A_111, %scan3A_66 : i32
        %convert_element_type3A_112 = arith.extui %lt3A : i1 to i32
        %cond3A_113 = arith.constant 0 : i32
        %cond3A_114 = arith.cmpi ne, %convert_element_type3A_112, %cond3A_113 : i32
        scf.if %cond3A_114 {
          %add3A_152 = arith.constant 1 : i32
          %add3A_153 = arith.addi %while3A_108, %add3A_152 : i32
          %jit3A_154 = arith.constant 2 : i32
          %eq3A_155 = arith.constant 0 : i32
          %eq3A_156 = arith.cmpi eq, %jit3A_154, %eq3A_155 : i32
          %jit3A_157 = arith.constant 1 : i32
          %select_n3A_158 = arith.select %eq3A_156, %jit3A_157, %jit3A_154 : i32
          %rem3A_159 = arith.remsi %add3A_153, %select_n3A_158 : i32
          %ne3A_160 = arith.constant 0 : i32
          %ne3A_161 = arith.cmpi ne, %rem3A_159, %ne3A_160 : i32
          %lt3A_162 = arith.constant 0 : i32
          %lt3A_163 = arith.cmpi slt, %rem3A_159, %lt3A_162 : i32
          %lt3A_164 = arith.constant 0 : i32
          %lt3A_165 = arith.cmpi slt, %select_n3A_158, %lt3A_164 : i32
          %ne3A_166 = arith.xori %lt3A_163, %lt3A_165 : i1
          %and3A_167 = arith.andi %ne3A_166, %ne3A_161 : i1
          %add3A_168 = arith.addi %rem3A_159, %select_n3A_158 : i32
          %select_n3A_169 = arith.select %and3A_167, %add3A_168, %rem3A_159 : i32
          %eq3A_170 = arith.constant 0 : i32
          %eq3A_171 = arith.cmpi eq, %select_n3A_169, %eq3A_170 : i32
          %convert_element_type3A_172 = arith.extui %eq3A_171 : i1 to i32
          %cond3A_173 = arith.constant 0 : i32
          %cond3A_174 = arith.cmpi ne, %convert_element_type3A_172, %cond3A_173 : i32
          scf.if %cond3A_174 {
            %add3A_198 = arith.constant 1 : i32
            %add3A_199 = arith.addi %while3A_108, %add3A_198 : i32
            %dma_start3A_200 = arith.constant 0 : i32
            %dma_start3A_201 = tpu.memref_slice %arg5[%add3A_199, %dma_start3A_200] : memref<80x128xi32, #tpu.memory_space<vmem>> -> memref<1x128xi32, #tpu.memory_space<vmem>>
            %dma_start3A_202 = tpu.memref_squeeze %dma_start3A_201 : memref<1x128xi32, #tpu.memory_space<vmem>> -> memref<128xi32, #tpu.memory_space<vmem>>
            %dma_start3A_203 = arith.constant 0 : i32
            %dma_start3A_204 = arith.constant 0 : i32
            %dma_start3A_205 = tpu.memref_slice %arg2[%dma_start3A_203, %dma_start3A_204] : memref<10240x128xf32, #tpu.memory_space<hbm>> -> memref<10240x128xf32, #tpu.memory_space<hbm>>
            tpu.enqueue_indirect_dma source(%dma_start3A_205 : memref<10240x128xf32, #tpu.memory_space<hbm>>) target(%arg7 : memref<128x128xf32, #tpu.memory_space<vmem>>) offsets(%dma_start3A_202 : memref<128xi32, #tpu.memory_space<vmem>>) semaphore(%arg11 : memref<!tpu.dma_semaphore, #tpu.memory_space<semaphore_mem>>)
          } else {
          }
          %add3A_175 = arith.constant 1 : i32
          %add3A_176 = arith.addi %while3A_108, %add3A_175 : i32
          %jit3A_177 = arith.constant 2 : i32
          %eq3A_178 = arith.constant 0 : i32
          %eq3A_179 = arith.cmpi eq, %jit3A_177, %eq3A_178 : i32
          %jit3A_180 = arith.constant 1 : i32
          %select_n3A_181 = arith.select %eq3A_179, %jit3A_180, %jit3A_177 : i32
          %rem3A_182 = arith.remsi %add3A_176, %select_n3A_181 : i32
          %ne3A_183 = arith.constant 0 : i32
          %ne3A_184 = arith.cmpi ne, %rem3A_182, %ne3A_183 : i32
          %lt3A_185 = arith.constant 0 : i32
          %lt3A_186 = arith.cmpi slt, %rem3A_182, %lt3A_185 : i32
          %lt3A_187 = arith.constant 0 : i32
          %lt3A_188 = arith.cmpi slt, %select_n3A_181, %lt3A_187 : i32
          %ne3A_189 = arith.xori %lt3A_186, %lt3A_188 : i1
          %and3A_190 = arith.andi %ne3A_189, %ne3A_184 : i1
          %add3A_191 = arith.addi %rem3A_182, %select_n3A_181 : i32
          %select_n3A_192 = arith.select %and3A_190, %add3A_191, %rem3A_182 : i32
          %eq3A_193 = arith.constant 1 : i32
          %eq3A_194 = arith.cmpi eq, %select_n3A_192, %eq3A_193 : i32
          %convert_element_type3A_195 = arith.extui %eq3A_194 : i1 to i32
          %cond3A_196 = arith.constant 0 : i32
          %cond3A_197 = arith.cmpi ne, %convert_element_type3A_195, %cond3A_196 : i32
          scf.if %cond3A_197 {
            %add3A_198 = arith.constant 1 : i32
            %add3A_199 = arith.addi %while3A_108, %add3A_198 : i32
            %dma_start3A_200 = arith.constant 0 : i32
            %dma_start3A_201 = tpu.memref_slice %arg5[%add3A_199, %dma_start3A_200] : memref<80x128xi32, #tpu.memory_space<vmem>> -> memref<1x128xi32, #tpu.memory_space<vmem>>
            %dma_start3A_202 = tpu.memref_squeeze %dma_start3A_201 : memref<1x128xi32, #tpu.memory_space<vmem>> -> memref<128xi32, #tpu.memory_space<vmem>>
            %dma_start3A_203 = arith.constant 0 : i32
            %dma_start3A_204 = arith.constant 0 : i32
            %dma_start3A_205 = tpu.memref_slice %arg2[%dma_start3A_203, %dma_start3A_204] : memref<10240x128xf32, #tpu.memory_space<hbm>> -> memref<10240x128xf32, #tpu.memory_space<hbm>>
            tpu.enqueue_indirect_dma source(%dma_start3A_205 : memref<10240x128xf32, #tpu.memory_space<hbm>>) target(%arg8 : memref<128x128xf32, #tpu.memory_space<vmem>>) offsets(%dma_start3A_202 : memref<128xi32, #tpu.memory_space<vmem>>) semaphore(%arg12 : memref<!tpu.dma_semaphore, #tpu.memory_space<semaphore_mem>>)
          } else {
          }
        } else {
        }
        %jit3A = arith.constant 2 : i32
        %eq3A = arith.constant 0 : i32
        %eq3A_115 = arith.cmpi eq, %jit3A, %eq3A : i32
        %jit3A_116 = arith.constant 1 : i32
        %select_n3A = arith.select %eq3A_115, %jit3A_116, %jit3A : i32
        %rem3A = arith.remsi %while3A_108, %select_n3A : i32
        %ne3A = arith.constant 0 : i32
        %ne3A_117 = arith.cmpi ne, %rem3A, %ne3A : i32
        %lt3A_118 = arith.constant 0 : i32
        %lt3A_119 = arith.cmpi slt, %rem3A, %lt3A_118 : i32
        %lt3A_120 = arith.constant 0 : i32
        %lt3A_121 = arith.cmpi slt, %select_n3A, %lt3A_120 : i32
        %ne3A_122 = arith.xori %lt3A_119, %lt3A_121 : i1
        %and3A = arith.andi %ne3A_122, %ne3A_117 : i1
        %add3A_123 = arith.addi %rem3A, %select_n3A : i32
        %select_n3A_124 = arith.select %and3A, %add3A_123, %rem3A : i32
        %eq3A_125 = arith.constant 0 : i32
        %eq3A_126 = arith.cmpi eq, %select_n3A_124, %eq3A_125 : i32
        %convert_element_type3A_127 = arith.extui %eq3A_126 : i1 to i32
        %cond3A_128 = arith.constant 0 : i32
        %cond3A_129 = arith.cmpi ne, %convert_element_type3A_127, %cond3A_128 : i32
        scf.if %cond3A_129 {
          %dma_wait3A = arith.constant 0 : i32
          %dma_wait3A_152 = tpu.memref_slice %arg5[%while3A_108, %dma_wait3A] : memref<80x128xi32, #tpu.memory_space<vmem>> -> memref<1x128xi32, #tpu.memory_space<vmem>>
          %dma_wait3A_153 = tpu.memref_squeeze %dma_wait3A_152 : memref<1x128xi32, #tpu.memory_space<vmem>> -> memref<128xi32, #tpu.memory_space<vmem>>
          %dma_wait3A_154 = arith.constant 0 : i32
          %dma_wait3A_155 = arith.constant 0 : i32
          %dma_wait3A_156 = tpu.memref_slice %arg2[%dma_wait3A_154, %dma_wait3A_155] : memref<10240x128xf32, #tpu.memory_space<hbm>> -> memref<10240x128xf32, #tpu.memory_space<hbm>>
          tpu.wait_indirect_dma semaphore(%arg11 : memref<!tpu.dma_semaphore, #tpu.memory_space<semaphore_mem>>) src(%dma_wait3A_156 : memref<10240x128xf32, #tpu.memory_space<hbm>>) dst(%arg7 : memref<128x128xf32, #tpu.memory_space<vmem>>)
          "tpu.region"() ({
            %run_scoped3A = tpu.sem_alloc : memref<!tpu.dma_semaphore, #tpu.memory_space<semaphore_mem>>
            %dma_start3A_157 = arith.constant 0 : i32
            %dma_start3A_158 = tpu.memref_slice %arg6[%while3A_108, %dma_start3A_157] : memref<80x128xi32, #tpu.memory_space<vmem>> -> memref<1x128xi32, #tpu.memory_space<vmem>>
            %dma_start3A_159 = tpu.memref_squeeze %dma_start3A_158 : memref<1x128xi32, #tpu.memory_space<vmem>> -> memref<128xi32, #tpu.memory_space<vmem>>
            %dma_start3A_160 = arith.constant 0 : i32
            %dma_start3A_161 = arith.constant 0 : i32
            %dma_start3A_162 = tpu.memref_slice %arg10[%dma_start3A_160, %dma_start3A_161] : memref<5248x128xf32, #tpu.memory_space<vmem_shared>> -> memref<5248x128xf32, #tpu.memory_space<vmem_shared>>
            tpu.enqueue_indirect_dma source(%arg7 : memref<128x128xf32, #tpu.memory_space<vmem>>) target(%dma_start3A_162 : memref<5248x128xf32, #tpu.memory_space<vmem_shared>>) offsets(%dma_start3A_159 : memref<128xi32, #tpu.memory_space<vmem>>) semaphore(%run_scoped3A : memref<!tpu.dma_semaphore, #tpu.memory_space<semaphore_mem>>) {add = true}
            %dma_wait3A_163 = arith.constant 0 : i32
            %dma_wait3A_164 = tpu.memref_slice %arg6[%while3A_108, %dma_wait3A_163] : memref<80x128xi32, #tpu.memory_space<vmem>> -> memref<1x128xi32, #tpu.memory_space<vmem>>
            %dma_wait3A_165 = tpu.memref_squeeze %dma_wait3A_164 : memref<1x128xi32, #tpu.memory_space<vmem>> -> memref<128xi32, #tpu.memory_space<vmem>>
            %dma_wait3A_166 = arith.constant 0 : i32
            %dma_wait3A_167 = arith.constant 0 : i32
            %dma_wait3A_168 = tpu.memref_slice %arg10[%dma_wait3A_166, %dma_wait3A_167] : memref<5248x128xf32, #tpu.memory_space<vmem_shared>> -> memref<5248x128xf32, #tpu.memory_space<vmem_shared>>
            tpu.wait_indirect_dma semaphore(%run_scoped3A : memref<!tpu.dma_semaphore, #tpu.memory_space<semaphore_mem>>) src(%arg7 : memref<128x128xf32, #tpu.memory_space<vmem>>) dst(%dma_wait3A_168 : memref<5248x128xf32, #tpu.memory_space<vmem_shared>>)
            tpu.yield
          }) : () -> ()
        } else {
        }
        %jit3A_130 = arith.constant 2 : i32
        %eq3A_131 = arith.constant 0 : i32
        %eq3A_132 = arith.cmpi eq, %jit3A_130, %eq3A_131 : i32
        %jit3A_133 = arith.constant 1 : i32
        %select_n3A_134 = arith.select %eq3A_132, %jit3A_133, %jit3A_130 : i32
        %rem3A_135 = arith.remsi %while3A_108, %select_n3A_134 : i32
        %ne3A_136 = arith.constant 0 : i32
        %ne3A_137 = arith.cmpi ne, %rem3A_135, %ne3A_136 : i32
        %lt3A_138 = arith.constant 0 : i32
        %lt3A_139 = arith.cmpi slt, %rem3A_135, %lt3A_138 : i32
        %lt3A_140 = arith.constant 0 : i32
        %lt3A_141 = arith.cmpi slt, %select_n3A_134, %lt3A_140 : i32
        %ne3A_142 = arith.xori %lt3A_139, %lt3A_141 : i1
        %and3A_143 = arith.andi %ne3A_142, %ne3A_137 : i1
        %add3A_144 = arith.addi %rem3A_135, %select_n3A_134 : i32
        %select_n3A_145 = arith.select %and3A_143, %add3A_144, %rem3A_135 : i32
        %eq3A_146 = arith.constant 1 : i32
        %eq3A_147 = arith.cmpi eq, %select_n3A_145, %eq3A_146 : i32
        %convert_element_type3A_148 = arith.extui %eq3A_147 : i1 to i32
        %cond3A_149 = arith.constant 0 : i32
        %cond3A_150 = arith.cmpi ne, %convert_element_type3A_148, %cond3A_149 : i32
        scf.if %cond3A_150 {
          %dma_wait3A = arith.constant 0 : i32
          %dma_wait3A_152 = tpu.memref_slice %arg5[%while3A_108, %dma_wait3A] : memref<80x128xi32, #tpu.memory_space<vmem>> -> memref<1x128xi32, #tpu.memory_space<vmem>>
          %dma_wait3A_153 = tpu.memref_squeeze %dma_wait3A_152 : memref<1x128xi32, #tpu.memory_space<vmem>> -> memref<128xi32, #tpu.memory_space<vmem>>
          %dma_wait3A_154 = arith.constant 0 : i32
          %dma_wait3A_155 = arith.constant 0 : i32
          %dma_wait3A_156 = tpu.memref_slice %arg2[%dma_wait3A_154, %dma_wait3A_155] : memref<10240x128xf32, #tpu.memory_space<hbm>> -> memref<10240x128xf32, #tpu.memory_space<hbm>>
          tpu.wait_indirect_dma semaphore(%arg12 : memref<!tpu.dma_semaphore, #tpu.memory_space<semaphore_mem>>) src(%dma_wait3A_156 : memref<10240x128xf32, #tpu.memory_space<hbm>>) dst(%arg8 : memref<128x128xf32, #tpu.memory_space<vmem>>)
          "tpu.region"() ({
            %run_scoped3A = tpu.sem_alloc : memref<!tpu.dma_semaphore, #tpu.memory_space<semaphore_mem>>
            %dma_start3A_157 = arith.constant 0 : i32
            %dma_start3A_158 = tpu.memref_slice %arg6[%while3A_108, %dma_start3A_157] : memref<80x128xi32, #tpu.memory_space<vmem>> -> memref<1x128xi32, #tpu.memory_space<vmem>>
            %dma_start3A_159 = tpu.memref_squeeze %dma_start3A_158 : memref<1x128xi32, #tpu.memory_space<vmem>> -> memref<128xi32, #tpu.memory_space<vmem>>
            %dma_start3A_160 = arith.constant 0 : i32
            %dma_start3A_161 = arith.constant 0 : i32
            %dma_start3A_162 = tpu.memref_slice %arg10[%dma_start3A_160, %dma_start3A_161] : memref<5248x128xf32, #tpu.memory_space<vmem_shared>> -> memref<5248x128xf32, #tpu.memory_space<vmem_shared>>
            tpu.enqueue_indirect_dma source(%arg8 : memref<128x128xf32, #tpu.memory_space<vmem>>) target(%dma_start3A_162 : memref<5248x128xf32, #tpu.memory_space<vmem_shared>>) offsets(%dma_start3A_159 : memref<128xi32, #tpu.memory_space<vmem>>) semaphore(%run_scoped3A : memref<!tpu.dma_semaphore, #tpu.memory_space<semaphore_mem>>) {add = true}
            %dma_wait3A_163 = arith.constant 0 : i32
            %dma_wait3A_164 = tpu.memref_slice %arg6[%while3A_108, %dma_wait3A_163] : memref<80x128xi32, #tpu.memory_space<vmem>> -> memref<1x128xi32, #tpu.memory_space<vmem>>
            %dma_wait3A_165 = tpu.memref_squeeze %dma_wait3A_164 : memref<1x128xi32, #tpu.memory_space<vmem>> -> memref<128xi32, #tpu.memory_space<vmem>>
            %dma_wait3A_166 = arith.constant 0 : i32
            %dma_wait3A_167 = arith.constant 0 : i32
            %dma_wait3A_168 = tpu.memref_slice %arg10[%dma_wait3A_166, %dma_wait3A_167] : memref<5248x128xf32, #tpu.memory_space<vmem_shared>> -> memref<5248x128xf32, #tpu.memory_space<vmem_shared>>
            tpu.wait_indirect_dma semaphore(%run_scoped3A : memref<!tpu.dma_semaphore, #tpu.memory_space<semaphore_mem>>) src(%arg8 : memref<128x128xf32, #tpu.memory_space<vmem>>) dst(%dma_wait3A_168 : memref<5248x128xf32, #tpu.memory_space<vmem_shared>>)
            tpu.yield
          }) : () -> ()
        } else {
        }
        %while3A_151 = arith.constant 0 : i32
        scf.yield %while3A_151 : i32
      }
      %while3A_106 = arith.constant 1 : i32
      %while3A_107 = scf.for %while3A_108 = %while3A_103 to %while3A_99 step %while3A_106 iter_args(%while3A_109 = %while3A_105) -> (i32)  : i32 {
        %add3A_110 = arith.constant 1 : i32
        %add3A_111 = arith.addi %while3A_108, %add3A_110 : i32
        %lt3A = arith.cmpi slt, %add3A_111, %scan3A_66 : i32
        %convert_element_type3A_112 = arith.extui %lt3A : i1 to i32
        %cond3A_113 = arith.constant 0 : i32
        %cond3A_114 = arith.cmpi ne, %convert_element_type3A_112, %cond3A_113 : i32
        scf.if %cond3A_114 {
          %add3A_152 = arith.constant 1 : i32
          %add3A_153 = arith.addi %while3A_108, %add3A_152 : i32
          %jit3A_154 = arith.constant 2 : i32
          %eq3A_155 = arith.constant 0 : i32
          %eq3A_156 = arith.cmpi eq, %jit3A_154, %eq3A_155 : i32
          %jit3A_157 = arith.constant 1 : i32
          %select_n3A_158 = arith.select %eq3A_156, %jit3A_157, %jit3A_154 : i32
          %rem3A_159 = arith.remsi %add3A_153, %select_n3A_158 : i32
          %ne3A_160 = arith.constant 0 : i32
          %ne3A_161 = arith.cmpi ne, %rem3A_159, %ne3A_160 : i32
          %lt3A_162 = arith.constant 0 : i32
          %lt3A_163 = arith.cmpi slt, %rem3A_159, %lt3A_162 : i32
          %lt3A_164 = arith.constant 0 : i32
          %lt3A_165 = arith.cmpi slt, %select_n3A_158, %lt3A_164 : i32
          %ne3A_166 = arith.xori %lt3A_163, %lt3A_165 : i1
          %and3A_167 = arith.andi %ne3A_166, %ne3A_161 : i1
          %add3A_168 = arith.addi %rem3A_159, %select_n3A_158 : i32
          %select_n3A_169 = arith.select %and3A_167, %add3A_168, %rem3A_159 : i32
          %eq3A_170 = arith.constant 0 : i32
          %eq3A_171 = arith.cmpi eq, %select_n3A_169, %eq3A_170 : i32
          %convert_element_type3A_172 = arith.extui %eq3A_171 : i1 to i32
          %cond3A_173 = arith.constant 0 : i32
          %cond3A_174 = arith.cmpi ne, %convert_element_type3A_172, %cond3A_173 : i32
          scf.if %cond3A_174 {
            %add3A_198 = arith.constant 1 : i32
            %add3A_199 = arith.addi %while3A_108, %add3A_198 : i32
            %dma_start3A_200 = arith.constant 0 : i32
            %dma_start3A_201 = tpu.memref_slice %arg5[%add3A_199, %dma_start3A_200] : memref<80x128xi32, #tpu.memory_space<vmem>> -> memref<1x128xi32, #tpu.memory_space<vmem>>
            %dma_start3A_202 = tpu.memref_squeeze %dma_start3A_201 : memref<1x128xi32, #tpu.memory_space<vmem>> -> memref<128xi32, #tpu.memory_space<vmem>>
            %dma_start3A_203 = arith.constant 0 : i32
            %dma_start3A_204 = arith.constant 0 : i32
            %dma_start3A_205 = tpu.memref_slice %arg2[%dma_start3A_203, %dma_start3A_204] : memref<10240x128xf32, #tpu.memory_space<hbm>> -> memref<10240x128xf32, #tpu.memory_space<hbm>>
            tpu.enqueue_indirect_dma source(%dma_start3A_205 : memref<10240x128xf32, #tpu.memory_space<hbm>>) target(%arg7 : memref<128x128xf32, #tpu.memory_space<vmem>>) offsets(%dma_start3A_202 : memref<128xi32, #tpu.memory_space<vmem>>) semaphore(%arg11 : memref<!tpu.dma_semaphore, #tpu.memory_space<semaphore_mem>>)
          } else {
          }
          %add3A_175 = arith.constant 1 : i32
          %add3A_176 = arith.addi %while3A_108, %add3A_175 : i32
          %jit3A_177 = arith.constant 2 : i32
          %eq3A_178 = arith.constant 0 : i32
          %eq3A_179 = arith.cmpi eq, %jit3A_177, %eq3A_178 : i32
          %jit3A_180 = arith.constant 1 : i32
          %select_n3A_181 = arith.select %eq3A_179, %jit3A_180, %jit3A_177 : i32
          %rem3A_182 = arith.remsi %add3A_176, %select_n3A_181 : i32
          %ne3A_183 = arith.constant 0 : i32
          %ne3A_184 = arith.cmpi ne, %rem3A_182, %ne3A_183 : i32
          %lt3A_185 = arith.constant 0 : i32
          %lt3A_186 = arith.cmpi slt, %rem3A_182, %lt3A_185 : i32
          %lt3A_187 = arith.constant 0 : i32
          %lt3A_188 = arith.cmpi slt, %select_n3A_181, %lt3A_187 : i32
          %ne3A_189 = arith.xori %lt3A_186, %lt3A_188 : i1
          %and3A_190 = arith.andi %ne3A_189, %ne3A_184 : i1
          %add3A_191 = arith.addi %rem3A_182, %select_n3A_181 : i32
          %select_n3A_192 = arith.select %and3A_190, %add3A_191, %rem3A_182 : i32
          %eq3A_193 = arith.constant 1 : i32
          %eq3A_194 = arith.cmpi eq, %select_n3A_192, %eq3A_193 : i32
          %convert_element_type3A_195 = arith.extui %eq3A_194 : i1 to i32
          %cond3A_196 = arith.constant 0 : i32
          %cond3A_197 = arith.cmpi ne, %convert_element_type3A_195, %cond3A_196 : i32
          scf.if %cond3A_197 {
            %add3A_198 = arith.constant 1 : i32
            %add3A_199 = arith.addi %while3A_108, %add3A_198 : i32
            %dma_start3A_200 = arith.constant 0 : i32
            %dma_start3A_201 = tpu.memref_slice %arg5[%add3A_199, %dma_start3A_200] : memref<80x128xi32, #tpu.memory_space<vmem>> -> memref<1x128xi32, #tpu.memory_space<vmem>>
            %dma_start3A_202 = tpu.memref_squeeze %dma_start3A_201 : memref<1x128xi32, #tpu.memory_space<vmem>> -> memref<128xi32, #tpu.memory_space<vmem>>
            %dma_start3A_203 = arith.constant 0 : i32
            %dma_start3A_204 = arith.constant 0 : i32
            %dma_start3A_205 = tpu.memref_slice %arg2[%dma_start3A_203, %dma_start3A_204] : memref<10240x128xf32, #tpu.memory_space<hbm>> -> memref<10240x128xf32, #tpu.memory_space<hbm>>
            tpu.enqueue_indirect_dma source(%dma_start3A_205 : memref<10240x128xf32, #tpu.memory_space<hbm>>) target(%arg8 : memref<128x128xf32, #tpu.memory_space<vmem>>) offsets(%dma_start3A_202 : memref<128xi32, #tpu.memory_space<vmem>>) semaphore(%arg12 : memref<!tpu.dma_semaphore, #tpu.memory_space<semaphore_mem>>)
          } else {
          }
        } else {
        }
        %jit3A = arith.constant 2 : i32
        %eq3A = arith.constant 0 : i32
        %eq3A_115 = arith.cmpi eq, %jit3A, %eq3A : i32
        %jit3A_116 = arith.constant 1 : i32
        %select_n3A = arith.select %eq3A_115, %jit3A_116, %jit3A : i32
        %rem3A = arith.remsi %while3A_108, %select_n3A : i32
        %ne3A = arith.constant 0 : i32
        %ne3A_117 = arith.cmpi ne, %rem3A, %ne3A : i32
        %lt3A_118 = arith.constant 0 : i32
        %lt3A_119 = arith.cmpi slt, %rem3A, %lt3A_118 : i32
        %lt3A_120 = arith.constant 0 : i32
        %lt3A_121 = arith.cmpi slt, %select_n3A, %lt3A_120 : i32
        %ne3A_122 = arith.xori %lt3A_119, %lt3A_121 : i1
        %and3A = arith.andi %ne3A_122, %ne3A_117 : i1
        %add3A_123 = arith.addi %rem3A, %select_n3A : i32
        %select_n3A_124 = arith.select %and3A, %add3A_123, %rem3A : i32
        %eq3A_125 = arith.constant 0 : i32
        %eq3A_126 = arith.cmpi eq, %select_n3A_124, %eq3A_125 : i32
        %convert_element_type3A_127 = arith.extui %eq3A_126 : i1 to i32
        %cond3A_128 = arith.constant 0 : i32
        %cond3A_129 = arith.cmpi ne, %convert_element_type3A_127, %cond3A_128 : i32
        scf.if %cond3A_129 {
          %dma_wait3A = arith.constant 0 : i32
          %dma_wait3A_152 = tpu.memref_slice %arg5[%while3A_108, %dma_wait3A] : memref<80x128xi32, #tpu.memory_space<vmem>> -> memref<1x128xi32, #tpu.memory_space<vmem>>
          %dma_wait3A_153 = tpu.memref_squeeze %dma_wait3A_152 : memref<1x128xi32, #tpu.memory_space<vmem>> -> memref<128xi32, #tpu.memory_space<vmem>>
          %dma_wait3A_154 = arith.constant 0 : i32
          %dma_wait3A_155 = arith.constant 0 : i32
          %dma_wait3A_156 = tpu.memref_slice %arg2[%dma_wait3A_154, %dma_wait3A_155] : memref<10240x128xf32, #tpu.memory_space<hbm>> -> memref<10240x128xf32, #tpu.memory_space<hbm>>
          tpu.wait_indirect_dma semaphore(%arg11 : memref<!tpu.dma_semaphore, #tpu.memory_space<semaphore_mem>>) src(%dma_wait3A_156 : memref<10240x128xf32, #tpu.memory_space<hbm>>) dst(%arg7 : memref<128x128xf32, #tpu.memory_space<vmem>>)
          "tpu.region"() ({
            %run_scoped3A = tpu.sem_alloc : memref<!tpu.dma_semaphore, #tpu.memory_space<semaphore_mem>>
            %dma_start3A_157 = arith.constant 0 : i32
            %dma_start3A_158 = tpu.memref_slice %arg6[%while3A_108, %dma_start3A_157] : memref<80x128xi32, #tpu.memory_space<vmem>> -> memref<1x128xi32, #tpu.memory_space<vmem>>
            %dma_start3A_159 = tpu.memref_squeeze %dma_start3A_158 : memref<1x128xi32, #tpu.memory_space<vmem>> -> memref<128xi32, #tpu.memory_space<vmem>>
            %dma_start3A_160 = arith.constant 0 : i32
            %dma_start3A_161 = arith.constant 0 : i32
            %dma_start3A_162 = tpu.memref_slice %arg10[%dma_start3A_160, %dma_start3A_161] : memref<5248x128xf32, #tpu.memory_space<vmem_shared>> -> memref<5248x128xf32, #tpu.memory_space<vmem_shared>>
            tpu.enqueue_indirect_dma source(%arg7 : memref<128x128xf32, #tpu.memory_space<vmem>>) target(%dma_start3A_162 : memref<5248x128xf32, #tpu.memory_space<vmem_shared>>) offsets(%dma_start3A_159 : memref<128xi32, #tpu.memory_space<vmem>>) semaphore(%run_scoped3A : memref<!tpu.dma_semaphore, #tpu.memory_space<semaphore_mem>>) {add = true}
            %dma_wait3A_163 = arith.constant 0 : i32
            %dma_wait3A_164 = tpu.memref_slice %arg6[%while3A_108, %dma_wait3A_163] : memref<80x128xi32, #tpu.memory_space<vmem>> -> memref<1x128xi32, #tpu.memory_space<vmem>>
            %dma_wait3A_165 = tpu.memref_squeeze %dma_wait3A_164 : memref<1x128xi32, #tpu.memory_space<vmem>> -> memref<128xi32, #tpu.memory_space<vmem>>
            %dma_wait3A_166 = arith.constant 0 : i32
            %dma_wait3A_167 = arith.constant 0 : i32
            %dma_wait3A_168 = tpu.memref_slice %arg10[%dma_wait3A_166, %dma_wait3A_167] : memref<5248x128xf32, #tpu.memory_space<vmem_shared>> -> memref<5248x128xf32, #tpu.memory_space<vmem_shared>>
            tpu.wait_indirect_dma semaphore(%run_scoped3A : memref<!tpu.dma_semaphore, #tpu.memory_space<semaphore_mem>>) src(%arg7 : memref<128x128xf32, #tpu.memory_space<vmem>>) dst(%dma_wait3A_168 : memref<5248x128xf32, #tpu.memory_space<vmem_shared>>)
            tpu.yield
          }) : () -> ()
        } else {
        }
        %jit3A_130 = arith.constant 2 : i32
        %eq3A_131 = arith.constant 0 : i32
        %eq3A_132 = arith.cmpi eq, %jit3A_130, %eq3A_131 : i32
        %jit3A_133 = arith.constant 1 : i32
        %select_n3A_134 = arith.select %eq3A_132, %jit3A_133, %jit3A_130 : i32
        %rem3A_135 = arith.remsi %while3A_108, %select_n3A_134 : i32
        %ne3A_136 = arith.constant 0 : i32
        %ne3A_137 = arith.cmpi ne, %rem3A_135, %ne3A_136 : i32
        %lt3A_138 = arith.constant 0 : i32
        %lt3A_139 = arith.cmpi slt, %rem3A_135, %lt3A_138 : i32
        %lt3A_140 = arith.constant 0 : i32
        %lt3A_141 = arith.cmpi slt, %select_n3A_134, %lt3A_140 : i32
        %ne3A_142 = arith.xori %lt3A_139, %lt3A_141 : i1
        %and3A_143 = arith.andi %ne3A_142, %ne3A_137 : i1
        %add3A_144 = arith.addi %rem3A_135, %select_n3A_134 : i32
        %select_n3A_145 = arith.select %and3A_143, %add3A_144, %rem3A_135 : i32
        %eq3A_146 = arith.constant 1 : i32
        %eq3A_147 = arith.cmpi eq, %select_n3A_145, %eq3A_146 : i32
        %convert_element_type3A_148 = arith.extui %eq3A_147 : i1 to i32
        %cond3A_149 = arith.constant 0 : i32
        %cond3A_150 = arith.cmpi ne, %convert_element_type3A_148, %cond3A_149 : i32
        scf.if %cond3A_150 {
          %dma_wait3A = arith.constant 0 : i32
          %dma_wait3A_152 = tpu.memref_slice %arg5[%while3A_108, %dma_wait3A] : memref<80x128xi32, #tpu.memory_space<vmem>> -> memref<1x128xi32, #tpu.memory_space<vmem>>
          %dma_wait3A_153 = tpu.memref_squeeze %dma_wait3A_152 : memref<1x128xi32, #tpu.memory_space<vmem>> -> memref<128xi32, #tpu.memory_space<vmem>>
          %dma_wait3A_154 = arith.constant 0 : i32
          %dma_wait3A_155 = arith.constant 0 : i32
          %dma_wait3A_156 = tpu.memref_slice %arg2[%dma_wait3A_154, %dma_wait3A_155] : memref<10240x128xf32, #tpu.memory_space<hbm>> -> memref<10240x128xf32, #tpu.memory_space<hbm>>
          tpu.wait_indirect_dma semaphore(%arg12 : memref<!tpu.dma_semaphore, #tpu.memory_space<semaphore_mem>>) src(%dma_wait3A_156 : memref<10240x128xf32, #tpu.memory_space<hbm>>) dst(%arg8 : memref<128x128xf32, #tpu.memory_space<vmem>>)
          "tpu.region"() ({
            %run_scoped3A = tpu.sem_alloc : memref<!tpu.dma_semaphore, #tpu.memory_space<semaphore_mem>>
            %dma_start3A_157 = arith.constant 0 : i32
            %dma_start3A_158 = tpu.memref_slice %arg6[%while3A_108, %dma_start3A_157] : memref<80x128xi32, #tpu.memory_space<vmem>> -> memref<1x128xi32, #tpu.memory_space<vmem>>
            %dma_start3A_159 = tpu.memref_squeeze %dma_start3A_158 : memref<1x128xi32, #tpu.memory_space<vmem>> -> memref<128xi32, #tpu.memory_space<vmem>>
            %dma_start3A_160 = arith.constant 0 : i32
            %dma_start3A_161 = arith.constant 0 : i32
            %dma_start3A_162 = tpu.memref_slice %arg10[%dma_start3A_160, %dma_start3A_161] : memref<5248x128xf32, #tpu.memory_space<vmem_shared>> -> memref<5248x128xf32, #tpu.memory_space<vmem_shared>>
            tpu.enqueue_indirect_dma source(%arg8 : memref<128x128xf32, #tpu.memory_space<vmem>>) target(%dma_start3A_162 : memref<5248x128xf32, #tpu.memory_space<vmem_shared>>) offsets(%dma_start3A_159 : memref<128xi32, #tpu.memory_space<vmem>>) semaphore(%run_scoped3A : memref<!tpu.dma_semaphore, #tpu.memory_space<semaphore_mem>>) {add = true}
            %dma_wait3A_163 = arith.constant 0 : i32
            %dma_wait3A_164 = tpu.memref_slice %arg6[%while3A_108, %dma_wait3A_163] : memref<80x128xi32, #tpu.memory_space<vmem>> -> memref<1x128xi32, #tpu.memory_space<vmem>>
            %dma_wait3A_165 = tpu.memref_squeeze %dma_wait3A_164 : memref<1x128xi32, #tpu.memory_space<vmem>> -> memref<128xi32, #tpu.memory_space<vmem>>
            %dma_wait3A_166 = arith.constant 0 : i32
            %dma_wait3A_167 = arith.constant 0 : i32
            %dma_wait3A_168 = tpu.memref_slice %arg10[%dma_wait3A_166, %dma_wait3A_167] : memref<5248x128xf32, #tpu.memory_space<vmem_shared>> -> memref<5248x128xf32, #tpu.memory_space<vmem_shared>>
            tpu.wait_indirect_dma semaphore(%run_scoped3A : memref<!tpu.dma_semaphore, #tpu.memory_space<semaphore_mem>>) src(%arg8 : memref<128x128xf32, #tpu.memory_space<vmem>>) dst(%dma_wait3A_168 : memref<5248x128xf32, #tpu.memory_space<vmem_shared>>)
            tpu.yield
          }) : () -> ()
        } else {
        }
        %while3A_151 = arith.constant 0 : i32
        scf.yield %while3A_151 : i32
      }
    } else {
    }
    %barrier3A_87 = arith.constant 0 : index
    tpu.barrier barrier_id(%barrier3A_87)
    %mul3A_88 = arith.constant 328 : i32
    %mul3A_89 = arith.muli %arg1, %mul3A_88 : i32
    "tpu.region"() ({
      %run_scoped3A = tpu.sem_alloc : memref<!tpu.dma_semaphore, #tpu.memory_space<semaphore_mem>>
      %dma_start3A = arith.constant 0 : i32
      %dma_start3A_90 = arith.constant 0 : i32
      %dma_start3A_91 = tpu.memref_slice %arg4[%arg0, %dma_start3A, %dma_start3A_90] : memref<2x5248x128xf32, #tpu.memory_space<hbm>> -> memref<1x5248x128xf32, #tpu.memory_space<hbm>>
      %dma_start3A_92 = tpu.memref_squeeze %dma_start3A_91 : memref<1x5248x128xf32, #tpu.memory_space<hbm>> -> memref<5248x128xf32, #tpu.memory_space<hbm>>
      %dma_start3A_93 = arith.constant 0 : i32
      %dma_start3A_94 = tpu.memref_slice %dma_start3A_92[%mul3A_89, %dma_start3A_93] : memref<5248x128xf32, #tpu.memory_space<hbm>> -> memref<328x128xf32, #tpu.memory_space<hbm>>
      %dma_start3A_95 = arith.constant 0 : i32
      %dma_start3A_96 = tpu.memref_slice %arg10[%mul3A_89, %dma_start3A_95] : memref<5248x128xf32, #tpu.memory_space<vmem_shared>> -> memref<328x128xf32, #tpu.memory_space<vmem_shared>>
      tpu.enqueue_dma source(%dma_start3A_96 : memref<328x128xf32, #tpu.memory_space<vmem_shared>>) target(%dma_start3A_94 : memref<328x128xf32, #tpu.memory_space<hbm>>) target_semaphore(%run_scoped3A : memref<!tpu.dma_semaphore, #tpu.memory_space<semaphore_mem>>)
      %dma_wait3A = arith.constant 0 : i32
      %dma_wait3A_97 = arith.constant 0 : i32
      %dma_wait3A_98 = tpu.memref_slice %arg4[%arg0, %dma_wait3A, %dma_wait3A_97] : memref<2x5248x128xf32, #tpu.memory_space<hbm>> -> memref<1x5248x128xf32, #tpu.memory_space<hbm>>
      %dma_wait3A_99 = tpu.memref_squeeze %dma_wait3A_98 : memref<1x5248x128xf32, #tpu.memory_space<hbm>> -> memref<5248x128xf32, #tpu.memory_space<hbm>>
      %dma_wait3A_100 = arith.constant 0 : i32
      %dma_wait3A_101 = tpu.memref_slice %dma_wait3A_99[%mul3A_89, %dma_wait3A_100] : memref<5248x128xf32, #tpu.memory_space<hbm>> -> memref<328x128xf32, #tpu.memory_space<hbm>>
      %dma_wait3A_102 = arith.constant 0 : i32
      %dma_wait3A_103 = tpu.memref_slice %arg10[%mul3A_89, %dma_wait3A_102] : memref<5248x128xf32, #tpu.memory_space<vmem_shared>> -> memref<328x128xf32, #tpu.memory_space<vmem_shared>>
      tpu.wait_dma2 semaphore(%run_scoped3A : memref<!tpu.dma_semaphore, #tpu.memory_space<semaphore_mem>>) src(%dma_wait3A_103 : memref<328x128xf32, #tpu.memory_space<vmem_shared>>) dst(%dma_wait3A_101 : memref<328x128xf32, #tpu.memory_space<hbm>>)
      tpu.yield
    }) : () -> ()
    return
  }
}

#map = affine_map<(d0, d1) -> (0, 0, 0)>
#map1 = affine_map<(d0, d1) -> (0, 0, 0, 0)>
module attributes {stable_mosaic.version = 14 : i64} {
  func.func @_part_body(%arg0: i32, %arg1: i32, %arg2: memref<32x80x128xi32, #tpu.memory_space<hbm>>, %arg3: memref<2x32x80x128xi32, #tpu.memory_space<hbm>>, %arg4: memref<80x128xi32, #tpu.memory_space<vmem>>, %arg5: memref<10256xi32, #tpu.memory_space<vmem>>, %arg6: memref<10256xi32, #tpu.memory_space<vmem>>, %arg7: memref<80x128xi32, #tpu.memory_space<vmem>>, %arg8: memref<80x128xi32, #tpu.memory_space<vmem>>) attributes {dimension_semantics = [#tpu.dimension_semantics<core_parallel>, #tpu.dimension_semantics<subcore_parallel>], iteration_bounds = array<i64: 2, 16>, scalar_prefetch = 0 : i64, scratch_operands = 5 : i64, tpu.core_type = #tpu.core_type<sc_vector_subcore>, window_params = [{transform_indices = #map}, {transform_indices = #map1}]} {
    %mul3A = arith.constant 16 : i32
    %mul3A_0 = arith.muli %arg0, %mul3A : i32
    %add3A = arith.addi %mul3A_0, %arg1 : i32
    "tpu.region"() ({
      %run_scoped3A_24 = tpu.sem_alloc : memref<!tpu.dma_semaphore, #tpu.memory_space<semaphore_mem>>
      %dma_start3A = arith.constant 0 : i32
      %dma_start3A_25 = arith.constant 0 : i32
      %dma_start3A_26 = tpu.memref_slice %arg2[%add3A, %dma_start3A, %dma_start3A_25] : memref<32x80x128xi32, #tpu.memory_space<hbm>> -> memref<1x80x128xi32, #tpu.memory_space<hbm>>
      %dma_start3A_27 = tpu.memref_squeeze %dma_start3A_26 : memref<1x80x128xi32, #tpu.memory_space<hbm>> -> memref<80x128xi32, #tpu.memory_space<hbm>>
      %dma_start3A_28 = arith.constant 0 : i32
      %dma_start3A_29 = arith.constant 0 : i32
      %dma_start3A_30 = tpu.memref_slice %arg2[%add3A, %dma_start3A_28, %dma_start3A_29] : memref<32x80x128xi32, #tpu.memory_space<hbm>> -> memref<1x80x128xi32, #tpu.memory_space<hbm>>
      %dma_start3A_31 = tpu.memref_squeeze %dma_start3A_30 : memref<1x80x128xi32, #tpu.memory_space<hbm>> -> memref<80x128xi32, #tpu.memory_space<hbm>>
      tpu.enqueue_dma source(%dma_start3A_31 : memref<80x128xi32, #tpu.memory_space<hbm>>) target(%arg4 : memref<80x128xi32, #tpu.memory_space<vmem>>) target_semaphore(%run_scoped3A_24 : memref<!tpu.dma_semaphore, #tpu.memory_space<semaphore_mem>>)
      %dma_wait3A = arith.constant 0 : i32
      %dma_wait3A_32 = arith.constant 0 : i32
      %dma_wait3A_33 = tpu.memref_slice %arg2[%add3A, %dma_wait3A, %dma_wait3A_32] : memref<32x80x128xi32, #tpu.memory_space<hbm>> -> memref<1x80x128xi32, #tpu.memory_space<hbm>>
      %dma_wait3A_34 = tpu.memref_squeeze %dma_wait3A_33 : memref<1x80x128xi32, #tpu.memory_space<hbm>> -> memref<80x128xi32, #tpu.memory_space<hbm>>
      %dma_wait3A_35 = arith.constant 0 : i32
      %dma_wait3A_36 = arith.constant 0 : i32
      %dma_wait3A_37 = tpu.memref_slice %arg2[%add3A, %dma_wait3A_35, %dma_wait3A_36] : memref<32x80x128xi32, #tpu.memory_space<hbm>> -> memref<1x80x128xi32, #tpu.memory_space<hbm>>
      %dma_wait3A_38 = tpu.memref_squeeze %dma_wait3A_37 : memref<1x80x128xi32, #tpu.memory_space<hbm>> -> memref<80x128xi32, #tpu.memory_space<hbm>>
      tpu.wait_dma2 semaphore(%run_scoped3A_24 : memref<!tpu.dma_semaphore, #tpu.memory_space<semaphore_mem>>) src(%dma_wait3A_38 : memref<80x128xi32, #tpu.memory_space<hbm>>) dst(%arg4 : memref<80x128xi32, #tpu.memory_space<vmem>>)
      tpu.yield
    }) : () -> ()
    %broadcast_in_dim3A = arith.constant 268419072 : i32
    %broadcast_in_dim3A_1 = vector.broadcast %broadcast_in_dim3A : i32 to vector<16xi32>
    %scan3A = arith.constant 0 : i32
    %scan3A_2 = arith.constant 0 : i32
    %scan3A_3 = arith.constant 641 : i32
    %scan3A_4 = arith.addi %scan3A_2, %scan3A_3 : i32
    %scan3A_5 = arith.constant 1 : i32
    %scan3A_6 = scf.for %scan3A_24 = %scan3A_2 to %scan3A_4 step %scan3A_5 iter_args(%scan3A_25 = %scan3A) -> (i32)  : i32 {
      %mul3A_26 = arith.constant 16 : i32
      %mul3A_27 = arith.muli %scan3A_24, %mul3A_26 : i32
      %swap3A = arith.index_cast %mul3A_27 : i32 to index
      %swap3A_28 = tpu.vector_load %arg5[%swap3A] {strides = array<i32>} : memref<10256xi32, #tpu.memory_space<vmem>>, vector<16xi32>,
      tpu.vector_store %arg5[%swap3A], %broadcast_in_dim3A_1 {strides = array<i32>} : memref<10256xi32, #tpu.memory_space<vmem>>, vector<16xi32>,
      %mul3A_29 = arith.constant 16 : i32
      %mul3A_30 = arith.muli %scan3A_24, %mul3A_29 : i32
      %swap3A_31 = arith.index_cast %mul3A_30 : i32 to index
      %swap3A_32 = tpu.vector_load %arg6[%swap3A_31] {strides = array<i32>} : memref<10256xi32, #tpu.memory_space<vmem>>, vector<16xi32>,
      tpu.vector_store %arg6[%swap3A_31], %broadcast_in_dim3A_1 {strides = array<i32>} : memref<10256xi32, #tpu.memory_space<vmem>>, vector<16xi32>,
      %scan3A_33 = arith.constant 0 : i32
      scf.yield %scan3A_33 : i32
    }
    %scan3A_7 = arith.constant 641 : i32
    %scan3A_8 = arith.constant 0 : i32
    %scan3A_9 = arith.constant 0 : i32
    %scan3A_10 = arith.constant 0 : i32
    %scan3A_11 = arith.constant 640 : i32
    %scan3A_12 = arith.addi %scan3A_10, %scan3A_11 : i32
    %scan3A_13 = arith.constant 1 : i32
    %scan3A_14:2 = scf.for %scan3A_24 = %scan3A_10 to %scan3A_12 step %scan3A_13 iter_args(%scan3A_25 = %scan3A_8, %scan3A_26 = %scan3A_9) -> (i32, i32)  : i32 {
      %jit3A = arith.constant 8 : i32
      %div3A = arith.divsi %scan3A_24, %jit3A : i32
      %sign3A = arith.constant 0 : i32
      %sign3A_27 = arith.cmpi sgt, %scan3A_24, %sign3A : i32
      %sign3A_28 = arith.extui %sign3A_27 : i1 to i32
      %sign3A_29 = arith.constant 0 : i32
      %sign3A_30 = arith.cmpi slt, %scan3A_24, %sign3A_29 : i32
      %sign3A_31 = arith.extui %sign3A_30 : i1 to i32
      %sign3A_32 = arith.subi %sign3A_28, %sign3A_31 : i32
      %sign3A_33 = arith.constant 0 : i32
      %sign3A_34 = arith.cmpi sgt, %jit3A, %sign3A_33 : i32
      %sign3A_35 = arith.extui %sign3A_34 : i1 to i32
      %sign3A_36 = arith.constant 0 : i32
      %sign3A_37 = arith.cmpi slt, %jit3A, %sign3A_36 : i32
      %sign3A_38 = arith.extui %sign3A_37 : i1 to i32
      %sign3A_39 = arith.subi %sign3A_35, %sign3A_38 : i32
      %ne3A = arith.cmpi ne, %sign3A_32, %sign3A_39 : i32
      %rem3A = arith.remsi %scan3A_24, %jit3A : i32
      %ne3A_40 = arith.constant 0 : i32
      %ne3A_41 = arith.cmpi ne, %rem3A, %ne3A_40 : i32
      %and3A = arith.andi %ne3A, %ne3A_41 : i1
      %sub3A = arith.constant 1 : i32
      %sub3A_42 = arith.subi %div3A, %sub3A : i32
      %select_n3A = arith.select %and3A, %sub3A_42, %div3A : i32
      %jit3A_43 = arith.constant 8 : i32
      %eq3A = arith.constant 0 : i32
      %eq3A_44 = arith.cmpi eq, %jit3A_43, %eq3A : i32
      %jit3A_45 = arith.constant 1 : i32
      %select_n3A_46 = arith.select %eq3A_44, %jit3A_45, %jit3A_43 : i32
      %rem3A_47 = arith.remsi %scan3A_24, %select_n3A_46 : i32
      %ne3A_48 = arith.constant 0 : i32
      %ne3A_49 = arith.cmpi ne, %rem3A_47, %ne3A_48 : i32
      %lt3A = arith.constant 0 : i32
      %lt3A_50 = arith.cmpi slt, %rem3A_47, %lt3A : i32
      %lt3A_51 = arith.constant 0 : i32
      %lt3A_52 = arith.cmpi slt, %select_n3A_46, %lt3A_51 : i32
      %ne3A_53 = arith.xori %lt3A_50, %lt3A_52 : i1
      %and3A_54 = arith.andi %ne3A_53, %ne3A_49 : i1
      %add3A_55 = arith.addi %rem3A_47, %select_n3A_46 : i32
      %select_n3A_56 = arith.select %and3A_54, %add3A_55, %rem3A_47 : i32
      %mul3A_57 = arith.constant 16 : i32
      %mul3A_58 = arith.muli %select_n3A_56, %mul3A_57 : i32
      %get3A = arith.index_cast %select_n3A : i32 to index
      %get3A_59 = arith.index_cast %mul3A_58 : i32 to index
      %get3A_60 = tpu.vector_load %arg4[%get3A, %get3A_59] {strides = array<i32>} : memref<80x128xi32, #tpu.memory_space<vmem>>, vector<16xi32>,
      %shift_right_logical3A = arith.constant 14 : i32
      %shift_right_logical3A_61 = vector.broadcast %shift_right_logical3A : i32 to vector<16xi32>
      %shift_right_logical3A_62 = arith.shrui %get3A_60, %shift_right_logical3A_61 : vector<16xi32>
      %lt3A_63 = arith.constant 5120 : i32
      %lt3A_64 = vector.broadcast %lt3A_63 : i32 to vector<16xi32>
      %lt3A_65 = arith.cmpi slt, %shift_right_logical3A_62, %lt3A_64 : vector<16xi32>
      %ge3A = arith.constant 5120 : i32
      %ge3A_66 = vector.broadcast %ge3A : i32 to vector<16xi32>
      %ge3A_67 = arith.cmpi sge, %shift_right_logical3A_62, %ge3A_66 : vector<16xi32>
      %broadcast_in_dim3A_68 = arith.constant 1 : i32
      %broadcast_in_dim3A_69 = vector.broadcast %broadcast_in_dim3A_68 : i32 to vector<16xi32>
      %broadcast_in_dim3A_70 = arith.constant 0 : i32
      %broadcast_in_dim3A_71 = vector.broadcast %broadcast_in_dim3A_70 : i32 to vector<16xi32>
      %select_n3A_72 = arith.select %lt3A_65, %broadcast_in_dim3A_69, %broadcast_in_dim3A_71 : vector<16xi1>, vector<16xi32>
      %select_n3A_73 = arith.select %ge3A_67, %broadcast_in_dim3A_69, %broadcast_in_dim3A_71 : vector<16xi1>, vector<16xi32>
      %broadcast_in_dim3A_74 = arith.constant true
      %broadcast_in_dim3A_75 = vector.broadcast %broadcast_in_dim3A_74 : i1 to vector<16xi1>
      %masked_cumsum3A = tpu.scan <sum>, %select_n3A_72 masked %broadcast_in_dim3A_75 : vector<16xi32>, vector<16xi1> -> vector<16xi32>
      %sub3A_76 = arith.subi %masked_cumsum3A, %select_n3A_72 : vector<16xi32>
      %broadcast_in_dim3A_77 = arith.constant true
      %broadcast_in_dim3A_78 = vector.broadcast %broadcast_in_dim3A_77 : i1 to vector<16xi1>
      %masked_cumsum3A_79 = tpu.scan <sum>, %select_n3A_73 masked %broadcast_in_dim3A_78 : vector<16xi32>, vector<16xi1> -> vector<16xi32>
      %sub3A_80 = arith.subi %masked_cumsum3A_79, %select_n3A_73 : vector<16xi32>
      %add3A_81 = vector.broadcast %scan3A_25 : i32 to vector<16xi32>
      %add3A_82 = arith.addi %add3A_81, %sub3A_76 : vector<16xi32>
      tpu.vector_store_idx %arg5[%add3A_82], %get3A_60 masked %lt3A_65 : memref<10256xi32, #tpu.memory_space<vmem>>[vector<16xi32>], vector<16xi32>, vector<16xi1>
      %add3A_83 = vector.broadcast %scan3A_26 : i32 to vector<16xi32>
      %add3A_84 = arith.addi %add3A_83, %sub3A_80 : vector<16xi32>
      tpu.vector_store_idx %arg6[%add3A_84], %get3A_60 masked %ge3A_67 : memref<10256xi32, #tpu.memory_space<vmem>>[vector<16xi32>], vector<16xi32>, vector<16xi1>
      %reduce_sum3A = arith.constant true
      %reduce_sum3A_85 = vector.broadcast %reduce_sum3A : i1 to vector<16xi1>
      %reduce_sum3A_86 = tpu.scan <sum>, %select_n3A_72 masked %reduce_sum3A_85 : vector<16xi32>, vector<16xi1> -> vector<16xi32>
      %reduce_sum3A_87 = vector.extract %reduce_sum3A_86[15] : i32 from vector<16xi32>
      %add3A_88 = arith.addi %scan3A_25, %reduce_sum3A_87 : i32
      %sub3A_89 = arith.constant 16 : i32
      %sub3A_90 = arith.subi %sub3A_89, %reduce_sum3A_87 : i32
      %add3A_91 = arith.addi %scan3A_26, %sub3A_90 : i32
      scf.yield %add3A_88, %add3A_91 : i32, i32
    }
    %scan3A_15 = arith.constant 640 : i32
    %scan3A_16 = arith.constant 0 : i32
    %scan3A_17 = arith.constant 0 : i32
    %scan3A_18 = arith.constant 640 : i32
    %scan3A_19 = arith.addi %scan3A_17, %scan3A_18 : i32
    %scan3A_20 = arith.constant 1 : i32
    %scan3A_21 = scf.for %scan3A_24 = %scan3A_17 to %scan3A_19 step %scan3A_20 iter_args(%scan3A_25 = %scan3A_16) -> (i32)  : i32 {
      %jit3A = arith.constant 8 : i32
      %div3A = arith.divsi %scan3A_24, %jit3A : i32
      %sign3A = arith.constant 0 : i32
      %sign3A_26 = arith.cmpi sgt, %scan3A_24, %sign3A : i32
      %sign3A_27 = arith.extui %sign3A_26 : i1 to i32
      %sign3A_28 = arith.constant 0 : i32
      %sign3A_29 = arith.cmpi slt, %scan3A_24, %sign3A_28 : i32
      %sign3A_30 = arith.extui %sign3A_29 : i1 to i32
      %sign3A_31 = arith.subi %sign3A_27, %sign3A_30 : i32
      %sign3A_32 = arith.constant 0 : i32
      %sign3A_33 = arith.cmpi sgt, %jit3A, %sign3A_32 : i32
      %sign3A_34 = arith.extui %sign3A_33 : i1 to i32
      %sign3A_35 = arith.constant 0 : i32
      %sign3A_36 = arith.cmpi slt, %jit3A, %sign3A_35 : i32
      %sign3A_37 = arith.extui %sign3A_36 : i1 to i32
      %sign3A_38 = arith.subi %sign3A_34, %sign3A_37 : i32
      %ne3A = arith.cmpi ne, %sign3A_31, %sign3A_38 : i32
      %rem3A = arith.remsi %scan3A_24, %jit3A : i32
      %ne3A_39 = arith.constant 0 : i32
      %ne3A_40 = arith.cmpi ne, %rem3A, %ne3A_39 : i32
      %and3A = arith.andi %ne3A, %ne3A_40 : i1
      %sub3A = arith.constant 1 : i32
      %sub3A_41 = arith.subi %div3A, %sub3A : i32
      %select_n3A = arith.select %and3A, %sub3A_41, %div3A : i32
      %jit3A_42 = arith.constant 8 : i32
      %eq3A = arith.constant 0 : i32
      %eq3A_43 = arith.cmpi eq, %jit3A_42, %eq3A : i32
      %jit3A_44 = arith.constant 1 : i32
      %select_n3A_45 = arith.select %eq3A_43, %jit3A_44, %jit3A_42 : i32
      %rem3A_46 = arith.remsi %scan3A_24, %select_n3A_45 : i32
      %ne3A_47 = arith.constant 0 : i32
      %ne3A_48 = arith.cmpi ne, %rem3A_46, %ne3A_47 : i32
      %lt3A = arith.constant 0 : i32
      %lt3A_49 = arith.cmpi slt, %rem3A_46, %lt3A : i32
      %lt3A_50 = arith.constant 0 : i32
      %lt3A_51 = arith.cmpi slt, %select_n3A_45, %lt3A_50 : i32
      %ne3A_52 = arith.xori %lt3A_49, %lt3A_51 : i1
      %and3A_53 = arith.andi %ne3A_52, %ne3A_48 : i1
      %add3A_54 = arith.addi %rem3A_46, %select_n3A_45 : i32
      %select_n3A_55 = arith.select %and3A_53, %add3A_54, %rem3A_46 : i32
      %mul3A_56 = arith.constant 16 : i32
      %mul3A_57 = arith.muli %select_n3A_55, %mul3A_56 : i32
      %mul3A_58 = arith.constant 16 : i32
      %mul3A_59 = arith.muli %scan3A_24, %mul3A_58 : i32
      %get3A = arith.index_cast %mul3A_59 : i32 to index
      %get3A_60 = tpu.vector_load %arg5[%get3A] {strides = array<i32>} : memref<10256xi32, #tpu.memory_space<vmem>>, vector<16xi32>,
      %swap3A = arith.index_cast %select_n3A : i32 to index
      %swap3A_61 = arith.index_cast %mul3A_57 : i32 to index
      %swap3A_62 = tpu.vector_load %arg7[%swap3A, %swap3A_61] {strides = array<i32>} : memref<80x128xi32, #tpu.memory_space<vmem>>, vector<16xi32>,
      tpu.vector_store %arg7[%swap3A, %swap3A_61], %get3A_60 {strides = array<i32>} : memref<80x128xi32, #tpu.memory_space<vmem>>, vector<16xi32>,
      %mul3A_63 = arith.constant 16 : i32
      %mul3A_64 = arith.muli %scan3A_24, %mul3A_63 : i32
      %get3A_65 = arith.index_cast %mul3A_64 : i32 to index
      %get3A_66 = tpu.vector_load %arg6[%get3A_65] {strides = array<i32>} : memref<10256xi32, #tpu.memory_space<vmem>>, vector<16xi32>,
      %swap3A_67 = arith.index_cast %select_n3A : i32 to index
      %swap3A_68 = arith.index_cast %mul3A_57 : i32 to index
      %swap3A_69 = tpu.vector_load %arg8[%swap3A_67, %swap3A_68] {strides = array<i32>} : memref<80x128xi32, #tpu.memory_space<vmem>>, vector<16xi32>,
      tpu.vector_store %arg8[%swap3A_67, %swap3A_68], %get3A_66 {strides = array<i32>} : memref<80x128xi32, #tpu.memory_space<vmem>>, vector<16xi32>,
      %scan3A_70 = arith.constant 0 : i32
      scf.yield %scan3A_70 : i32
    }
    %scan3A_22 = arith.constant 640 : i32
    %run_scoped3A = arith.constant 0 : i32
    "tpu.region"() ({
      %run_scoped3A_24 = tpu.sem_alloc : memref<!tpu.dma_semaphore, #tpu.memory_space<semaphore_mem>>
      %dma_start3A = arith.constant 0 : i32
      %dma_start3A_25 = arith.constant 0 : i32
      %dma_start3A_26 = arith.constant 0 : i32
      %dma_start3A_27 = tpu.memref_slice %arg3[%run_scoped3A, %dma_start3A, %dma_start3A_25, %dma_start3A_26] : memref<2x32x80x128xi32, #tpu.memory_space<hbm>> -> memref<1x32x80x128xi32, #tpu.memory_space<hbm>>
      %dma_start3A_28 = tpu.memref_squeeze %dma_start3A_27 : memref<1x32x80x128xi32, #tpu.memory_space<hbm>> -> memref<32x80x128xi32, #tpu.memory_space<hbm>>
      %dma_start3A_29 = arith.constant 0 : i32
      %dma_start3A_30 = arith.constant 0 : i32
      %dma_start3A_31 = tpu.memref_slice %dma_start3A_28[%add3A, %dma_start3A_29, %dma_start3A_30] : memref<32x80x128xi32, #tpu.memory_space<hbm>> -> memref<1x80x128xi32, #tpu.memory_space<hbm>>
      %dma_start3A_32 = tpu.memref_squeeze %dma_start3A_31 : memref<1x80x128xi32, #tpu.memory_space<hbm>> -> memref<80x128xi32, #tpu.memory_space<hbm>>
      %dma_start3A_33 = arith.constant 0 : i32
      %dma_start3A_34 = arith.constant 0 : i32
      %dma_start3A_35 = arith.constant 0 : i32
      %dma_start3A_36 = tpu.memref_slice %arg3[%run_scoped3A, %dma_start3A_33, %dma_start3A_34, %dma_start3A_35] : memref<2x32x80x128xi32, #tpu.memory_space<hbm>> -> memref<1x32x80x128xi32, #tpu.memory_space<hbm>>
      %dma_start3A_37 = tpu.memref_squeeze %dma_start3A_36 : memref<1x32x80x128xi32, #tpu.memory_space<hbm>> -> memref<32x80x128xi32, #tpu.memory_space<hbm>>
      %dma_start3A_38 = arith.constant 0 : i32
      %dma_start3A_39 = arith.constant 0 : i32
      %dma_start3A_40 = tpu.memref_slice %dma_start3A_37[%add3A, %dma_start3A_38, %dma_start3A_39] : memref<32x80x128xi32, #tpu.memory_space<hbm>> -> memref<1x80x128xi32, #tpu.memory_space<hbm>>
      %dma_start3A_41 = tpu.memref_squeeze %dma_start3A_40 : memref<1x80x128xi32, #tpu.memory_space<hbm>> -> memref<80x128xi32, #tpu.memory_space<hbm>>
      tpu.enqueue_dma source(%arg7 : memref<80x128xi32, #tpu.memory_space<vmem>>) target(%dma_start3A_41 : memref<80x128xi32, #tpu.memory_space<hbm>>) target_semaphore(%run_scoped3A_24 : memref<!tpu.dma_semaphore, #tpu.memory_space<semaphore_mem>>)
      %dma_wait3A = arith.constant 0 : i32
      %dma_wait3A_42 = arith.constant 0 : i32
      %dma_wait3A_43 = arith.constant 0 : i32
      %dma_wait3A_44 = tpu.memref_slice %arg3[%run_scoped3A, %dma_wait3A, %dma_wait3A_42, %dma_wait3A_43] : memref<2x32x80x128xi32, #tpu.memory_space<hbm>> -> memref<1x32x80x128xi32, #tpu.memory_space<hbm>>
      %dma_wait3A_45 = tpu.memref_squeeze %dma_wait3A_44 : memref<1x32x80x128xi32, #tpu.memory_space<hbm>> -> memref<32x80x128xi32, #tpu.memory_space<hbm>>
      %dma_wait3A_46 = arith.constant 0 : i32
      %dma_wait3A_47 = arith.constant 0 : i32
      %dma_wait3A_48 = tpu.memref_slice %dma_wait3A_45[%add3A, %dma_wait3A_46, %dma_wait3A_47] : memref<32x80x128xi32, #tpu.memory_space<hbm>> -> memref<1x80x128xi32, #tpu.memory_space<hbm>>
      %dma_wait3A_49 = tpu.memref_squeeze %dma_wait3A_48 : memref<1x80x128xi32, #tpu.memory_space<hbm>> -> memref<80x128xi32, #tpu.memory_space<hbm>>
      %dma_wait3A_50 = arith.constant 0 : i32
      %dma_wait3A_51 = arith.constant 0 : i32
      %dma_wait3A_52 = arith.constant 0 : i32
      %dma_wait3A_53 = tpu.memref_slice %arg3[%run_scoped3A, %dma_wait3A_50, %dma_wait3A_51, %dma_wait3A_52] : memref<2x32x80x128xi32, #tpu.memory_space<hbm>> -> memref<1x32x80x128xi32, #tpu.memory_space<hbm>>
      %dma_wait3A_54 = tpu.memref_squeeze %dma_wait3A_53 : memref<1x32x80x128xi32, #tpu.memory_space<hbm>> -> memref<32x80x128xi32, #tpu.memory_space<hbm>>
      %dma_wait3A_55 = arith.constant 0 : i32
      %dma_wait3A_56 = arith.constant 0 : i32
      %dma_wait3A_57 = tpu.memref_slice %dma_wait3A_54[%add3A, %dma_wait3A_55, %dma_wait3A_56] : memref<32x80x128xi32, #tpu.memory_space<hbm>> -> memref<1x80x128xi32, #tpu.memory_space<hbm>>
      %dma_wait3A_58 = tpu.memref_squeeze %dma_wait3A_57 : memref<1x80x128xi32, #tpu.memory_space<hbm>> -> memref<80x128xi32, #tpu.memory_space<hbm>>
      tpu.wait_dma2 semaphore(%run_scoped3A_24 : memref<!tpu.dma_semaphore, #tpu.memory_space<semaphore_mem>>) src(%arg7 : memref<80x128xi32, #tpu.memory_space<vmem>>) dst(%dma_wait3A_58 : memref<80x128xi32, #tpu.memory_space<hbm>>)
      tpu.yield
    }) : () -> ()
    %run_scoped3A_23 = arith.constant 1 : i32
    "tpu.region"() ({
      %run_scoped3A_24 = tpu.sem_alloc : memref<!tpu.dma_semaphore, #tpu.memory_space<semaphore_mem>>
      %dma_start3A = arith.constant 0 : i32
      %dma_start3A_25 = arith.constant 0 : i32
      %dma_start3A_26 = arith.constant 0 : i32
      %dma_start3A_27 = tpu.memref_slice %arg3[%run_scoped3A_23, %dma_start3A, %dma_start3A_25, %dma_start3A_26] : memref<2x32x80x128xi32, #tpu.memory_space<hbm>> -> memref<1x32x80x128xi32, #tpu.memory_space<hbm>>
      %dma_start3A_28 = tpu.memref_squeeze %dma_start3A_27 : memref<1x32x80x128xi32, #tpu.memory_space<hbm>> -> memref<32x80x128xi32, #tpu.memory_space<hbm>>
      %dma_start3A_29 = arith.constant 0 : i32
      %dma_start3A_30 = arith.constant 0 : i32
      %dma_start3A_31 = tpu.memref_slice %dma_start3A_28[%add3A, %dma_start3A_29, %dma_start3A_30] : memref<32x80x128xi32, #tpu.memory_space<hbm>> -> memref<1x80x128xi32, #tpu.memory_space<hbm>>
      %dma_start3A_32 = tpu.memref_squeeze %dma_start3A_31 : memref<1x80x128xi32, #tpu.memory_space<hbm>> -> memref<80x128xi32, #tpu.memory_space<hbm>>
      %dma_start3A_33 = arith.constant 0 : i32
      %dma_start3A_34 = arith.constant 0 : i32
      %dma_start3A_35 = arith.constant 0 : i32
      %dma_start3A_36 = tpu.memref_slice %arg3[%run_scoped3A_23, %dma_start3A_33, %dma_start3A_34, %dma_start3A_35] : memref<2x32x80x128xi32, #tpu.memory_space<hbm>> -> memref<1x32x80x128xi32, #tpu.memory_space<hbm>>
      %dma_start3A_37 = tpu.memref_squeeze %dma_start3A_36 : memref<1x32x80x128xi32, #tpu.memory_space<hbm>> -> memref<32x80x128xi32, #tpu.memory_space<hbm>>
      %dma_start3A_38 = arith.constant 0 : i32
      %dma_start3A_39 = arith.constant 0 : i32
      %dma_start3A_40 = tpu.memref_slice %dma_start3A_37[%add3A, %dma_start3A_38, %dma_start3A_39] : memref<32x80x128xi32, #tpu.memory_space<hbm>> -> memref<1x80x128xi32, #tpu.memory_space<hbm>>
      %dma_start3A_41 = tpu.memref_squeeze %dma_start3A_40 : memref<1x80x128xi32, #tpu.memory_space<hbm>> -> memref<80x128xi32, #tpu.memory_space<hbm>>
      tpu.enqueue_dma source(%arg8 : memref<80x128xi32, #tpu.memory_space<vmem>>) target(%dma_start3A_41 : memref<80x128xi32, #tpu.memory_space<hbm>>) target_semaphore(%run_scoped3A_24 : memref<!tpu.dma_semaphore, #tpu.memory_space<semaphore_mem>>)
      %dma_wait3A = arith.constant 0 : i32
      %dma_wait3A_42 = arith.constant 0 : i32
      %dma_wait3A_43 = arith.constant 0 : i32
      %dma_wait3A_44 = tpu.memref_slice %arg3[%run_scoped3A_23, %dma_wait3A, %dma_wait3A_42, %dma_wait3A_43] : memref<2x32x80x128xi32, #tpu.memory_space<hbm>> -> memref<1x32x80x128xi32, #tpu.memory_space<hbm>>
      %dma_wait3A_45 = tpu.memref_squeeze %dma_wait3A_44 : memref<1x32x80x128xi32, #tpu.memory_space<hbm>> -> memref<32x80x128xi32, #tpu.memory_space<hbm>>
      %dma_wait3A_46 = arith.constant 0 : i32
      %dma_wait3A_47 = arith.constant 0 : i32
      %dma_wait3A_48 = tpu.memref_slice %dma_wait3A_45[%add3A, %dma_wait3A_46, %dma_wait3A_47] : memref<32x80x128xi32, #tpu.memory_space<hbm>> -> memref<1x80x128xi32, #tpu.memory_space<hbm>>
      %dma_wait3A_49 = tpu.memref_squeeze %dma_wait3A_48 : memref<1x80x128xi32, #tpu.memory_space<hbm>> -> memref<80x128xi32, #tpu.memory_space<hbm>>
      %dma_wait3A_50 = arith.constant 0 : i32
      %dma_wait3A_51 = arith.constant 0 : i32
      %dma_wait3A_52 = arith.constant 0 : i32
      %dma_wait3A_53 = tpu.memref_slice %arg3[%run_scoped3A_23, %dma_wait3A_50, %dma_wait3A_51, %dma_wait3A_52] : memref<2x32x80x128xi32, #tpu.memory_space<hbm>> -> memref<1x32x80x128xi32, #tpu.memory_space<hbm>>
      %dma_wait3A_54 = tpu.memref_squeeze %dma_wait3A_53 : memref<1x32x80x128xi32, #tpu.memory_space<hbm>> -> memref<32x80x128xi32, #tpu.memory_space<hbm>>
      %dma_wait3A_55 = arith.constant 0 : i32
      %dma_wait3A_56 = arith.constant 0 : i32
      %dma_wait3A_57 = tpu.memref_slice %dma_wait3A_54[%add3A, %dma_wait3A_55, %dma_wait3A_56] : memref<32x80x128xi32, #tpu.memory_space<hbm>> -> memref<1x80x128xi32, #tpu.memory_space<hbm>>
      %dma_wait3A_58 = tpu.memref_squeeze %dma_wait3A_57 : memref<1x80x128xi32, #tpu.memory_space<hbm>> -> memref<80x128xi32, #tpu.memory_space<hbm>>
      tpu.wait_dma2 semaphore(%run_scoped3A_24 : memref<!tpu.dma_semaphore, #tpu.memory_space<semaphore_mem>>) src(%arg8 : memref<80x128xi32, #tpu.memory_space<vmem>>) dst(%dma_wait3A_58 : memref<80x128xi32, #tpu.memory_space<hbm>>)
      tpu.yield
    }) : () -> ()
    return
  }
}

#map = affine_map<(d0, d1) -> (0, 0, 0, 0)>
#map1 = affine_map<(d0, d1) -> (0, 0)>
module attributes {stable_mosaic.version = 14 : i64} {
  func.func @_deg_body(%arg0: i32, %arg1: i32, %arg2: memref<2x32x80x128xi32, #tpu.memory_space<hbm>>, %arg3: memref<2x6144xf32, #tpu.memory_space<hbm>>, %arg4: memref<80x128xi32, #tpu.memory_space<vmem>>, %arg5: memref<80x128xi32, #tpu.memory_space<vmem>>, %arg6: memref<128xf32, #tpu.memory_space<vmem>>, %arg7: memref<384xf32, #tpu.memory_space<vmem>>, %arg8: memref<6144xf32, #tpu.memory_space<vmem_shared>>) attributes {dimension_semantics = [#tpu.dimension_semantics<core_parallel>, #tpu.dimension_semantics<subcore_parallel>], iteration_bounds = array<i64: 2, 16>, scalar_prefetch = 0 : i64, scratch_operands = 5 : i64, tpu.core_type = #tpu.core_type<sc_vector_subcore>, window_params = [{transform_indices = #map}, {transform_indices = #map1}]} {
    %mul3A = arith.constant 5120 : i32
    %mul3A_0 = arith.muli %arg0, %mul3A : i32
    %broadcast_in_dim3A = arith.constant 1.000000e+00 : f32
    %broadcast_in_dim3A_1 = vector.broadcast %broadcast_in_dim3A : f32 to vector<16xf32>
    %broadcast_in_dim3A_2 = arith.constant 0.000000e+00 : f32
    %broadcast_in_dim3A_3 = vector.broadcast %broadcast_in_dim3A_2 : f32 to vector<16xf32>
    %scan3A = arith.constant 0 : i32
    %scan3A_4 = arith.constant 0 : i32
    %scan3A_5 = arith.constant 8 : i32
    %scan3A_6 = arith.addi %scan3A_4, %scan3A_5 : i32
    %scan3A_7 = arith.constant 1 : i32
    %scan3A_8 = scf.for %scan3A_94 = %scan3A_4 to %scan3A_6 step %scan3A_7 iter_args(%scan3A_95 = %scan3A) -> (i32)  : i32 {
      %mul3A_96 = arith.constant 16 : i32
      %mul3A_97 = arith.muli %scan3A_94, %mul3A_96 : i32
      %swap3A = arith.index_cast %mul3A_97 : i32 to index
      %swap3A_98 = tpu.vector_load %arg6[%swap3A] {strides = array<i32>} : memref<128xf32, #tpu.memory_space<vmem>>, vector<16xf32>,
      tpu.vector_store %arg6[%swap3A], %broadcast_in_dim3A_1 {strides = array<i32>} : memref<128xf32, #tpu.memory_space<vmem>>, vector<16xf32>,
      %scan3A_99 = arith.constant 0 : i32
      scf.yield %scan3A_99 : i32
    }
    %scan3A_9 = arith.constant 8 : i32
    %scan3A_10 = arith.constant 0 : i32
    %scan3A_11 = arith.constant 0 : i32
    %scan3A_12 = arith.constant 24 : i32
    %scan3A_13 = arith.addi %scan3A_11, %scan3A_12 : i32
    %scan3A_14 = arith.constant 1 : i32
    %scan3A_15 = scf.for %scan3A_94 = %scan3A_11 to %scan3A_13 step %scan3A_14 iter_args(%scan3A_95 = %scan3A_10) -> (i32)  : i32 {
      %mul3A_96 = arith.constant 16 : i32
      %mul3A_97 = arith.muli %scan3A_94, %mul3A_96 : i32
      %swap3A = arith.index_cast %mul3A_97 : i32 to index
      %swap3A_98 = tpu.vector_load %arg7[%swap3A] {strides = array<i32>} : memref<384xf32, #tpu.memory_space<vmem>>, vector<16xf32>,
      tpu.vector_store %arg7[%swap3A], %broadcast_in_dim3A_3 {strides = array<i32>} : memref<384xf32, #tpu.memory_space<vmem>>, vector<16xf32>,
      %scan3A_99 = arith.constant 0 : i32
      scf.yield %scan3A_99 : i32
    }
    %scan3A_16 = arith.constant 24 : i32
    %mul3A_17 = arith.constant 384 : i32
    %mul3A_18 = arith.muli %arg1, %mul3A_17 : i32
    "tpu.region"() ({
      %run_scoped3A = tpu.sem_alloc : memref<!tpu.dma_semaphore, #tpu.memory_space<semaphore_mem>>
      %dma_start3A = tpu.memref_slice %arg8[%mul3A_18] : memref<6144xf32, #tpu.memory_space<vmem_shared>> -> memref<384xf32, #tpu.memory_space<vmem_shared>>
      %dma_start3A_94 = tpu.memref_slice %arg8[%mul3A_18] : memref<6144xf32, #tpu.memory_space<vmem_shared>> -> memref<384xf32, #tpu.memory_space<vmem_shared>>
      tpu.enqueue_dma source(%arg7 : memref<384xf32, #tpu.memory_space<vmem>>) target(%dma_start3A_94 : memref<384xf32, #tpu.memory_space<vmem_shared>>) target_semaphore(%run_scoped3A : memref<!tpu.dma_semaphore, #tpu.memory_space<semaphore_mem>>)
      %dma_wait3A = tpu.memref_slice %arg8[%mul3A_18] : memref<6144xf32, #tpu.memory_space<vmem_shared>> -> memref<384xf32, #tpu.memory_space<vmem_shared>>
      %dma_wait3A_95 = tpu.memref_slice %arg8[%mul3A_18] : memref<6144xf32, #tpu.memory_space<vmem_shared>> -> memref<384xf32, #tpu.memory_space<vmem_shared>>
      tpu.wait_dma2 semaphore(%run_scoped3A : memref<!tpu.dma_semaphore, #tpu.memory_space<semaphore_mem>>) src(%arg7 : memref<384xf32, #tpu.memory_space<vmem>>) dst(%dma_wait3A_95 : memref<384xf32, #tpu.memory_space<vmem_shared>>)
      tpu.yield
    }) : () -> ()
    %barrier3A = arith.constant 0 : index
    tpu.barrier barrier_id(%barrier3A)
    %mul3A_19 = arith.constant 2 : i32
    %mul3A_20 = arith.muli %mul3A_19, %arg1 : i32
    %add3A = arith.constant 0 : i32
    %add3A_21 = arith.addi %mul3A_20, %add3A : i32
    "tpu.region"() ({
      %run_scoped3A = tpu.sem_alloc : memref<!tpu.dma_semaphore, #tpu.memory_space<semaphore_mem>>
      %dma_start3A = arith.constant 0 : i32
      %dma_start3A_94 = arith.constant 0 : i32
      %dma_start3A_95 = arith.constant 0 : i32
      %dma_start3A_96 = tpu.memref_slice %arg2[%arg0, %dma_start3A, %dma_start3A_94, %dma_start3A_95] : memref<2x32x80x128xi32, #tpu.memory_space<hbm>> -> memref<1x32x80x128xi32, #tpu.memory_space<hbm>>
      %dma_start3A_97 = tpu.memref_squeeze %dma_start3A_96 : memref<1x32x80x128xi32, #tpu.memory_space<hbm>> -> memref<32x80x128xi32, #tpu.memory_space<hbm>>
      %dma_start3A_98 = arith.constant 0 : i32
      %dma_start3A_99 = arith.constant 0 : i32
      %dma_start3A_100 = tpu.memref_slice %dma_start3A_97[%add3A_21, %dma_start3A_98, %dma_start3A_99] : memref<32x80x128xi32, #tpu.memory_space<hbm>> -> memref<1x80x128xi32, #tpu.memory_space<hbm>>
      %dma_start3A_101 = tpu.memref_squeeze %dma_start3A_100 : memref<1x80x128xi32, #tpu.memory_space<hbm>> -> memref<80x128xi32, #tpu.memory_space<hbm>>
      %dma_start3A_102 = arith.constant 0 : i32
      %dma_start3A_103 = arith.constant 0 : i32
      %dma_start3A_104 = arith.constant 0 : i32
      %dma_start3A_105 = tpu.memref_slice %arg2[%arg0, %dma_start3A_102, %dma_start3A_103, %dma_start3A_104] : memref<2x32x80x128xi32, #tpu.memory_space<hbm>> -> memref<1x32x80x128xi32, #tpu.memory_space<hbm>>
      %dma_start3A_106 = tpu.memref_squeeze %dma_start3A_105 : memref<1x32x80x128xi32, #tpu.memory_space<hbm>> -> memref<32x80x128xi32, #tpu.memory_space<hbm>>
      %dma_start3A_107 = arith.constant 0 : i32
      %dma_start3A_108 = arith.constant 0 : i32
      %dma_start3A_109 = tpu.memref_slice %dma_start3A_106[%add3A_21, %dma_start3A_107, %dma_start3A_108] : memref<32x80x128xi32, #tpu.memory_space<hbm>> -> memref<1x80x128xi32, #tpu.memory_space<hbm>>
      %dma_start3A_110 = tpu.memref_squeeze %dma_start3A_109 : memref<1x80x128xi32, #tpu.memory_space<hbm>> -> memref<80x128xi32, #tpu.memory_space<hbm>>
      tpu.enqueue_dma source(%dma_start3A_110 : memref<80x128xi32, #tpu.memory_space<hbm>>) target(%arg4 : memref<80x128xi32, #tpu.memory_space<vmem>>) target_semaphore(%run_scoped3A : memref<!tpu.dma_semaphore, #tpu.memory_space<semaphore_mem>>)
      %dma_wait3A = arith.constant 0 : i32
      %dma_wait3A_111 = arith.constant 0 : i32
      %dma_wait3A_112 = arith.constant 0 : i32
      %dma_wait3A_113 = tpu.memref_slice %arg2[%arg0, %dma_wait3A, %dma_wait3A_111, %dma_wait3A_112] : memref<2x32x80x128xi32, #tpu.memory_space<hbm>> -> memref<1x32x80x128xi32, #tpu.memory_space<hbm>>
      %dma_wait3A_114 = tpu.memref_squeeze %dma_wait3A_113 : memref<1x32x80x128xi32, #tpu.memory_space<hbm>> -> memref<32x80x128xi32, #tpu.memory_space<hbm>>
      %dma_wait3A_115 = arith.constant 0 : i32
      %dma_wait3A_116 = arith.constant 0 : i32
      %dma_wait3A_117 = tpu.memref_slice %dma_wait3A_114[%add3A_21, %dma_wait3A_115, %dma_wait3A_116] : memref<32x80x128xi32, #tpu.memory_space<hbm>> -> memref<1x80x128xi32, #tpu.memory_space<hbm>>
      %dma_wait3A_118 = tpu.memref_squeeze %dma_wait3A_117 : memref<1x80x128xi32, #tpu.memory_space<hbm>> -> memref<80x128xi32, #tpu.memory_space<hbm>>
      %dma_wait3A_119 = arith.constant 0 : i32
      %dma_wait3A_120 = arith.constant 0 : i32
      %dma_wait3A_121 = arith.constant 0 : i32
      %dma_wait3A_122 = tpu.memref_slice %arg2[%arg0, %dma_wait3A_119, %dma_wait3A_120, %dma_wait3A_121] : memref<2x32x80x128xi32, #tpu.memory_space<hbm>> -> memref<1x32x80x128xi32, #tpu.memory_space<hbm>>
      %dma_wait3A_123 = tpu.memref_squeeze %dma_wait3A_122 : memref<1x32x80x128xi32, #tpu.memory_space<hbm>> -> memref<32x80x128xi32, #tpu.memory_space<hbm>>
      %dma_wait3A_124 = arith.constant 0 : i32
      %dma_wait3A_125 = arith.constant 0 : i32
      %dma_wait3A_126 = tpu.memref_slice %dma_wait3A_123[%add3A_21, %dma_wait3A_124, %dma_wait3A_125] : memref<32x80x128xi32, #tpu.memory_space<hbm>> -> memref<1x80x128xi32, #tpu.memory_space<hbm>>
      %dma_wait3A_127 = tpu.memref_squeeze %dma_wait3A_126 : memref<1x80x128xi32, #tpu.memory_space<hbm>> -> memref<80x128xi32, #tpu.memory_space<hbm>>
      tpu.wait_dma2 semaphore(%run_scoped3A : memref<!tpu.dma_semaphore, #tpu.memory_space<semaphore_mem>>) src(%dma_wait3A_127 : memref<80x128xi32, #tpu.memory_space<hbm>>) dst(%arg4 : memref<80x128xi32, #tpu.memory_space<vmem>>)
      tpu.yield
    }) : () -> ()
    %scan3A_22 = arith.constant 0 : i32
    %scan3A_23 = arith.constant 0 : i32
    %scan3A_24 = arith.constant 80 : i32
    %scan3A_25 = arith.addi %scan3A_23, %scan3A_24 : i32
    %scan3A_26 = arith.constant 1 : i32
    %scan3A_27 = scf.for %scan3A_94 = %scan3A_23 to %scan3A_25 step %scan3A_26 iter_args(%scan3A_95 = %scan3A_22) -> (i32)  : i32 {
      %get3A = arith.index_cast %scan3A_94 : i32 to index
      %get3A_96 = arith.constant 0 : index
      %get3A_97 = tpu.vector_load %arg4[%get3A, %get3A_96] {strides = array<i32>} : memref<80x128xi32, #tpu.memory_space<vmem>>, vector<16xi32>,
      %ne3A = arith.constant 268419072 : i32
      %ne3A_98 = vector.broadcast %ne3A : i32 to vector<16xi32>
      %ne3A_99 = arith.cmpi ne, %get3A_97, %ne3A_98 : vector<16xi32>
      %convert_element_type3A = arith.extui %ne3A_99 : vector<16xi1> to vector<16xi32>
      %reduce_sum3A = arith.constant true
      %reduce_sum3A_100 = vector.broadcast %reduce_sum3A : i1 to vector<16xi1>
      %reduce_sum3A_101 = tpu.scan <sum>, %convert_element_type3A masked %reduce_sum3A_100 : vector<16xi32>, vector<16xi1> -> vector<16xi32>
      %reduce_sum3A_102 = vector.extract %reduce_sum3A_101[15] : i32 from vector<16xi32>
      %min3A = arith.constant 1 : i32
      %min3A_103 = arith.minsi %reduce_sum3A_102, %min3A : i32
      %add3A_104 = arith.addi %scan3A_95, %min3A_103 : i32
      scf.yield %add3A_104 : i32
    }
    %scan3A_28 = arith.constant 80 : i32
    %mul3A_29 = arith.constant 8 : i32
    %mul3A_30 = arith.muli %scan3A_27, %mul3A_29 : i32
    %while3A = arith.constant 0 : i32
    %while3A_31 = arith.constant 0 : i32
    %while3A_32 = arith.subi %mul3A_30, %while3A : i32
    %while3A_33 = arith.addi %while3A, %while3A_32 : i32
    %while3A_34 = arith.constant 1 : i32
    %while3A_35 = arith.divsi %while3A_32, %while3A_34 : i32
    %while3A_36 = arith.muli %while3A_35, %while3A_34 : i32
    %while3A_37 = arith.addi %while3A, %while3A_36 : i32
    %while3A_38 = arith.constant 1 : i32
    %while3A_39 = scf.for %while3A_94 = %while3A to %while3A_37 step %while3A_38 iter_args(%while3A_95 = %while3A_31) -> (i32)  : i32 {
      %jit3A = arith.constant 8 : i32
      %div3A = arith.divsi %while3A_94, %jit3A : i32
      %sign3A = arith.constant 0 : i32
      %sign3A_96 = arith.cmpi sgt, %while3A_94, %sign3A : i32
      %sign3A_97 = arith.extui %sign3A_96 : i1 to i32
      %sign3A_98 = arith.constant 0 : i32
      %sign3A_99 = arith.cmpi slt, %while3A_94, %sign3A_98 : i32
      %sign3A_100 = arith.extui %sign3A_99 : i1 to i32
      %sign3A_101 = arith.subi %sign3A_97, %sign3A_100 : i32
      %sign3A_102 = arith.constant 0 : i32
      %sign3A_103 = arith.cmpi sgt, %jit3A, %sign3A_102 : i32
      %sign3A_104 = arith.extui %sign3A_103 : i1 to i32
      %sign3A_105 = arith.constant 0 : i32
      %sign3A_106 = arith.cmpi slt, %jit3A, %sign3A_105 : i32
      %sign3A_107 = arith.extui %sign3A_106 : i1 to i32
      %sign3A_108 = arith.subi %sign3A_104, %sign3A_107 : i32
      %ne3A = arith.cmpi ne, %sign3A_101, %sign3A_108 : i32
      %rem3A = arith.remsi %while3A_94, %jit3A : i32
      %ne3A_109 = arith.constant 0 : i32
      %ne3A_110 = arith.cmpi ne, %rem3A, %ne3A_109 : i32
      %and3A = arith.andi %ne3A, %ne3A_110 : i1
      %sub3A = arith.constant 1 : i32
      %sub3A_111 = arith.subi %div3A, %sub3A : i32
      %select_n3A = arith.select %and3A, %sub3A_111, %div3A : i32
      %jit3A_112 = arith.constant 8 : i32
      %eq3A = arith.constant 0 : i32
      %eq3A_113 = arith.cmpi eq, %jit3A_112, %eq3A : i32
      %jit3A_114 = arith.constant 1 : i32
      %select_n3A_115 = arith.select %eq3A_113, %jit3A_114, %jit3A_112 : i32
      %rem3A_116 = arith.remsi %while3A_94, %select_n3A_115 : i32
      %ne3A_117 = arith.constant 0 : i32
      %ne3A_118 = arith.cmpi ne, %rem3A_116, %ne3A_117 : i32
      %lt3A = arith.constant 0 : i32
      %lt3A_119 = arith.cmpi slt, %rem3A_116, %lt3A : i32
      %lt3A_120 = arith.constant 0 : i32
      %lt3A_121 = arith.cmpi slt, %select_n3A_115, %lt3A_120 : i32
      %ne3A_122 = arith.xori %lt3A_119, %lt3A_121 : i1
      %and3A_123 = arith.andi %ne3A_122, %ne3A_118 : i1
      %add3A_124 = arith.addi %rem3A_116, %select_n3A_115 : i32
      %select_n3A_125 = arith.select %and3A_123, %add3A_124, %rem3A_116 : i32
      %mul3A_126 = arith.constant 16 : i32
      %mul3A_127 = arith.muli %select_n3A_125, %mul3A_126 : i32
      %get3A = arith.index_cast %select_n3A : i32 to index
      %get3A_128 = arith.index_cast %mul3A_127 : i32 to index
      %get3A_129 = tpu.vector_load %arg4[%get3A, %get3A_128] {strides = array<i32>} : memref<80x128xi32, #tpu.memory_space<vmem>>, vector<16xi32>,
      %shift_right_logical3A = arith.constant 14 : i32
      %shift_right_logical3A_130 = vector.broadcast %shift_right_logical3A : i32 to vector<16xi32>
      %shift_right_logical3A_131 = arith.shrui %get3A_129, %shift_right_logical3A_130 : vector<16xi32>
      %sub3A_132 = vector.broadcast %mul3A_0 : i32 to vector<16xi32>
      %sub3A_133 = arith.subi %shift_right_logical3A_131, %sub3A_132 : vector<16xi32>
      %iota3A = tpu.iota {dimensions = array<i32: 0>} : vector<16xi32>
      %add3A_134 = vector.broadcast %while3A_94 : i32 to vector<16xi32>
      %add3A_135 = arith.addi %iota3A, %add3A_134 : vector<16xi32>
      %and3A_136 = arith.constant 127 : i32
      %and3A_137 = vector.broadcast %and3A_136 : i32 to vector<16xi32>
      %and3A_138 = arith.andi %add3A_135, %and3A_137 : vector<16xi32>
      %add3A_139 = arith.constant 5120 : i32
      %add3A_140 = vector.broadcast %add3A_139 : i32 to vector<16xi32>
      %add3A_141 = arith.addi %add3A_140, %and3A_138 : vector<16xi32>
      %min3A = arith.minsi %sub3A_133, %add3A_141 : vector<16xi32>
      %jit3A_142 = arith.constant 8 : i32
      %div3A_143 = arith.divsi %while3A_94, %jit3A_142 : i32
      %sign3A_144 = arith.constant 0 : i32
      %sign3A_145 = arith.cmpi sgt, %while3A_94, %sign3A_144 : i32
      %sign3A_146 = arith.extui %sign3A_145 : i1 to i32
      %sign3A_147 = arith.constant 0 : i32
      %sign3A_148 = arith.cmpi slt, %while3A_94, %sign3A_147 : i32
      %sign3A_149 = arith.extui %sign3A_148 : i1 to i32
      %sign3A_150 = arith.subi %sign3A_146, %sign3A_149 : i32
      %sign3A_151 = arith.constant 0 : i32
      %sign3A_152 = arith.cmpi sgt, %jit3A_142, %sign3A_151 : i32
      %sign3A_153 = arith.extui %sign3A_152 : i1 to i32
      %sign3A_154 = arith.constant 0 : i32
      %sign3A_155 = arith.cmpi slt, %jit3A_142, %sign3A_154 : i32
      %sign3A_156 = arith.extui %sign3A_155 : i1 to i32
      %sign3A_157 = arith.subi %sign3A_153, %sign3A_156 : i32
      %ne3A_158 = arith.cmpi ne, %sign3A_150, %sign3A_157 : i32
      %rem3A_159 = arith.remsi %while3A_94, %jit3A_142 : i32
      %ne3A_160 = arith.constant 0 : i32
      %ne3A_161 = arith.cmpi ne, %rem3A_159, %ne3A_160 : i32
      %and3A_162 = arith.andi %ne3A_158, %ne3A_161 : i1
      %sub3A_163 = arith.constant 1 : i32
      %sub3A_164 = arith.subi %div3A_143, %sub3A_163 : i32
      %select_n3A_165 = arith.select %and3A_162, %sub3A_164, %div3A_143 : i32
      %jit3A_166 = arith.constant 8 : i32
      %eq3A_167 = arith.constant 0 : i32
      %eq3A_168 = arith.cmpi eq, %jit3A_166, %eq3A_167 : i32
      %jit3A_169 = arith.constant 1 : i32
      %select_n3A_170 = arith.select %eq3A_168, %jit3A_169, %jit3A_166 : i32
      %rem3A_171 = arith.remsi %while3A_94, %select_n3A_170 : i32
      %ne3A_172 = arith.constant 0 : i32
      %ne3A_173 = arith.cmpi ne, %rem3A_171, %ne3A_172 : i32
      %lt3A_174 = arith.constant 0 : i32
      %lt3A_175 = arith.cmpi slt, %rem3A_171, %lt3A_174 : i32
      %lt3A_176 = arith.constant 0 : i32
      %lt3A_177 = arith.cmpi slt, %select_n3A_170, %lt3A_176 : i32
      %ne3A_178 = arith.xori %lt3A_175, %lt3A_177 : i1
      %and3A_179 = arith.andi %ne3A_178, %ne3A_173 : i1
      %add3A_180 = arith.addi %rem3A_171, %select_n3A_170 : i32
      %select_n3A_181 = arith.select %and3A_179, %add3A_180, %rem3A_171 : i32
      %mul3A_182 = arith.constant 16 : i32
      %mul3A_183 = arith.muli %select_n3A_181, %mul3A_182 : i32
      %swap3A = arith.index_cast %select_n3A_165 : i32 to index
      %swap3A_184 = arith.index_cast %mul3A_183 : i32 to index
      %swap3A_185 = tpu.vector_load %arg5[%swap3A, %swap3A_184] {strides = array<i32>} : memref<80x128xi32, #tpu.memory_space<vmem>>, vector<16xi32>,
      tpu.vector_store %arg5[%swap3A, %swap3A_184], %min3A {strides = array<i32>} : memref<80x128xi32, #tpu.memory_space<vmem>>, vector<16xi32>,
      %while3A_186 = arith.constant 0 : i32
      scf.yield %while3A_186 : i32
    }
    %while3A_40 = arith.constant 1 : i32
    %while3A_41 = scf.for %while3A_94 = %while3A_37 to %while3A_33 step %while3A_40 iter_args(%while3A_95 = %while3A_39) -> (i32)  : i32 {
      %jit3A = arith.constant 8 : i32
      %div3A = arith.divsi %while3A_94, %jit3A : i32
      %sign3A = arith.constant 0 : i32
      %sign3A_96 = arith.cmpi sgt, %while3A_94, %sign3A : i32
      %sign3A_97 = arith.extui %sign3A_96 : i1 to i32
      %sign3A_98 = arith.constant 0 : i32
      %sign3A_99 = arith.cmpi slt, %while3A_94, %sign3A_98 : i32
      %sign3A_100 = arith.extui %sign3A_99 : i1 to i32
      %sign3A_101 = arith.subi %sign3A_97, %sign3A_100 : i32
      %sign3A_102 = arith.constant 0 : i32
      %sign3A_103 = arith.cmpi sgt, %jit3A, %sign3A_102 : i32
      %sign3A_104 = arith.extui %sign3A_103 : i1 to i32
      %sign3A_105 = arith.constant 0 : i32
      %sign3A_106 = arith.cmpi slt, %jit3A, %sign3A_105 : i32
      %sign3A_107 = arith.extui %sign3A_106 : i1 to i32
      %sign3A_108 = arith.subi %sign3A_104, %sign3A_107 : i32
      %ne3A = arith.cmpi ne, %sign3A_101, %sign3A_108 : i32
      %rem3A = arith.remsi %while3A_94, %jit3A : i32
      %ne3A_109 = arith.constant 0 : i32
      %ne3A_110 = arith.cmpi ne, %rem3A, %ne3A_109 : i32
      %and3A = arith.andi %ne3A, %ne3A_110 : i1
      %sub3A = arith.constant 1 : i32
      %sub3A_111 = arith.subi %div3A, %sub3A : i32
      %select_n3A = arith.select %and3A, %sub3A_111, %div3A : i32
      %jit3A_112 = arith.constant 8 : i32
      %eq3A = arith.constant 0 : i32
      %eq3A_113 = arith.cmpi eq, %jit3A_112, %eq3A : i32
      %jit3A_114 = arith.constant 1 : i32
      %select_n3A_115 = arith.select %eq3A_113, %jit3A_114, %jit3A_112 : i32
      %rem3A_116 = arith.remsi %while3A_94, %select_n3A_115 : i32
      %ne3A_117 = arith.constant 0 : i32
      %ne3A_118 = arith.cmpi ne, %rem3A_116, %ne3A_117 : i32
      %lt3A = arith.constant 0 : i32
      %lt3A_119 = arith.cmpi slt, %rem3A_116, %lt3A : i32
      %lt3A_120 = arith.constant 0 : i32
      %lt3A_121 = arith.cmpi slt, %select_n3A_115, %lt3A_120 : i32
      %ne3A_122 = arith.xori %lt3A_119, %lt3A_121 : i1
      %and3A_123 = arith.andi %ne3A_122, %ne3A_118 : i1
      %add3A_124 = arith.addi %rem3A_116, %select_n3A_115 : i32
      %select_n3A_125 = arith.select %and3A_123, %add3A_124, %rem3A_116 : i32
      %mul3A_126 = arith.constant 16 : i32
      %mul3A_127 = arith.muli %select_n3A_125, %mul3A_126 : i32
      %get3A = arith.index_cast %select_n3A : i32 to index
      %get3A_128 = arith.index_cast %mul3A_127 : i32 to index
      %get3A_129 = tpu.vector_load %arg4[%get3A, %get3A_128] {strides = array<i32>} : memref<80x128xi32, #tpu.memory_space<vmem>>, vector<16xi32>,
      %shift_right_logical3A = arith.constant 14 : i32
      %shift_right_logical3A_130 = vector.broadcast %shift_right_logical3A : i32 to vector<16xi32>
      %shift_right_logical3A_131 = arith.shrui %get3A_129, %shift_right_logical3A_130 : vector<16xi32>
      %sub3A_132 = vector.broadcast %mul3A_0 : i32 to vector<16xi32>
      %sub3A_133 = arith.subi %shift_right_logical3A_131, %sub3A_132 : vector<16xi32>
      %iota3A = tpu.iota {dimensions = array<i32: 0>} : vector<16xi32>
      %add3A_134 = vector.broadcast %while3A_94 : i32 to vector<16xi32>
      %add3A_135 = arith.addi %iota3A, %add3A_134 : vector<16xi32>
      %and3A_136 = arith.constant 127 : i32
      %and3A_137 = vector.broadcast %and3A_136 : i32 to vector<16xi32>
      %and3A_138 = arith.andi %add3A_135, %and3A_137 : vector<16xi32>
      %add3A_139 = arith.constant 5120 : i32
      %add3A_140 = vector.broadcast %add3A_139 : i32 to vector<16xi32>
      %add3A_141 = arith.addi %add3A_140, %and3A_138 : vector<16xi32>
      %min3A = arith.minsi %sub3A_133, %add3A_141 : vector<16xi32>
      %jit3A_142 = arith.constant 8 : i32
      %div3A_143 = arith.divsi %while3A_94, %jit3A_142 : i32
      %sign3A_144 = arith.constant 0 : i32
      %sign3A_145 = arith.cmpi sgt, %while3A_94, %sign3A_144 : i32
      %sign3A_146 = arith.extui %sign3A_145 : i1 to i32
      %sign3A_147 = arith.constant 0 : i32
      %sign3A_148 = arith.cmpi slt, %while3A_94, %sign3A_147 : i32
      %sign3A_149 = arith.extui %sign3A_148 : i1 to i32
      %sign3A_150 = arith.subi %sign3A_146, %sign3A_149 : i32
      %sign3A_151 = arith.constant 0 : i32
      %sign3A_152 = arith.cmpi sgt, %jit3A_142, %sign3A_151 : i32
      %sign3A_153 = arith.extui %sign3A_152 : i1 to i32
      %sign3A_154 = arith.constant 0 : i32
      %sign3A_155 = arith.cmpi slt, %jit3A_142, %sign3A_154 : i32
      %sign3A_156 = arith.extui %sign3A_155 : i1 to i32
      %sign3A_157 = arith.subi %sign3A_153, %sign3A_156 : i32
      %ne3A_158 = arith.cmpi ne, %sign3A_150, %sign3A_157 : i32
      %rem3A_159 = arith.remsi %while3A_94, %jit3A_142 : i32
      %ne3A_160 = arith.constant 0 : i32
      %ne3A_161 = arith.cmpi ne, %rem3A_159, %ne3A_160 : i32
      %and3A_162 = arith.andi %ne3A_158, %ne3A_161 : i1
      %sub3A_163 = arith.constant 1 : i32
      %sub3A_164 = arith.subi %div3A_143, %sub3A_163 : i32
      %select_n3A_165 = arith.select %and3A_162, %sub3A_164, %div3A_143 : i32
      %jit3A_166 = arith.constant 8 : i32
      %eq3A_167 = arith.constant 0 : i32
      %eq3A_168 = arith.cmpi eq, %jit3A_166, %eq3A_167 : i32
      %jit3A_169 = arith.constant 1 : i32
      %select_n3A_170 = arith.select %eq3A_168, %jit3A_169, %jit3A_166 : i32
      %rem3A_171 = arith.remsi %while3A_94, %select_n3A_170 : i32
      %ne3A_172 = arith.constant 0 : i32
      %ne3A_173 = arith.cmpi ne, %rem3A_171, %ne3A_172 : i32
      %lt3A_174 = arith.constant 0 : i32
      %lt3A_175 = arith.cmpi slt, %rem3A_171, %lt3A_174 : i32
      %lt3A_176 = arith.constant 0 : i32
      %lt3A_177 = arith.cmpi slt, %select_n3A_170, %lt3A_176 : i32
      %ne3A_178 = arith.xori %lt3A_175, %lt3A_177 : i1
      %and3A_179 = arith.andi %ne3A_178, %ne3A_173 : i1
      %add3A_180 = arith.addi %rem3A_171, %select_n3A_170 : i32
      %select_n3A_181 = arith.select %and3A_179, %add3A_180, %rem3A_171 : i32
      %mul3A_182 = arith.constant 16 : i32
      %mul3A_183 = arith.muli %select_n3A_181, %mul3A_182 : i32
      %swap3A = arith.index_cast %select_n3A_165 : i32 to index
      %swap3A_184 = arith.index_cast %mul3A_183 : i32 to index
      %swap3A_185 = tpu.vector_load %arg5[%swap3A, %swap3A_184] {strides = array<i32>} : memref<80x128xi32, #tpu.memory_space<vmem>>, vector<16xi32>,
      tpu.vector_store %arg5[%swap3A, %swap3A_184], %min3A {strides = array<i32>} : memref<80x128xi32, #tpu.memory_space<vmem>>, vector<16xi32>,
      %while3A_186 = arith.constant 0 : i32
      scf.yield %while3A_186 : i32
    }
    %while3A_42 = arith.constant 0 : i32
    %while3A_43 = arith.constant 0 : i32
    %while3A_44 = arith.subi %scan3A_27, %while3A_42 : i32
    %while3A_45 = arith.addi %while3A_42, %while3A_44 : i32
    %while3A_46 = arith.constant 1 : i32
    %while3A_47 = arith.divsi %while3A_44, %while3A_46 : i32
    %while3A_48 = arith.muli %while3A_47, %while3A_46 : i32
    %while3A_49 = arith.addi %while3A_42, %while3A_48 : i32
    %while3A_50 = arith.constant 1 : i32
    %while3A_51 = scf.for %while3A_94 = %while3A_42 to %while3A_49 step %while3A_50 iter_args(%while3A_95 = %while3A_43) -> (i32)  : i32 {
      "tpu.region"() ({
        %run_scoped3A = tpu.sem_alloc : memref<!tpu.dma_semaphore, #tpu.memory_space<semaphore_mem>>
        %dma_start3A = arith.constant 0 : i32
        %dma_start3A_97 = tpu.memref_slice %arg5[%while3A_94, %dma_start3A] : memref<80x128xi32, #tpu.memory_space<vmem>> -> memref<1x128xi32, #tpu.memory_space<vmem>>
        %dma_start3A_98 = tpu.memref_squeeze %dma_start3A_97 : memref<1x128xi32, #tpu.memory_space<vmem>> -> memref<128xi32, #tpu.memory_space<vmem>>
        %dma_start3A_99 = arith.constant 0 : i32
        %dma_start3A_100 = tpu.memref_slice %arg8[%dma_start3A_99] : memref<6144xf32, #tpu.memory_space<vmem_shared>> -> memref<6144xf32, #tpu.memory_space<vmem_shared>>
        tpu.enqueue_indirect_dma source(%arg6 : memref<128xf32, #tpu.memory_space<vmem>>) target(%dma_start3A_100 : memref<6144xf32, #tpu.memory_space<vmem_shared>>) offsets(%dma_start3A_98 : memref<128xi32, #tpu.memory_space<vmem>>) semaphore(%run_scoped3A : memref<!tpu.dma_semaphore, #tpu.memory_space<semaphore_mem>>) {add = true}
        %dma_wait3A = arith.constant 0 : i32
        %dma_wait3A_101 = tpu.memref_slice %arg5[%while3A_94, %dma_wait3A] : memref<80x128xi32, #tpu.memory_space<vmem>> -> memref<1x128xi32, #tpu.memory_space<vmem>>
        %dma_wait3A_102 = tpu.memref_squeeze %dma_wait3A_101 : memref<1x128xi32, #tpu.memory_space<vmem>> -> memref<128xi32, #tpu.memory_space<vmem>>
        %dma_wait3A_103 = arith.constant 0 : i32
        %dma_wait3A_104 = tpu.memref_slice %arg8[%dma_wait3A_103] : memref<6144xf32, #tpu.memory_space<vmem_shared>> -> memref<6144xf32, #tpu.memory_space<vmem_shared>>
        tpu.wait_indirect_dma semaphore(%run_scoped3A : memref<!tpu.dma_semaphore, #tpu.memory_space<semaphore_mem>>) src(%arg6 : memref<128xf32, #tpu.memory_space<vmem>>) dst(%dma_wait3A_104 : memref<6144xf32, #tpu.memory_space<vmem_shared>>)
        tpu.yield
      }) : () -> ()
      %while3A_96 = arith.constant 0 : i32
      scf.yield %while3A_96 : i32
    }
    %while3A_52 = arith.constant 1 : i32
    %while3A_53 = scf.for %while3A_94 = %while3A_49 to %while3A_45 step %while3A_52 iter_args(%while3A_95 = %while3A_51) -> (i32)  : i32 {
      "tpu.region"() ({
        %run_scoped3A = tpu.sem_alloc : memref<!tpu.dma_semaphore, #tpu.memory_space<semaphore_mem>>
        %dma_start3A = arith.constant 0 : i32
        %dma_start3A_97 = tpu.memref_slice %arg5[%while3A_94, %dma_start3A] : memref<80x128xi32, #tpu.memory_space<vmem>> -> memref<1x128xi32, #tpu.memory_space<vmem>>
        %dma_start3A_98 = tpu.memref_squeeze %dma_start3A_97 : memref<1x128xi32, #tpu.memory_space<vmem>> -> memref<128xi32, #tpu.memory_space<vmem>>
        %dma_start3A_99 = arith.constant 0 : i32
        %dma_start3A_100 = tpu.memref_slice %arg8[%dma_start3A_99] : memref<6144xf32, #tpu.memory_space<vmem_shared>> -> memref<6144xf32, #tpu.memory_space<vmem_shared>>
        tpu.enqueue_indirect_dma source(%arg6 : memref<128xf32, #tpu.memory_space<vmem>>) target(%dma_start3A_100 : memref<6144xf32, #tpu.memory_space<vmem_shared>>) offsets(%dma_start3A_98 : memref<128xi32, #tpu.memory_space<vmem>>) semaphore(%run_scoped3A : memref<!tpu.dma_semaphore, #tpu.memory_space<semaphore_mem>>) {add = true}
        %dma_wait3A = arith.constant 0 : i32
        %dma_wait3A_101 = tpu.memref_slice %arg5[%while3A_94, %dma_wait3A] : memref<80x128xi32, #tpu.memory_space<vmem>> -> memref<1x128xi32, #tpu.memory_space<vmem>>
        %dma_wait3A_102 = tpu.memref_squeeze %dma_wait3A_101 : memref<1x128xi32, #tpu.memory_space<vmem>> -> memref<128xi32, #tpu.memory_space<vmem>>
        %dma_wait3A_103 = arith.constant 0 : i32
        %dma_wait3A_104 = tpu.memref_slice %arg8[%dma_wait3A_103] : memref<6144xf32, #tpu.memory_space<vmem_shared>> -> memref<6144xf32, #tpu.memory_space<vmem_shared>>
        tpu.wait_indirect_dma semaphore(%run_scoped3A : memref<!tpu.dma_semaphore, #tpu.memory_space<semaphore_mem>>) src(%arg6 : memref<128xf32, #tpu.memory_space<vmem>>) dst(%dma_wait3A_104 : memref<6144xf32, #tpu.memory_space<vmem_shared>>)
        tpu.yield
      }) : () -> ()
      %while3A_96 = arith.constant 0 : i32
      scf.yield %while3A_96 : i32
    }
    %mul3A_54 = arith.constant 2 : i32
    %mul3A_55 = arith.muli %mul3A_54, %arg1 : i32
    %add3A_56 = arith.constant 1 : i32
    %add3A_57 = arith.addi %mul3A_55, %add3A_56 : i32
    "tpu.region"() ({
      %run_scoped3A = tpu.sem_alloc : memref<!tpu.dma_semaphore, #tpu.memory_space<semaphore_mem>>
      %dma_start3A = arith.constant 0 : i32
      %dma_start3A_94 = arith.constant 0 : i32
      %dma_start3A_95 = arith.constant 0 : i32
      %dma_start3A_96 = tpu.memref_slice %arg2[%arg0, %dma_start3A, %dma_start3A_94, %dma_start3A_95] : memref<2x32x80x128xi32, #tpu.memory_space<hbm>> -> memref<1x32x80x128xi32, #tpu.memory_space<hbm>>
      %dma_start3A_97 = tpu.memref_squeeze %dma_start3A_96 : memref<1x32x80x128xi32, #tpu.memory_space<hbm>> -> memref<32x80x128xi32, #tpu.memory_space<hbm>>
      %dma_start3A_98 = arith.constant 0 : i32
      %dma_start3A_99 = arith.constant 0 : i32
      %dma_start3A_100 = tpu.memref_slice %dma_start3A_97[%add3A_57, %dma_start3A_98, %dma_start3A_99] : memref<32x80x128xi32, #tpu.memory_space<hbm>> -> memref<1x80x128xi32, #tpu.memory_space<hbm>>
      %dma_start3A_101 = tpu.memref_squeeze %dma_start3A_100 : memref<1x80x128xi32, #tpu.memory_space<hbm>> -> memref<80x128xi32, #tpu.memory_space<hbm>>
      %dma_start3A_102 = arith.constant 0 : i32
      %dma_start3A_103 = arith.constant 0 : i32
      %dma_start3A_104 = arith.constant 0 : i32
      %dma_start3A_105 = tpu.memref_slice %arg2[%arg0, %dma_start3A_102, %dma_start3A_103, %dma_start3A_104] : memref<2x32x80x128xi32, #tpu.memory_space<hbm>> -> memref<1x32x80x128xi32, #tpu.memory_space<hbm>>
      %dma_start3A_106 = tpu.memref_squeeze %dma_start3A_105 : memref<1x32x80x128xi32, #tpu.memory_space<hbm>> -> memref<32x80x128xi32, #tpu.memory_space<hbm>>
      %dma_start3A_107 = arith.constant 0 : i32
      %dma_start3A_108 = arith.constant 0 : i32
      %dma_start3A_109 = tpu.memref_slice %dma_start3A_106[%add3A_57, %dma_start3A_107, %dma_start3A_108] : memref<32x80x128xi32, #tpu.memory_space<hbm>> -> memref<1x80x128xi32, #tpu.memory_space<hbm>>
      %dma_start3A_110 = tpu.memref_squeeze %dma_start3A_109 : memref<1x80x128xi32, #tpu.memory_space<hbm>> -> memref<80x128xi32, #tpu.memory_space<hbm>>
      tpu.enqueue_dma source(%dma_start3A_110 : memref<80x128xi32, #tpu.memory_space<hbm>>) target(%arg4 : memref<80x128xi32, #tpu.memory_space<vmem>>) target_semaphore(%run_scoped3A : memref<!tpu.dma_semaphore, #tpu.memory_space<semaphore_mem>>)
      %dma_wait3A = arith.constant 0 : i32
      %dma_wait3A_111 = arith.constant 0 : i32
      %dma_wait3A_112 = arith.constant 0 : i32
      %dma_wait3A_113 = tpu.memref_slice %arg2[%arg0, %dma_wait3A, %dma_wait3A_111, %dma_wait3A_112] : memref<2x32x80x128xi32, #tpu.memory_space<hbm>> -> memref<1x32x80x128xi32, #tpu.memory_space<hbm>>
      %dma_wait3A_114 = tpu.memref_squeeze %dma_wait3A_113 : memref<1x32x80x128xi32, #tpu.memory_space<hbm>> -> memref<32x80x128xi32, #tpu.memory_space<hbm>>
      %dma_wait3A_115 = arith.constant 0 : i32
      %dma_wait3A_116 = arith.constant 0 : i32
      %dma_wait3A_117 = tpu.memref_slice %dma_wait3A_114[%add3A_57, %dma_wait3A_115, %dma_wait3A_116] : memref<32x80x128xi32, #tpu.memory_space<hbm>> -> memref<1x80x128xi32, #tpu.memory_space<hbm>>
      %dma_wait3A_118 = tpu.memref_squeeze %dma_wait3A_117 : memref<1x80x128xi32, #tpu.memory_space<hbm>> -> memref<80x128xi32, #tpu.memory_space<hbm>>
      %dma_wait3A_119 = arith.constant 0 : i32
      %dma_wait3A_120 = arith.constant 0 : i32
      %dma_wait3A_121 = arith.constant 0 : i32
      %dma_wait3A_122 = tpu.memref_slice %arg2[%arg0, %dma_wait3A_119, %dma_wait3A_120, %dma_wait3A_121] : memref<2x32x80x128xi32, #tpu.memory_space<hbm>> -> memref<1x32x80x128xi32, #tpu.memory_space<hbm>>
      %dma_wait3A_123 = tpu.memref_squeeze %dma_wait3A_122 : memref<1x32x80x128xi32, #tpu.memory_space<hbm>> -> memref<32x80x128xi32, #tpu.memory_space<hbm>>
      %dma_wait3A_124 = arith.constant 0 : i32
      %dma_wait3A_125 = arith.constant 0 : i32
      %dma_wait3A_126 = tpu.memref_slice %dma_wait3A_123[%add3A_57, %dma_wait3A_124, %dma_wait3A_125] : memref<32x80x128xi32, #tpu.memory_space<hbm>> -> memref<1x80x128xi32, #tpu.memory_space<hbm>>
      %dma_wait3A_127 = tpu.memref_squeeze %dma_wait3A_126 : memref<1x80x128xi32, #tpu.memory_space<hbm>> -> memref<80x128xi32, #tpu.memory_space<hbm>>
      tpu.wait_dma2 semaphore(%run_scoped3A : memref<!tpu.dma_semaphore, #tpu.memory_space<semaphore_mem>>) src(%dma_wait3A_127 : memref<80x128xi32, #tpu.memory_space<hbm>>) dst(%arg4 : memref<80x128xi32, #tpu.memory_space<vmem>>)
      tpu.yield
    }) : () -> ()
    %scan3A_58 = arith.constant 0 : i32
    %scan3A_59 = arith.constant 0 : i32
    %scan3A_60 = arith.constant 80 : i32
    %scan3A_61 = arith.addi %scan3A_59, %scan3A_60 : i32
    %scan3A_62 = arith.constant 1 : i32
    %scan3A_63 = scf.for %scan3A_94 = %scan3A_59 to %scan3A_61 step %scan3A_62 iter_args(%scan3A_95 = %scan3A_58) -> (i32)  : i32 {
      %get3A = arith.index_cast %scan3A_94 : i32 to index
      %get3A_96 = arith.constant 0 : index
      %get3A_97 = tpu.vector_load %arg4[%get3A, %get3A_96] {strides = array<i32>} : memref<80x128xi32, #tpu.memory_space<vmem>>, vector<16xi32>,
      %ne3A = arith.constant 268419072 : i32
      %ne3A_98 = vector.broadcast %ne3A : i32 to vector<16xi32>
      %ne3A_99 = arith.cmpi ne, %get3A_97, %ne3A_98 : vector<16xi32>
      %convert_element_type3A = arith.extui %ne3A_99 : vector<16xi1> to vector<16xi32>
      %reduce_sum3A = arith.constant true
      %reduce_sum3A_100 = vector.broadcast %reduce_sum3A : i1 to vector<16xi1>
      %reduce_sum3A_101 = tpu.scan <sum>, %convert_element_type3A masked %reduce_sum3A_100 : vector<16xi32>, vector<16xi1> -> vector<16xi32>
      %reduce_sum3A_102 = vector.extract %reduce_sum3A_101[15] : i32 from vector<16xi32>
      %min3A = arith.constant 1 : i32
      %min3A_103 = arith.minsi %reduce_sum3A_102, %min3A : i32
      %add3A_104 = arith.addi %scan3A_95, %min3A_103 : i32
      scf.yield %add3A_104 : i32
    }
    %scan3A_64 = arith.constant 80 : i32
    %mul3A_65 = arith.constant 8 : i32
    %mul3A_66 = arith.muli %scan3A_63, %mul3A_65 : i32
    %while3A_67 = arith.constant 0 : i32
    %while3A_68 = arith.constant 0 : i32
    %while3A_69 = arith.subi %mul3A_66, %while3A_67 : i32
    %while3A_70 = arith.addi %while3A_67, %while3A_69 : i32
    %while3A_71 = arith.constant 1 : i32
    %while3A_72 = arith.divsi %while3A_69, %while3A_71 : i32
    %while3A_73 = arith.muli %while3A_72, %while3A_71 : i32
    %while3A_74 = arith.addi %while3A_67, %while3A_73 : i32
    %while3A_75 = arith.constant 1 : i32
    %while3A_76 = scf.for %while3A_94 = %while3A_67 to %while3A_74 step %while3A_75 iter_args(%while3A_95 = %while3A_68) -> (i32)  : i32 {
      %jit3A = arith.constant 8 : i32
      %div3A = arith.divsi %while3A_94, %jit3A : i32
      %sign3A = arith.constant 0 : i32
      %sign3A_96 = arith.cmpi sgt, %while3A_94, %sign3A : i32
      %sign3A_97 = arith.extui %sign3A_96 : i1 to i32
      %sign3A_98 = arith.constant 0 : i32
      %sign3A_99 = arith.cmpi slt, %while3A_94, %sign3A_98 : i32
      %sign3A_100 = arith.extui %sign3A_99 : i1 to i32
      %sign3A_101 = arith.subi %sign3A_97, %sign3A_100 : i32
      %sign3A_102 = arith.constant 0 : i32
      %sign3A_103 = arith.cmpi sgt, %jit3A, %sign3A_102 : i32
      %sign3A_104 = arith.extui %sign3A_103 : i1 to i32
      %sign3A_105 = arith.constant 0 : i32
      %sign3A_106 = arith.cmpi slt, %jit3A, %sign3A_105 : i32
      %sign3A_107 = arith.extui %sign3A_106 : i1 to i32
      %sign3A_108 = arith.subi %sign3A_104, %sign3A_107 : i32
      %ne3A = arith.cmpi ne, %sign3A_101, %sign3A_108 : i32
      %rem3A = arith.remsi %while3A_94, %jit3A : i32
      %ne3A_109 = arith.constant 0 : i32
      %ne3A_110 = arith.cmpi ne, %rem3A, %ne3A_109 : i32
      %and3A = arith.andi %ne3A, %ne3A_110 : i1
      %sub3A = arith.constant 1 : i32
      %sub3A_111 = arith.subi %div3A, %sub3A : i32
      %select_n3A = arith.select %and3A, %sub3A_111, %div3A : i32
      %jit3A_112 = arith.constant 8 : i32
      %eq3A = arith.constant 0 : i32
      %eq3A_113 = arith.cmpi eq, %jit3A_112, %eq3A : i32
      %jit3A_114 = arith.constant 1 : i32
      %select_n3A_115 = arith.select %eq3A_113, %jit3A_114, %jit3A_112 : i32
      %rem3A_116 = arith.remsi %while3A_94, %select_n3A_115 : i32
      %ne3A_117 = arith.constant 0 : i32
      %ne3A_118 = arith.cmpi ne, %rem3A_116, %ne3A_117 : i32
      %lt3A = arith.constant 0 : i32
      %lt3A_119 = arith.cmpi slt, %rem3A_116, %lt3A : i32
      %lt3A_120 = arith.constant 0 : i32
      %lt3A_121 = arith.cmpi slt, %select_n3A_115, %lt3A_120 : i32
      %ne3A_122 = arith.xori %lt3A_119, %lt3A_121 : i1
      %and3A_123 = arith.andi %ne3A_122, %ne3A_118 : i1
      %add3A_124 = arith.addi %rem3A_116, %select_n3A_115 : i32
      %select_n3A_125 = arith.select %and3A_123, %add3A_124, %rem3A_116 : i32
      %mul3A_126 = arith.constant 16 : i32
      %mul3A_127 = arith.muli %select_n3A_125, %mul3A_126 : i32
      %get3A = arith.index_cast %select_n3A : i32 to index
      %get3A_128 = arith.index_cast %mul3A_127 : i32 to index
      %get3A_129 = tpu.vector_load %arg4[%get3A, %get3A_128] {strides = array<i32>} : memref<80x128xi32, #tpu.memory_space<vmem>>, vector<16xi32>,
      %shift_right_logical3A = arith.constant 14 : i32
      %shift_right_logical3A_130 = vector.broadcast %shift_right_logical3A : i32 to vector<16xi32>
      %shift_right_logical3A_131 = arith.shrui %get3A_129, %shift_right_logical3A_130 : vector<16xi32>
      %sub3A_132 = vector.broadcast %mul3A_0 : i32 to vector<16xi32>
      %sub3A_133 = arith.subi %shift_right_logical3A_131, %sub3A_132 : vector<16xi32>
      %iota3A = tpu.iota {dimensions = array<i32: 0>} : vector<16xi32>
      %add3A_134 = vector.broadcast %while3A_94 : i32 to vector<16xi32>
      %add3A_135 = arith.addi %iota3A, %add3A_134 : vector<16xi32>
      %and3A_136 = arith.constant 127 : i32
      %and3A_137 = vector.broadcast %and3A_136 : i32 to vector<16xi32>
      %and3A_138 = arith.andi %add3A_135, %and3A_137 : vector<16xi32>
      %add3A_139 = arith.constant 5120 : i32
      %add3A_140 = vector.broadcast %add3A_139 : i32 to vector<16xi32>
      %add3A_141 = arith.addi %add3A_140, %and3A_138 : vector<16xi32>
      %min3A = arith.minsi %sub3A_133, %add3A_141 : vector<16xi32>
      %jit3A_142 = arith.constant 8 : i32
      %div3A_143 = arith.divsi %while3A_94, %jit3A_142 : i32
      %sign3A_144 = arith.constant 0 : i32
      %sign3A_145 = arith.cmpi sgt, %while3A_94, %sign3A_144 : i32
      %sign3A_146 = arith.extui %sign3A_145 : i1 to i32
      %sign3A_147 = arith.constant 0 : i32
      %sign3A_148 = arith.cmpi slt, %while3A_94, %sign3A_147 : i32
      %sign3A_149 = arith.extui %sign3A_148 : i1 to i32
      %sign3A_150 = arith.subi %sign3A_146, %sign3A_149 : i32
      %sign3A_151 = arith.constant 0 : i32
      %sign3A_152 = arith.cmpi sgt, %jit3A_142, %sign3A_151 : i32
      %sign3A_153 = arith.extui %sign3A_152 : i1 to i32
      %sign3A_154 = arith.constant 0 : i32
      %sign3A_155 = arith.cmpi slt, %jit3A_142, %sign3A_154 : i32
      %sign3A_156 = arith.extui %sign3A_155 : i1 to i32
      %sign3A_157 = arith.subi %sign3A_153, %sign3A_156 : i32
      %ne3A_158 = arith.cmpi ne, %sign3A_150, %sign3A_157 : i32
      %rem3A_159 = arith.remsi %while3A_94, %jit3A_142 : i32
      %ne3A_160 = arith.constant 0 : i32
      %ne3A_161 = arith.cmpi ne, %rem3A_159, %ne3A_160 : i32
      %and3A_162 = arith.andi %ne3A_158, %ne3A_161 : i1
      %sub3A_163 = arith.constant 1 : i32
      %sub3A_164 = arith.subi %div3A_143, %sub3A_163 : i32
      %select_n3A_165 = arith.select %and3A_162, %sub3A_164, %div3A_143 : i32
      %jit3A_166 = arith.constant 8 : i32
      %eq3A_167 = arith.constant 0 : i32
      %eq3A_168 = arith.cmpi eq, %jit3A_166, %eq3A_167 : i32
      %jit3A_169 = arith.constant 1 : i32
      %select_n3A_170 = arith.select %eq3A_168, %jit3A_169, %jit3A_166 : i32
      %rem3A_171 = arith.remsi %while3A_94, %select_n3A_170 : i32
      %ne3A_172 = arith.constant 0 : i32
      %ne3A_173 = arith.cmpi ne, %rem3A_171, %ne3A_172 : i32
      %lt3A_174 = arith.constant 0 : i32
      %lt3A_175 = arith.cmpi slt, %rem3A_171, %lt3A_174 : i32
      %lt3A_176 = arith.constant 0 : i32
      %lt3A_177 = arith.cmpi slt, %select_n3A_170, %lt3A_176 : i32
      %ne3A_178 = arith.xori %lt3A_175, %lt3A_177 : i1
      %and3A_179 = arith.andi %ne3A_178, %ne3A_173 : i1
      %add3A_180 = arith.addi %rem3A_171, %select_n3A_170 : i32
      %select_n3A_181 = arith.select %and3A_179, %add3A_180, %rem3A_171 : i32
      %mul3A_182 = arith.constant 16 : i32
      %mul3A_183 = arith.muli %select_n3A_181, %mul3A_182 : i32
      %swap3A = arith.index_cast %select_n3A_165 : i32 to index
      %swap3A_184 = arith.index_cast %mul3A_183 : i32 to index
      %swap3A_185 = tpu.vector_load %arg5[%swap3A, %swap3A_184] {strides = array<i32>} : memref<80x128xi32, #tpu.memory_space<vmem>>, vector<16xi32>,
      tpu.vector_store %arg5[%swap3A, %swap3A_184], %min3A {strides = array<i32>} : memref<80x128xi32, #tpu.memory_space<vmem>>, vector<16xi32>,
      %while3A_186 = arith.constant 0 : i32
      scf.yield %while3A_186 : i32
    }
    %while3A_77 = arith.constant 1 : i32
    %while3A_78 = scf.for %while3A_94 = %while3A_74 to %while3A_70 step %while3A_77 iter_args(%while3A_95 = %while3A_76) -> (i32)  : i32 {
      %jit3A = arith.constant 8 : i32
      %div3A = arith.divsi %while3A_94, %jit3A : i32
      %sign3A = arith.constant 0 : i32
      %sign3A_96 = arith.cmpi sgt, %while3A_94, %sign3A : i32
      %sign3A_97 = arith.extui %sign3A_96 : i1 to i32
      %sign3A_98 = arith.constant 0 : i32
      %sign3A_99 = arith.cmpi slt, %while3A_94, %sign3A_98 : i32
      %sign3A_100 = arith.extui %sign3A_99 : i1 to i32
      %sign3A_101 = arith.subi %sign3A_97, %sign3A_100 : i32
      %sign3A_102 = arith.constant 0 : i32
      %sign3A_103 = arith.cmpi sgt, %jit3A, %sign3A_102 : i32
      %sign3A_104 = arith.extui %sign3A_103 : i1 to i32
      %sign3A_105 = arith.constant 0 : i32
      %sign3A_106 = arith.cmpi slt, %jit3A, %sign3A_105 : i32
      %sign3A_107 = arith.extui %sign3A_106 : i1 to i32
      %sign3A_108 = arith.subi %sign3A_104, %sign3A_107 : i32
      %ne3A = arith.cmpi ne, %sign3A_101, %sign3A_108 : i32
      %rem3A = arith.remsi %while3A_94, %jit3A : i32
      %ne3A_109 = arith.constant 0 : i32
      %ne3A_110 = arith.cmpi ne, %rem3A, %ne3A_109 : i32
      %and3A = arith.andi %ne3A, %ne3A_110 : i1
      %sub3A = arith.constant 1 : i32
      %sub3A_111 = arith.subi %div3A, %sub3A : i32
      %select_n3A = arith.select %and3A, %sub3A_111, %div3A : i32
      %jit3A_112 = arith.constant 8 : i32
      %eq3A = arith.constant 0 : i32
      %eq3A_113 = arith.cmpi eq, %jit3A_112, %eq3A : i32
      %jit3A_114 = arith.constant 1 : i32
      %select_n3A_115 = arith.select %eq3A_113, %jit3A_114, %jit3A_112 : i32
      %rem3A_116 = arith.remsi %while3A_94, %select_n3A_115 : i32
      %ne3A_117 = arith.constant 0 : i32
      %ne3A_118 = arith.cmpi ne, %rem3A_116, %ne3A_117 : i32
      %lt3A = arith.constant 0 : i32
      %lt3A_119 = arith.cmpi slt, %rem3A_116, %lt3A : i32
      %lt3A_120 = arith.constant 0 : i32
      %lt3A_121 = arith.cmpi slt, %select_n3A_115, %lt3A_120 : i32
      %ne3A_122 = arith.xori %lt3A_119, %lt3A_121 : i1
      %and3A_123 = arith.andi %ne3A_122, %ne3A_118 : i1
      %add3A_124 = arith.addi %rem3A_116, %select_n3A_115 : i32
      %select_n3A_125 = arith.select %and3A_123, %add3A_124, %rem3A_116 : i32
      %mul3A_126 = arith.constant 16 : i32
      %mul3A_127 = arith.muli %select_n3A_125, %mul3A_126 : i32
      %get3A = arith.index_cast %select_n3A : i32 to index
      %get3A_128 = arith.index_cast %mul3A_127 : i32 to index
      %get3A_129 = tpu.vector_load %arg4[%get3A, %get3A_128] {strides = array<i32>} : memref<80x128xi32, #tpu.memory_space<vmem>>, vector<16xi32>,
      %shift_right_logical3A = arith.constant 14 : i32
      %shift_right_logical3A_130 = vector.broadcast %shift_right_logical3A : i32 to vector<16xi32>
      %shift_right_logical3A_131 = arith.shrui %get3A_129, %shift_right_logical3A_130 : vector<16xi32>
      %sub3A_132 = vector.broadcast %mul3A_0 : i32 to vector<16xi32>
      %sub3A_133 = arith.subi %shift_right_logical3A_131, %sub3A_132 : vector<16xi32>
      %iota3A = tpu.iota {dimensions = array<i32: 0>} : vector<16xi32>
      %add3A_134 = vector.broadcast %while3A_94 : i32 to vector<16xi32>
      %add3A_135 = arith.addi %iota3A, %add3A_134 : vector<16xi32>
      %and3A_136 = arith.constant 127 : i32
      %and3A_137 = vector.broadcast %and3A_136 : i32 to vector<16xi32>
      %and3A_138 = arith.andi %add3A_135, %and3A_137 : vector<16xi32>
      %add3A_139 = arith.constant 5120 : i32
      %add3A_140 = vector.broadcast %add3A_139 : i32 to vector<16xi32>
      %add3A_141 = arith.addi %add3A_140, %and3A_138 : vector<16xi32>
      %min3A = arith.minsi %sub3A_133, %add3A_141 : vector<16xi32>
      %jit3A_142 = arith.constant 8 : i32
      %div3A_143 = arith.divsi %while3A_94, %jit3A_142 : i32
      %sign3A_144 = arith.constant 0 : i32
      %sign3A_145 = arith.cmpi sgt, %while3A_94, %sign3A_144 : i32
      %sign3A_146 = arith.extui %sign3A_145 : i1 to i32
      %sign3A_147 = arith.constant 0 : i32
      %sign3A_148 = arith.cmpi slt, %while3A_94, %sign3A_147 : i32
      %sign3A_149 = arith.extui %sign3A_148 : i1 to i32
      %sign3A_150 = arith.subi %sign3A_146, %sign3A_149 : i32
      %sign3A_151 = arith.constant 0 : i32
      %sign3A_152 = arith.cmpi sgt, %jit3A_142, %sign3A_151 : i32
      %sign3A_153 = arith.extui %sign3A_152 : i1 to i32
      %sign3A_154 = arith.constant 0 : i32
      %sign3A_155 = arith.cmpi slt, %jit3A_142, %sign3A_154 : i32
      %sign3A_156 = arith.extui %sign3A_155 : i1 to i32
      %sign3A_157 = arith.subi %sign3A_153, %sign3A_156 : i32
      %ne3A_158 = arith.cmpi ne, %sign3A_150, %sign3A_157 : i32
      %rem3A_159 = arith.remsi %while3A_94, %jit3A_142 : i32
      %ne3A_160 = arith.constant 0 : i32
      %ne3A_161 = arith.cmpi ne, %rem3A_159, %ne3A_160 : i32
      %and3A_162 = arith.andi %ne3A_158, %ne3A_161 : i1
      %sub3A_163 = arith.constant 1 : i32
      %sub3A_164 = arith.subi %div3A_143, %sub3A_163 : i32
      %select_n3A_165 = arith.select %and3A_162, %sub3A_164, %div3A_143 : i32
      %jit3A_166 = arith.constant 8 : i32
      %eq3A_167 = arith.constant 0 : i32
      %eq3A_168 = arith.cmpi eq, %jit3A_166, %eq3A_167 : i32
      %jit3A_169 = arith.constant 1 : i32
      %select_n3A_170 = arith.select %eq3A_168, %jit3A_169, %jit3A_166 : i32
      %rem3A_171 = arith.remsi %while3A_94, %select_n3A_170 : i32
      %ne3A_172 = arith.constant 0 : i32
      %ne3A_173 = arith.cmpi ne, %rem3A_171, %ne3A_172 : i32
      %lt3A_174 = arith.constant 0 : i32
      %lt3A_175 = arith.cmpi slt, %rem3A_171, %lt3A_174 : i32
      %lt3A_176 = arith.constant 0 : i32
      %lt3A_177 = arith.cmpi slt, %select_n3A_170, %lt3A_176 : i32
      %ne3A_178 = arith.xori %lt3A_175, %lt3A_177 : i1
      %and3A_179 = arith.andi %ne3A_178, %ne3A_173 : i1
      %add3A_180 = arith.addi %rem3A_171, %select_n3A_170 : i32
      %select_n3A_181 = arith.select %and3A_179, %add3A_180, %rem3A_171 : i32
      %mul3A_182 = arith.constant 16 : i32
      %mul3A_183 = arith.muli %select_n3A_181, %mul3A_182 : i32
      %swap3A = arith.index_cast %select_n3A_165 : i32 to index
      %swap3A_184 = arith.index_cast %mul3A_183 : i32 to index
      %swap3A_185 = tpu.vector_load %arg5[%swap3A, %swap3A_184] {strides = array<i32>} : memref<80x128xi32, #tpu.memory_space<vmem>>, vector<16xi32>,
      tpu.vector_store %arg5[%swap3A, %swap3A_184], %min3A {strides = array<i32>} : memref<80x128xi32, #tpu.memory_space<vmem>>, vector<16xi32>,
      %while3A_186 = arith.constant 0 : i32
      scf.yield %while3A_186 : i32
    }
    %while3A_79 = arith.constant 0 : i32
    %while3A_80 = arith.constant 0 : i32
    %while3A_81 = arith.subi %scan3A_63, %while3A_79 : i32
    %while3A_82 = arith.addi %while3A_79, %while3A_81 : i32
    %while3A_83 = arith.constant 1 : i32
    %while3A_84 = arith.divsi %while3A_81, %while3A_83 : i32
    %while3A_85 = arith.muli %while3A_84, %while3A_83 : i32
    %while3A_86 = arith.addi %while3A_79, %while3A_85 : i32
    %while3A_87 = arith.constant 1 : i32
    %while3A_88 = scf.for %while3A_94 = %while3A_79 to %while3A_86 step %while3A_87 iter_args(%while3A_95 = %while3A_80) -> (i32)  : i32 {
      "tpu.region"() ({
        %run_scoped3A = tpu.sem_alloc : memref<!tpu.dma_semaphore, #tpu.memory_space<semaphore_mem>>
        %dma_start3A = arith.constant 0 : i32
        %dma_start3A_97 = tpu.memref_slice %arg5[%while3A_94, %dma_start3A] : memref<80x128xi32, #tpu.memory_space<vmem>> -> memref<1x128xi32, #tpu.memory_space<vmem>>
        %dma_start3A_98 = tpu.memref_squeeze %dma_start3A_97 : memref<1x128xi32, #tpu.memory_space<vmem>> -> memref<128xi32, #tpu.memory_space<vmem>>
        %dma_start3A_99 = arith.constant 0 : i32
        %dma_start3A_100 = tpu.memref_slice %arg8[%dma_start3A_99] : memref<6144xf32, #tpu.memory_space<vmem_shared>> -> memref<6144xf32, #tpu.memory_space<vmem_shared>>
        tpu.enqueue_indirect_dma source(%arg6 : memref<128xf32, #tpu.memory_space<vmem>>) target(%dma_start3A_100 : memref<6144xf32, #tpu.memory_space<vmem_shared>>) offsets(%dma_start3A_98 : memref<128xi32, #tpu.memory_space<vmem>>) semaphore(%run_scoped3A : memref<!tpu.dma_semaphore, #tpu.memory_space<semaphore_mem>>) {add = true}
        %dma_wait3A = arith.constant 0 : i32
        %dma_wait3A_101 = tpu.memref_slice %arg5[%while3A_94, %dma_wait3A] : memref<80x128xi32, #tpu.memory_space<vmem>> -> memref<1x128xi32, #tpu.memory_space<vmem>>
        %dma_wait3A_102 = tpu.memref_squeeze %dma_wait3A_101 : memref<1x128xi32, #tpu.memory_space<vmem>> -> memref<128xi32, #tpu.memory_space<vmem>>
        %dma_wait3A_103 = arith.constant 0 : i32
        %dma_wait3A_104 = tpu.memref_slice %arg8[%dma_wait3A_103] : memref<6144xf32, #tpu.memory_space<vmem_shared>> -> memref<6144xf32, #tpu.memory_space<vmem_shared>>
        tpu.wait_indirect_dma semaphore(%run_scoped3A : memref<!tpu.dma_semaphore, #tpu.memory_space<semaphore_mem>>) src(%arg6 : memref<128xf32, #tpu.memory_space<vmem>>) dst(%dma_wait3A_104 : memref<6144xf32, #tpu.memory_space<vmem_shared>>)
        tpu.yield
      }) : () -> ()
      %while3A_96 = arith.constant 0 : i32
      scf.yield %while3A_96 : i32
    }
    %while3A_89 = arith.constant 1 : i32
    %while3A_90 = scf.for %while3A_94 = %while3A_86 to %while3A_82 step %while3A_89 iter_args(%while3A_95 = %while3A_88) -> (i32)  : i32 {
      "tpu.region"() ({
        %run_scoped3A = tpu.sem_alloc : memref<!tpu.dma_semaphore, #tpu.memory_space<semaphore_mem>>
        %dma_start3A = arith.constant 0 : i32
        %dma_start3A_97 = tpu.memref_slice %arg5[%while3A_94, %dma_start3A] : memref<80x128xi32, #tpu.memory_space<vmem>> -> memref<1x128xi32, #tpu.memory_space<vmem>>
        %dma_start3A_98 = tpu.memref_squeeze %dma_start3A_97 : memref<1x128xi32, #tpu.memory_space<vmem>> -> memref<128xi32, #tpu.memory_space<vmem>>
        %dma_start3A_99 = arith.constant 0 : i32
        %dma_start3A_100 = tpu.memref_slice %arg8[%dma_start3A_99] : memref<6144xf32, #tpu.memory_space<vmem_shared>> -> memref<6144xf32, #tpu.memory_space<vmem_shared>>
        tpu.enqueue_indirect_dma source(%arg6 : memref<128xf32, #tpu.memory_space<vmem>>) target(%dma_start3A_100 : memref<6144xf32, #tpu.memory_space<vmem_shared>>) offsets(%dma_start3A_98 : memref<128xi32, #tpu.memory_space<vmem>>) semaphore(%run_scoped3A : memref<!tpu.dma_semaphore, #tpu.memory_space<semaphore_mem>>) {add = true}
        %dma_wait3A = arith.constant 0 : i32
        %dma_wait3A_101 = tpu.memref_slice %arg5[%while3A_94, %dma_wait3A] : memref<80x128xi32, #tpu.memory_space<vmem>> -> memref<1x128xi32, #tpu.memory_space<vmem>>
        %dma_wait3A_102 = tpu.memref_squeeze %dma_wait3A_101 : memref<1x128xi32, #tpu.memory_space<vmem>> -> memref<128xi32, #tpu.memory_space<vmem>>
        %dma_wait3A_103 = arith.constant 0 : i32
        %dma_wait3A_104 = tpu.memref_slice %arg8[%dma_wait3A_103] : memref<6144xf32, #tpu.memory_space<vmem_shared>> -> memref<6144xf32, #tpu.memory_space<vmem_shared>>
        tpu.wait_indirect_dma semaphore(%run_scoped3A : memref<!tpu.dma_semaphore, #tpu.memory_space<semaphore_mem>>) src(%arg6 : memref<128xf32, #tpu.memory_space<vmem>>) dst(%dma_wait3A_104 : memref<6144xf32, #tpu.memory_space<vmem_shared>>)
        tpu.yield
      }) : () -> ()
      %while3A_96 = arith.constant 0 : i32
      scf.yield %while3A_96 : i32
    }
    %barrier3A_91 = arith.constant 0 : index
    tpu.barrier barrier_id(%barrier3A_91)
    %mul3A_92 = arith.constant 384 : i32
    %mul3A_93 = arith.muli %arg1, %mul3A_92 : i32
    "tpu.region"() ({
      %run_scoped3A = tpu.sem_alloc : memref<!tpu.dma_semaphore, #tpu.memory_space<semaphore_mem>>
      %dma_start3A = arith.constant 0 : i32
      %dma_start3A_94 = tpu.memref_slice %arg3[%arg0, %dma_start3A] : memref<2x6144xf32, #tpu.memory_space<hbm>> -> memref<1x6144xf32, #tpu.memory_space<hbm>>
      %dma_start3A_95 = tpu.memref_squeeze %dma_start3A_94 : memref<1x6144xf32, #tpu.memory_space<hbm>> -> memref<6144xf32, #tpu.memory_space<hbm>>
      %dma_start3A_96 = tpu.memref_slice %dma_start3A_95[%mul3A_93] : memref<6144xf32, #tpu.memory_space<hbm>> -> memref<384xf32, #tpu.memory_space<hbm>>
      %dma_start3A_97 = tpu.memref_slice %arg8[%mul3A_93] : memref<6144xf32, #tpu.memory_space<vmem_shared>> -> memref<384xf32, #tpu.memory_space<vmem_shared>>
      tpu.enqueue_dma source(%dma_start3A_97 : memref<384xf32, #tpu.memory_space<vmem_shared>>) target(%dma_start3A_96 : memref<384xf32, #tpu.memory_space<hbm>>) target_semaphore(%run_scoped3A : memref<!tpu.dma_semaphore, #tpu.memory_space<semaphore_mem>>)
      %dma_wait3A = arith.constant 0 : i32
      %dma_wait3A_98 = tpu.memref_slice %arg3[%arg0, %dma_wait3A] : memref<2x6144xf32, #tpu.memory_space<hbm>> -> memref<1x6144xf32, #tpu.memory_space<hbm>>
      %dma_wait3A_99 = tpu.memref_squeeze %dma_wait3A_98 : memref<1x6144xf32, #tpu.memory_space<hbm>> -> memref<6144xf32, #tpu.memory_space<hbm>>
      %dma_wait3A_100 = tpu.memref_slice %dma_wait3A_99[%mul3A_93] : memref<6144xf32, #tpu.memory_space<hbm>> -> memref<384xf32, #tpu.memory_space<hbm>>
      %dma_wait3A_101 = tpu.memref_slice %arg8[%mul3A_93] : memref<6144xf32, #tpu.memory_space<vmem_shared>> -> memref<384xf32, #tpu.memory_space<vmem_shared>>
      tpu.wait_dma2 semaphore(%run_scoped3A : memref<!tpu.dma_semaphore, #tpu.memory_space<semaphore_mem>>) src(%dma_wait3A_101 : memref<384xf32, #tpu.memory_space<vmem_shared>>) dst(%dma_wait3A_100 : memref<384xf32, #tpu.memory_space<hbm>>)
      tpu.yield
    }) : () -> ()
    return
  }
}

#map = affine_map<(d0, d1) -> (0, 0)>
#map1 = affine_map<(d0, d1) -> (0, 0, 0, 0)>
#map2 = affine_map<(d0, d1) -> (0, 0, 0)>
module attributes {stable_mosaic.version = 14 : i64} {
  func.func @_agg_body(%arg0: i32, %arg1: i32, %arg2: memref<10240x128xf32, #tpu.memory_space<hbm>>, %arg3: memref<2x32x80x128xi32, #tpu.memory_space<hbm>>, %arg4: memref<2x5248x128xf32, #tpu.memory_space<hbm>>, %arg5: memref<80x128xi32, #tpu.memory_space<vmem>>, %arg6: memref<80x128xi32, #tpu.memory_space<vmem>>, %arg7: memref<128x128xf32, #tpu.memory_space<vmem>>, %arg8: memref<128x128xf32, #tpu.memory_space<vmem>>, %arg9: memref<56x128xf32, #tpu.memory_space<vmem>>, %arg10: memref<5248x128xf32, #tpu.memory_space<vmem_shared>>, %arg11: memref<!tpu.dma_semaphore, #tpu.memory_space<semaphore_mem>>, %arg12: memref<!tpu.dma_semaphore, #tpu.memory_space<semaphore_mem>>) attributes {dimension_semantics = [#tpu.dimension_semantics<core_parallel>, #tpu.dimension_semantics<subcore_parallel>], iteration_bounds = array<i64: 2, 16>, scalar_prefetch = 0 : i64, scratch_operands = 8 : i64, tpu.core_type = #tpu.core_type<sc_vector_subcore>, window_params = [{transform_indices = #map}, {transform_indices = #map1}, {transform_indices = #map2}]} {
    %mul3A = arith.constant 5120 : i32
    %mul3A_0 = arith.muli %arg0, %mul3A : i32
    %broadcast_in_dim3A = arith.constant 0.000000e+00 : f32
    %broadcast_in_dim3A_1 = vector.broadcast %broadcast_in_dim3A : f32 to vector<16xf32>
    %scan3A = arith.constant 0 : i32
    %scan3A_2 = arith.constant 0 : i32
    %scan3A_3 = arith.constant 448 : i32
    %scan3A_4 = arith.addi %scan3A_2, %scan3A_3 : i32
    %scan3A_5 = arith.constant 1 : i32
    %scan3A_6 = scf.for %scan3A_90 = %scan3A_2 to %scan3A_4 step %scan3A_5 iter_args(%scan3A_91 = %scan3A) -> (i32)  : i32 {
      %jit3A = arith.constant 8 : i32
      %div3A = arith.divsi %scan3A_90, %jit3A : i32
      %sign3A = arith.constant 0 : i32
      %sign3A_92 = arith.cmpi sgt, %scan3A_90, %sign3A : i32
      %sign3A_93 = arith.extui %sign3A_92 : i1 to i32
      %sign3A_94 = arith.constant 0 : i32
      %sign3A_95 = arith.cmpi slt, %scan3A_90, %sign3A_94 : i32
      %sign3A_96 = arith.extui %sign3A_95 : i1 to i32
      %sign3A_97 = arith.subi %sign3A_93, %sign3A_96 : i32
      %sign3A_98 = arith.constant 0 : i32
      %sign3A_99 = arith.cmpi sgt, %jit3A, %sign3A_98 : i32
      %sign3A_100 = arith.extui %sign3A_99 : i1 to i32
      %sign3A_101 = arith.constant 0 : i32
      %sign3A_102 = arith.cmpi slt, %jit3A, %sign3A_101 : i32
      %sign3A_103 = arith.extui %sign3A_102 : i1 to i32
      %sign3A_104 = arith.subi %sign3A_100, %sign3A_103 : i32
      %ne3A = arith.cmpi ne, %sign3A_97, %sign3A_104 : i32
      %rem3A = arith.remsi %scan3A_90, %jit3A : i32
      %ne3A_105 = arith.constant 0 : i32
      %ne3A_106 = arith.cmpi ne, %rem3A, %ne3A_105 : i32
      %and3A = arith.andi %ne3A, %ne3A_106 : i1
      %sub3A = arith.constant 1 : i32
      %sub3A_107 = arith.subi %div3A, %sub3A : i32
      %select_n3A = arith.select %and3A, %sub3A_107, %div3A : i32
      %jit3A_108 = arith.constant 8 : i32
      %eq3A = arith.constant 0 : i32
      %eq3A_109 = arith.cmpi eq, %jit3A_108, %eq3A : i32
      %jit3A_110 = arith.constant 1 : i32
      %select_n3A_111 = arith.select %eq3A_109, %jit3A_110, %jit3A_108 : i32
      %rem3A_112 = arith.remsi %scan3A_90, %select_n3A_111 : i32
      %ne3A_113 = arith.constant 0 : i32
      %ne3A_114 = arith.cmpi ne, %rem3A_112, %ne3A_113 : i32
      %lt3A = arith.constant 0 : i32
      %lt3A_115 = arith.cmpi slt, %rem3A_112, %lt3A : i32
      %lt3A_116 = arith.constant 0 : i32
      %lt3A_117 = arith.cmpi slt, %select_n3A_111, %lt3A_116 : i32
      %ne3A_118 = arith.xori %lt3A_115, %lt3A_117 : i1
      %and3A_119 = arith.andi %ne3A_118, %ne3A_114 : i1
      %add3A_120 = arith.addi %rem3A_112, %select_n3A_111 : i32
      %select_n3A_121 = arith.select %and3A_119, %add3A_120, %rem3A_112 : i32
      %mul3A_122 = arith.constant 16 : i32
      %mul3A_123 = arith.muli %select_n3A_121, %mul3A_122 : i32
      %swap3A = arith.index_cast %select_n3A : i32 to index
      %swap3A_124 = arith.index_cast %mul3A_123 : i32 to index
      %swap3A_125 = tpu.vector_load %arg9[%swap3A, %swap3A_124] {strides = array<i32>} : memref<56x128xf32, #tpu.memory_space<vmem>>, vector<16xf32>,
      tpu.vector_store %arg9[%swap3A, %swap3A_124], %broadcast_in_dim3A_1 {strides = array<i32>} : memref<56x128xf32, #tpu.memory_space<vmem>>, vector<16xf32>,
      %scan3A_126 = arith.constant 0 : i32
      scf.yield %scan3A_126 : i32
    }
    %scan3A_7 = arith.constant 448 : i32
    %mul3A_8 = arith.constant 328 : i32
    %mul3A_9 = arith.muli %arg1, %mul3A_8 : i32
    %add3A = arith.constant 0 : i32
    %add3A_10 = arith.addi %mul3A_9, %add3A : i32
    "tpu.region"() ({
      %run_scoped3A = tpu.sem_alloc : memref<!tpu.dma_semaphore, #tpu.memory_space<semaphore_mem>>
      %dma_start3A = arith.constant 0 : i32
      %dma_start3A_90 = tpu.memref_slice %arg10[%add3A_10, %dma_start3A] : memref<5248x128xf32, #tpu.memory_space<vmem_shared>> -> memref<56x128xf32, #tpu.memory_space<vmem_shared>>
      %dma_start3A_91 = arith.constant 0 : i32
      %dma_start3A_92 = tpu.memref_slice %arg10[%add3A_10, %dma_start3A_91] : memref<5248x128xf32, #tpu.memory_space<vmem_shared>> -> memref<56x128xf32, #tpu.memory_space<vmem_shared>>
      tpu.enqueue_dma source(%arg9 : memref<56x128xf32, #tpu.memory_space<vmem>>) target(%dma_start3A_92 : memref<56x128xf32, #tpu.memory_space<vmem_shared>>) target_semaphore(%run_scoped3A : memref<!tpu.dma_semaphore, #tpu.memory_space<semaphore_mem>>)
      %dma_wait3A = arith.constant 0 : i32
      %dma_wait3A_93 = tpu.memref_slice %arg10[%add3A_10, %dma_wait3A] : memref<5248x128xf32, #tpu.memory_space<vmem_shared>> -> memref<56x128xf32, #tpu.memory_space<vmem_shared>>
      %dma_wait3A_94 = arith.constant 0 : i32
      %dma_wait3A_95 = tpu.memref_slice %arg10[%add3A_10, %dma_wait3A_94] : memref<5248x128xf32, #tpu.memory_space<vmem_shared>> -> memref<56x128xf32, #tpu.memory_space<vmem_shared>>
      tpu.wait_dma2 semaphore(%run_scoped3A : memref<!tpu.dma_semaphore, #tpu.memory_space<semaphore_mem>>) src(%arg9 : memref<56x128xf32, #tpu.memory_space<vmem>>) dst(%dma_wait3A_95 : memref<56x128xf32, #tpu.memory_space<vmem_shared>>)
      tpu.yield
    }) : () -> ()
    %mul3A_11 = arith.constant 328 : i32
    %mul3A_12 = arith.muli %arg1, %mul3A_11 : i32
    %add3A_13 = arith.constant 56 : i32
    %add3A_14 = arith.addi %mul3A_12, %add3A_13 : i32
    "tpu.region"() ({
      %run_scoped3A = tpu.sem_alloc : memref<!tpu.dma_semaphore, #tpu.memory_space<semaphore_mem>>
      %dma_start3A = arith.constant 0 : i32
      %dma_start3A_90 = tpu.memref_slice %arg10[%add3A_14, %dma_start3A] : memref<5248x128xf32, #tpu.memory_space<vmem_shared>> -> memref<56x128xf32, #tpu.memory_space<vmem_shared>>
      %dma_start3A_91 = arith.constant 0 : i32
      %dma_start3A_92 = tpu.memref_slice %arg10[%add3A_14, %dma_start3A_91] : memref<5248x128xf32, #tpu.memory_space<vmem_shared>> -> memref<56x128xf32, #tpu.memory_space<vmem_shared>>
      tpu.enqueue_dma source(%arg9 : memref<56x128xf32, #tpu.memory_space<vmem>>) target(%dma_start3A_92 : memref<56x128xf32, #tpu.memory_space<vmem_shared>>) target_semaphore(%run_scoped3A : memref<!tpu.dma_semaphore, #tpu.memory_space<semaphore_mem>>)
      %dma_wait3A = arith.constant 0 : i32
      %dma_wait3A_93 = tpu.memref_slice %arg10[%add3A_14, %dma_wait3A] : memref<5248x128xf32, #tpu.memory_space<vmem_shared>> -> memref<56x128xf32, #tpu.memory_space<vmem_shared>>
      %dma_wait3A_94 = arith.constant 0 : i32
      %dma_wait3A_95 = tpu.memref_slice %arg10[%add3A_14, %dma_wait3A_94] : memref<5248x128xf32, #tpu.memory_space<vmem_shared>> -> memref<56x128xf32, #tpu.memory_space<vmem_shared>>
      tpu.wait_dma2 semaphore(%run_scoped3A : memref<!tpu.dma_semaphore, #tpu.memory_space<semaphore_mem>>) src(%arg9 : memref<56x128xf32, #tpu.memory_space<vmem>>) dst(%dma_wait3A_95 : memref<56x128xf32, #tpu.memory_space<vmem_shared>>)
      tpu.yield
    }) : () -> ()
    %mul3A_15 = arith.constant 328 : i32
    %mul3A_16 = arith.muli %arg1, %mul3A_15 : i32
    %add3A_17 = arith.constant 112 : i32
    %add3A_18 = arith.addi %mul3A_16, %add3A_17 : i32
    "tpu.region"() ({
      %run_scoped3A = tpu.sem_alloc : memref<!tpu.dma_semaphore, #tpu.memory_space<semaphore_mem>>
      %dma_start3A = arith.constant 0 : i32
      %dma_start3A_90 = tpu.memref_slice %arg10[%add3A_18, %dma_start3A] : memref<5248x128xf32, #tpu.memory_space<vmem_shared>> -> memref<56x128xf32, #tpu.memory_space<vmem_shared>>
      %dma_start3A_91 = arith.constant 0 : i32
      %dma_start3A_92 = tpu.memref_slice %arg10[%add3A_18, %dma_start3A_91] : memref<5248x128xf32, #tpu.memory_space<vmem_shared>> -> memref<56x128xf32, #tpu.memory_space<vmem_shared>>
      tpu.enqueue_dma source(%arg9 : memref<56x128xf32, #tpu.memory_space<vmem>>) target(%dma_start3A_92 : memref<56x128xf32, #tpu.memory_space<vmem_shared>>) target_semaphore(%run_scoped3A : memref<!tpu.dma_semaphore, #tpu.memory_space<semaphore_mem>>)
      %dma_wait3A = arith.constant 0 : i32
      %dma_wait3A_93 = tpu.memref_slice %arg10[%add3A_18, %dma_wait3A] : memref<5248x128xf32, #tpu.memory_space<vmem_shared>> -> memref<56x128xf32, #tpu.memory_space<vmem_shared>>
      %dma_wait3A_94 = arith.constant 0 : i32
      %dma_wait3A_95 = tpu.memref_slice %arg10[%add3A_18, %dma_wait3A_94] : memref<5248x128xf32, #tpu.memory_space<vmem_shared>> -> memref<56x128xf32, #tpu.memory_space<vmem_shared>>
      tpu.wait_dma2 semaphore(%run_scoped3A : memref<!tpu.dma_semaphore, #tpu.memory_space<semaphore_mem>>) src(%arg9 : memref<56x128xf32, #tpu.memory_space<vmem>>) dst(%dma_wait3A_95 : memref<56x128xf32, #tpu.memory_space<vmem_shared>>)
      tpu.yield
    }) : () -> ()
    %mul3A_19 = arith.constant 328 : i32
    %mul3A_20 = arith.muli %arg1, %mul3A_19 : i32
    %add3A_21 = arith.constant 168 : i32
    %add3A_22 = arith.addi %mul3A_20, %add3A_21 : i32
    "tpu.region"() ({
      %run_scoped3A = tpu.sem_alloc : memref<!tpu.dma_semaphore, #tpu.memory_space<semaphore_mem>>
      %dma_start3A = arith.constant 0 : i32
      %dma_start3A_90 = tpu.memref_slice %arg10[%add3A_22, %dma_start3A] : memref<5248x128xf32, #tpu.memory_space<vmem_shared>> -> memref<56x128xf32, #tpu.memory_space<vmem_shared>>
      %dma_start3A_91 = arith.constant 0 : i32
      %dma_start3A_92 = tpu.memref_slice %arg10[%add3A_22, %dma_start3A_91] : memref<5248x128xf32, #tpu.memory_space<vmem_shared>> -> memref<56x128xf32, #tpu.memory_space<vmem_shared>>
      tpu.enqueue_dma source(%arg9 : memref<56x128xf32, #tpu.memory_space<vmem>>) target(%dma_start3A_92 : memref<56x128xf32, #tpu.memory_space<vmem_shared>>) target_semaphore(%run_scoped3A : memref<!tpu.dma_semaphore, #tpu.memory_space<semaphore_mem>>)
      %dma_wait3A = arith.constant 0 : i32
      %dma_wait3A_93 = tpu.memref_slice %arg10[%add3A_22, %dma_wait3A] : memref<5248x128xf32, #tpu.memory_space<vmem_shared>> -> memref<56x128xf32, #tpu.memory_space<vmem_shared>>
      %dma_wait3A_94 = arith.constant 0 : i32
      %dma_wait3A_95 = tpu.memref_slice %arg10[%add3A_22, %dma_wait3A_94] : memref<5248x128xf32, #tpu.memory_space<vmem_shared>> -> memref<56x128xf32, #tpu.memory_space<vmem_shared>>
      tpu.wait_dma2 semaphore(%run_scoped3A : memref<!tpu.dma_semaphore, #tpu.memory_space<semaphore_mem>>) src(%arg9 : memref<56x128xf32, #tpu.memory_space<vmem>>) dst(%dma_wait3A_95 : memref<56x128xf32, #tpu.memory_space<vmem_shared>>)
      tpu.yield
    }) : () -> ()
    %mul3A_23 = arith.constant 328 : i32
    %mul3A_24 = arith.muli %arg1, %mul3A_23 : i32
    %add3A_25 = arith.constant 224 : i32
    %add3A_26 = arith.addi %mul3A_24, %add3A_25 : i32
    "tpu.region"() ({
      %run_scoped3A = tpu.sem_alloc : memref<!tpu.dma_semaphore, #tpu.memory_space<semaphore_mem>>
      %dma_start3A = arith.constant 0 : i32
      %dma_start3A_90 = tpu.memref_slice %arg10[%add3A_26, %dma_start3A] : memref<5248x128xf32, #tpu.memory_space<vmem_shared>> -> memref<56x128xf32, #tpu.memory_space<vmem_shared>>
      %dma_start3A_91 = arith.constant 0 : i32
      %dma_start3A_92 = tpu.memref_slice %arg10[%add3A_26, %dma_start3A_91] : memref<5248x128xf32, #tpu.memory_space<vmem_shared>> -> memref<56x128xf32, #tpu.memory_space<vmem_shared>>
      tpu.enqueue_dma source(%arg9 : memref<56x128xf32, #tpu.memory_space<vmem>>) target(%dma_start3A_92 : memref<56x128xf32, #tpu.memory_space<vmem_shared>>) target_semaphore(%run_scoped3A : memref<!tpu.dma_semaphore, #tpu.memory_space<semaphore_mem>>)
      %dma_wait3A = arith.constant 0 : i32
      %dma_wait3A_93 = tpu.memref_slice %arg10[%add3A_26, %dma_wait3A] : memref<5248x128xf32, #tpu.memory_space<vmem_shared>> -> memref<56x128xf32, #tpu.memory_space<vmem_shared>>
      %dma_wait3A_94 = arith.constant 0 : i32
      %dma_wait3A_95 = tpu.memref_slice %arg10[%add3A_26, %dma_wait3A_94] : memref<5248x128xf32, #tpu.memory_space<vmem_shared>> -> memref<56x128xf32, #tpu.memory_space<vmem_shared>>
      tpu.wait_dma2 semaphore(%run_scoped3A : memref<!tpu.dma_semaphore, #tpu.memory_space<semaphore_mem>>) src(%arg9 : memref<56x128xf32, #tpu.memory_space<vmem>>) dst(%dma_wait3A_95 : memref<56x128xf32, #tpu.memory_space<vmem_shared>>)
      tpu.yield
    }) : () -> ()
    %mul3A_27 = arith.constant 328 : i32
    %mul3A_28 = arith.muli %arg1, %mul3A_27 : i32
    %add3A_29 = arith.constant 280 : i32
    %add3A_30 = arith.addi %mul3A_28, %add3A_29 : i32
    "tpu.region"() ({
      %run_scoped3A = tpu.sem_alloc : memref<!tpu.dma_semaphore, #tpu.memory_space<semaphore_mem>>
      %dma_start3A = arith.constant 0 : i32
      %dma_start3A_90 = arith.constant 0 : i32
      %dma_start3A_91 = tpu.memref_slice %arg9[%dma_start3A, %dma_start3A_90] : memref<56x128xf32, #tpu.memory_space<vmem>> -> memref<48x128xf32, #tpu.memory_space<vmem>>
      %dma_start3A_92 = arith.constant 0 : i32
      %dma_start3A_93 = tpu.memref_slice %arg10[%add3A_30, %dma_start3A_92] : memref<5248x128xf32, #tpu.memory_space<vmem_shared>> -> memref<48x128xf32, #tpu.memory_space<vmem_shared>>
      %dma_start3A_94 = arith.constant 0 : i32
      %dma_start3A_95 = tpu.memref_slice %arg10[%add3A_30, %dma_start3A_94] : memref<5248x128xf32, #tpu.memory_space<vmem_shared>> -> memref<48x128xf32, #tpu.memory_space<vmem_shared>>
      %dma_start3A_96 = arith.constant 0 : i32
      %dma_start3A_97 = arith.constant 0 : i32
      %dma_start3A_98 = tpu.memref_slice %arg9[%dma_start3A_96, %dma_start3A_97] : memref<56x128xf32, #tpu.memory_space<vmem>> -> memref<48x128xf32, #tpu.memory_space<vmem>>
      tpu.enqueue_dma source(%dma_start3A_98 : memref<48x128xf32, #tpu.memory_space<vmem>>) target(%dma_start3A_95 : memref<48x128xf32, #tpu.memory_space<vmem_shared>>) target_semaphore(%run_scoped3A : memref<!tpu.dma_semaphore, #tpu.memory_space<semaphore_mem>>)
      %dma_wait3A = arith.constant 0 : i32
      %dma_wait3A_99 = arith.constant 0 : i32
      %dma_wait3A_100 = tpu.memref_slice %arg9[%dma_wait3A, %dma_wait3A_99] : memref<56x128xf32, #tpu.memory_space<vmem>> -> memref<48x128xf32, #tpu.memory_space<vmem>>
      %dma_wait3A_101 = arith.constant 0 : i32
      %dma_wait3A_102 = tpu.memref_slice %arg10[%add3A_30, %dma_wait3A_101] : memref<5248x128xf32, #tpu.memory_space<vmem_shared>> -> memref<48x128xf32, #tpu.memory_space<vmem_shared>>
      %dma_wait3A_103 = arith.constant 0 : i32
      %dma_wait3A_104 = tpu.memref_slice %arg10[%add3A_30, %dma_wait3A_103] : memref<5248x128xf32, #tpu.memory_space<vmem_shared>> -> memref<48x128xf32, #tpu.memory_space<vmem_shared>>
      %dma_wait3A_105 = arith.constant 0 : i32
      %dma_wait3A_106 = arith.constant 0 : i32
      %dma_wait3A_107 = tpu.memref_slice %arg9[%dma_wait3A_105, %dma_wait3A_106] : memref<56x128xf32, #tpu.memory_space<vmem>> -> memref<48x128xf32, #tpu.memory_space<vmem>>
      tpu.wait_dma2 semaphore(%run_scoped3A : memref<!tpu.dma_semaphore, #tpu.memory_space<semaphore_mem>>) src(%dma_wait3A_107 : memref<48x128xf32, #tpu.memory_space<vmem>>) dst(%dma_wait3A_104 : memref<48x128xf32, #tpu.memory_space<vmem_shared>>)
      tpu.yield
    }) : () -> ()
    %barrier3A = arith.constant 0 : index
    tpu.barrier barrier_id(%barrier3A)
    %mul3A_31 = arith.constant 2 : i32
    %mul3A_32 = arith.muli %mul3A_31, %arg1 : i32
    %add3A_33 = arith.constant 0 : i32
    %add3A_34 = arith.addi %mul3A_32, %add3A_33 : i32
    "tpu.region"() ({
      %run_scoped3A = tpu.sem_alloc : memref<!tpu.dma_semaphore, #tpu.memory_space<semaphore_mem>>
      %dma_start3A = arith.constant 0 : i32
      %dma_start3A_90 = arith.constant 0 : i32
      %dma_start3A_91 = arith.constant 0 : i32
      %dma_start3A_92 = tpu.memref_slice %arg3[%arg0, %dma_start3A, %dma_start3A_90, %dma_start3A_91] : memref<2x32x80x128xi32, #tpu.memory_space<hbm>> -> memref<1x32x80x128xi32, #tpu.memory_space<hbm>>
      %dma_start3A_93 = tpu.memref_squeeze %dma_start3A_92 : memref<1x32x80x128xi32, #tpu.memory_space<hbm>> -> memref<32x80x128xi32, #tpu.memory_space<hbm>>
      %dma_start3A_94 = arith.constant 0 : i32
      %dma_start3A_95 = arith.constant 0 : i32
      %dma_start3A_96 = tpu.memref_slice %dma_start3A_93[%add3A_34, %dma_start3A_94, %dma_start3A_95] : memref<32x80x128xi32, #tpu.memory_space<hbm>> -> memref<1x80x128xi32, #tpu.memory_space<hbm>>
      %dma_start3A_97 = tpu.memref_squeeze %dma_start3A_96 : memref<1x80x128xi32, #tpu.memory_space<hbm>> -> memref<80x128xi32, #tpu.memory_space<hbm>>
      %dma_start3A_98 = arith.constant 0 : i32
      %dma_start3A_99 = arith.constant 0 : i32
      %dma_start3A_100 = arith.constant 0 : i32
      %dma_start3A_101 = tpu.memref_slice %arg3[%arg0, %dma_start3A_98, %dma_start3A_99, %dma_start3A_100] : memref<2x32x80x128xi32, #tpu.memory_space<hbm>> -> memref<1x32x80x128xi32, #tpu.memory_space<hbm>>
      %dma_start3A_102 = tpu.memref_squeeze %dma_start3A_101 : memref<1x32x80x128xi32, #tpu.memory_space<hbm>> -> memref<32x80x128xi32, #tpu.memory_space<hbm>>
      %dma_start3A_103 = arith.constant 0 : i32
      %dma_start3A_104 = arith.constant 0 : i32
      %dma_start3A_105 = tpu.memref_slice %dma_start3A_102[%add3A_34, %dma_start3A_103, %dma_start3A_104] : memref<32x80x128xi32, #tpu.memory_space<hbm>> -> memref<1x80x128xi32, #tpu.memory_space<hbm>>
      %dma_start3A_106 = tpu.memref_squeeze %dma_start3A_105 : memref<1x80x128xi32, #tpu.memory_space<hbm>> -> memref<80x128xi32, #tpu.memory_space<hbm>>
      tpu.enqueue_dma source(%dma_start3A_106 : memref<80x128xi32, #tpu.memory_space<hbm>>) target(%arg5 : memref<80x128xi32, #tpu.memory_space<vmem>>) target_semaphore(%run_scoped3A : memref<!tpu.dma_semaphore, #tpu.memory_space<semaphore_mem>>)
      %dma_wait3A = arith.constant 0 : i32
      %dma_wait3A_107 = arith.constant 0 : i32
      %dma_wait3A_108 = arith.constant 0 : i32
      %dma_wait3A_109 = tpu.memref_slice %arg3[%arg0, %dma_wait3A, %dma_wait3A_107, %dma_wait3A_108] : memref<2x32x80x128xi32, #tpu.memory_space<hbm>> -> memref<1x32x80x128xi32, #tpu.memory_space<hbm>>
      %dma_wait3A_110 = tpu.memref_squeeze %dma_wait3A_109 : memref<1x32x80x128xi32, #tpu.memory_space<hbm>> -> memref<32x80x128xi32, #tpu.memory_space<hbm>>
      %dma_wait3A_111 = arith.constant 0 : i32
      %dma_wait3A_112 = arith.constant 0 : i32
      %dma_wait3A_113 = tpu.memref_slice %dma_wait3A_110[%add3A_34, %dma_wait3A_111, %dma_wait3A_112] : memref<32x80x128xi32, #tpu.memory_space<hbm>> -> memref<1x80x128xi32, #tpu.memory_space<hbm>>
      %dma_wait3A_114 = tpu.memref_squeeze %dma_wait3A_113 : memref<1x80x128xi32, #tpu.memory_space<hbm>> -> memref<80x128xi32, #tpu.memory_space<hbm>>
      %dma_wait3A_115 = arith.constant 0 : i32
      %dma_wait3A_116 = arith.constant 0 : i32
      %dma_wait3A_117 = arith.constant 0 : i32
      %dma_wait3A_118 = tpu.memref_slice %arg3[%arg0, %dma_wait3A_115, %dma_wait3A_116, %dma_wait3A_117] : memref<2x32x80x128xi32, #tpu.memory_space<hbm>> -> memref<1x32x80x128xi32, #tpu.memory_space<hbm>>
      %dma_wait3A_119 = tpu.memref_squeeze %dma_wait3A_118 : memref<1x32x80x128xi32, #tpu.memory_space<hbm>> -> memref<32x80x128xi32, #tpu.memory_space<hbm>>
      %dma_wait3A_120 = arith.constant 0 : i32
      %dma_wait3A_121 = arith.constant 0 : i32
      %dma_wait3A_122 = tpu.memref_slice %dma_wait3A_119[%add3A_34, %dma_wait3A_120, %dma_wait3A_121] : memref<32x80x128xi32, #tpu.memory_space<hbm>> -> memref<1x80x128xi32, #tpu.memory_space<hbm>>
      %dma_wait3A_123 = tpu.memref_squeeze %dma_wait3A_122 : memref<1x80x128xi32, #tpu.memory_space<hbm>> -> memref<80x128xi32, #tpu.memory_space<hbm>>
      tpu.wait_dma2 semaphore(%run_scoped3A : memref<!tpu.dma_semaphore, #tpu.memory_space<semaphore_mem>>) src(%dma_wait3A_123 : memref<80x128xi32, #tpu.memory_space<hbm>>) dst(%arg5 : memref<80x128xi32, #tpu.memory_space<vmem>>)
      tpu.yield
    }) : () -> ()
    %scan3A_35 = arith.constant 0 : i32
    %scan3A_36 = arith.constant 0 : i32
    %scan3A_37 = arith.constant 80 : i32
    %scan3A_38 = arith.addi %scan3A_36, %scan3A_37 : i32
    %scan3A_39 = arith.constant 1 : i32
    %scan3A_40 = scf.for %scan3A_90 = %scan3A_36 to %scan3A_38 step %scan3A_39 iter_args(%scan3A_91 = %scan3A_35) -> (i32)  : i32 {
      %get3A = arith.index_cast %scan3A_90 : i32 to index
      %get3A_92 = arith.constant 0 : index
      %get3A_93 = tpu.vector_load %arg5[%get3A, %get3A_92] {strides = array<i32>} : memref<80x128xi32, #tpu.memory_space<vmem>>, vector<16xi32>,
      %ne3A = arith.constant 268419072 : i32
      %ne3A_94 = vector.broadcast %ne3A : i32 to vector<16xi32>
      %ne3A_95 = arith.cmpi ne, %get3A_93, %ne3A_94 : vector<16xi32>
      %convert_element_type3A_96 = arith.extui %ne3A_95 : vector<16xi1> to vector<16xi32>
      %reduce_sum3A = arith.constant true
      %reduce_sum3A_97 = vector.broadcast %reduce_sum3A : i1 to vector<16xi1>
      %reduce_sum3A_98 = tpu.scan <sum>, %convert_element_type3A_96 masked %reduce_sum3A_97 : vector<16xi32>, vector<16xi1> -> vector<16xi32>
      %reduce_sum3A_99 = vector.extract %reduce_sum3A_98[15] : i32 from vector<16xi32>
      %min3A = arith.constant 1 : i32
      %min3A_100 = arith.minsi %reduce_sum3A_99, %min3A : i32
      %add3A_101 = arith.addi %scan3A_91, %min3A_100 : i32
      scf.yield %add3A_101 : i32
    }
    %scan3A_41 = arith.constant 80 : i32
    %mul3A_42 = arith.constant 8 : i32
    %mul3A_43 = arith.muli %scan3A_40, %mul3A_42 : i32
    %while3A = arith.constant 0 : i32
    %while3A_44 = arith.constant 0 : i32
    %while3A_45 = arith.subi %mul3A_43, %while3A : i32
    %while3A_46 = arith.addi %while3A, %while3A_45 : i32
    %while3A_47 = arith.constant 1 : i32
    %while3A_48 = arith.divsi %while3A_45, %while3A_47 : i32
    %while3A_49 = arith.muli %while3A_48, %while3A_47 : i32
    %while3A_50 = arith.addi %while3A, %while3A_49 : i32
    %while3A_51 = arith.constant 1 : i32
    %while3A_52 = scf.for %while3A_90 = %while3A to %while3A_50 step %while3A_51 iter_args(%while3A_91 = %while3A_44) -> (i32)  : i32 {
      %jit3A = arith.constant 8 : i32
      %div3A = arith.divsi %while3A_90, %jit3A : i32
      %sign3A = arith.constant 0 : i32
      %sign3A_92 = arith.cmpi sgt, %while3A_90, %sign3A : i32
      %sign3A_93 = arith.extui %sign3A_92 : i1 to i32
      %sign3A_94 = arith.constant 0 : i32
      %sign3A_95 = arith.cmpi slt, %while3A_90, %sign3A_94 : i32
      %sign3A_96 = arith.extui %sign3A_95 : i1 to i32
      %sign3A_97 = arith.subi %sign3A_93, %sign3A_96 : i32
      %sign3A_98 = arith.constant 0 : i32
      %sign3A_99 = arith.cmpi sgt, %jit3A, %sign3A_98 : i32
      %sign3A_100 = arith.extui %sign3A_99 : i1 to i32
      %sign3A_101 = arith.constant 0 : i32
      %sign3A_102 = arith.cmpi slt, %jit3A, %sign3A_101 : i32
      %sign3A_103 = arith.extui %sign3A_102 : i1 to i32
      %sign3A_104 = arith.subi %sign3A_100, %sign3A_103 : i32
      %ne3A = arith.cmpi ne, %sign3A_97, %sign3A_104 : i32
      %rem3A = arith.remsi %while3A_90, %jit3A : i32
      %ne3A_105 = arith.constant 0 : i32
      %ne3A_106 = arith.cmpi ne, %rem3A, %ne3A_105 : i32
      %and3A = arith.andi %ne3A, %ne3A_106 : i1
      %sub3A = arith.constant 1 : i32
      %sub3A_107 = arith.subi %div3A, %sub3A : i32
      %select_n3A = arith.select %and3A, %sub3A_107, %div3A : i32
      %jit3A_108 = arith.constant 8 : i32
      %eq3A = arith.constant 0 : i32
      %eq3A_109 = arith.cmpi eq, %jit3A_108, %eq3A : i32
      %jit3A_110 = arith.constant 1 : i32
      %select_n3A_111 = arith.select %eq3A_109, %jit3A_110, %jit3A_108 : i32
      %rem3A_112 = arith.remsi %while3A_90, %select_n3A_111 : i32
      %ne3A_113 = arith.constant 0 : i32
      %ne3A_114 = arith.cmpi ne, %rem3A_112, %ne3A_113 : i32
      %lt3A = arith.constant 0 : i32
      %lt3A_115 = arith.cmpi slt, %rem3A_112, %lt3A : i32
      %lt3A_116 = arith.constant 0 : i32
      %lt3A_117 = arith.cmpi slt, %select_n3A_111, %lt3A_116 : i32
      %ne3A_118 = arith.xori %lt3A_115, %lt3A_117 : i1
      %and3A_119 = arith.andi %ne3A_118, %ne3A_114 : i1
      %add3A_120 = arith.addi %rem3A_112, %select_n3A_111 : i32
      %select_n3A_121 = arith.select %and3A_119, %add3A_120, %rem3A_112 : i32
      %mul3A_122 = arith.constant 16 : i32
      %mul3A_123 = arith.muli %select_n3A_121, %mul3A_122 : i32
      %get3A = arith.index_cast %select_n3A : i32 to index
      %get3A_124 = arith.index_cast %mul3A_123 : i32 to index
      %get3A_125 = tpu.vector_load %arg5[%get3A, %get3A_124] {strides = array<i32>} : memref<80x128xi32, #tpu.memory_space<vmem>>, vector<16xi32>,
      %shift_right_logical3A = arith.constant 14 : i32
      %shift_right_logical3A_126 = vector.broadcast %shift_right_logical3A : i32 to vector<16xi32>
      %shift_right_logical3A_127 = arith.shrui %get3A_125, %shift_right_logical3A_126 : vector<16xi32>
      %sub3A_128 = vector.broadcast %mul3A_0 : i32 to vector<16xi32>
      %sub3A_129 = arith.subi %shift_right_logical3A_127, %sub3A_128 : vector<16xi32>
      %iota3A = tpu.iota {dimensions = array<i32: 0>} : vector<16xi32>
      %add3A_130 = vector.broadcast %select_n3A : i32 to vector<16xi32>
      %add3A_131 = arith.addi %iota3A, %add3A_130 : vector<16xi32>
      %and3A_132 = arith.constant 127 : i32
      %and3A_133 = vector.broadcast %and3A_132 : i32 to vector<16xi32>
      %and3A_134 = arith.andi %add3A_131, %and3A_133 : vector<16xi32>
      %add3A_135 = arith.constant 5120 : i32
      %add3A_136 = vector.broadcast %add3A_135 : i32 to vector<16xi32>
      %add3A_137 = arith.addi %add3A_136, %and3A_134 : vector<16xi32>
      %min3A = arith.minsi %sub3A_129, %add3A_137 : vector<16xi32>
      %swap3A = arith.index_cast %select_n3A : i32 to index
      %swap3A_138 = arith.index_cast %mul3A_123 : i32 to index
      %swap3A_139 = tpu.vector_load %arg6[%swap3A, %swap3A_138] {strides = array<i32>} : memref<80x128xi32, #tpu.memory_space<vmem>>, vector<16xi32>,
      tpu.vector_store %arg6[%swap3A, %swap3A_138], %min3A {strides = array<i32>} : memref<80x128xi32, #tpu.memory_space<vmem>>, vector<16xi32>,
      %and3A_140 = arith.constant 16383 : i32
      %and3A_141 = vector.broadcast %and3A_140 : i32 to vector<16xi32>
      %and3A_142 = arith.andi %get3A_125, %and3A_141 : vector<16xi32>
      %swap3A_143 = arith.index_cast %select_n3A : i32 to index
      %swap3A_144 = arith.index_cast %mul3A_123 : i32 to index
      %swap3A_145 = tpu.vector_load %arg5[%swap3A_143, %swap3A_144] {strides = array<i32>} : memref<80x128xi32, #tpu.memory_space<vmem>>, vector<16xi32>,
      tpu.vector_store %arg5[%swap3A_143, %swap3A_144], %and3A_142 {strides = array<i32>} : memref<80x128xi32, #tpu.memory_space<vmem>>, vector<16xi32>,
      %while3A_146 = arith.constant 0 : i32
      scf.yield %while3A_146 : i32
    }
    %while3A_53 = arith.constant 1 : i32
    %while3A_54 = scf.for %while3A_90 = %while3A_50 to %while3A_46 step %while3A_53 iter_args(%while3A_91 = %while3A_52) -> (i32)  : i32 {
      %jit3A = arith.constant 8 : i32
      %div3A = arith.divsi %while3A_90, %jit3A : i32
      %sign3A = arith.constant 0 : i32
      %sign3A_92 = arith.cmpi sgt, %while3A_90, %sign3A : i32
      %sign3A_93 = arith.extui %sign3A_92 : i1 to i32
      %sign3A_94 = arith.constant 0 : i32
      %sign3A_95 = arith.cmpi slt, %while3A_90, %sign3A_94 : i32
      %sign3A_96 = arith.extui %sign3A_95 : i1 to i32
      %sign3A_97 = arith.subi %sign3A_93, %sign3A_96 : i32
      %sign3A_98 = arith.constant 0 : i32
      %sign3A_99 = arith.cmpi sgt, %jit3A, %sign3A_98 : i32
      %sign3A_100 = arith.extui %sign3A_99 : i1 to i32
      %sign3A_101 = arith.constant 0 : i32
      %sign3A_102 = arith.cmpi slt, %jit3A, %sign3A_101 : i32
      %sign3A_103 = arith.extui %sign3A_102 : i1 to i32
      %sign3A_104 = arith.subi %sign3A_100, %sign3A_103 : i32
      %ne3A = arith.cmpi ne, %sign3A_97, %sign3A_104 : i32
      %rem3A = arith.remsi %while3A_90, %jit3A : i32
      %ne3A_105 = arith.constant 0 : i32
      %ne3A_106 = arith.cmpi ne, %rem3A, %ne3A_105 : i32
      %and3A = arith.andi %ne3A, %ne3A_106 : i1
      %sub3A = arith.constant 1 : i32
      %sub3A_107 = arith.subi %div3A, %sub3A : i32
      %select_n3A = arith.select %and3A, %sub3A_107, %div3A : i32
      %jit3A_108 = arith.constant 8 : i32
      %eq3A = arith.constant 0 : i32
      %eq3A_109 = arith.cmpi eq, %jit3A_108, %eq3A : i32
      %jit3A_110 = arith.constant 1 : i32
      %select_n3A_111 = arith.select %eq3A_109, %jit3A_110, %jit3A_108 : i32
      %rem3A_112 = arith.remsi %while3A_90, %select_n3A_111 : i32
      %ne3A_113 = arith.constant 0 : i32
      %ne3A_114 = arith.cmpi ne, %rem3A_112, %ne3A_113 : i32
      %lt3A = arith.constant 0 : i32
      %lt3A_115 = arith.cmpi slt, %rem3A_112, %lt3A : i32
      %lt3A_116 = arith.constant 0 : i32
      %lt3A_117 = arith.cmpi slt, %select_n3A_111, %lt3A_116 : i32
      %ne3A_118 = arith.xori %lt3A_115, %lt3A_117 : i1
      %and3A_119 = arith.andi %ne3A_118, %ne3A_114 : i1
      %add3A_120 = arith.addi %rem3A_112, %select_n3A_111 : i32
      %select_n3A_121 = arith.select %and3A_119, %add3A_120, %rem3A_112 : i32
      %mul3A_122 = arith.constant 16 : i32
      %mul3A_123 = arith.muli %select_n3A_121, %mul3A_122 : i32
      %get3A = arith.index_cast %select_n3A : i32 to index
      %get3A_124 = arith.index_cast %mul3A_123 : i32 to index
      %get3A_125 = tpu.vector_load %arg5[%get3A, %get3A_124] {strides = array<i32>} : memref<80x128xi32, #tpu.memory_space<vmem>>, vector<16xi32>,
      %shift_right_logical3A = arith.constant 14 : i32
      %shift_right_logical3A_126 = vector.broadcast %shift_right_logical3A : i32 to vector<16xi32>
      %shift_right_logical3A_127 = arith.shrui %get3A_125, %shift_right_logical3A_126 : vector<16xi32>
      %sub3A_128 = vector.broadcast %mul3A_0 : i32 to vector<16xi32>
      %sub3A_129 = arith.subi %shift_right_logical3A_127, %sub3A_128 : vector<16xi32>
      %iota3A = tpu.iota {dimensions = array<i32: 0>} : vector<16xi32>
      %add3A_130 = vector.broadcast %select_n3A : i32 to vector<16xi32>
      %add3A_131 = arith.addi %iota3A, %add3A_130 : vector<16xi32>
      %and3A_132 = arith.constant 127 : i32
      %and3A_133 = vector.broadcast %and3A_132 : i32 to vector<16xi32>
      %and3A_134 = arith.andi %add3A_131, %and3A_133 : vector<16xi32>
      %add3A_135 = arith.constant 5120 : i32
      %add3A_136 = vector.broadcast %add3A_135 : i32 to vector<16xi32>
      %add3A_137 = arith.addi %add3A_136, %and3A_134 : vector<16xi32>
      %min3A = arith.minsi %sub3A_129, %add3A_137 : vector<16xi32>
      %swap3A = arith.index_cast %select_n3A : i32 to index
      %swap3A_138 = arith.index_cast %mul3A_123 : i32 to index
      %swap3A_139 = tpu.vector_load %arg6[%swap3A, %swap3A_138] {strides = array<i32>} : memref<80x128xi32, #tpu.memory_space<vmem>>, vector<16xi32>,
      tpu.vector_store %arg6[%swap3A, %swap3A_138], %min3A {strides = array<i32>} : memref<80x128xi32, #tpu.memory_space<vmem>>, vector<16xi32>,
      %and3A_140 = arith.constant 16383 : i32
      %and3A_141 = vector.broadcast %and3A_140 : i32 to vector<16xi32>
      %and3A_142 = arith.andi %get3A_125, %and3A_141 : vector<16xi32>
      %swap3A_143 = arith.index_cast %select_n3A : i32 to index
      %swap3A_144 = arith.index_cast %mul3A_123 : i32 to index
      %swap3A_145 = tpu.vector_load %arg5[%swap3A_143, %swap3A_144] {strides = array<i32>} : memref<80x128xi32, #tpu.memory_space<vmem>>, vector<16xi32>,
      tpu.vector_store %arg5[%swap3A_143, %swap3A_144], %and3A_142 {strides = array<i32>} : memref<80x128xi32, #tpu.memory_space<vmem>>, vector<16xi32>,
      %while3A_146 = arith.constant 0 : i32
      scf.yield %while3A_146 : i32
    }
    %gt3A = arith.constant 0 : i32
    %gt3A_55 = arith.cmpi sgt, %scan3A_40, %gt3A : i32
    %convert_element_type3A = arith.extui %gt3A_55 : i1 to i32
    %cond3A = arith.constant 0 : i32
    %cond3A_56 = arith.cmpi ne, %convert_element_type3A, %cond3A : i32
    scf.if %cond3A_56 {
      %dma_start3A = arith.constant 0 : i32
      %dma_start3A_90 = arith.constant 0 : i32
      %dma_start3A_91 = tpu.memref_slice %arg5[%dma_start3A, %dma_start3A_90] : memref<80x128xi32, #tpu.memory_space<vmem>> -> memref<1x128xi32, #tpu.memory_space<vmem>>
      %dma_start3A_92 = tpu.memref_squeeze %dma_start3A_91 : memref<1x128xi32, #tpu.memory_space<vmem>> -> memref<128xi32, #tpu.memory_space<vmem>>
      %dma_start3A_93 = arith.constant 0 : i32
      %dma_start3A_94 = arith.constant 0 : i32
      %dma_start3A_95 = tpu.memref_slice %arg2[%dma_start3A_93, %dma_start3A_94] : memref<10240x128xf32, #tpu.memory_space<hbm>> -> memref<10240x128xf32, #tpu.memory_space<hbm>>
      tpu.enqueue_indirect_dma source(%dma_start3A_95 : memref<10240x128xf32, #tpu.memory_space<hbm>>) target(%arg7 : memref<128x128xf32, #tpu.memory_space<vmem>>) offsets(%dma_start3A_92 : memref<128xi32, #tpu.memory_space<vmem>>) semaphore(%arg11 : memref<!tpu.dma_semaphore, #tpu.memory_space<semaphore_mem>>)
      %while3A_96 = arith.constant 0 : i32
      %while3A_97 = arith.constant 0 : i32
      %while3A_98 = arith.subi %scan3A_40, %while3A_96 : i32
      %while3A_99 = arith.addi %while3A_96, %while3A_98 : i32
      %while3A_100 = arith.constant 1 : i32
      %while3A_101 = arith.divsi %while3A_98, %while3A_100 : i32
      %while3A_102 = arith.muli %while3A_101, %while3A_100 : i32
      %while3A_103 = arith.addi %while3A_96, %while3A_102 : i32
      %while3A_104 = arith.constant 1 : i32
      %while3A_105 = scf.for %while3A_108 = %while3A_96 to %while3A_103 step %while3A_104 iter_args(%while3A_109 = %while3A_97) -> (i32)  : i32 {
        %add3A_110 = arith.constant 1 : i32
        %add3A_111 = arith.addi %while3A_108, %add3A_110 : i32
        %lt3A = arith.cmpi slt, %add3A_111, %scan3A_40 : i32
        %convert_element_type3A_112 = arith.extui %lt3A : i1 to i32
        %cond3A_113 = arith.constant 0 : i32
        %cond3A_114 = arith.cmpi ne, %convert_element_type3A_112, %cond3A_113 : i32
        scf.if %cond3A_114 {
          %add3A_152 = arith.constant 1 : i32
          %add3A_153 = arith.addi %while3A_108, %add3A_152 : i32
          %jit3A_154 = arith.constant 2 : i32
          %eq3A_155 = arith.constant 0 : i32
          %eq3A_156 = arith.cmpi eq, %jit3A_154, %eq3A_155 : i32
          %jit3A_157 = arith.constant 1 : i32
          %select_n3A_158 = arith.select %eq3A_156, %jit3A_157, %jit3A_154 : i32
          %rem3A_159 = arith.remsi %add3A_153, %select_n3A_158 : i32
          %ne3A_160 = arith.constant 0 : i32
          %ne3A_161 = arith.cmpi ne, %rem3A_159, %ne3A_160 : i32
          %lt3A_162 = arith.constant 0 : i32
          %lt3A_163 = arith.cmpi slt, %rem3A_159, %lt3A_162 : i32
          %lt3A_164 = arith.constant 0 : i32
          %lt3A_165 = arith.cmpi slt, %select_n3A_158, %lt3A_164 : i32
          %ne3A_166 = arith.xori %lt3A_163, %lt3A_165 : i1
          %and3A_167 = arith.andi %ne3A_166, %ne3A_161 : i1
          %add3A_168 = arith.addi %rem3A_159, %select_n3A_158 : i32
          %select_n3A_169 = arith.select %and3A_167, %add3A_168, %rem3A_159 : i32
          %eq3A_170 = arith.constant 0 : i32
          %eq3A_171 = arith.cmpi eq, %select_n3A_169, %eq3A_170 : i32
          %convert_element_type3A_172 = arith.extui %eq3A_171 : i1 to i32
          %cond3A_173 = arith.constant 0 : i32
          %cond3A_174 = arith.cmpi ne, %convert_element_type3A_172, %cond3A_173 : i32
          scf.if %cond3A_174 {
            %add3A_198 = arith.constant 1 : i32
            %add3A_199 = arith.addi %while3A_108, %add3A_198 : i32
            %dma_start3A_200 = arith.constant 0 : i32
            %dma_start3A_201 = tpu.memref_slice %arg5[%add3A_199, %dma_start3A_200] : memref<80x128xi32, #tpu.memory_space<vmem>> -> memref<1x128xi32, #tpu.memory_space<vmem>>
            %dma_start3A_202 = tpu.memref_squeeze %dma_start3A_201 : memref<1x128xi32, #tpu.memory_space<vmem>> -> memref<128xi32, #tpu.memory_space<vmem>>
            %dma_start3A_203 = arith.constant 0 : i32
            %dma_start3A_204 = arith.constant 0 : i32
            %dma_start3A_205 = tpu.memref_slice %arg2[%dma_start3A_203, %dma_start3A_204] : memref<10240x128xf32, #tpu.memory_space<hbm>> -> memref<10240x128xf32, #tpu.memory_space<hbm>>
            tpu.enqueue_indirect_dma source(%dma_start3A_205 : memref<10240x128xf32, #tpu.memory_space<hbm>>) target(%arg7 : memref<128x128xf32, #tpu.memory_space<vmem>>) offsets(%dma_start3A_202 : memref<128xi32, #tpu.memory_space<vmem>>) semaphore(%arg11 : memref<!tpu.dma_semaphore, #tpu.memory_space<semaphore_mem>>)
          } else {
          }
          %add3A_175 = arith.constant 1 : i32
          %add3A_176 = arith.addi %while3A_108, %add3A_175 : i32
          %jit3A_177 = arith.constant 2 : i32
          %eq3A_178 = arith.constant 0 : i32
          %eq3A_179 = arith.cmpi eq, %jit3A_177, %eq3A_178 : i32
          %jit3A_180 = arith.constant 1 : i32
          %select_n3A_181 = arith.select %eq3A_179, %jit3A_180, %jit3A_177 : i32
          %rem3A_182 = arith.remsi %add3A_176, %select_n3A_181 : i32
          %ne3A_183 = arith.constant 0 : i32
          %ne3A_184 = arith.cmpi ne, %rem3A_182, %ne3A_183 : i32
          %lt3A_185 = arith.constant 0 : i32
          %lt3A_186 = arith.cmpi slt, %rem3A_182, %lt3A_185 : i32
          %lt3A_187 = arith.constant 0 : i32
          %lt3A_188 = arith.cmpi slt, %select_n3A_181, %lt3A_187 : i32
          %ne3A_189 = arith.xori %lt3A_186, %lt3A_188 : i1
          %and3A_190 = arith.andi %ne3A_189, %ne3A_184 : i1
          %add3A_191 = arith.addi %rem3A_182, %select_n3A_181 : i32
          %select_n3A_192 = arith.select %and3A_190, %add3A_191, %rem3A_182 : i32
          %eq3A_193 = arith.constant 1 : i32
          %eq3A_194 = arith.cmpi eq, %select_n3A_192, %eq3A_193 : i32
          %convert_element_type3A_195 = arith.extui %eq3A_194 : i1 to i32
          %cond3A_196 = arith.constant 0 : i32
          %cond3A_197 = arith.cmpi ne, %convert_element_type3A_195, %cond3A_196 : i32
          scf.if %cond3A_197 {
            %add3A_198 = arith.constant 1 : i32
            %add3A_199 = arith.addi %while3A_108, %add3A_198 : i32
            %dma_start3A_200 = arith.constant 0 : i32
            %dma_start3A_201 = tpu.memref_slice %arg5[%add3A_199, %dma_start3A_200] : memref<80x128xi32, #tpu.memory_space<vmem>> -> memref<1x128xi32, #tpu.memory_space<vmem>>
            %dma_start3A_202 = tpu.memref_squeeze %dma_start3A_201 : memref<1x128xi32, #tpu.memory_space<vmem>> -> memref<128xi32, #tpu.memory_space<vmem>>
            %dma_start3A_203 = arith.constant 0 : i32
            %dma_start3A_204 = arith.constant 0 : i32
            %dma_start3A_205 = tpu.memref_slice %arg2[%dma_start3A_203, %dma_start3A_204] : memref<10240x128xf32, #tpu.memory_space<hbm>> -> memref<10240x128xf32, #tpu.memory_space<hbm>>
            tpu.enqueue_indirect_dma source(%dma_start3A_205 : memref<10240x128xf32, #tpu.memory_space<hbm>>) target(%arg8 : memref<128x128xf32, #tpu.memory_space<vmem>>) offsets(%dma_start3A_202 : memref<128xi32, #tpu.memory_space<vmem>>) semaphore(%arg12 : memref<!tpu.dma_semaphore, #tpu.memory_space<semaphore_mem>>)
          } else {
          }
        } else {
        }
        %jit3A = arith.constant 2 : i32
        %eq3A = arith.constant 0 : i32
        %eq3A_115 = arith.cmpi eq, %jit3A, %eq3A : i32
        %jit3A_116 = arith.constant 1 : i32
        %select_n3A = arith.select %eq3A_115, %jit3A_116, %jit3A : i32
        %rem3A = arith.remsi %while3A_108, %select_n3A : i32
        %ne3A = arith.constant 0 : i32
        %ne3A_117 = arith.cmpi ne, %rem3A, %ne3A : i32
        %lt3A_118 = arith.constant 0 : i32
        %lt3A_119 = arith.cmpi slt, %rem3A, %lt3A_118 : i32
        %lt3A_120 = arith.constant 0 : i32
        %lt3A_121 = arith.cmpi slt, %select_n3A, %lt3A_120 : i32
        %ne3A_122 = arith.xori %lt3A_119, %lt3A_121 : i1
        %and3A = arith.andi %ne3A_122, %ne3A_117 : i1
        %add3A_123 = arith.addi %rem3A, %select_n3A : i32
        %select_n3A_124 = arith.select %and3A, %add3A_123, %rem3A : i32
        %eq3A_125 = arith.constant 0 : i32
        %eq3A_126 = arith.cmpi eq, %select_n3A_124, %eq3A_125 : i32
        %convert_element_type3A_127 = arith.extui %eq3A_126 : i1 to i32
        %cond3A_128 = arith.constant 0 : i32
        %cond3A_129 = arith.cmpi ne, %convert_element_type3A_127, %cond3A_128 : i32
        scf.if %cond3A_129 {
          %dma_wait3A = arith.constant 0 : i32
          %dma_wait3A_152 = tpu.memref_slice %arg5[%while3A_108, %dma_wait3A] : memref<80x128xi32, #tpu.memory_space<vmem>> -> memref<1x128xi32, #tpu.memory_space<vmem>>
          %dma_wait3A_153 = tpu.memref_squeeze %dma_wait3A_152 : memref<1x128xi32, #tpu.memory_space<vmem>> -> memref<128xi32, #tpu.memory_space<vmem>>
          %dma_wait3A_154 = arith.constant 0 : i32
          %dma_wait3A_155 = arith.constant 0 : i32
          %dma_wait3A_156 = tpu.memref_slice %arg2[%dma_wait3A_154, %dma_wait3A_155] : memref<10240x128xf32, #tpu.memory_space<hbm>> -> memref<10240x128xf32, #tpu.memory_space<hbm>>
          tpu.wait_indirect_dma semaphore(%arg11 : memref<!tpu.dma_semaphore, #tpu.memory_space<semaphore_mem>>) src(%dma_wait3A_156 : memref<10240x128xf32, #tpu.memory_space<hbm>>) dst(%arg7 : memref<128x128xf32, #tpu.memory_space<vmem>>)
          "tpu.region"() ({
            %run_scoped3A = tpu.sem_alloc : memref<!tpu.dma_semaphore, #tpu.memory_space<semaphore_mem>>
            %dma_start3A_157 = arith.constant 0 : i32
            %dma_start3A_158 = tpu.memref_slice %arg6[%while3A_108, %dma_start3A_157] : memref<80x128xi32, #tpu.memory_space<vmem>> -> memref<1x128xi32, #tpu.memory_space<vmem>>
            %dma_start3A_159 = tpu.memref_squeeze %dma_start3A_158 : memref<1x128xi32, #tpu.memory_space<vmem>> -> memref<128xi32, #tpu.memory_space<vmem>>
            %dma_start3A_160 = arith.constant 0 : i32
            %dma_start3A_161 = arith.constant 0 : i32
            %dma_start3A_162 = tpu.memref_slice %arg10[%dma_start3A_160, %dma_start3A_161] : memref<5248x128xf32, #tpu.memory_space<vmem_shared>> -> memref<5248x128xf32, #tpu.memory_space<vmem_shared>>
            tpu.enqueue_indirect_dma source(%arg7 : memref<128x128xf32, #tpu.memory_space<vmem>>) target(%dma_start3A_162 : memref<5248x128xf32, #tpu.memory_space<vmem_shared>>) offsets(%dma_start3A_159 : memref<128xi32, #tpu.memory_space<vmem>>) semaphore(%run_scoped3A : memref<!tpu.dma_semaphore, #tpu.memory_space<semaphore_mem>>) {add = true}
            %dma_wait3A_163 = arith.constant 0 : i32
            %dma_wait3A_164 = tpu.memref_slice %arg6[%while3A_108, %dma_wait3A_163] : memref<80x128xi32, #tpu.memory_space<vmem>> -> memref<1x128xi32, #tpu.memory_space<vmem>>
            %dma_wait3A_165 = tpu.memref_squeeze %dma_wait3A_164 : memref<1x128xi32, #tpu.memory_space<vmem>> -> memref<128xi32, #tpu.memory_space<vmem>>
            %dma_wait3A_166 = arith.constant 0 : i32
            %dma_wait3A_167 = arith.constant 0 : i32
            %dma_wait3A_168 = tpu.memref_slice %arg10[%dma_wait3A_166, %dma_wait3A_167] : memref<5248x128xf32, #tpu.memory_space<vmem_shared>> -> memref<5248x128xf32, #tpu.memory_space<vmem_shared>>
            tpu.wait_indirect_dma semaphore(%run_scoped3A : memref<!tpu.dma_semaphore, #tpu.memory_space<semaphore_mem>>) src(%arg7 : memref<128x128xf32, #tpu.memory_space<vmem>>) dst(%dma_wait3A_168 : memref<5248x128xf32, #tpu.memory_space<vmem_shared>>)
            tpu.yield
          }) : () -> ()
        } else {
        }
        %jit3A_130 = arith.constant 2 : i32
        %eq3A_131 = arith.constant 0 : i32
        %eq3A_132 = arith.cmpi eq, %jit3A_130, %eq3A_131 : i32
        %jit3A_133 = arith.constant 1 : i32
        %select_n3A_134 = arith.select %eq3A_132, %jit3A_133, %jit3A_130 : i32
        %rem3A_135 = arith.remsi %while3A_108, %select_n3A_134 : i32
        %ne3A_136 = arith.constant 0 : i32
        %ne3A_137 = arith.cmpi ne, %rem3A_135, %ne3A_136 : i32
        %lt3A_138 = arith.constant 0 : i32
        %lt3A_139 = arith.cmpi slt, %rem3A_135, %lt3A_138 : i32
        %lt3A_140 = arith.constant 0 : i32
        %lt3A_141 = arith.cmpi slt, %select_n3A_134, %lt3A_140 : i32
        %ne3A_142 = arith.xori %lt3A_139, %lt3A_141 : i1
        %and3A_143 = arith.andi %ne3A_142, %ne3A_137 : i1
        %add3A_144 = arith.addi %rem3A_135, %select_n3A_134 : i32
        %select_n3A_145 = arith.select %and3A_143, %add3A_144, %rem3A_135 : i32
        %eq3A_146 = arith.constant 1 : i32
        %eq3A_147 = arith.cmpi eq, %select_n3A_145, %eq3A_146 : i32
        %convert_element_type3A_148 = arith.extui %eq3A_147 : i1 to i32
        %cond3A_149 = arith.constant 0 : i32
        %cond3A_150 = arith.cmpi ne, %convert_element_type3A_148, %cond3A_149 : i32
        scf.if %cond3A_150 {
          %dma_wait3A = arith.constant 0 : i32
          %dma_wait3A_152 = tpu.memref_slice %arg5[%while3A_108, %dma_wait3A] : memref<80x128xi32, #tpu.memory_space<vmem>> -> memref<1x128xi32, #tpu.memory_space<vmem>>
          %dma_wait3A_153 = tpu.memref_squeeze %dma_wait3A_152 : memref<1x128xi32, #tpu.memory_space<vmem>> -> memref<128xi32, #tpu.memory_space<vmem>>
          %dma_wait3A_154 = arith.constant 0 : i32
          %dma_wait3A_155 = arith.constant 0 : i32
          %dma_wait3A_156 = tpu.memref_slice %arg2[%dma_wait3A_154, %dma_wait3A_155] : memref<10240x128xf32, #tpu.memory_space<hbm>> -> memref<10240x128xf32, #tpu.memory_space<hbm>>
          tpu.wait_indirect_dma semaphore(%arg12 : memref<!tpu.dma_semaphore, #tpu.memory_space<semaphore_mem>>) src(%dma_wait3A_156 : memref<10240x128xf32, #tpu.memory_space<hbm>>) dst(%arg8 : memref<128x128xf32, #tpu.memory_space<vmem>>)
          "tpu.region"() ({
            %run_scoped3A = tpu.sem_alloc : memref<!tpu.dma_semaphore, #tpu.memory_space<semaphore_mem>>
            %dma_start3A_157 = arith.constant 0 : i32
            %dma_start3A_158 = tpu.memref_slice %arg6[%while3A_108, %dma_start3A_157] : memref<80x128xi32, #tpu.memory_space<vmem>> -> memref<1x128xi32, #tpu.memory_space<vmem>>
            %dma_start3A_159 = tpu.memref_squeeze %dma_start3A_158 : memref<1x128xi32, #tpu.memory_space<vmem>> -> memref<128xi32, #tpu.memory_space<vmem>>
            %dma_start3A_160 = arith.constant 0 : i32
            %dma_start3A_161 = arith.constant 0 : i32
            %dma_start3A_162 = tpu.memref_slice %arg10[%dma_start3A_160, %dma_start3A_161] : memref<5248x128xf32, #tpu.memory_space<vmem_shared>> -> memref<5248x128xf32, #tpu.memory_space<vmem_shared>>
            tpu.enqueue_indirect_dma source(%arg8 : memref<128x128xf32, #tpu.memory_space<vmem>>) target(%dma_start3A_162 : memref<5248x128xf32, #tpu.memory_space<vmem_shared>>) offsets(%dma_start3A_159 : memref<128xi32, #tpu.memory_space<vmem>>) semaphore(%run_scoped3A : memref<!tpu.dma_semaphore, #tpu.memory_space<semaphore_mem>>) {add = true}
            %dma_wait3A_163 = arith.constant 0 : i32
            %dma_wait3A_164 = tpu.memref_slice %arg6[%while3A_108, %dma_wait3A_163] : memref<80x128xi32, #tpu.memory_space<vmem>> -> memref<1x128xi32, #tpu.memory_space<vmem>>
            %dma_wait3A_165 = tpu.memref_squeeze %dma_wait3A_164 : memref<1x128xi32, #tpu.memory_space<vmem>> -> memref<128xi32, #tpu.memory_space<vmem>>
            %dma_wait3A_166 = arith.constant 0 : i32
            %dma_wait3A_167 = arith.constant 0 : i32
            %dma_wait3A_168 = tpu.memref_slice %arg10[%dma_wait3A_166, %dma_wait3A_167] : memref<5248x128xf32, #tpu.memory_space<vmem_shared>> -> memref<5248x128xf32, #tpu.memory_space<vmem_shared>>
            tpu.wait_indirect_dma semaphore(%run_scoped3A : memref<!tpu.dma_semaphore, #tpu.memory_space<semaphore_mem>>) src(%arg8 : memref<128x128xf32, #tpu.memory_space<vmem>>) dst(%dma_wait3A_168 : memref<5248x128xf32, #tpu.memory_space<vmem_shared>>)
            tpu.yield
          }) : () -> ()
        } else {
        }
        %while3A_151 = arith.constant 0 : i32
        scf.yield %while3A_151 : i32
      }
      %while3A_106 = arith.constant 1 : i32
      %while3A_107 = scf.for %while3A_108 = %while3A_103 to %while3A_99 step %while3A_106 iter_args(%while3A_109 = %while3A_105) -> (i32)  : i32 {
        %add3A_110 = arith.constant 1 : i32
        %add3A_111 = arith.addi %while3A_108, %add3A_110 : i32
        %lt3A = arith.cmpi slt, %add3A_111, %scan3A_40 : i32
        %convert_element_type3A_112 = arith.extui %lt3A : i1 to i32
        %cond3A_113 = arith.constant 0 : i32
        %cond3A_114 = arith.cmpi ne, %convert_element_type3A_112, %cond3A_113 : i32
        scf.if %cond3A_114 {
          %add3A_152 = arith.constant 1 : i32
          %add3A_153 = arith.addi %while3A_108, %add3A_152 : i32
          %jit3A_154 = arith.constant 2 : i32
          %eq3A_155 = arith.constant 0 : i32
          %eq3A_156 = arith.cmpi eq, %jit3A_154, %eq3A_155 : i32
          %jit3A_157 = arith.constant 1 : i32
          %select_n3A_158 = arith.select %eq3A_156, %jit3A_157, %jit3A_154 : i32
          %rem3A_159 = arith.remsi %add3A_153, %select_n3A_158 : i32
          %ne3A_160 = arith.constant 0 : i32
          %ne3A_161 = arith.cmpi ne, %rem3A_159, %ne3A_160 : i32
          %lt3A_162 = arith.constant 0 : i32
          %lt3A_163 = arith.cmpi slt, %rem3A_159, %lt3A_162 : i32
          %lt3A_164 = arith.constant 0 : i32
          %lt3A_165 = arith.cmpi slt, %select_n3A_158, %lt3A_164 : i32
          %ne3A_166 = arith.xori %lt3A_163, %lt3A_165 : i1
          %and3A_167 = arith.andi %ne3A_166, %ne3A_161 : i1
          %add3A_168 = arith.addi %rem3A_159, %select_n3A_158 : i32
          %select_n3A_169 = arith.select %and3A_167, %add3A_168, %rem3A_159 : i32
          %eq3A_170 = arith.constant 0 : i32
          %eq3A_171 = arith.cmpi eq, %select_n3A_169, %eq3A_170 : i32
          %convert_element_type3A_172 = arith.extui %eq3A_171 : i1 to i32
          %cond3A_173 = arith.constant 0 : i32
          %cond3A_174 = arith.cmpi ne, %convert_element_type3A_172, %cond3A_173 : i32
          scf.if %cond3A_174 {
            %add3A_198 = arith.constant 1 : i32
            %add3A_199 = arith.addi %while3A_108, %add3A_198 : i32
            %dma_start3A_200 = arith.constant 0 : i32
            %dma_start3A_201 = tpu.memref_slice %arg5[%add3A_199, %dma_start3A_200] : memref<80x128xi32, #tpu.memory_space<vmem>> -> memref<1x128xi32, #tpu.memory_space<vmem>>
            %dma_start3A_202 = tpu.memref_squeeze %dma_start3A_201 : memref<1x128xi32, #tpu.memory_space<vmem>> -> memref<128xi32, #tpu.memory_space<vmem>>
            %dma_start3A_203 = arith.constant 0 : i32
            %dma_start3A_204 = arith.constant 0 : i32
            %dma_start3A_205 = tpu.memref_slice %arg2[%dma_start3A_203, %dma_start3A_204] : memref<10240x128xf32, #tpu.memory_space<hbm>> -> memref<10240x128xf32, #tpu.memory_space<hbm>>
            tpu.enqueue_indirect_dma source(%dma_start3A_205 : memref<10240x128xf32, #tpu.memory_space<hbm>>) target(%arg7 : memref<128x128xf32, #tpu.memory_space<vmem>>) offsets(%dma_start3A_202 : memref<128xi32, #tpu.memory_space<vmem>>) semaphore(%arg11 : memref<!tpu.dma_semaphore, #tpu.memory_space<semaphore_mem>>)
          } else {
          }
          %add3A_175 = arith.constant 1 : i32
          %add3A_176 = arith.addi %while3A_108, %add3A_175 : i32
          %jit3A_177 = arith.constant 2 : i32
          %eq3A_178 = arith.constant 0 : i32
          %eq3A_179 = arith.cmpi eq, %jit3A_177, %eq3A_178 : i32
          %jit3A_180 = arith.constant 1 : i32
          %select_n3A_181 = arith.select %eq3A_179, %jit3A_180, %jit3A_177 : i32
          %rem3A_182 = arith.remsi %add3A_176, %select_n3A_181 : i32
          %ne3A_183 = arith.constant 0 : i32
          %ne3A_184 = arith.cmpi ne, %rem3A_182, %ne3A_183 : i32
          %lt3A_185 = arith.constant 0 : i32
          %lt3A_186 = arith.cmpi slt, %rem3A_182, %lt3A_185 : i32
          %lt3A_187 = arith.constant 0 : i32
          %lt3A_188 = arith.cmpi slt, %select_n3A_181, %lt3A_187 : i32
          %ne3A_189 = arith.xori %lt3A_186, %lt3A_188 : i1
          %and3A_190 = arith.andi %ne3A_189, %ne3A_184 : i1
          %add3A_191 = arith.addi %rem3A_182, %select_n3A_181 : i32
          %select_n3A_192 = arith.select %and3A_190, %add3A_191, %rem3A_182 : i32
          %eq3A_193 = arith.constant 1 : i32
          %eq3A_194 = arith.cmpi eq, %select_n3A_192, %eq3A_193 : i32
          %convert_element_type3A_195 = arith.extui %eq3A_194 : i1 to i32
          %cond3A_196 = arith.constant 0 : i32
          %cond3A_197 = arith.cmpi ne, %convert_element_type3A_195, %cond3A_196 : i32
          scf.if %cond3A_197 {
            %add3A_198 = arith.constant 1 : i32
            %add3A_199 = arith.addi %while3A_108, %add3A_198 : i32
            %dma_start3A_200 = arith.constant 0 : i32
            %dma_start3A_201 = tpu.memref_slice %arg5[%add3A_199, %dma_start3A_200] : memref<80x128xi32, #tpu.memory_space<vmem>> -> memref<1x128xi32, #tpu.memory_space<vmem>>
            %dma_start3A_202 = tpu.memref_squeeze %dma_start3A_201 : memref<1x128xi32, #tpu.memory_space<vmem>> -> memref<128xi32, #tpu.memory_space<vmem>>
            %dma_start3A_203 = arith.constant 0 : i32
            %dma_start3A_204 = arith.constant 0 : i32
            %dma_start3A_205 = tpu.memref_slice %arg2[%dma_start3A_203, %dma_start3A_204] : memref<10240x128xf32, #tpu.memory_space<hbm>> -> memref<10240x128xf32, #tpu.memory_space<hbm>>
            tpu.enqueue_indirect_dma source(%dma_start3A_205 : memref<10240x128xf32, #tpu.memory_space<hbm>>) target(%arg8 : memref<128x128xf32, #tpu.memory_space<vmem>>) offsets(%dma_start3A_202 : memref<128xi32, #tpu.memory_space<vmem>>) semaphore(%arg12 : memref<!tpu.dma_semaphore, #tpu.memory_space<semaphore_mem>>)
          } else {
          }
        } else {
        }
        %jit3A = arith.constant 2 : i32
        %eq3A = arith.constant 0 : i32
        %eq3A_115 = arith.cmpi eq, %jit3A, %eq3A : i32
        %jit3A_116 = arith.constant 1 : i32
        %select_n3A = arith.select %eq3A_115, %jit3A_116, %jit3A : i32
        %rem3A = arith.remsi %while3A_108, %select_n3A : i32
        %ne3A = arith.constant 0 : i32
        %ne3A_117 = arith.cmpi ne, %rem3A, %ne3A : i32
        %lt3A_118 = arith.constant 0 : i32
        %lt3A_119 = arith.cmpi slt, %rem3A, %lt3A_118 : i32
        %lt3A_120 = arith.constant 0 : i32
        %lt3A_121 = arith.cmpi slt, %select_n3A, %lt3A_120 : i32
        %ne3A_122 = arith.xori %lt3A_119, %lt3A_121 : i1
        %and3A = arith.andi %ne3A_122, %ne3A_117 : i1
        %add3A_123 = arith.addi %rem3A, %select_n3A : i32
        %select_n3A_124 = arith.select %and3A, %add3A_123, %rem3A : i32
        %eq3A_125 = arith.constant 0 : i32
        %eq3A_126 = arith.cmpi eq, %select_n3A_124, %eq3A_125 : i32
        %convert_element_type3A_127 = arith.extui %eq3A_126 : i1 to i32
        %cond3A_128 = arith.constant 0 : i32
        %cond3A_129 = arith.cmpi ne, %convert_element_type3A_127, %cond3A_128 : i32
        scf.if %cond3A_129 {
          %dma_wait3A = arith.constant 0 : i32
          %dma_wait3A_152 = tpu.memref_slice %arg5[%while3A_108, %dma_wait3A] : memref<80x128xi32, #tpu.memory_space<vmem>> -> memref<1x128xi32, #tpu.memory_space<vmem>>
          %dma_wait3A_153 = tpu.memref_squeeze %dma_wait3A_152 : memref<1x128xi32, #tpu.memory_space<vmem>> -> memref<128xi32, #tpu.memory_space<vmem>>
          %dma_wait3A_154 = arith.constant 0 : i32
          %dma_wait3A_155 = arith.constant 0 : i32
          %dma_wait3A_156 = tpu.memref_slice %arg2[%dma_wait3A_154, %dma_wait3A_155] : memref<10240x128xf32, #tpu.memory_space<hbm>> -> memref<10240x128xf32, #tpu.memory_space<hbm>>
          tpu.wait_indirect_dma semaphore(%arg11 : memref<!tpu.dma_semaphore, #tpu.memory_space<semaphore_mem>>) src(%dma_wait3A_156 : memref<10240x128xf32, #tpu.memory_space<hbm>>) dst(%arg7 : memref<128x128xf32, #tpu.memory_space<vmem>>)
          "tpu.region"() ({
            %run_scoped3A = tpu.sem_alloc : memref<!tpu.dma_semaphore, #tpu.memory_space<semaphore_mem>>
            %dma_start3A_157 = arith.constant 0 : i32
            %dma_start3A_158 = tpu.memref_slice %arg6[%while3A_108, %dma_start3A_157] : memref<80x128xi32, #tpu.memory_space<vmem>> -> memref<1x128xi32, #tpu.memory_space<vmem>>
            %dma_start3A_159 = tpu.memref_squeeze %dma_start3A_158 : memref<1x128xi32, #tpu.memory_space<vmem>> -> memref<128xi32, #tpu.memory_space<vmem>>
            %dma_start3A_160 = arith.constant 0 : i32
            %dma_start3A_161 = arith.constant 0 : i32
            %dma_start3A_162 = tpu.memref_slice %arg10[%dma_start3A_160, %dma_start3A_161] : memref<5248x128xf32, #tpu.memory_space<vmem_shared>> -> memref<5248x128xf32, #tpu.memory_space<vmem_shared>>
            tpu.enqueue_indirect_dma source(%arg7 : memref<128x128xf32, #tpu.memory_space<vmem>>) target(%dma_start3A_162 : memref<5248x128xf32, #tpu.memory_space<vmem_shared>>) offsets(%dma_start3A_159 : memref<128xi32, #tpu.memory_space<vmem>>) semaphore(%run_scoped3A : memref<!tpu.dma_semaphore, #tpu.memory_space<semaphore_mem>>) {add = true}
            %dma_wait3A_163 = arith.constant 0 : i32
            %dma_wait3A_164 = tpu.memref_slice %arg6[%while3A_108, %dma_wait3A_163] : memref<80x128xi32, #tpu.memory_space<vmem>> -> memref<1x128xi32, #tpu.memory_space<vmem>>
            %dma_wait3A_165 = tpu.memref_squeeze %dma_wait3A_164 : memref<1x128xi32, #tpu.memory_space<vmem>> -> memref<128xi32, #tpu.memory_space<vmem>>
            %dma_wait3A_166 = arith.constant 0 : i32
            %dma_wait3A_167 = arith.constant 0 : i32
            %dma_wait3A_168 = tpu.memref_slice %arg10[%dma_wait3A_166, %dma_wait3A_167] : memref<5248x128xf32, #tpu.memory_space<vmem_shared>> -> memref<5248x128xf32, #tpu.memory_space<vmem_shared>>
            tpu.wait_indirect_dma semaphore(%run_scoped3A : memref<!tpu.dma_semaphore, #tpu.memory_space<semaphore_mem>>) src(%arg7 : memref<128x128xf32, #tpu.memory_space<vmem>>) dst(%dma_wait3A_168 : memref<5248x128xf32, #tpu.memory_space<vmem_shared>>)
            tpu.yield
          }) : () -> ()
        } else {
        }
        %jit3A_130 = arith.constant 2 : i32
        %eq3A_131 = arith.constant 0 : i32
        %eq3A_132 = arith.cmpi eq, %jit3A_130, %eq3A_131 : i32
        %jit3A_133 = arith.constant 1 : i32
        %select_n3A_134 = arith.select %eq3A_132, %jit3A_133, %jit3A_130 : i32
        %rem3A_135 = arith.remsi %while3A_108, %select_n3A_134 : i32
        %ne3A_136 = arith.constant 0 : i32
        %ne3A_137 = arith.cmpi ne, %rem3A_135, %ne3A_136 : i32
        %lt3A_138 = arith.constant 0 : i32
        %lt3A_139 = arith.cmpi slt, %rem3A_135, %lt3A_138 : i32
        %lt3A_140 = arith.constant 0 : i32
        %lt3A_141 = arith.cmpi slt, %select_n3A_134, %lt3A_140 : i32
        %ne3A_142 = arith.xori %lt3A_139, %lt3A_141 : i1
        %and3A_143 = arith.andi %ne3A_142, %ne3A_137 : i1
        %add3A_144 = arith.addi %rem3A_135, %select_n3A_134 : i32
        %select_n3A_145 = arith.select %and3A_143, %add3A_144, %rem3A_135 : i32
        %eq3A_146 = arith.constant 1 : i32
        %eq3A_147 = arith.cmpi eq, %select_n3A_145, %eq3A_146 : i32
        %convert_element_type3A_148 = arith.extui %eq3A_147 : i1 to i32
        %cond3A_149 = arith.constant 0 : i32
        %cond3A_150 = arith.cmpi ne, %convert_element_type3A_148, %cond3A_149 : i32
        scf.if %cond3A_150 {
          %dma_wait3A = arith.constant 0 : i32
          %dma_wait3A_152 = tpu.memref_slice %arg5[%while3A_108, %dma_wait3A] : memref<80x128xi32, #tpu.memory_space<vmem>> -> memref<1x128xi32, #tpu.memory_space<vmem>>
          %dma_wait3A_153 = tpu.memref_squeeze %dma_wait3A_152 : memref<1x128xi32, #tpu.memory_space<vmem>> -> memref<128xi32, #tpu.memory_space<vmem>>
          %dma_wait3A_154 = arith.constant 0 : i32
          %dma_wait3A_155 = arith.constant 0 : i32
          %dma_wait3A_156 = tpu.memref_slice %arg2[%dma_wait3A_154, %dma_wait3A_155] : memref<10240x128xf32, #tpu.memory_space<hbm>> -> memref<10240x128xf32, #tpu.memory_space<hbm>>
          tpu.wait_indirect_dma semaphore(%arg12 : memref<!tpu.dma_semaphore, #tpu.memory_space<semaphore_mem>>) src(%dma_wait3A_156 : memref<10240x128xf32, #tpu.memory_space<hbm>>) dst(%arg8 : memref<128x128xf32, #tpu.memory_space<vmem>>)
          "tpu.region"() ({
            %run_scoped3A = tpu.sem_alloc : memref<!tpu.dma_semaphore, #tpu.memory_space<semaphore_mem>>
            %dma_start3A_157 = arith.constant 0 : i32
            %dma_start3A_158 = tpu.memref_slice %arg6[%while3A_108, %dma_start3A_157] : memref<80x128xi32, #tpu.memory_space<vmem>> -> memref<1x128xi32, #tpu.memory_space<vmem>>
            %dma_start3A_159 = tpu.memref_squeeze %dma_start3A_158 : memref<1x128xi32, #tpu.memory_space<vmem>> -> memref<128xi32, #tpu.memory_space<vmem>>
            %dma_start3A_160 = arith.constant 0 : i32
            %dma_start3A_161 = arith.constant 0 : i32
            %dma_start3A_162 = tpu.memref_slice %arg10[%dma_start3A_160, %dma_start3A_161] : memref<5248x128xf32, #tpu.memory_space<vmem_shared>> -> memref<5248x128xf32, #tpu.memory_space<vmem_shared>>
            tpu.enqueue_indirect_dma source(%arg8 : memref<128x128xf32, #tpu.memory_space<vmem>>) target(%dma_start3A_162 : memref<5248x128xf32, #tpu.memory_space<vmem_shared>>) offsets(%dma_start3A_159 : memref<128xi32, #tpu.memory_space<vmem>>) semaphore(%run_scoped3A : memref<!tpu.dma_semaphore, #tpu.memory_space<semaphore_mem>>) {add = true}
            %dma_wait3A_163 = arith.constant 0 : i32
            %dma_wait3A_164 = tpu.memref_slice %arg6[%while3A_108, %dma_wait3A_163] : memref<80x128xi32, #tpu.memory_space<vmem>> -> memref<1x128xi32, #tpu.memory_space<vmem>>
            %dma_wait3A_165 = tpu.memref_squeeze %dma_wait3A_164 : memref<1x128xi32, #tpu.memory_space<vmem>> -> memref<128xi32, #tpu.memory_space<vmem>>
            %dma_wait3A_166 = arith.constant 0 : i32
            %dma_wait3A_167 = arith.constant 0 : i32
            %dma_wait3A_168 = tpu.memref_slice %arg10[%dma_wait3A_166, %dma_wait3A_167] : memref<5248x128xf32, #tpu.memory_space<vmem_shared>> -> memref<5248x128xf32, #tpu.memory_space<vmem_shared>>
            tpu.wait_indirect_dma semaphore(%run_scoped3A : memref<!tpu.dma_semaphore, #tpu.memory_space<semaphore_mem>>) src(%arg8 : memref<128x128xf32, #tpu.memory_space<vmem>>) dst(%dma_wait3A_168 : memref<5248x128xf32, #tpu.memory_space<vmem_shared>>)
            tpu.yield
          }) : () -> ()
        } else {
        }
        %while3A_151 = arith.constant 0 : i32
        scf.yield %while3A_151 : i32
      }
    } else {
    }
    %mul3A_57 = arith.constant 2 : i32
    %mul3A_58 = arith.muli %mul3A_57, %arg1 : i32
    %add3A_59 = arith.constant 1 : i32
    %add3A_60 = arith.addi %mul3A_58, %add3A_59 : i32
    "tpu.region"() ({
      %run_scoped3A = tpu.sem_alloc : memref<!tpu.dma_semaphore, #tpu.memory_space<semaphore_mem>>
      %dma_start3A = arith.constant 0 : i32
      %dma_start3A_90 = arith.constant 0 : i32
      %dma_start3A_91 = arith.constant 0 : i32
      %dma_start3A_92 = tpu.memref_slice %arg3[%arg0, %dma_start3A, %dma_start3A_90, %dma_start3A_91] : memref<2x32x80x128xi32, #tpu.memory_space<hbm>> -> memref<1x32x80x128xi32, #tpu.memory_space<hbm>>
      %dma_start3A_93 = tpu.memref_squeeze %dma_start3A_92 : memref<1x32x80x128xi32, #tpu.memory_space<hbm>> -> memref<32x80x128xi32, #tpu.memory_space<hbm>>
      %dma_start3A_94 = arith.constant 0 : i32
      %dma_start3A_95 = arith.constant 0 : i32
      %dma_start3A_96 = tpu.memref_slice %dma_start3A_93[%add3A_60, %dma_start3A_94, %dma_start3A_95] : memref<32x80x128xi32, #tpu.memory_space<hbm>> -> memref<1x80x128xi32, #tpu.memory_space<hbm>>
      %dma_start3A_97 = tpu.memref_squeeze %dma_start3A_96 : memref<1x80x128xi32, #tpu.memory_space<hbm>> -> memref<80x128xi32, #tpu.memory_space<hbm>>
      %dma_start3A_98 = arith.constant 0 : i32
      %dma_start3A_99 = arith.constant 0 : i32
      %dma_start3A_100 = arith.constant 0 : i32
      %dma_start3A_101 = tpu.memref_slice %arg3[%arg0, %dma_start3A_98, %dma_start3A_99, %dma_start3A_100] : memref<2x32x80x128xi32, #tpu.memory_space<hbm>> -> memref<1x32x80x128xi32, #tpu.memory_space<hbm>>
      %dma_start3A_102 = tpu.memref_squeeze %dma_start3A_101 : memref<1x32x80x128xi32, #tpu.memory_space<hbm>> -> memref<32x80x128xi32, #tpu.memory_space<hbm>>
      %dma_start3A_103 = arith.constant 0 : i32
      %dma_start3A_104 = arith.constant 0 : i32
      %dma_start3A_105 = tpu.memref_slice %dma_start3A_102[%add3A_60, %dma_start3A_103, %dma_start3A_104] : memref<32x80x128xi32, #tpu.memory_space<hbm>> -> memref<1x80x128xi32, #tpu.memory_space<hbm>>
      %dma_start3A_106 = tpu.memref_squeeze %dma_start3A_105 : memref<1x80x128xi32, #tpu.memory_space<hbm>> -> memref<80x128xi32, #tpu.memory_space<hbm>>
      tpu.enqueue_dma source(%dma_start3A_106 : memref<80x128xi32, #tpu.memory_space<hbm>>) target(%arg5 : memref<80x128xi32, #tpu.memory_space<vmem>>) target_semaphore(%run_scoped3A : memref<!tpu.dma_semaphore, #tpu.memory_space<semaphore_mem>>)
      %dma_wait3A = arith.constant 0 : i32
      %dma_wait3A_107 = arith.constant 0 : i32
      %dma_wait3A_108 = arith.constant 0 : i32
      %dma_wait3A_109 = tpu.memref_slice %arg3[%arg0, %dma_wait3A, %dma_wait3A_107, %dma_wait3A_108] : memref<2x32x80x128xi32, #tpu.memory_space<hbm>> -> memref<1x32x80x128xi32, #tpu.memory_space<hbm>>
      %dma_wait3A_110 = tpu.memref_squeeze %dma_wait3A_109 : memref<1x32x80x128xi32, #tpu.memory_space<hbm>> -> memref<32x80x128xi32, #tpu.memory_space<hbm>>
      %dma_wait3A_111 = arith.constant 0 : i32
      %dma_wait3A_112 = arith.constant 0 : i32
      %dma_wait3A_113 = tpu.memref_slice %dma_wait3A_110[%add3A_60, %dma_wait3A_111, %dma_wait3A_112] : memref<32x80x128xi32, #tpu.memory_space<hbm>> -> memref<1x80x128xi32, #tpu.memory_space<hbm>>
      %dma_wait3A_114 = tpu.memref_squeeze %dma_wait3A_113 : memref<1x80x128xi32, #tpu.memory_space<hbm>> -> memref<80x128xi32, #tpu.memory_space<hbm>>
      %dma_wait3A_115 = arith.constant 0 : i32
      %dma_wait3A_116 = arith.constant 0 : i32
      %dma_wait3A_117 = arith.constant 0 : i32
      %dma_wait3A_118 = tpu.memref_slice %arg3[%arg0, %dma_wait3A_115, %dma_wait3A_116, %dma_wait3A_117] : memref<2x32x80x128xi32, #tpu.memory_space<hbm>> -> memref<1x32x80x128xi32, #tpu.memory_space<hbm>>
      %dma_wait3A_119 = tpu.memref_squeeze %dma_wait3A_118 : memref<1x32x80x128xi32, #tpu.memory_space<hbm>> -> memref<32x80x128xi32, #tpu.memory_space<hbm>>
      %dma_wait3A_120 = arith.constant 0 : i32
      %dma_wait3A_121 = arith.constant 0 : i32
      %dma_wait3A_122 = tpu.memref_slice %dma_wait3A_119[%add3A_60, %dma_wait3A_120, %dma_wait3A_121] : memref<32x80x128xi32, #tpu.memory_space<hbm>> -> memref<1x80x128xi32, #tpu.memory_space<hbm>>
      %dma_wait3A_123 = tpu.memref_squeeze %dma_wait3A_122 : memref<1x80x128xi32, #tpu.memory_space<hbm>> -> memref<80x128xi32, #tpu.memory_space<hbm>>
      tpu.wait_dma2 semaphore(%run_scoped3A : memref<!tpu.dma_semaphore, #tpu.memory_space<semaphore_mem>>) src(%dma_wait3A_123 : memref<80x128xi32, #tpu.memory_space<hbm>>) dst(%arg5 : memref<80x128xi32, #tpu.memory_space<vmem>>)
      tpu.yield
    }) : () -> ()
    %scan3A_61 = arith.constant 0 : i32
    %scan3A_62 = arith.constant 0 : i32
    %scan3A_63 = arith.constant 80 : i32
    %scan3A_64 = arith.addi %scan3A_62, %scan3A_63 : i32
    %scan3A_65 = arith.constant 1 : i32
    %scan3A_66 = scf.for %scan3A_90 = %scan3A_62 to %scan3A_64 step %scan3A_65 iter_args(%scan3A_91 = %scan3A_61) -> (i32)  : i32 {
      %get3A = arith.index_cast %scan3A_90 : i32 to index
      %get3A_92 = arith.constant 0 : index
      %get3A_93 = tpu.vector_load %arg5[%get3A, %get3A_92] {strides = array<i32>} : memref<80x128xi32, #tpu.memory_space<vmem>>, vector<16xi32>,
      %ne3A = arith.constant 268419072 : i32
      %ne3A_94 = vector.broadcast %ne3A : i32 to vector<16xi32>
      %ne3A_95 = arith.cmpi ne, %get3A_93, %ne3A_94 : vector<16xi32>
      %convert_element_type3A_96 = arith.extui %ne3A_95 : vector<16xi1> to vector<16xi32>
      %reduce_sum3A = arith.constant true
      %reduce_sum3A_97 = vector.broadcast %reduce_sum3A : i1 to vector<16xi1>
      %reduce_sum3A_98 = tpu.scan <sum>, %convert_element_type3A_96 masked %reduce_sum3A_97 : vector<16xi32>, vector<16xi1> -> vector<16xi32>
      %reduce_sum3A_99 = vector.extract %reduce_sum3A_98[15] : i32 from vector<16xi32>
      %min3A = arith.constant 1 : i32
      %min3A_100 = arith.minsi %reduce_sum3A_99, %min3A : i32
      %add3A_101 = arith.addi %scan3A_91, %min3A_100 : i32
      scf.yield %add3A_101 : i32
    }
    %scan3A_67 = arith.constant 80 : i32
    %mul3A_68 = arith.constant 8 : i32
    %mul3A_69 = arith.muli %scan3A_66, %mul3A_68 : i32
    %while3A_70 = arith.constant 0 : i32
    %while3A_71 = arith.constant 0 : i32
    %while3A_72 = arith.subi %mul3A_69, %while3A_70 : i32
    %while3A_73 = arith.addi %while3A_70, %while3A_72 : i32
    %while3A_74 = arith.constant 1 : i32
    %while3A_75 = arith.divsi %while3A_72, %while3A_74 : i32
    %while3A_76 = arith.muli %while3A_75, %while3A_74 : i32
    %while3A_77 = arith.addi %while3A_70, %while3A_76 : i32
    %while3A_78 = arith.constant 1 : i32
    %while3A_79 = scf.for %while3A_90 = %while3A_70 to %while3A_77 step %while3A_78 iter_args(%while3A_91 = %while3A_71) -> (i32)  : i32 {
      %jit3A = arith.constant 8 : i32
      %div3A = arith.divsi %while3A_90, %jit3A : i32
      %sign3A = arith.constant 0 : i32
      %sign3A_92 = arith.cmpi sgt, %while3A_90, %sign3A : i32
      %sign3A_93 = arith.extui %sign3A_92 : i1 to i32
      %sign3A_94 = arith.constant 0 : i32
      %sign3A_95 = arith.cmpi slt, %while3A_90, %sign3A_94 : i32
      %sign3A_96 = arith.extui %sign3A_95 : i1 to i32
      %sign3A_97 = arith.subi %sign3A_93, %sign3A_96 : i32
      %sign3A_98 = arith.constant 0 : i32
      %sign3A_99 = arith.cmpi sgt, %jit3A, %sign3A_98 : i32
      %sign3A_100 = arith.extui %sign3A_99 : i1 to i32
      %sign3A_101 = arith.constant 0 : i32
      %sign3A_102 = arith.cmpi slt, %jit3A, %sign3A_101 : i32
      %sign3A_103 = arith.extui %sign3A_102 : i1 to i32
      %sign3A_104 = arith.subi %sign3A_100, %sign3A_103 : i32
      %ne3A = arith.cmpi ne, %sign3A_97, %sign3A_104 : i32
      %rem3A = arith.remsi %while3A_90, %jit3A : i32
      %ne3A_105 = arith.constant 0 : i32
      %ne3A_106 = arith.cmpi ne, %rem3A, %ne3A_105 : i32
      %and3A = arith.andi %ne3A, %ne3A_106 : i1
      %sub3A = arith.constant 1 : i32
      %sub3A_107 = arith.subi %div3A, %sub3A : i32
      %select_n3A = arith.select %and3A, %sub3A_107, %div3A : i32
      %jit3A_108 = arith.constant 8 : i32
      %eq3A = arith.constant 0 : i32
      %eq3A_109 = arith.cmpi eq, %jit3A_108, %eq3A : i32
      %jit3A_110 = arith.constant 1 : i32
      %select_n3A_111 = arith.select %eq3A_109, %jit3A_110, %jit3A_108 : i32
      %rem3A_112 = arith.remsi %while3A_90, %select_n3A_111 : i32
      %ne3A_113 = arith.constant 0 : i32
      %ne3A_114 = arith.cmpi ne, %rem3A_112, %ne3A_113 : i32
      %lt3A = arith.constant 0 : i32
      %lt3A_115 = arith.cmpi slt, %rem3A_112, %lt3A : i32
      %lt3A_116 = arith.constant 0 : i32
      %lt3A_117 = arith.cmpi slt, %select_n3A_111, %lt3A_116 : i32
      %ne3A_118 = arith.xori %lt3A_115, %lt3A_117 : i1
      %and3A_119 = arith.andi %ne3A_118, %ne3A_114 : i1
      %add3A_120 = arith.addi %rem3A_112, %select_n3A_111 : i32
      %select_n3A_121 = arith.select %and3A_119, %add3A_120, %rem3A_112 : i32
      %mul3A_122 = arith.constant 16 : i32
      %mul3A_123 = arith.muli %select_n3A_121, %mul3A_122 : i32
      %get3A = arith.index_cast %select_n3A : i32 to index
      %get3A_124 = arith.index_cast %mul3A_123 : i32 to index
      %get3A_125 = tpu.vector_load %arg5[%get3A, %get3A_124] {strides = array<i32>} : memref<80x128xi32, #tpu.memory_space<vmem>>, vector<16xi32>,
      %shift_right_logical3A = arith.constant 14 : i32
      %shift_right_logical3A_126 = vector.broadcast %shift_right_logical3A : i32 to vector<16xi32>
      %shift_right_logical3A_127 = arith.shrui %get3A_125, %shift_right_logical3A_126 : vector<16xi32>
      %sub3A_128 = vector.broadcast %mul3A_0 : i32 to vector<16xi32>
      %sub3A_129 = arith.subi %shift_right_logical3A_127, %sub3A_128 : vector<16xi32>
      %iota3A = tpu.iota {dimensions = array<i32: 0>} : vector<16xi32>
      %add3A_130 = vector.broadcast %select_n3A : i32 to vector<16xi32>
      %add3A_131 = arith.addi %iota3A, %add3A_130 : vector<16xi32>
      %and3A_132 = arith.constant 127 : i32
      %and3A_133 = vector.broadcast %and3A_132 : i32 to vector<16xi32>
      %and3A_134 = arith.andi %add3A_131, %and3A_133 : vector<16xi32>
      %add3A_135 = arith.constant 5120 : i32
      %add3A_136 = vector.broadcast %add3A_135 : i32 to vector<16xi32>
      %add3A_137 = arith.addi %add3A_136, %and3A_134 : vector<16xi32>
      %min3A = arith.minsi %sub3A_129, %add3A_137 : vector<16xi32>
      %swap3A = arith.index_cast %select_n3A : i32 to index
      %swap3A_138 = arith.index_cast %mul3A_123 : i32 to index
      %swap3A_139 = tpu.vector_load %arg6[%swap3A, %swap3A_138] {strides = array<i32>} : memref<80x128xi32, #tpu.memory_space<vmem>>, vector<16xi32>,
      tpu.vector_store %arg6[%swap3A, %swap3A_138], %min3A {strides = array<i32>} : memref<80x128xi32, #tpu.memory_space<vmem>>, vector<16xi32>,
      %and3A_140 = arith.constant 16383 : i32
      %and3A_141 = vector.broadcast %and3A_140 : i32 to vector<16xi32>
      %and3A_142 = arith.andi %get3A_125, %and3A_141 : vector<16xi32>
      %swap3A_143 = arith.index_cast %select_n3A : i32 to index
      %swap3A_144 = arith.index_cast %mul3A_123 : i32 to index
      %swap3A_145 = tpu.vector_load %arg5[%swap3A_143, %swap3A_144] {strides = array<i32>} : memref<80x128xi32, #tpu.memory_space<vmem>>, vector<16xi32>,
      tpu.vector_store %arg5[%swap3A_143, %swap3A_144], %and3A_142 {strides = array<i32>} : memref<80x128xi32, #tpu.memory_space<vmem>>, vector<16xi32>,
      %while3A_146 = arith.constant 0 : i32
      scf.yield %while3A_146 : i32
    }
    %while3A_80 = arith.constant 1 : i32
    %while3A_81 = scf.for %while3A_90 = %while3A_77 to %while3A_73 step %while3A_80 iter_args(%while3A_91 = %while3A_79) -> (i32)  : i32 {
      %jit3A = arith.constant 8 : i32
      %div3A = arith.divsi %while3A_90, %jit3A : i32
      %sign3A = arith.constant 0 : i32
      %sign3A_92 = arith.cmpi sgt, %while3A_90, %sign3A : i32
      %sign3A_93 = arith.extui %sign3A_92 : i1 to i32
      %sign3A_94 = arith.constant 0 : i32
      %sign3A_95 = arith.cmpi slt, %while3A_90, %sign3A_94 : i32
      %sign3A_96 = arith.extui %sign3A_95 : i1 to i32
      %sign3A_97 = arith.subi %sign3A_93, %sign3A_96 : i32
      %sign3A_98 = arith.constant 0 : i32
      %sign3A_99 = arith.cmpi sgt, %jit3A, %sign3A_98 : i32
      %sign3A_100 = arith.extui %sign3A_99 : i1 to i32
      %sign3A_101 = arith.constant 0 : i32
      %sign3A_102 = arith.cmpi slt, %jit3A, %sign3A_101 : i32
      %sign3A_103 = arith.extui %sign3A_102 : i1 to i32
      %sign3A_104 = arith.subi %sign3A_100, %sign3A_103 : i32
      %ne3A = arith.cmpi ne, %sign3A_97, %sign3A_104 : i32
      %rem3A = arith.remsi %while3A_90, %jit3A : i32
      %ne3A_105 = arith.constant 0 : i32
      %ne3A_106 = arith.cmpi ne, %rem3A, %ne3A_105 : i32
      %and3A = arith.andi %ne3A, %ne3A_106 : i1
      %sub3A = arith.constant 1 : i32
      %sub3A_107 = arith.subi %div3A, %sub3A : i32
      %select_n3A = arith.select %and3A, %sub3A_107, %div3A : i32
      %jit3A_108 = arith.constant 8 : i32
      %eq3A = arith.constant 0 : i32
      %eq3A_109 = arith.cmpi eq, %jit3A_108, %eq3A : i32
      %jit3A_110 = arith.constant 1 : i32
      %select_n3A_111 = arith.select %eq3A_109, %jit3A_110, %jit3A_108 : i32
      %rem3A_112 = arith.remsi %while3A_90, %select_n3A_111 : i32
      %ne3A_113 = arith.constant 0 : i32
      %ne3A_114 = arith.cmpi ne, %rem3A_112, %ne3A_113 : i32
      %lt3A = arith.constant 0 : i32
      %lt3A_115 = arith.cmpi slt, %rem3A_112, %lt3A : i32
      %lt3A_116 = arith.constant 0 : i32
      %lt3A_117 = arith.cmpi slt, %select_n3A_111, %lt3A_116 : i32
      %ne3A_118 = arith.xori %lt3A_115, %lt3A_117 : i1
      %and3A_119 = arith.andi %ne3A_118, %ne3A_114 : i1
      %add3A_120 = arith.addi %rem3A_112, %select_n3A_111 : i32
      %select_n3A_121 = arith.select %and3A_119, %add3A_120, %rem3A_112 : i32
      %mul3A_122 = arith.constant 16 : i32
      %mul3A_123 = arith.muli %select_n3A_121, %mul3A_122 : i32
      %get3A = arith.index_cast %select_n3A : i32 to index
      %get3A_124 = arith.index_cast %mul3A_123 : i32 to index
      %get3A_125 = tpu.vector_load %arg5[%get3A, %get3A_124] {strides = array<i32>} : memref<80x128xi32, #tpu.memory_space<vmem>>, vector<16xi32>,
      %shift_right_logical3A = arith.constant 14 : i32
      %shift_right_logical3A_126 = vector.broadcast %shift_right_logical3A : i32 to vector<16xi32>
      %shift_right_logical3A_127 = arith.shrui %get3A_125, %shift_right_logical3A_126 : vector<16xi32>
      %sub3A_128 = vector.broadcast %mul3A_0 : i32 to vector<16xi32>
      %sub3A_129 = arith.subi %shift_right_logical3A_127, %sub3A_128 : vector<16xi32>
      %iota3A = tpu.iota {dimensions = array<i32: 0>} : vector<16xi32>
      %add3A_130 = vector.broadcast %select_n3A : i32 to vector<16xi32>
      %add3A_131 = arith.addi %iota3A, %add3A_130 : vector<16xi32>
      %and3A_132 = arith.constant 127 : i32
      %and3A_133 = vector.broadcast %and3A_132 : i32 to vector<16xi32>
      %and3A_134 = arith.andi %add3A_131, %and3A_133 : vector<16xi32>
      %add3A_135 = arith.constant 5120 : i32
      %add3A_136 = vector.broadcast %add3A_135 : i32 to vector<16xi32>
      %add3A_137 = arith.addi %add3A_136, %and3A_134 : vector<16xi32>
      %min3A = arith.minsi %sub3A_129, %add3A_137 : vector<16xi32>
      %swap3A = arith.index_cast %select_n3A : i32 to index
      %swap3A_138 = arith.index_cast %mul3A_123 : i32 to index
      %swap3A_139 = tpu.vector_load %arg6[%swap3A, %swap3A_138] {strides = array<i32>} : memref<80x128xi32, #tpu.memory_space<vmem>>, vector<16xi32>,
      tpu.vector_store %arg6[%swap3A, %swap3A_138], %min3A {strides = array<i32>} : memref<80x128xi32, #tpu.memory_space<vmem>>, vector<16xi32>,
      %and3A_140 = arith.constant 16383 : i32
      %and3A_141 = vector.broadcast %and3A_140 : i32 to vector<16xi32>
      %and3A_142 = arith.andi %get3A_125, %and3A_141 : vector<16xi32>
      %swap3A_143 = arith.index_cast %select_n3A : i32 to index
      %swap3A_144 = arith.index_cast %mul3A_123 : i32 to index
      %swap3A_145 = tpu.vector_load %arg5[%swap3A_143, %swap3A_144] {strides = array<i32>} : memref<80x128xi32, #tpu.memory_space<vmem>>, vector<16xi32>,
      tpu.vector_store %arg5[%swap3A_143, %swap3A_144], %and3A_142 {strides = array<i32>} : memref<80x128xi32, #tpu.memory_space<vmem>>, vector<16xi32>,
      %while3A_146 = arith.constant 0 : i32
      scf.yield %while3A_146 : i32
    }
    %gt3A_82 = arith.constant 0 : i32
    %gt3A_83 = arith.cmpi sgt, %scan3A_66, %gt3A_82 : i32
    %convert_element_type3A_84 = arith.extui %gt3A_83 : i1 to i32
    %cond3A_85 = arith.constant 0 : i32
    %cond3A_86 = arith.cmpi ne, %convert_element_type3A_84, %cond3A_85 : i32
    scf.if %cond3A_86 {
      %dma_start3A = arith.constant 0 : i32
      %dma_start3A_90 = arith.constant 0 : i32
      %dma_start3A_91 = tpu.memref_slice %arg5[%dma_start3A, %dma_start3A_90] : memref<80x128xi32, #tpu.memory_space<vmem>> -> memref<1x128xi32, #tpu.memory_space<vmem>>
      %dma_start3A_92 = tpu.memref_squeeze %dma_start3A_91 : memref<1x128xi32, #tpu.memory_space<vmem>> -> memref<128xi32, #tpu.memory_space<vmem>>
      %dma_start3A_93 = arith.constant 0 : i32
      %dma_start3A_94 = arith.constant 0 : i32
      %dma_start3A_95 = tpu.memref_slice %arg2[%dma_start3A_93, %dma_start3A_94] : memref<10240x128xf32, #tpu.memory_space<hbm>> -> memref<10240x128xf32, #tpu.memory_space<hbm>>
      tpu.enqueue_indirect_dma source(%dma_start3A_95 : memref<10240x128xf32, #tpu.memory_space<hbm>>) target(%arg7 : memref<128x128xf32, #tpu.memory_space<vmem>>) offsets(%dma_start3A_92 : memref<128xi32, #tpu.memory_space<vmem>>) semaphore(%arg11 : memref<!tpu.dma_semaphore, #tpu.memory_space<semaphore_mem>>)
      %while3A_96 = arith.constant 0 : i32
      %while3A_97 = arith.constant 0 : i32
      %while3A_98 = arith.subi %scan3A_66, %while3A_96 : i32
      %while3A_99 = arith.addi %while3A_96, %while3A_98 : i32
      %while3A_100 = arith.constant 1 : i32
      %while3A_101 = arith.divsi %while3A_98, %while3A_100 : i32
      %while3A_102 = arith.muli %while3A_101, %while3A_100 : i32
      %while3A_103 = arith.addi %while3A_96, %while3A_102 : i32
      %while3A_104 = arith.constant 1 : i32
      %while3A_105 = scf.for %while3A_108 = %while3A_96 to %while3A_103 step %while3A_104 iter_args(%while3A_109 = %while3A_97) -> (i32)  : i32 {
        %add3A_110 = arith.constant 1 : i32
        %add3A_111 = arith.addi %while3A_108, %add3A_110 : i32
        %lt3A = arith.cmpi slt, %add3A_111, %scan3A_66 : i32
        %convert_element_type3A_112 = arith.extui %lt3A : i1 to i32
        %cond3A_113 = arith.constant 0 : i32
        %cond3A_114 = arith.cmpi ne, %convert_element_type3A_112, %cond3A_113 : i32
        scf.if %cond3A_114 {
          %add3A_152 = arith.constant 1 : i32
          %add3A_153 = arith.addi %while3A_108, %add3A_152 : i32
          %jit3A_154 = arith.constant 2 : i32
          %eq3A_155 = arith.constant 0 : i32
          %eq3A_156 = arith.cmpi eq, %jit3A_154, %eq3A_155 : i32
          %jit3A_157 = arith.constant 1 : i32
          %select_n3A_158 = arith.select %eq3A_156, %jit3A_157, %jit3A_154 : i32
          %rem3A_159 = arith.remsi %add3A_153, %select_n3A_158 : i32
          %ne3A_160 = arith.constant 0 : i32
          %ne3A_161 = arith.cmpi ne, %rem3A_159, %ne3A_160 : i32
          %lt3A_162 = arith.constant 0 : i32
          %lt3A_163 = arith.cmpi slt, %rem3A_159, %lt3A_162 : i32
          %lt3A_164 = arith.constant 0 : i32
          %lt3A_165 = arith.cmpi slt, %select_n3A_158, %lt3A_164 : i32
          %ne3A_166 = arith.xori %lt3A_163, %lt3A_165 : i1
          %and3A_167 = arith.andi %ne3A_166, %ne3A_161 : i1
          %add3A_168 = arith.addi %rem3A_159, %select_n3A_158 : i32
          %select_n3A_169 = arith.select %and3A_167, %add3A_168, %rem3A_159 : i32
          %eq3A_170 = arith.constant 0 : i32
          %eq3A_171 = arith.cmpi eq, %select_n3A_169, %eq3A_170 : i32
          %convert_element_type3A_172 = arith.extui %eq3A_171 : i1 to i32
          %cond3A_173 = arith.constant 0 : i32
          %cond3A_174 = arith.cmpi ne, %convert_element_type3A_172, %cond3A_173 : i32
          scf.if %cond3A_174 {
            %add3A_198 = arith.constant 1 : i32
            %add3A_199 = arith.addi %while3A_108, %add3A_198 : i32
            %dma_start3A_200 = arith.constant 0 : i32
            %dma_start3A_201 = tpu.memref_slice %arg5[%add3A_199, %dma_start3A_200] : memref<80x128xi32, #tpu.memory_space<vmem>> -> memref<1x128xi32, #tpu.memory_space<vmem>>
            %dma_start3A_202 = tpu.memref_squeeze %dma_start3A_201 : memref<1x128xi32, #tpu.memory_space<vmem>> -> memref<128xi32, #tpu.memory_space<vmem>>
            %dma_start3A_203 = arith.constant 0 : i32
            %dma_start3A_204 = arith.constant 0 : i32
            %dma_start3A_205 = tpu.memref_slice %arg2[%dma_start3A_203, %dma_start3A_204] : memref<10240x128xf32, #tpu.memory_space<hbm>> -> memref<10240x128xf32, #tpu.memory_space<hbm>>
            tpu.enqueue_indirect_dma source(%dma_start3A_205 : memref<10240x128xf32, #tpu.memory_space<hbm>>) target(%arg7 : memref<128x128xf32, #tpu.memory_space<vmem>>) offsets(%dma_start3A_202 : memref<128xi32, #tpu.memory_space<vmem>>) semaphore(%arg11 : memref<!tpu.dma_semaphore, #tpu.memory_space<semaphore_mem>>)
          } else {
          }
          %add3A_175 = arith.constant 1 : i32
          %add3A_176 = arith.addi %while3A_108, %add3A_175 : i32
          %jit3A_177 = arith.constant 2 : i32
          %eq3A_178 = arith.constant 0 : i32
          %eq3A_179 = arith.cmpi eq, %jit3A_177, %eq3A_178 : i32
          %jit3A_180 = arith.constant 1 : i32
          %select_n3A_181 = arith.select %eq3A_179, %jit3A_180, %jit3A_177 : i32
          %rem3A_182 = arith.remsi %add3A_176, %select_n3A_181 : i32
          %ne3A_183 = arith.constant 0 : i32
          %ne3A_184 = arith.cmpi ne, %rem3A_182, %ne3A_183 : i32
          %lt3A_185 = arith.constant 0 : i32
          %lt3A_186 = arith.cmpi slt, %rem3A_182, %lt3A_185 : i32
          %lt3A_187 = arith.constant 0 : i32
          %lt3A_188 = arith.cmpi slt, %select_n3A_181, %lt3A_187 : i32
          %ne3A_189 = arith.xori %lt3A_186, %lt3A_188 : i1
          %and3A_190 = arith.andi %ne3A_189, %ne3A_184 : i1
          %add3A_191 = arith.addi %rem3A_182, %select_n3A_181 : i32
          %select_n3A_192 = arith.select %and3A_190, %add3A_191, %rem3A_182 : i32
          %eq3A_193 = arith.constant 1 : i32
          %eq3A_194 = arith.cmpi eq, %select_n3A_192, %eq3A_193 : i32
          %convert_element_type3A_195 = arith.extui %eq3A_194 : i1 to i32
          %cond3A_196 = arith.constant 0 : i32
          %cond3A_197 = arith.cmpi ne, %convert_element_type3A_195, %cond3A_196 : i32
          scf.if %cond3A_197 {
            %add3A_198 = arith.constant 1 : i32
            %add3A_199 = arith.addi %while3A_108, %add3A_198 : i32
            %dma_start3A_200 = arith.constant 0 : i32
            %dma_start3A_201 = tpu.memref_slice %arg5[%add3A_199, %dma_start3A_200] : memref<80x128xi32, #tpu.memory_space<vmem>> -> memref<1x128xi32, #tpu.memory_space<vmem>>
            %dma_start3A_202 = tpu.memref_squeeze %dma_start3A_201 : memref<1x128xi32, #tpu.memory_space<vmem>> -> memref<128xi32, #tpu.memory_space<vmem>>
            %dma_start3A_203 = arith.constant 0 : i32
            %dma_start3A_204 = arith.constant 0 : i32
            %dma_start3A_205 = tpu.memref_slice %arg2[%dma_start3A_203, %dma_start3A_204] : memref<10240x128xf32, #tpu.memory_space<hbm>> -> memref<10240x128xf32, #tpu.memory_space<hbm>>
            tpu.enqueue_indirect_dma source(%dma_start3A_205 : memref<10240x128xf32, #tpu.memory_space<hbm>>) target(%arg8 : memref<128x128xf32, #tpu.memory_space<vmem>>) offsets(%dma_start3A_202 : memref<128xi32, #tpu.memory_space<vmem>>) semaphore(%arg12 : memref<!tpu.dma_semaphore, #tpu.memory_space<semaphore_mem>>)
          } else {
          }
        } else {
        }
        %jit3A = arith.constant 2 : i32
        %eq3A = arith.constant 0 : i32
        %eq3A_115 = arith.cmpi eq, %jit3A, %eq3A : i32
        %jit3A_116 = arith.constant 1 : i32
        %select_n3A = arith.select %eq3A_115, %jit3A_116, %jit3A : i32
        %rem3A = arith.remsi %while3A_108, %select_n3A : i32
        %ne3A = arith.constant 0 : i32
        %ne3A_117 = arith.cmpi ne, %rem3A, %ne3A : i32
        %lt3A_118 = arith.constant 0 : i32
        %lt3A_119 = arith.cmpi slt, %rem3A, %lt3A_118 : i32
        %lt3A_120 = arith.constant 0 : i32
        %lt3A_121 = arith.cmpi slt, %select_n3A, %lt3A_120 : i32
        %ne3A_122 = arith.xori %lt3A_119, %lt3A_121 : i1
        %and3A = arith.andi %ne3A_122, %ne3A_117 : i1
        %add3A_123 = arith.addi %rem3A, %select_n3A : i32
        %select_n3A_124 = arith.select %and3A, %add3A_123, %rem3A : i32
        %eq3A_125 = arith.constant 0 : i32
        %eq3A_126 = arith.cmpi eq, %select_n3A_124, %eq3A_125 : i32
        %convert_element_type3A_127 = arith.extui %eq3A_126 : i1 to i32
        %cond3A_128 = arith.constant 0 : i32
        %cond3A_129 = arith.cmpi ne, %convert_element_type3A_127, %cond3A_128 : i32
        scf.if %cond3A_129 {
          %dma_wait3A = arith.constant 0 : i32
          %dma_wait3A_152 = tpu.memref_slice %arg5[%while3A_108, %dma_wait3A] : memref<80x128xi32, #tpu.memory_space<vmem>> -> memref<1x128xi32, #tpu.memory_space<vmem>>
          %dma_wait3A_153 = tpu.memref_squeeze %dma_wait3A_152 : memref<1x128xi32, #tpu.memory_space<vmem>> -> memref<128xi32, #tpu.memory_space<vmem>>
          %dma_wait3A_154 = arith.constant 0 : i32
          %dma_wait3A_155 = arith.constant 0 : i32
          %dma_wait3A_156 = tpu.memref_slice %arg2[%dma_wait3A_154, %dma_wait3A_155] : memref<10240x128xf32, #tpu.memory_space<hbm>> -> memref<10240x128xf32, #tpu.memory_space<hbm>>
          tpu.wait_indirect_dma semaphore(%arg11 : memref<!tpu.dma_semaphore, #tpu.memory_space<semaphore_mem>>) src(%dma_wait3A_156 : memref<10240x128xf32, #tpu.memory_space<hbm>>) dst(%arg7 : memref<128x128xf32, #tpu.memory_space<vmem>>)
          "tpu.region"() ({
            %run_scoped3A = tpu.sem_alloc : memref<!tpu.dma_semaphore, #tpu.memory_space<semaphore_mem>>
            %dma_start3A_157 = arith.constant 0 : i32
            %dma_start3A_158 = tpu.memref_slice %arg6[%while3A_108, %dma_start3A_157] : memref<80x128xi32, #tpu.memory_space<vmem>> -> memref<1x128xi32, #tpu.memory_space<vmem>>
            %dma_start3A_159 = tpu.memref_squeeze %dma_start3A_158 : memref<1x128xi32, #tpu.memory_space<vmem>> -> memref<128xi32, #tpu.memory_space<vmem>>
            %dma_start3A_160 = arith.constant 0 : i32
            %dma_start3A_161 = arith.constant 0 : i32
            %dma_start3A_162 = tpu.memref_slice %arg10[%dma_start3A_160, %dma_start3A_161] : memref<5248x128xf32, #tpu.memory_space<vmem_shared>> -> memref<5248x128xf32, #tpu.memory_space<vmem_shared>>
            tpu.enqueue_indirect_dma source(%arg7 : memref<128x128xf32, #tpu.memory_space<vmem>>) target(%dma_start3A_162 : memref<5248x128xf32, #tpu.memory_space<vmem_shared>>) offsets(%dma_start3A_159 : memref<128xi32, #tpu.memory_space<vmem>>) semaphore(%run_scoped3A : memref<!tpu.dma_semaphore, #tpu.memory_space<semaphore_mem>>) {add = true}
            %dma_wait3A_163 = arith.constant 0 : i32
            %dma_wait3A_164 = tpu.memref_slice %arg6[%while3A_108, %dma_wait3A_163] : memref<80x128xi32, #tpu.memory_space<vmem>> -> memref<1x128xi32, #tpu.memory_space<vmem>>
            %dma_wait3A_165 = tpu.memref_squeeze %dma_wait3A_164 : memref<1x128xi32, #tpu.memory_space<vmem>> -> memref<128xi32, #tpu.memory_space<vmem>>
            %dma_wait3A_166 = arith.constant 0 : i32
            %dma_wait3A_167 = arith.constant 0 : i32
            %dma_wait3A_168 = tpu.memref_slice %arg10[%dma_wait3A_166, %dma_wait3A_167] : memref<5248x128xf32, #tpu.memory_space<vmem_shared>> -> memref<5248x128xf32, #tpu.memory_space<vmem_shared>>
            tpu.wait_indirect_dma semaphore(%run_scoped3A : memref<!tpu.dma_semaphore, #tpu.memory_space<semaphore_mem>>) src(%arg7 : memref<128x128xf32, #tpu.memory_space<vmem>>) dst(%dma_wait3A_168 : memref<5248x128xf32, #tpu.memory_space<vmem_shared>>)
            tpu.yield
          }) : () -> ()
        } else {
        }
        %jit3A_130 = arith.constant 2 : i32
        %eq3A_131 = arith.constant 0 : i32
        %eq3A_132 = arith.cmpi eq, %jit3A_130, %eq3A_131 : i32
        %jit3A_133 = arith.constant 1 : i32
        %select_n3A_134 = arith.select %eq3A_132, %jit3A_133, %jit3A_130 : i32
        %rem3A_135 = arith.remsi %while3A_108, %select_n3A_134 : i32
        %ne3A_136 = arith.constant 0 : i32
        %ne3A_137 = arith.cmpi ne, %rem3A_135, %ne3A_136 : i32
        %lt3A_138 = arith.constant 0 : i32
        %lt3A_139 = arith.cmpi slt, %rem3A_135, %lt3A_138 : i32
        %lt3A_140 = arith.constant 0 : i32
        %lt3A_141 = arith.cmpi slt, %select_n3A_134, %lt3A_140 : i32
        %ne3A_142 = arith.xori %lt3A_139, %lt3A_141 : i1
        %and3A_143 = arith.andi %ne3A_142, %ne3A_137 : i1
        %add3A_144 = arith.addi %rem3A_135, %select_n3A_134 : i32
        %select_n3A_145 = arith.select %and3A_143, %add3A_144, %rem3A_135 : i32
        %eq3A_146 = arith.constant 1 : i32
        %eq3A_147 = arith.cmpi eq, %select_n3A_145, %eq3A_146 : i32
        %convert_element_type3A_148 = arith.extui %eq3A_147 : i1 to i32
        %cond3A_149 = arith.constant 0 : i32
        %cond3A_150 = arith.cmpi ne, %convert_element_type3A_148, %cond3A_149 : i32
        scf.if %cond3A_150 {
          %dma_wait3A = arith.constant 0 : i32
          %dma_wait3A_152 = tpu.memref_slice %arg5[%while3A_108, %dma_wait3A] : memref<80x128xi32, #tpu.memory_space<vmem>> -> memref<1x128xi32, #tpu.memory_space<vmem>>
          %dma_wait3A_153 = tpu.memref_squeeze %dma_wait3A_152 : memref<1x128xi32, #tpu.memory_space<vmem>> -> memref<128xi32, #tpu.memory_space<vmem>>
          %dma_wait3A_154 = arith.constant 0 : i32
          %dma_wait3A_155 = arith.constant 0 : i32
          %dma_wait3A_156 = tpu.memref_slice %arg2[%dma_wait3A_154, %dma_wait3A_155] : memref<10240x128xf32, #tpu.memory_space<hbm>> -> memref<10240x128xf32, #tpu.memory_space<hbm>>
          tpu.wait_indirect_dma semaphore(%arg12 : memref<!tpu.dma_semaphore, #tpu.memory_space<semaphore_mem>>) src(%dma_wait3A_156 : memref<10240x128xf32, #tpu.memory_space<hbm>>) dst(%arg8 : memref<128x128xf32, #tpu.memory_space<vmem>>)
          "tpu.region"() ({
            %run_scoped3A = tpu.sem_alloc : memref<!tpu.dma_semaphore, #tpu.memory_space<semaphore_mem>>
            %dma_start3A_157 = arith.constant 0 : i32
            %dma_start3A_158 = tpu.memref_slice %arg6[%while3A_108, %dma_start3A_157] : memref<80x128xi32, #tpu.memory_space<vmem>> -> memref<1x128xi32, #tpu.memory_space<vmem>>
            %dma_start3A_159 = tpu.memref_squeeze %dma_start3A_158 : memref<1x128xi32, #tpu.memory_space<vmem>> -> memref<128xi32, #tpu.memory_space<vmem>>
            %dma_start3A_160 = arith.constant 0 : i32
            %dma_start3A_161 = arith.constant 0 : i32
            %dma_start3A_162 = tpu.memref_slice %arg10[%dma_start3A_160, %dma_start3A_161] : memref<5248x128xf32, #tpu.memory_space<vmem_shared>> -> memref<5248x128xf32, #tpu.memory_space<vmem_shared>>
            tpu.enqueue_indirect_dma source(%arg8 : memref<128x128xf32, #tpu.memory_space<vmem>>) target(%dma_start3A_162 : memref<5248x128xf32, #tpu.memory_space<vmem_shared>>) offsets(%dma_start3A_159 : memref<128xi32, #tpu.memory_space<vmem>>) semaphore(%run_scoped3A : memref<!tpu.dma_semaphore, #tpu.memory_space<semaphore_mem>>) {add = true}
            %dma_wait3A_163 = arith.constant 0 : i32
            %dma_wait3A_164 = tpu.memref_slice %arg6[%while3A_108, %dma_wait3A_163] : memref<80x128xi32, #tpu.memory_space<vmem>> -> memref<1x128xi32, #tpu.memory_space<vmem>>
            %dma_wait3A_165 = tpu.memref_squeeze %dma_wait3A_164 : memref<1x128xi32, #tpu.memory_space<vmem>> -> memref<128xi32, #tpu.memory_space<vmem>>
            %dma_wait3A_166 = arith.constant 0 : i32
            %dma_wait3A_167 = arith.constant 0 : i32
            %dma_wait3A_168 = tpu.memref_slice %arg10[%dma_wait3A_166, %dma_wait3A_167] : memref<5248x128xf32, #tpu.memory_space<vmem_shared>> -> memref<5248x128xf32, #tpu.memory_space<vmem_shared>>
            tpu.wait_indirect_dma semaphore(%run_scoped3A : memref<!tpu.dma_semaphore, #tpu.memory_space<semaphore_mem>>) src(%arg8 : memref<128x128xf32, #tpu.memory_space<vmem>>) dst(%dma_wait3A_168 : memref<5248x128xf32, #tpu.memory_space<vmem_shared>>)
            tpu.yield
          }) : () -> ()
        } else {
        }
        %while3A_151 = arith.constant 0 : i32
        scf.yield %while3A_151 : i32
      }
      %while3A_106 = arith.constant 1 : i32
      %while3A_107 = scf.for %while3A_108 = %while3A_103 to %while3A_99 step %while3A_106 iter_args(%while3A_109 = %while3A_105) -> (i32)  : i32 {
        %add3A_110 = arith.constant 1 : i32
        %add3A_111 = arith.addi %while3A_108, %add3A_110 : i32
        %lt3A = arith.cmpi slt, %add3A_111, %scan3A_66 : i32
        %convert_element_type3A_112 = arith.extui %lt3A : i1 to i32
        %cond3A_113 = arith.constant 0 : i32
        %cond3A_114 = arith.cmpi ne, %convert_element_type3A_112, %cond3A_113 : i32
        scf.if %cond3A_114 {
          %add3A_152 = arith.constant 1 : i32
          %add3A_153 = arith.addi %while3A_108, %add3A_152 : i32
          %jit3A_154 = arith.constant 2 : i32
          %eq3A_155 = arith.constant 0 : i32
          %eq3A_156 = arith.cmpi eq, %jit3A_154, %eq3A_155 : i32
          %jit3A_157 = arith.constant 1 : i32
          %select_n3A_158 = arith.select %eq3A_156, %jit3A_157, %jit3A_154 : i32
          %rem3A_159 = arith.remsi %add3A_153, %select_n3A_158 : i32
          %ne3A_160 = arith.constant 0 : i32
          %ne3A_161 = arith.cmpi ne, %rem3A_159, %ne3A_160 : i32
          %lt3A_162 = arith.constant 0 : i32
          %lt3A_163 = arith.cmpi slt, %rem3A_159, %lt3A_162 : i32
          %lt3A_164 = arith.constant 0 : i32
          %lt3A_165 = arith.cmpi slt, %select_n3A_158, %lt3A_164 : i32
          %ne3A_166 = arith.xori %lt3A_163, %lt3A_165 : i1
          %and3A_167 = arith.andi %ne3A_166, %ne3A_161 : i1
          %add3A_168 = arith.addi %rem3A_159, %select_n3A_158 : i32
          %select_n3A_169 = arith.select %and3A_167, %add3A_168, %rem3A_159 : i32
          %eq3A_170 = arith.constant 0 : i32
          %eq3A_171 = arith.cmpi eq, %select_n3A_169, %eq3A_170 : i32
          %convert_element_type3A_172 = arith.extui %eq3A_171 : i1 to i32
          %cond3A_173 = arith.constant 0 : i32
          %cond3A_174 = arith.cmpi ne, %convert_element_type3A_172, %cond3A_173 : i32
          scf.if %cond3A_174 {
            %add3A_198 = arith.constant 1 : i32
            %add3A_199 = arith.addi %while3A_108, %add3A_198 : i32
            %dma_start3A_200 = arith.constant 0 : i32
            %dma_start3A_201 = tpu.memref_slice %arg5[%add3A_199, %dma_start3A_200] : memref<80x128xi32, #tpu.memory_space<vmem>> -> memref<1x128xi32, #tpu.memory_space<vmem>>
            %dma_start3A_202 = tpu.memref_squeeze %dma_start3A_201 : memref<1x128xi32, #tpu.memory_space<vmem>> -> memref<128xi32, #tpu.memory_space<vmem>>
            %dma_start3A_203 = arith.constant 0 : i32
            %dma_start3A_204 = arith.constant 0 : i32
            %dma_start3A_205 = tpu.memref_slice %arg2[%dma_start3A_203, %dma_start3A_204] : memref<10240x128xf32, #tpu.memory_space<hbm>> -> memref<10240x128xf32, #tpu.memory_space<hbm>>
            tpu.enqueue_indirect_dma source(%dma_start3A_205 : memref<10240x128xf32, #tpu.memory_space<hbm>>) target(%arg7 : memref<128x128xf32, #tpu.memory_space<vmem>>) offsets(%dma_start3A_202 : memref<128xi32, #tpu.memory_space<vmem>>) semaphore(%arg11 : memref<!tpu.dma_semaphore, #tpu.memory_space<semaphore_mem>>)
          } else {
          }
          %add3A_175 = arith.constant 1 : i32
          %add3A_176 = arith.addi %while3A_108, %add3A_175 : i32
          %jit3A_177 = arith.constant 2 : i32
          %eq3A_178 = arith.constant 0 : i32
          %eq3A_179 = arith.cmpi eq, %jit3A_177, %eq3A_178 : i32
          %jit3A_180 = arith.constant 1 : i32
          %select_n3A_181 = arith.select %eq3A_179, %jit3A_180, %jit3A_177 : i32
          %rem3A_182 = arith.remsi %add3A_176, %select_n3A_181 : i32
          %ne3A_183 = arith.constant 0 : i32
          %ne3A_184 = arith.cmpi ne, %rem3A_182, %ne3A_183 : i32
          %lt3A_185 = arith.constant 0 : i32
          %lt3A_186 = arith.cmpi slt, %rem3A_182, %lt3A_185 : i32
          %lt3A_187 = arith.constant 0 : i32
          %lt3A_188 = arith.cmpi slt, %select_n3A_181, %lt3A_187 : i32
          %ne3A_189 = arith.xori %lt3A_186, %lt3A_188 : i1
          %and3A_190 = arith.andi %ne3A_189, %ne3A_184 : i1
          %add3A_191 = arith.addi %rem3A_182, %select_n3A_181 : i32
          %select_n3A_192 = arith.select %and3A_190, %add3A_191, %rem3A_182 : i32
          %eq3A_193 = arith.constant 1 : i32
          %eq3A_194 = arith.cmpi eq, %select_n3A_192, %eq3A_193 : i32
          %convert_element_type3A_195 = arith.extui %eq3A_194 : i1 to i32
          %cond3A_196 = arith.constant 0 : i32
          %cond3A_197 = arith.cmpi ne, %convert_element_type3A_195, %cond3A_196 : i32
          scf.if %cond3A_197 {
            %add3A_198 = arith.constant 1 : i32
            %add3A_199 = arith.addi %while3A_108, %add3A_198 : i32
            %dma_start3A_200 = arith.constant 0 : i32
            %dma_start3A_201 = tpu.memref_slice %arg5[%add3A_199, %dma_start3A_200] : memref<80x128xi32, #tpu.memory_space<vmem>> -> memref<1x128xi32, #tpu.memory_space<vmem>>
            %dma_start3A_202 = tpu.memref_squeeze %dma_start3A_201 : memref<1x128xi32, #tpu.memory_space<vmem>> -> memref<128xi32, #tpu.memory_space<vmem>>
            %dma_start3A_203 = arith.constant 0 : i32
            %dma_start3A_204 = arith.constant 0 : i32
            %dma_start3A_205 = tpu.memref_slice %arg2[%dma_start3A_203, %dma_start3A_204] : memref<10240x128xf32, #tpu.memory_space<hbm>> -> memref<10240x128xf32, #tpu.memory_space<hbm>>
            tpu.enqueue_indirect_dma source(%dma_start3A_205 : memref<10240x128xf32, #tpu.memory_space<hbm>>) target(%arg8 : memref<128x128xf32, #tpu.memory_space<vmem>>) offsets(%dma_start3A_202 : memref<128xi32, #tpu.memory_space<vmem>>) semaphore(%arg12 : memref<!tpu.dma_semaphore, #tpu.memory_space<semaphore_mem>>)
          } else {
          }
        } else {
        }
        %jit3A = arith.constant 2 : i32
        %eq3A = arith.constant 0 : i32
        %eq3A_115 = arith.cmpi eq, %jit3A, %eq3A : i32
        %jit3A_116 = arith.constant 1 : i32
        %select_n3A = arith.select %eq3A_115, %jit3A_116, %jit3A : i32
        %rem3A = arith.remsi %while3A_108, %select_n3A : i32
        %ne3A = arith.constant 0 : i32
        %ne3A_117 = arith.cmpi ne, %rem3A, %ne3A : i32
        %lt3A_118 = arith.constant 0 : i32
        %lt3A_119 = arith.cmpi slt, %rem3A, %lt3A_118 : i32
        %lt3A_120 = arith.constant 0 : i32
        %lt3A_121 = arith.cmpi slt, %select_n3A, %lt3A_120 : i32
        %ne3A_122 = arith.xori %lt3A_119, %lt3A_121 : i1
        %and3A = arith.andi %ne3A_122, %ne3A_117 : i1
        %add3A_123 = arith.addi %rem3A, %select_n3A : i32
        %select_n3A_124 = arith.select %and3A, %add3A_123, %rem3A : i32
        %eq3A_125 = arith.constant 0 : i32
        %eq3A_126 = arith.cmpi eq, %select_n3A_124, %eq3A_125 : i32
        %convert_element_type3A_127 = arith.extui %eq3A_126 : i1 to i32
        %cond3A_128 = arith.constant 0 : i32
        %cond3A_129 = arith.cmpi ne, %convert_element_type3A_127, %cond3A_128 : i32
        scf.if %cond3A_129 {
          %dma_wait3A = arith.constant 0 : i32
          %dma_wait3A_152 = tpu.memref_slice %arg5[%while3A_108, %dma_wait3A] : memref<80x128xi32, #tpu.memory_space<vmem>> -> memref<1x128xi32, #tpu.memory_space<vmem>>
          %dma_wait3A_153 = tpu.memref_squeeze %dma_wait3A_152 : memref<1x128xi32, #tpu.memory_space<vmem>> -> memref<128xi32, #tpu.memory_space<vmem>>
          %dma_wait3A_154 = arith.constant 0 : i32
          %dma_wait3A_155 = arith.constant 0 : i32
          %dma_wait3A_156 = tpu.memref_slice %arg2[%dma_wait3A_154, %dma_wait3A_155] : memref<10240x128xf32, #tpu.memory_space<hbm>> -> memref<10240x128xf32, #tpu.memory_space<hbm>>
          tpu.wait_indirect_dma semaphore(%arg11 : memref<!tpu.dma_semaphore, #tpu.memory_space<semaphore_mem>>) src(%dma_wait3A_156 : memref<10240x128xf32, #tpu.memory_space<hbm>>) dst(%arg7 : memref<128x128xf32, #tpu.memory_space<vmem>>)
          "tpu.region"() ({
            %run_scoped3A = tpu.sem_alloc : memref<!tpu.dma_semaphore, #tpu.memory_space<semaphore_mem>>
            %dma_start3A_157 = arith.constant 0 : i32
            %dma_start3A_158 = tpu.memref_slice %arg6[%while3A_108, %dma_start3A_157] : memref<80x128xi32, #tpu.memory_space<vmem>> -> memref<1x128xi32, #tpu.memory_space<vmem>>
            %dma_start3A_159 = tpu.memref_squeeze %dma_start3A_158 : memref<1x128xi32, #tpu.memory_space<vmem>> -> memref<128xi32, #tpu.memory_space<vmem>>
            %dma_start3A_160 = arith.constant 0 : i32
            %dma_start3A_161 = arith.constant 0 : i32
            %dma_start3A_162 = tpu.memref_slice %arg10[%dma_start3A_160, %dma_start3A_161] : memref<5248x128xf32, #tpu.memory_space<vmem_shared>> -> memref<5248x128xf32, #tpu.memory_space<vmem_shared>>
            tpu.enqueue_indirect_dma source(%arg7 : memref<128x128xf32, #tpu.memory_space<vmem>>) target(%dma_start3A_162 : memref<5248x128xf32, #tpu.memory_space<vmem_shared>>) offsets(%dma_start3A_159 : memref<128xi32, #tpu.memory_space<vmem>>) semaphore(%run_scoped3A : memref<!tpu.dma_semaphore, #tpu.memory_space<semaphore_mem>>) {add = true}
            %dma_wait3A_163 = arith.constant 0 : i32
            %dma_wait3A_164 = tpu.memref_slice %arg6[%while3A_108, %dma_wait3A_163] : memref<80x128xi32, #tpu.memory_space<vmem>> -> memref<1x128xi32, #tpu.memory_space<vmem>>
            %dma_wait3A_165 = tpu.memref_squeeze %dma_wait3A_164 : memref<1x128xi32, #tpu.memory_space<vmem>> -> memref<128xi32, #tpu.memory_space<vmem>>
            %dma_wait3A_166 = arith.constant 0 : i32
            %dma_wait3A_167 = arith.constant 0 : i32
            %dma_wait3A_168 = tpu.memref_slice %arg10[%dma_wait3A_166, %dma_wait3A_167] : memref<5248x128xf32, #tpu.memory_space<vmem_shared>> -> memref<5248x128xf32, #tpu.memory_space<vmem_shared>>
            tpu.wait_indirect_dma semaphore(%run_scoped3A : memref<!tpu.dma_semaphore, #tpu.memory_space<semaphore_mem>>) src(%arg7 : memref<128x128xf32, #tpu.memory_space<vmem>>) dst(%dma_wait3A_168 : memref<5248x128xf32, #tpu.memory_space<vmem_shared>>)
            tpu.yield
          }) : () -> ()
        } else {
        }
        %jit3A_130 = arith.constant 2 : i32
        %eq3A_131 = arith.constant 0 : i32
        %eq3A_132 = arith.cmpi eq, %jit3A_130, %eq3A_131 : i32
        %jit3A_133 = arith.constant 1 : i32
        %select_n3A_134 = arith.select %eq3A_132, %jit3A_133, %jit3A_130 : i32
        %rem3A_135 = arith.remsi %while3A_108, %select_n3A_134 : i32
        %ne3A_136 = arith.constant 0 : i32
        %ne3A_137 = arith.cmpi ne, %rem3A_135, %ne3A_136 : i32
        %lt3A_138 = arith.constant 0 : i32
        %lt3A_139 = arith.cmpi slt, %rem3A_135, %lt3A_138 : i32
        %lt3A_140 = arith.constant 0 : i32
        %lt3A_141 = arith.cmpi slt, %select_n3A_134, %lt3A_140 : i32
        %ne3A_142 = arith.xori %lt3A_139, %lt3A_141 : i1
        %and3A_143 = arith.andi %ne3A_142, %ne3A_137 : i1
        %add3A_144 = arith.addi %rem3A_135, %select_n3A_134 : i32
        %select_n3A_145 = arith.select %and3A_143, %add3A_144, %rem3A_135 : i32
        %eq3A_146 = arith.constant 1 : i32
        %eq3A_147 = arith.cmpi eq, %select_n3A_145, %eq3A_146 : i32
        %convert_element_type3A_148 = arith.extui %eq3A_147 : i1 to i32
        %cond3A_149 = arith.constant 0 : i32
        %cond3A_150 = arith.cmpi ne, %convert_element_type3A_148, %cond3A_149 : i32
        scf.if %cond3A_150 {
          %dma_wait3A = arith.constant 0 : i32
          %dma_wait3A_152 = tpu.memref_slice %arg5[%while3A_108, %dma_wait3A] : memref<80x128xi32, #tpu.memory_space<vmem>> -> memref<1x128xi32, #tpu.memory_space<vmem>>
          %dma_wait3A_153 = tpu.memref_squeeze %dma_wait3A_152 : memref<1x128xi32, #tpu.memory_space<vmem>> -> memref<128xi32, #tpu.memory_space<vmem>>
          %dma_wait3A_154 = arith.constant 0 : i32
          %dma_wait3A_155 = arith.constant 0 : i32
          %dma_wait3A_156 = tpu.memref_slice %arg2[%dma_wait3A_154, %dma_wait3A_155] : memref<10240x128xf32, #tpu.memory_space<hbm>> -> memref<10240x128xf32, #tpu.memory_space<hbm>>
          tpu.wait_indirect_dma semaphore(%arg12 : memref<!tpu.dma_semaphore, #tpu.memory_space<semaphore_mem>>) src(%dma_wait3A_156 : memref<10240x128xf32, #tpu.memory_space<hbm>>) dst(%arg8 : memref<128x128xf32, #tpu.memory_space<vmem>>)
          "tpu.region"() ({
            %run_scoped3A = tpu.sem_alloc : memref<!tpu.dma_semaphore, #tpu.memory_space<semaphore_mem>>
            %dma_start3A_157 = arith.constant 0 : i32
            %dma_start3A_158 = tpu.memref_slice %arg6[%while3A_108, %dma_start3A_157] : memref<80x128xi32, #tpu.memory_space<vmem>> -> memref<1x128xi32, #tpu.memory_space<vmem>>
            %dma_start3A_159 = tpu.memref_squeeze %dma_start3A_158 : memref<1x128xi32, #tpu.memory_space<vmem>> -> memref<128xi32, #tpu.memory_space<vmem>>
            %dma_start3A_160 = arith.constant 0 : i32
            %dma_start3A_161 = arith.constant 0 : i32
            %dma_start3A_162 = tpu.memref_slice %arg10[%dma_start3A_160, %dma_start3A_161] : memref<5248x128xf32, #tpu.memory_space<vmem_shared>> -> memref<5248x128xf32, #tpu.memory_space<vmem_shared>>
            tpu.enqueue_indirect_dma source(%arg8 : memref<128x128xf32, #tpu.memory_space<vmem>>) target(%dma_start3A_162 : memref<5248x128xf32, #tpu.memory_space<vmem_shared>>) offsets(%dma_start3A_159 : memref<128xi32, #tpu.memory_space<vmem>>) semaphore(%run_scoped3A : memref<!tpu.dma_semaphore, #tpu.memory_space<semaphore_mem>>) {add = true}
            %dma_wait3A_163 = arith.constant 0 : i32
            %dma_wait3A_164 = tpu.memref_slice %arg6[%while3A_108, %dma_wait3A_163] : memref<80x128xi32, #tpu.memory_space<vmem>> -> memref<1x128xi32, #tpu.memory_space<vmem>>
            %dma_wait3A_165 = tpu.memref_squeeze %dma_wait3A_164 : memref<1x128xi32, #tpu.memory_space<vmem>> -> memref<128xi32, #tpu.memory_space<vmem>>
            %dma_wait3A_166 = arith.constant 0 : i32
            %dma_wait3A_167 = arith.constant 0 : i32
            %dma_wait3A_168 = tpu.memref_slice %arg10[%dma_wait3A_166, %dma_wait3A_167] : memref<5248x128xf32, #tpu.memory_space<vmem_shared>> -> memref<5248x128xf32, #tpu.memory_space<vmem_shared>>
            tpu.wait_indirect_dma semaphore(%run_scoped3A : memref<!tpu.dma_semaphore, #tpu.memory_space<semaphore_mem>>) src(%arg8 : memref<128x128xf32, #tpu.memory_space<vmem>>) dst(%dma_wait3A_168 : memref<5248x128xf32, #tpu.memory_space<vmem_shared>>)
            tpu.yield
          }) : () -> ()
        } else {
        }
        %while3A_151 = arith.constant 0 : i32
        scf.yield %while3A_151 : i32
      }
    } else {
    }
    %barrier3A_87 = arith.constant 0 : index
    tpu.barrier barrier_id(%barrier3A_87)
    %mul3A_88 = arith.constant 328 : i32
    %mul3A_89 = arith.muli %arg1, %mul3A_88 : i32
    "tpu.region"() ({
      %run_scoped3A = tpu.sem_alloc : memref<!tpu.dma_semaphore, #tpu.memory_space<semaphore_mem>>
      %dma_start3A = arith.constant 0 : i32
      %dma_start3A_90 = arith.constant 0 : i32
      %dma_start3A_91 = tpu.memref_slice %arg4[%arg0, %dma_start3A, %dma_start3A_90] : memref<2x5248x128xf32, #tpu.memory_space<hbm>> -> memref<1x5248x128xf32, #tpu.memory_space<hbm>>
      %dma_start3A_92 = tpu.memref_squeeze %dma_start3A_91 : memref<1x5248x128xf32, #tpu.memory_space<hbm>> -> memref<5248x128xf32, #tpu.memory_space<hbm>>
      %dma_start3A_93 = arith.constant 0 : i32
      %dma_start3A_94 = tpu.memref_slice %dma_start3A_92[%mul3A_89, %dma_start3A_93] : memref<5248x128xf32, #tpu.memory_space<hbm>> -> memref<328x128xf32, #tpu.memory_space<hbm>>
      %dma_start3A_95 = arith.constant 0 : i32
      %dma_start3A_96 = tpu.memref_slice %arg10[%mul3A_89, %dma_start3A_95] : memref<5248x128xf32, #tpu.memory_space<vmem_shared>> -> memref<328x128xf32, #tpu.memory_space<vmem_shared>>
      tpu.enqueue_dma source(%dma_start3A_96 : memref<328x128xf32, #tpu.memory_space<vmem_shared>>) target(%dma_start3A_94 : memref<328x128xf32, #tpu.memory_space<hbm>>) target_semaphore(%run_scoped3A : memref<!tpu.dma_semaphore, #tpu.memory_space<semaphore_mem>>)
      %dma_wait3A = arith.constant 0 : i32
      %dma_wait3A_97 = arith.constant 0 : i32
      %dma_wait3A_98 = tpu.memref_slice %arg4[%arg0, %dma_wait3A, %dma_wait3A_97] : memref<2x5248x128xf32, #tpu.memory_space<hbm>> -> memref<1x5248x128xf32, #tpu.memory_space<hbm>>
      %dma_wait3A_99 = tpu.memref_squeeze %dma_wait3A_98 : memref<1x5248x128xf32, #tpu.memory_space<hbm>> -> memref<5248x128xf32, #tpu.memory_space<hbm>>
      %dma_wait3A_100 = arith.constant 0 : i32
      %dma_wait3A_101 = tpu.memref_slice %dma_wait3A_99[%mul3A_89, %dma_wait3A_100] : memref<5248x128xf32, #tpu.memory_space<hbm>> -> memref<328x128xf32, #tpu.memory_space<hbm>>
      %dma_wait3A_102 = arith.constant 0 : i32
      %dma_wait3A_103 = tpu.memref_slice %arg10[%mul3A_89, %dma_wait3A_102] : memref<5248x128xf32, #tpu.memory_space<vmem_shared>> -> memref<328x128xf32, #tpu.memory_space<vmem_shared>>
      tpu.wait_dma2 semaphore(%run_scoped3A : memref<!tpu.dma_semaphore, #tpu.memory_space<semaphore_mem>>) src(%dma_wait3A_103 : memref<328x128xf32, #tpu.memory_space<vmem_shared>>) dst(%dma_wait3A_101 : memref<328x128xf32, #tpu.memory_space<hbm>>)
      tpu.yield
    }) : () -> ()
    return
  }
}

module attributes {stable_mosaic.version = 14 : i64} {
  func.func @_tc1_body(%arg0: i32, %arg1: memref<1280x128xf32, #tpu.memory_space<vmem>>, %arg2: memref<128x128xf32, #tpu.memory_space<vmem>>, %arg3: memref<2x1280xf32, #tpu.memory_space<vmem>>, %arg4: memref<1280x128xf32, #tpu.memory_space<vmem>>) attributes {dimension_semantics = [#tpu.dimension_semantics<arbitrary>], iteration_bounds = array<i64: 8>, scalar_prefetch = 0 : i64, scratch_operands = 0 : i64, tpu.core_type = #tpu.core_type<tc>, window_params = [{transform_indices = @transform_0, window_bounds = array<i64: 1280, 128>}, {pipeline_mode = #tpu.pipeline_mode<synchronous>, transform_indices = @transform_1, window_bounds = array<i64: 128, 128>}, {transform_indices = @transform_2, window_bounds = array<i64: 2, 1280>}, {transform_indices = @transform_3, window_bounds = array<i64: 1280, 128>}]} {
    %lt3A = arith.constant 4 : i32
    %lt3A_0 = arith.cmpi slt, %arg0, %lt3A : i32
    %get3A = arith.constant 0 : index
    %get3A_1 = arith.constant 0 : index
    %get3A_2 = vector.load %arg3[%get3A, %get3A_1] : memref<2x1280xf32, #tpu.memory_space<vmem>>, vector<1x1280xf32>
    %get3A_3 = vector.shape_cast %get3A_2 : vector<1x1280xf32> to vector<1280xf32>
    %get3A_4 = arith.constant 1 : index
    %get3A_5 = arith.constant 0 : index
    %get3A_6 = vector.load %arg3[%get3A_4, %get3A_5] : memref<2x1280xf32, #tpu.memory_space<vmem>>, vector<1x1280xf32>
    %get3A_7 = vector.shape_cast %get3A_6 : vector<1x1280xf32> to vector<1280xf32>
    %select_n3A = arith.select %lt3A_0, %get3A_3, %get3A_7 : vector<1280xf32>
    %add3A = arith.constant 1.000000e+00 : f32
    %add3A_8 = vector.broadcast %add3A : f32 to vector<1280xf32>
    %add3A_9 = arith.addf %select_n3A, %add3A_8 : vector<1280xf32>
    %rsqrt3A = math.rsqrt %add3A_9 : vector<1280xf32>
    %get3A_10 = arith.constant 0 : index
    %get3A_11 = arith.constant 0 : index
    %get3A_12 = vector.load %arg1[%get3A_10, %get3A_11] : memref<1280x128xf32, #tpu.memory_space<vmem>>, vector<1280x128xf32>
    %get3A_13 = arith.constant 0 : index
    %get3A_14 = arith.constant 0 : index
    %get3A_15 = vector.load %arg2[%get3A_13, %get3A_14] : memref<128x128xf32, #tpu.memory_space<vmem>>, vector<128x128xf32>
    %dot_general3A = arith.constant dense<0.000000e+00> : vector<1280x128xf32>
    %dot_general3A_16 = tpu.matmul %get3A_12, %get3A_15, %dot_general3A {dimension_numbers = #tpu.dot_dimension_numbers<[1], [0], [0], [1], [0, 0, 1, 1], [], []>, transpose_lhs_hint = false} : vector<1280x128xf32>, vector<128x128xf32>, vector<1280x128xf32> -> vector<1280x128xf32>
    %broadcast_in_dim3A = vector.shape_cast %rsqrt3A : vector<1280xf32> to vector<1280x1xf32>
    %mul3A = vector.broadcast %broadcast_in_dim3A : vector<1280x1xf32> to vector<1280x128xf32>
    %mul3A_17 = arith.mulf %dot_general3A_16, %mul3A : vector<1280x128xf32>
    %swap3A = arith.constant 0 : index
    %swap3A_18 = arith.constant 0 : index
    %swap3A_19 = vector.load %arg4[%swap3A, %swap3A_18] : memref<1280x128xf32, #tpu.memory_space<vmem>>, vector<1280x128xf32>
    tpu.vector_store %arg4[%swap3A, %swap3A_18], %mul3A_17 {strides = array<i32>} : memref<1280x128xf32, #tpu.memory_space<vmem>>, vector<1280x128xf32>,
    return
  }
  func.func @transform_0(%arg0: i32) -> (i32, i32) {
    %c0_i32 = arith.constant 0 : i32
    %c0_i32_0 = arith.constant 0 : i32
    return %arg0, %c0_i32 : i32, i32
  }
  func.func @transform_1(%arg0: i32) -> (i32, i32) {
    %c0_i32 = arith.constant 0 : i32
    %c0_i32_0 = arith.constant 0 : i32
    %c0_i32_1 = arith.constant 0 : i32
    return %c0_i32, %c0_i32_0 : i32, i32
  }
  func.func @transform_2(%arg0: i32) -> (i32, i32) {
    %jit3A = arith.constant 4 : i32
    %eq3A = arith.constant 0 : i32
    %eq3A_0 = arith.cmpi eq, %jit3A, %eq3A : i32
    %jit3A_1 = arith.constant 1 : i32
    %select_n3A = arith.select %eq3A_0, %jit3A_1, %jit3A : i32
    %rem3A = arith.remsi %arg0, %select_n3A : i32
    %ne3A = arith.constant 0 : i32
    %ne3A_2 = arith.cmpi ne, %rem3A, %ne3A : i32
    %lt3A = arith.constant 0 : i32
    %lt3A_3 = arith.cmpi slt, %rem3A, %lt3A : i32
    %lt3A_4 = arith.constant 0 : i32
    %lt3A_5 = arith.cmpi slt, %select_n3A, %lt3A_4 : i32
    %ne3A_6 = arith.xori %lt3A_3, %lt3A_5 : i1
    %and3A = arith.andi %ne3A_6, %ne3A_2 : i1
    %add3A = arith.addi %rem3A, %select_n3A : i32
    %select_n3A_7 = arith.select %and3A, %add3A, %rem3A : i32
    %c0_i32 = arith.constant 0 : i32
    %c0_i32_8 = arith.constant 0 : i32
    return %c0_i32, %select_n3A_7 : i32, i32
  }
  func.func @transform_3(%arg0: i32) -> (i32, i32) {
    %c0_i32 = arith.constant 0 : i32
    %c0_i32_0 = arith.constant 0 : i32
    return %arg0, %c0_i32 : i32, i32
  }
}

module attributes {stable_mosaic.version = 14 : i64} {
  func.func @_tc2_body(%arg0: i32, %arg1: memref<1x1280x128xf32, #tpu.memory_space<vmem>>, %arg2: memref<1280x128xf32, #tpu.memory_space<vmem>>, %arg3: memref<2x1280xf32, #tpu.memory_space<vmem>>, %arg4: memref<128x128xf32, #tpu.memory_space<vmem>>, %arg5: memref<1x128xf32, #tpu.memory_space<vmem>>, %arg6: memref<1280x128xf32, #tpu.memory_space<vmem>>) attributes {dimension_semantics = [#tpu.dimension_semantics<arbitrary>], iteration_bounds = array<i64: 8>, scalar_prefetch = 0 : i64, scratch_operands = 0 : i64, tpu.core_type = #tpu.core_type<tc>, window_params = [{transform_indices = @transform_0, window_bounds = array<i64: 1, 1280, 128>}, {transform_indices = @transform_1, window_bounds = array<i64: 1280, 128>}, {transform_indices = @transform_2, window_bounds = array<i64: 2, 1280>}, {pipeline_mode = #tpu.pipeline_mode<synchronous>, transform_indices = @transform_3, window_bounds = array<i64: 128, 128>}, {pipeline_mode = #tpu.pipeline_mode<synchronous>, transform_indices = @transform_4, window_bounds = array<i64: 1, 128>}, {transform_indices = @transform_5, window_bounds = array<i64: 1280, 128>}]} {
    %lt3A = arith.constant 4 : i32
    %lt3A_0 = arith.cmpi slt, %arg0, %lt3A : i32
    %get3A = arith.constant 0 : index
    %get3A_1 = arith.constant 0 : index
    %get3A_2 = vector.load %arg3[%get3A, %get3A_1] : memref<2x1280xf32, #tpu.memory_space<vmem>>, vector<1x1280xf32>
    %get3A_3 = vector.shape_cast %get3A_2 : vector<1x1280xf32> to vector<1280xf32>
    %get3A_4 = arith.constant 1 : index
    %get3A_5 = arith.constant 0 : index
    %get3A_6 = vector.load %arg3[%get3A_4, %get3A_5] : memref<2x1280xf32, #tpu.memory_space<vmem>>, vector<1x1280xf32>
    %get3A_7 = vector.shape_cast %get3A_6 : vector<1x1280xf32> to vector<1280xf32>
    %select_n3A = arith.select %lt3A_0, %get3A_3, %get3A_7 : vector<1280xf32>
    %add3A = arith.constant 1.000000e+00 : f32
    %add3A_8 = vector.broadcast %add3A : f32 to vector<1280xf32>
    %add3A_9 = arith.addf %select_n3A, %add3A_8 : vector<1280xf32>
    %rsqrt3A = math.rsqrt %add3A_9 : vector<1280xf32>
    %get3A_10 = arith.constant 0 : index
    %get3A_11 = arith.constant 0 : index
    %get3A_12 = arith.constant 0 : index
    %get3A_13 = vector.load %arg1[%get3A_10, %get3A_11, %get3A_12] : memref<1x1280x128xf32, #tpu.memory_space<vmem>>, vector<1x1280x128xf32>
    %get3A_14 = vector.shape_cast %get3A_13 : vector<1x1280x128xf32> to vector<1280x128xf32>
    %get3A_15 = arith.constant 0 : index
    %get3A_16 = arith.constant 0 : index
    %get3A_17 = vector.load %arg2[%get3A_15, %get3A_16] : memref<1280x128xf32, #tpu.memory_space<vmem>>, vector<1280x128xf32>
    %add3A_18 = arith.addf %get3A_14, %get3A_17 : vector<1280x128xf32>
    %broadcast_in_dim3A = vector.shape_cast %rsqrt3A : vector<1280xf32> to vector<1280x1xf32>
    %mul3A = vector.broadcast %broadcast_in_dim3A : vector<1280x1xf32> to vector<1280x128xf32>
    %mul3A_19 = arith.mulf %add3A_18, %mul3A : vector<1280x128xf32>
    %get3A_20 = arith.constant 0 : index
    %get3A_21 = arith.constant 0 : index
    %get3A_22 = vector.load %arg5[%get3A_20, %get3A_21] : memref<1x128xf32, #tpu.memory_space<vmem>>, vector<1x128xf32>
    %add3A_23 = vector.broadcast %get3A_22 : vector<1x128xf32> to vector<1280x128xf32>
    %add3A_24 = arith.addf %mul3A_19, %add3A_23 : vector<1280x128xf32>
    %max3A = arith.constant 0.000000e+00 : f32
    %max3A_25 = vector.broadcast %max3A : f32 to vector<1280x128xf32>
    %max3A_26 = arith.maximumf %add3A_24, %max3A_25 : vector<1280x128xf32>
    %get3A_27 = arith.constant 0 : index
    %get3A_28 = arith.constant 0 : index
    %get3A_29 = vector.load %arg4[%get3A_27, %get3A_28] : memref<128x128xf32, #tpu.memory_space<vmem>>, vector<128x128xf32>
    %dot_general3A = arith.constant dense<0.000000e+00> : vector<1280x128xf32>
    %dot_general3A_30 = tpu.matmul %max3A_26, %get3A_29, %dot_general3A {dimension_numbers = #tpu.dot_dimension_numbers<[1], [0], [0], [1], [0, 0, 1, 1], [], []>, transpose_lhs_hint = false} : vector<1280x128xf32>, vector<128x128xf32>, vector<1280x128xf32> -> vector<1280x128xf32>
    %broadcast_in_dim3A_31 = vector.shape_cast %rsqrt3A : vector<1280xf32> to vector<1280x1xf32>
    %mul3A_32 = vector.broadcast %broadcast_in_dim3A_31 : vector<1280x1xf32> to vector<1280x128xf32>
    %mul3A_33 = arith.mulf %dot_general3A_30, %mul3A_32 : vector<1280x128xf32>
    %swap3A = arith.constant 0 : index
    %swap3A_34 = arith.constant 0 : index
    %swap3A_35 = vector.load %arg6[%swap3A, %swap3A_34] : memref<1280x128xf32, #tpu.memory_space<vmem>>, vector<1280x128xf32>
    tpu.vector_store %arg6[%swap3A, %swap3A_34], %mul3A_33 {strides = array<i32>} : memref<1280x128xf32, #tpu.memory_space<vmem>>, vector<1280x128xf32>,
    return
  }
  func.func @transform_0(%arg0: i32) -> (i32, i32, i32) {
    %jit3A = arith.constant 4 : i32
    %div3A = arith.divsi %arg0, %jit3A : i32
    %sign3A = arith.constant 0 : i32
    %sign3A_0 = arith.cmpi sgt, %arg0, %sign3A : i32
    %sign3A_1 = arith.extui %sign3A_0 : i1 to i32
    %sign3A_2 = arith.constant 0 : i32
    %sign3A_3 = arith.cmpi slt, %arg0, %sign3A_2 : i32
    %sign3A_4 = arith.extui %sign3A_3 : i1 to i32
    %sign3A_5 = arith.subi %sign3A_1, %sign3A_4 : i32
    %sign3A_6 = arith.constant 0 : i32
    %sign3A_7 = arith.cmpi sgt, %jit3A, %sign3A_6 : i32
    %sign3A_8 = arith.extui %sign3A_7 : i1 to i32
    %sign3A_9 = arith.constant 0 : i32
    %sign3A_10 = arith.cmpi slt, %jit3A, %sign3A_9 : i32
    %sign3A_11 = arith.extui %sign3A_10 : i1 to i32
    %sign3A_12 = arith.subi %sign3A_8, %sign3A_11 : i32
    %ne3A = arith.cmpi ne, %sign3A_5, %sign3A_12 : i32
    %rem3A = arith.remsi %arg0, %jit3A : i32
    %ne3A_13 = arith.constant 0 : i32
    %ne3A_14 = arith.cmpi ne, %rem3A, %ne3A_13 : i32
    %and3A = arith.andi %ne3A, %ne3A_14 : i1
    %sub3A = arith.constant 1 : i32
    %sub3A_15 = arith.subi %div3A, %sub3A : i32
    %select_n3A = arith.select %and3A, %sub3A_15, %div3A : i32
    %jit3A_16 = arith.constant 4 : i32
    %eq3A = arith.constant 0 : i32
    %eq3A_17 = arith.cmpi eq, %jit3A_16, %eq3A : i32
    %jit3A_18 = arith.constant 1 : i32
    %select_n3A_19 = arith.select %eq3A_17, %jit3A_18, %jit3A_16 : i32
    %rem3A_20 = arith.remsi %arg0, %select_n3A_19 : i32
    %ne3A_21 = arith.constant 0 : i32
    %ne3A_22 = arith.cmpi ne, %rem3A_20, %ne3A_21 : i32
    %lt3A = arith.constant 0 : i32
    %lt3A_23 = arith.cmpi slt, %rem3A_20, %lt3A : i32
    %lt3A_24 = arith.constant 0 : i32
    %lt3A_25 = arith.cmpi slt, %select_n3A_19, %lt3A_24 : i32
    %ne3A_26 = arith.xori %lt3A_23, %lt3A_25 : i1
    %and3A_27 = arith.andi %ne3A_26, %ne3A_22 : i1
    %add3A = arith.addi %rem3A_20, %select_n3A_19 : i32
    %select_n3A_28 = arith.select %and3A_27, %add3A, %rem3A_20 : i32
    %c0_i32 = arith.constant 0 : i32
    %c0_i32_29 = arith.constant 0 : i32
    return %select_n3A, %select_n3A_28, %c0_i32 : i32, i32, i32
  }
  func.func @transform_1(%arg0: i32) -> (i32, i32) {
    %c0_i32 = arith.constant 0 : i32
    %c0_i32_0 = arith.constant 0 : i32
    return %arg0, %c0_i32 : i32, i32
  }
  func.func @transform_2(%arg0: i32) -> (i32, i32) {
    %jit3A = arith.constant 4 : i32
    %eq3A = arith.constant 0 : i32
    %eq3A_0 = arith.cmpi eq, %jit3A, %eq3A : i32
    %jit3A_1 = arith.constant 1 : i32
    %select_n3A = arith.select %eq3A_0, %jit3A_1, %jit3A : i32
    %rem3A = arith.remsi %arg0, %select_n3A : i32
    %ne3A = arith.constant 0 : i32
    %ne3A_2 = arith.cmpi ne, %rem3A, %ne3A : i32
    %lt3A = arith.constant 0 : i32
    %lt3A_3 = arith.cmpi slt, %rem3A, %lt3A : i32
    %lt3A_4 = arith.constant 0 : i32
    %lt3A_5 = arith.cmpi slt, %select_n3A, %lt3A_4 : i32
    %ne3A_6 = arith.xori %lt3A_3, %lt3A_5 : i1
    %and3A = arith.andi %ne3A_6, %ne3A_2 : i1
    %add3A = arith.addi %rem3A, %select_n3A : i32
    %select_n3A_7 = arith.select %and3A, %add3A, %rem3A : i32
    %c0_i32 = arith.constant 0 : i32
    %c0_i32_8 = arith.constant 0 : i32
    return %c0_i32, %select_n3A_7 : i32, i32
  }
  func.func @transform_3(%arg0: i32) -> (i32, i32) {
    %c0_i32 = arith.constant 0 : i32
    %c0_i32_0 = arith.constant 0 : i32
    %c0_i32_1 = arith.constant 0 : i32
    return %c0_i32, %c0_i32_0 : i32, i32
  }
  func.func @transform_4(%arg0: i32) -> (i32, i32) {
    %c0_i32 = arith.constant 0 : i32
    %c0_i32_0 = arith.constant 0 : i32
    %c0_i32_1 = arith.constant 0 : i32
    return %c0_i32, %c0_i32_0 : i32, i32
  }
  func.func @transform_5(%arg0: i32) -> (i32, i32) {
    %c0_i32 = arith.constant 0 : i32
    %c0_i32_0 = arith.constant 0 : i32
    return %arg0, %c0_i32 : i32, i32
  }
}

module attributes {stable_mosaic.version = 14 : i64} {
  func.func @_tc3_body(%arg0: i32, %arg1: memref<1x1280x128xf32, #tpu.memory_space<vmem>>, %arg2: memref<1280x128xf32, #tpu.memory_space<vmem>>, %arg3: memref<2x1280xf32, #tpu.memory_space<vmem>>, %arg4: memref<1x128xf32, #tpu.memory_space<vmem>>, %arg5: memref<1280x128xf32, #tpu.memory_space<vmem>>) attributes {dimension_semantics = [#tpu.dimension_semantics<arbitrary>], iteration_bounds = array<i64: 8>, scalar_prefetch = 0 : i64, scratch_operands = 0 : i64, tpu.core_type = #tpu.core_type<tc>, window_params = [{transform_indices = @transform_0, window_bounds = array<i64: 1, 1280, 128>}, {transform_indices = @transform_1, window_bounds = array<i64: 1280, 128>}, {transform_indices = @transform_2, window_bounds = array<i64: 2, 1280>}, {pipeline_mode = #tpu.pipeline_mode<synchronous>, transform_indices = @transform_3, window_bounds = array<i64: 1, 128>}, {transform_indices = @transform_4, window_bounds = array<i64: 1280, 128>}]} {
    %lt3A = arith.constant 4 : i32
    %lt3A_0 = arith.cmpi slt, %arg0, %lt3A : i32
    %get3A = arith.constant 0 : index
    %get3A_1 = arith.constant 0 : index
    %get3A_2 = vector.load %arg3[%get3A, %get3A_1] : memref<2x1280xf32, #tpu.memory_space<vmem>>, vector<1x1280xf32>
    %get3A_3 = vector.shape_cast %get3A_2 : vector<1x1280xf32> to vector<1280xf32>
    %get3A_4 = arith.constant 1 : index
    %get3A_5 = arith.constant 0 : index
    %get3A_6 = vector.load %arg3[%get3A_4, %get3A_5] : memref<2x1280xf32, #tpu.memory_space<vmem>>, vector<1x1280xf32>
    %get3A_7 = vector.shape_cast %get3A_6 : vector<1x1280xf32> to vector<1280xf32>
    %select_n3A = arith.select %lt3A_0, %get3A_3, %get3A_7 : vector<1280xf32>
    %add3A = arith.constant 1.000000e+00 : f32
    %add3A_8 = vector.broadcast %add3A : f32 to vector<1280xf32>
    %add3A_9 = arith.addf %select_n3A, %add3A_8 : vector<1280xf32>
    %rsqrt3A = math.rsqrt %add3A_9 : vector<1280xf32>
    %get3A_10 = arith.constant 0 : index
    %get3A_11 = arith.constant 0 : index
    %get3A_12 = arith.constant 0 : index
    %get3A_13 = vector.load %arg1[%get3A_10, %get3A_11, %get3A_12] : memref<1x1280x128xf32, #tpu.memory_space<vmem>>, vector<1x1280x128xf32>
    %get3A_14 = vector.shape_cast %get3A_13 : vector<1x1280x128xf32> to vector<1280x128xf32>
    %get3A_15 = arith.constant 0 : index
    %get3A_16 = arith.constant 0 : index
    %get3A_17 = vector.load %arg2[%get3A_15, %get3A_16] : memref<1280x128xf32, #tpu.memory_space<vmem>>, vector<1280x128xf32>
    %add3A_18 = arith.addf %get3A_14, %get3A_17 : vector<1280x128xf32>
    %broadcast_in_dim3A = vector.shape_cast %rsqrt3A : vector<1280xf32> to vector<1280x1xf32>
    %mul3A = vector.broadcast %broadcast_in_dim3A : vector<1280x1xf32> to vector<1280x128xf32>
    %mul3A_19 = arith.mulf %add3A_18, %mul3A : vector<1280x128xf32>
    %get3A_20 = arith.constant 0 : index
    %get3A_21 = arith.constant 0 : index
    %get3A_22 = vector.load %arg4[%get3A_20, %get3A_21] : memref<1x128xf32, #tpu.memory_space<vmem>>, vector<1x128xf32>
    %add3A_23 = vector.broadcast %get3A_22 : vector<1x128xf32> to vector<1280x128xf32>
    %add3A_24 = arith.addf %mul3A_19, %add3A_23 : vector<1280x128xf32>
    %swap3A = arith.constant 0 : index
    %swap3A_25 = arith.constant 0 : index
    %swap3A_26 = vector.load %arg5[%swap3A, %swap3A_25] : memref<1280x128xf32, #tpu.memory_space<vmem>>, vector<1280x128xf32>
    tpu.vector_store %arg5[%swap3A, %swap3A_25], %add3A_24 {strides = array<i32>} : memref<1280x128xf32, #tpu.memory_space<vmem>>, vector<1280x128xf32>,
    return
  }
  func.func @transform_0(%arg0: i32) -> (i32, i32, i32) {
    %jit3A = arith.constant 4 : i32
    %div3A = arith.divsi %arg0, %jit3A : i32
    %sign3A = arith.constant 0 : i32
    %sign3A_0 = arith.cmpi sgt, %arg0, %sign3A : i32
    %sign3A_1 = arith.extui %sign3A_0 : i1 to i32
    %sign3A_2 = arith.constant 0 : i32
    %sign3A_3 = arith.cmpi slt, %arg0, %sign3A_2 : i32
    %sign3A_4 = arith.extui %sign3A_3 : i1 to i32
    %sign3A_5 = arith.subi %sign3A_1, %sign3A_4 : i32
    %sign3A_6 = arith.constant 0 : i32
    %sign3A_7 = arith.cmpi sgt, %jit3A, %sign3A_6 : i32
    %sign3A_8 = arith.extui %sign3A_7 : i1 to i32
    %sign3A_9 = arith.constant 0 : i32
    %sign3A_10 = arith.cmpi slt, %jit3A, %sign3A_9 : i32
    %sign3A_11 = arith.extui %sign3A_10 : i1 to i32
    %sign3A_12 = arith.subi %sign3A_8, %sign3A_11 : i32
    %ne3A = arith.cmpi ne, %sign3A_5, %sign3A_12 : i32
    %rem3A = arith.remsi %arg0, %jit3A : i32
    %ne3A_13 = arith.constant 0 : i32
    %ne3A_14 = arith.cmpi ne, %rem3A, %ne3A_13 : i32
    %and3A = arith.andi %ne3A, %ne3A_14 : i1
    %sub3A = arith.constant 1 : i32
    %sub3A_15 = arith.subi %div3A, %sub3A : i32
    %select_n3A = arith.select %and3A, %sub3A_15, %div3A : i32
    %jit3A_16 = arith.constant 4 : i32
    %eq3A = arith.constant 0 : i32
    %eq3A_17 = arith.cmpi eq, %jit3A_16, %eq3A : i32
    %jit3A_18 = arith.constant 1 : i32
    %select_n3A_19 = arith.select %eq3A_17, %jit3A_18, %jit3A_16 : i32
    %rem3A_20 = arith.remsi %arg0, %select_n3A_19 : i32
    %ne3A_21 = arith.constant 0 : i32
    %ne3A_22 = arith.cmpi ne, %rem3A_20, %ne3A_21 : i32
    %lt3A = arith.constant 0 : i32
    %lt3A_23 = arith.cmpi slt, %rem3A_20, %lt3A : i32
    %lt3A_24 = arith.constant 0 : i32
    %lt3A_25 = arith.cmpi slt, %select_n3A_19, %lt3A_24 : i32
    %ne3A_26 = arith.xori %lt3A_23, %lt3A_25 : i1
    %and3A_27 = arith.andi %ne3A_26, %ne3A_22 : i1
    %add3A = arith.addi %rem3A_20, %select_n3A_19 : i32
    %select_n3A_28 = arith.select %and3A_27, %add3A, %rem3A_20 : i32
    %c0_i32 = arith.constant 0 : i32
    %c0_i32_29 = arith.constant 0 : i32
    return %select_n3A, %select_n3A_28, %c0_i32 : i32, i32, i32
  }
  func.func @transform_1(%arg0: i32) -> (i32, i32) {
    %c0_i32 = arith.constant 0 : i32
    %c0_i32_0 = arith.constant 0 : i32
    return %arg0, %c0_i32 : i32, i32
  }
  func.func @transform_2(%arg0: i32) -> (i32, i32) {
    %jit3A = arith.constant 4 : i32
    %eq3A = arith.constant 0 : i32
    %eq3A_0 = arith.cmpi eq, %jit3A, %eq3A : i32
    %jit3A_1 = arith.constant 1 : i32
    %select_n3A = arith.select %eq3A_0, %jit3A_1, %jit3A : i32
    %rem3A = arith.remsi %arg0, %select_n3A : i32
    %ne3A = arith.constant 0 : i32
    %ne3A_2 = arith.cmpi ne, %rem3A, %ne3A : i32
    %lt3A = arith.constant 0 : i32
    %lt3A_3 = arith.cmpi slt, %rem3A, %lt3A : i32
    %lt3A_4 = arith.constant 0 : i32
    %lt3A_5 = arith.cmpi slt, %select_n3A, %lt3A_4 : i32
    %ne3A_6 = arith.xori %lt3A_3, %lt3A_5 : i1
    %and3A = arith.andi %ne3A_6, %ne3A_2 : i1
    %add3A = arith.addi %rem3A, %select_n3A : i32
    %select_n3A_7 = arith.select %and3A, %add3A, %rem3A : i32
    %c0_i32 = arith.constant 0 : i32
    %c0_i32_8 = arith.constant 0 : i32
    return %c0_i32, %select_n3A_7 : i32, i32
  }
  func.func @transform_3(%arg0: i32) -> (i32, i32) {
    %c0_i32 = arith.constant 0 : i32
    %c0_i32_0 = arith.constant 0 : i32
    %c0_i32_1 = arith.constant 0 : i32
    return %c0_i32, %c0_i32_0 : i32, i32
  }
  func.func @transform_4(%arg0: i32) -> (i32, i32) {
    %c0_i32 = arith.constant 0 : i32
    %c0_i32_0 = arith.constant 0 : i32
    return %arg0, %c0_i32 : i32, i32
  }
}

</mosaic_0001>

<sc_bundles>
// kernel: kernel.12.cloned.1.call-start
scs
__scs_entry_jumppad:
0x0: {  	(pc) =	sbr.rel $0x88, $3  }
0x1: {  	(tag) =	ssettag $0x0;
	lr =	simm.s32 $0x1  }
0x2: {  	[smem:$0x3F9B] =	sst lr;
	_ =	strace $0xD0000000  }
0x3: {  	_ = 	snop  }
0x4: {  	_ = 	snop  }
0x5: {  	_ = 	snop  }
0x6: {  	_ = 	snop  }
0x7: {  	_ = 	snop  }
__scs_overlays_trampoline_lowered:
0x8: {  	[smem:$0x3FAA] =	sst s0  }
0x9: {  	[smem:$0x3FAB] =	sst s1  }
0xa: {  	[smem:$0x3FAC] =	sst s2  }
0xb: {  	[smem:$0x3FAD] =	sst s3  }
0xc: {  	[smem:$0x3FAE] =	sst s4  }
0xd: {  	[smem:$0x3FAF] =	sst s5  }
0xe: {  	[smem:$0x3FB0] =	sst s6  }
0xf: {  	[smem:$0x3FB1] =	sst s7  }
0x10: {  	[smem:$0x3FB2] =	sst s8  }
0x11: {  	[smem:$0x3FB3] =	sst s9;
	s0 =	simm.s32 @!p0 $0x0  }
0x12: {  	s1 =	sld [smem:$0x3F99];
	s0 =	simm.s32 @p0 $0x1  }
0x13: {  	[smem:$0x3FB4] =	sst s0;
	s0 =	simm.s32 @!p1 $0x0  }
0x14: {  	s2 =	sld [smem:$0x3F98];
	s0 =	simm.s32 @p1 $0x1  }
0x15: {  	[smem:$0x3FB5] =	sst s0;
	s0 =	simm.s32 @!p2 $0x0  }
0x16: {  	s3 =	sld [smem:$0x3FDB];
	s0 =	simm.s32 @p2 $0x1  }
0x17: {  	s4 =	simm.s32 $0x1BF5;
	[smem:$0x3FB7] =	sst s0  }
0x18: {  	s0 =	sld [smem:$0x3F9A];
	_ =	swait.ge [sflag:s4], $0x0  }
0x19: {  	s7 =	sld [smem:$0x3F9B]  }
0x1a: {  	s8 =	sadd.s32 $0xFFFFE003, lr  }
0x1b: {  	s9 =	sadd.s32 $0xFFFFFEF7, lr;
	s5 =	simm.s32 $0xFFFFFFFF;
	p2 =	slt.u32 s8, $0xFFFFF086  }
0x1c: {  	p1 =	slt.u32 s9, $0xF7A;
	s5 =	simm.s32 @!p2 $0x0  }
0x1d: {  	s5 =	simm.s32 @p1 $0x1;
	p0 =	seq.s32 s7, s2  }
0x1e: {  	s7 =	smul.u32 @!p0 $0xF7A, s2;
	p2 =	seq.s32 @!p0 s5, $0x0  }
0x1f: {  	s9 =	smul.u32 $0xF7A, s1;
	s8 =	simm.s32 @!p0 $0x1BF5;
	p2 =	por !p2, p0  }
0x20: {  	[sflag:s8] =	ssyncset.s32 @!p0 $0xFFFFF086;
	s6 =	sadd.s32 @!p0 s3, s7;
	s7 =	simm.s32 @!p0 $0x108  }
0x21: {  	s3 =	sadd.s32 s3, s9;
	s6 =	sadd.s32 @!p0 $0x88, s6;
	s7 =	simm.s32 @p2 $0x1082  }
0x22: {  	[simem:s7], [sflag:s8] =	dma.local @!p0 [hbm:s6], $0xF7A  }
0x23: {  	s9 =	sor.u32 $0xD0000000, s2;
	s6 =	simm.s32 $0x108;
	_ =	swait.ge @!p0 [sflag:s8], $0x0  }
0x24: {  	s3 =	sadd.s32 $0x88, s3;
	s6 =	simm.s32 @!p1 $0x1082;
	[sflag:s4] =	ssyncset.s32 $0xFFFFF086  }
0x25: {  	[simem:s6], [sflag:s4] =	dma.local [hbm:s3], $0xF7A  }
0x26: {  	[smem:$0x3F9B] =	sst s1;
	(tag) =	ssettag s2;
	_ =	strace s9  }
0x27: {  	s1 =	sld [smem:$0x3FAB]  }
0x28: {  	s2 =	sld [smem:$0x3FAC]  }
0x29: {  	s4 =	sld [smem:$0x3FAE]  }
0x2a: {  	p0 =	seq.s32 s5, $0x0;
	s5 =	sld [smem:$0x3FAF]  }
0x2b: {  	s6 =	sld [smem:$0x3FB0]  }
0x2c: {  	s7 =	sld [smem:$0x3FB1]  }
0x2d: {  	s3 =	simm.s32 $0x108;
	s8 =	sld [smem:$0x3FB2]  }
0x2e: {  	s3 =	simm.s32 @!p0 $0x1082;
	s9 =	sld [smem:$0x3FB3]  }
0x2f: {  	lr =	sadd.s32 s0, s3;
	s0 =	sld [smem:$0x3FAA]  }
0x30: {  	s3 =	sld [smem:$0x3FAD]  }
0x31: {  	[smem:$0x3FB6] =	sst s10  }
0x32: {  	s10 =	sld [smem:$0x3FB4];
	_ =	sdelay $0x3  }
0x33: {  	p0 =	seq.s32 s10, $0x1;
	s10 =	sld [smem:$0x3FB6];
	_ =	sdelay $0x3  }
0x34: {  	[smem:$0x3FB6] =	sst s10  }
0x35: {  	s10 =	sld [smem:$0x3FB5];
	_ =	sdelay $0x3  }
0x36: {  	p1 =	seq.s32 s10, $0x1;
	s10 =	sld [smem:$0x3FB6];
	_ =	sdelay $0x3  }
0x37: {  	[smem:$0x3FB6] =	sst s10  }
0x38: {  	s10 =	sld [smem:$0x3FB7]  }
0x39: {  	_ = 	snop;
	(pc) =	sbr.ind lr, $3  }
0x3a: {  	_ = 	snop  }
0x3b: {  	_ = 	snop  }
0x3c: {  	p2 =	seq.s32 s10, $0x1;
	s10 =	sld [smem:$0x3FB6]  }
0x3d: {  	_ =	shalt  }
0x3e: {  	_ =	shalt  }
0x3f: {  	_ =	shalt  }
0x40: {  	_ =	shalt  }
0x41: {  	_ =	shalt  }
0x42: {  	_ =	shalt  }
0x43: {  	_ =	shalt  }
0x44: {  	_ =	shalt  }
0x45: {  	_ =	shalt  }
0x46: {  	_ =	shalt  }
0x47: {  	_ =	shalt  }
0x48: {  	_ =	shalt  }
0x49: {  	_ =	shalt  }
0x4a: {  	_ =	shalt  }
0x4b: {  	_ =	shalt  }
0x4c: {  	_ =	shalt  }
0x4d: {  	_ =	shalt  }
0x4e: {  	_ =	shalt  }
0x4f: {  	_ =	shalt  }
0x50: {  	_ =	shalt  }
0x51: {  	_ =	shalt  }
0x52: {  	_ =	shalt  }
0x53: {  	_ =	shalt  }
0x54: {  	_ =	shalt  }
0x55: {  	_ =	shalt  }
0x56: {  	_ =	shalt  }
0x57: {  	_ =	shalt  }
0x58: {  	_ =	shalt  }
0x59: {  	_ =	shalt  }
0x5a: {  	_ =	shalt  }
0x5b: {  	_ =	shalt  }
0x5c: {  	_ =	shalt  }
0x5d: {  	_ =	shalt  }
0x5e: {  	_ =	shalt  }
0x5f: {  	_ =	shalt  }
0x60: {  	_ =	shalt  }
0x61: {  	_ =	shalt  }
0x62: {  	_ =	shalt  }
0x63: {  	_ =	shalt  }
0x64: {  	_ =	shalt  }
0x65: {  	_ =	shalt  }
0x66: {  	_ =	shalt  }
0x67: {  	_ =	shalt  }
0x68: {  	_ =	shalt  }
0x69: {  	_ =	shalt  }
0x6a: {  	_ =	shalt  }
0x6b: {  	_ =	shalt  }
0x6c: {  	_ =	shalt  }
0x6d: {  	_ =	shalt  }
0x6e: {  	_ =	shalt  }
0x6f: {  	_ =	shalt  }
0x70: {  	_ =	shalt  }
0x71: {  	_ =	shalt  }
0x72: {  	_ =	shalt  }
0x73: {  	_ =	shalt  }
0x74: {  	_ =	shalt  }
0x75: {  	_ =	shalt  }
0x76: {  	_ =	shalt  }
0x77: {  	_ =	shalt  }
0x78: {  	_ =	shalt  }
0x79: {  	_ =	shalt  }
0x7a: {  	_ =	shalt  }
0x7b: {  	_ =	shalt  }
0x7c: {  	_ =	shalt  }
0x7d: {  	_ =	shalt  }
0x7e: {  	_ =	shalt  }
0x7f: {  	_ =	shalt  }
0x80: {  	_ =	shalt  }
0x81: {  	_ =	shalt  }
0x82: {  	_ =	shalt  }
0x83: {  	_ =	shalt  }
0x84: {  	_ =	shalt  }
0x85: {  	_ =	shalt  }
0x86: {  	_ =	shalt  }
0x87: {  	_ =	shalt  }
.Lfunc_end0:
.L_simem_size_0:
called_computation.1_lowered:
.L_overlay_start_0:
0x88: {  	s2 =	sld [smem:$0x3FD9]  }
0x89: {  	s3 =	sld [smem:$0x3FFE];
	_ =	sdelay $0x1  }
0x8a: {  	s1 =	srdreg.scid  }
0x8b: {  	s0 =	sand.u32 $0x1, s1  }
0x8c: {  	s17 =	sshll.u32 s0, $0xA;
	s2 =	sadd.s32 s3, s2  }
0x8d: {  	s2 =	sadd.s32 s2, s17  }
0x8e: {  	[smem:$0x3FC2] =	sst s2  }
0x8f: {  	_ = 	snop  }
0x90: {  	s2 =	sld [smem:$0x3FD0];
	(tm) =	ssettm $0x1  }
0x91: {  	s18 =	sld [smem:$0x3FFB];
	_ =	sdelay $0x3  }
0x92: {  	_ =	strace s18  }
0x93: {  	s3 =	sld [smem:$0x3FFC];
	_ =	sdelay $0x3  }
0x94: {  	_ =	strace s3  }
0x95: {  	s3 =	sld [smem:$0x3FFD];
	_ =	sdelay $0x3  }
0x96: {  	_ =	strace s3  }
0x97: {  	_ =	strace $0x8FFFFFFF  }
0x98: {  	s19 =	sld [smem:$0x3FDB];
	_ =	sdelay $0x1  }
0x99: {  	s4 =	simm.s32 $_scs_section_size  }
0x9a: {  	s5 =	simm.s32 $_size__tile_overlayer_lowered;
	s6 =	simm.s32 $_tile_overlayer_lowered  }
0x9b: {  	s22 =	simm.s32 $0x1BFF;
	s21 =	sshll.u32 s6, $0x1;
	s3 =	sadd.s32 s4, s19  }
0x9c: {  	s7 =	simm.s32 $0x0;
	s20 =	sshll.u32 s5, $0x1;
	s5 =	sadd.s32 s21, s3  }
0x9d: {  	[timem:s7], [sflag:s22] =	dma.local [hbm:s5], s20  }
0x9e: {  	_ =	swait.ge [sflag:s22], s20  }
0x9f: {  	s4 =	ssub.s32 $0x0, s20;
	[sflag:s22] =	ssyncset.done $0x0  }
0xa0: {  	[sflag:s22] =	ssyncadd.s32 s4;
	_ =	sdelay $0x1  }
0xa1: {  	s23 =	simm.s32 $0x1B8B  }
0xa2: {  	_ =	swait.ge [sflag:s23], $0x1  }
0xa3: {  	[sflag:s23] =	ssyncset.done $0x0  }
0xa4: {  	s25 =	simm.s32 $0x1B8E;
	s24 =	sld [smem:$0x3FFE];
	[sflag:s23] =	ssyncadd.s32 $0xFFFFFFFF  }
0xa5: {  	s26 =	simm.s32 $execute0_lowered;
	[smem:$0x3FD2] =	sst s25  }
0xa6: {  	s5 =	sshll.u32 s26, $0x1;
	_ =	strace $0x80000049;
	[dreg:$0x1] =	wrdreg $0xFFFFFFFF  }
0xa7: {  	s28 =	simm.s32 $_size_execute0_lowered;
	s3 =	sadd.s32 s3, s5;
	[dreg:$0x0] =	wrdreg $0x0  }
0xa8: {  	s5 =	sshll.u32 s28, $0x1;
	[dreg:$0x2] =	wrdreg s3  }
0xa9: {  	[dreg:$0x3] =	wrdreg s5  }
0xaa: {  	[dreg:$0x4] =	wrdreg $0xC0  }
0xab: {  	_ =	task [dreg:s7], $0x5FFFF  }
0xac: {  	[dreg:$0x1] =	wrdreg $0xFFFFFFFF  }
0xad: {  	[dreg:$0x0] =	wrdreg $0x60  }
0xae: {  	[dreg:$0x2] =	wrdreg s2  }
0xaf: {  	[dreg:$0x3] =	wrdreg s24  }
0xb0: {  	[dreg:$0x4] =	wrdreg $0x52000  }
0xb1: {  	[dreg:$0x5] =	wrdreg $0x9  }
0xb2: {  	_ =	task.clear_ibuf [dreg:s7], $0x6FFFF;
	_ =	strace $0x90000049  }
0xb3: {  	s29 =	simm.s32 $0x9;
	_ =	strace $0x8000004B  }
0xb4: {  	_ =	swait.ge [sflag:s29], $0x1  }
0xb5: {  	[sflag:s29] =	ssyncadd.s32 $0xFFFFFFFF  }
0xb6: {  	_ =	strace $0x9000004B  }
0xb7: {  	_ =	sfence  }
0xb8: {  	s30 =	sld [smem:$0x0];
	_ =	sdelay $0x2  }
0xb9: {  	s31 =	sshll.u32 s1, $0xD;
	s1 =	sshrl.u32 s1, $0x2  }
0xba: {  	s3 =	sand.u32 $0x4000, s31;
	s1 =	sadd.s32 s1, s30  }
0xbb: {  	s0 =	sor.u32 s3, s0;
	s1 =	sshll.u32 s1, $0x11  }
0xbc: {  	s0 =	sor.u32 s1, s0  }
0xbd: {  	s0 =	sadd.s32 $0x8F2B, s0  }
0xbe: {  	[sflag:s0] =	ssyncadd.remote.s32 $0x1  }
0xbf: {  	_ =	sfence.sel $0xFFFF  }
0xc0: {  	[dreg:$0x0] =	wrdreg $0xFFFFFFFF;
	(pc) =	sbr.abs _section_cstart, $3  }
0xc1: {  	[dreg:$0x1] =	wrdreg $0xFFFFFFFF  }
0xc2: {  	_ =	task.clear_ibuf [dreg:s7], $0x2FFFF;
	_ =	strace $0x9FFFFFFF  }
0xc3: {  	(tm) =	ssettm $0x7FFFFFFF  }
tec
execute0_lowered:
.L_overlay_start_1:
0x0: {  	(tag) =	ssettag $0x1  }
0x1: {  	s5 =	rddreg [dreg:$0x0];
	s2 =	stileid.u32  }
0x2: {  	s4 =	rddreg [dreg:$0x1];
	s7 =	smul.u32 $0x600, s2  }
0x3: {  	s1 =	rddreg [dreg:$0x2];
	s11 =	smul.u32 $0x5000, s2  }
0x4: {  	s3 =	simm.s32 $0x0;
	s6 =	srdreg.scid;
	s31 =	smul.u32 $0xA00, s2  }
0x5: {  	[smem:$0x7FF] =	sst s3;
	s6 =	sand.u32 $0x1, s6;
	s15 =	smul.u32 $0x60, s2  }
0x6: {  	s0 =	rddreg [dreg:$0x3];
	_ =	strace $0x8000004A;
	s10 =	smul.u32 $0xA000, s6  }
0x7: {  	s8 =	sshll.u32 s6, $0x4;
	s9 =	ssub.s32 $0x2, s6;
	s12 =	smul.u32 $0x1400, s6  }
0x8: {  	s6 =	simm.s32 $0x5080;
	s8 =	sadd.s32 s8, s4;
	s28 =	sshrl.u32 s9, $0x1  }
0x9: {  	s29 =	sshrl.u32 s7, $0x2;
	s30 =	sshrl.u32 s11, $0x3;
	s7 =	simm.s32 $0x1  }
.Ltmp0:
0xa: {  	s9 =	ssub.s32 s9, s28;
	s4 =	sadd.s32 s29, s1;
	(pc) =	sbr.rel .LBB2_1-.Ltmp0, $4  }
0xb: {  	s13 =	sadd.s32 s5, s10;
	s11 =	sadd.s32 $0x500, s30;
	s14 =	sadd.s32 $0x2A00, s8  }
0xc: {  	s10 =	simm.s32 $0x5000;
	s5 =	smax.u32 s9, $0x1;
	s8 =	sadd.s32 s31, s13  }
0xd: {  	v1 =	vimm.f32 $1.000000000e+00;
	v0 =	vmov s12;
	s9 =	simm.s32 $0x80;
	s11 =	sadd.s32 s11, s13;
	s12 =	sadd.s32 s15, s14  }
0xe: {  	v2 =	vimm.f32 $0.0e+00;
	v3 =	vimm.s32 $0x0;
	v4 =	vlaneseq.u32;
	s13 =	simm.s32 $0x20;
	s14 =	simm.s32 $0x10;
	s15 =	simm.s32 $0x0  }
.LBB2_18:
0xf: {  	[sflag:s7] =	ssyncadd.s32 $0xFFFFFF80  }
.LBB2_19:
0x10: {  	s15 =	sadd.s32 $0x1, s15  }
0x11: {  	s16 =	sshll.u32 s2, $0x6;
	[bflag:$0x0] =	sbarrier.arrive $0xFFFF;
	p0 =	sne.s32 s15, s5  }
.Ltmp1:
0x12: {  	s17 =	sshrl.u32 s4, $0x3;
	s16 =	sor.u32 $0x1C01, s16;
	(pc) =	sbr.rel @!p0 .LBB2_20-.Ltmp1, $4  }
0x13: {  	[hbm:s12@s13], [sflag:s16] =	dma.strided [spmem:s17@s14], $0x30, s7, $0x10   }
0x14: {  	_ =	swait.ge [sflag:s7], $0x30  }
0x15: {  	[sflag:s7] =	ssyncset.done $0x0  }
0x16: {  	[sflag:s7] =	ssyncadd.s32 $0xFFFFFFD0  }
.LBB2_1:
0x17: {  	[tilespmem:$0x5000] =	vst v1  }
0x18: {  	[tilespmem:$0x5010] =	vst v1  }
0x19: {  	[tilespmem:$0x5020] =	vst v1  }
0x1a: {  	[tilespmem:$0x5030] =	vst v1  }
0x1b: {  	[tilespmem:$0x5040] =	vst v1  }
0x1c: {  	[tilespmem:$0x5050] =	vst v1  }
0x1d: {  	[tilespmem:$0x5060] =	vst v1  }
0x1e: {  	[tilespmem:$0x5070] =	vst v1  }
0x1f: {  	[tilespmem:$0x5080] =	vst v2  }
0x20: {  	[tilespmem:$0x5090] =	vst v2  }
0x21: {  	[tilespmem:$0x50A0] =	vst v2  }
0x22: {  	[tilespmem:$0x50B0] =	vst v2  }
0x23: {  	[tilespmem:$0x50C0] =	vst v2  }
0x24: {  	[tilespmem:$0x50D0] =	vst v2  }
0x25: {  	[tilespmem:$0x50E0] =	vst v2  }
0x26: {  	[tilespmem:$0x50F0] =	vst v2  }
0x27: {  	[tilespmem:$0x5100] =	vst v2  }
0x28: {  	[tilespmem:$0x5110] =	vst v2  }
0x29: {  	[tilespmem:$0x5120] =	vst v2  }
0x2a: {  	[tilespmem:$0x5130] =	vst v2  }
0x2b: {  	[tilespmem:$0x5140] =	vst v2  }
0x2c: {  	[tilespmem:$0x5150] =	vst v2  }
0x2d: {  	[tilespmem:$0x5160] =	vst v2  }
0x2e: {  	[tilespmem:$0x5170] =	vst v2  }
0x2f: {  	[tilespmem:$0x5180] =	vst v2  }
0x30: {  	[tilespmem:$0x5190] =	vst v2  }
0x31: {  	[tilespmem:$0x51A0] =	vst v2  }
0x32: {  	[tilespmem:$0x51B0] =	vst v2  }
0x33: {  	[tilespmem:$0x51C0] =	vst v2  }
0x34: {  	[tilespmem:$0x51D0] =	vst v2  }
0x35: {  	[tilespmem:$0x51E0] =	vst v2  }
0x36: {  	[tilespmem:$0x51F0] =	vst v2  }
0x37: {  	[spmem:s4] =	stream.linear.scatter [tilespmem:s6], [sflag:$0x1], $0x180, $0x38;
	[tilespmem:$0x5380] =	vst v63  }
0x38: {  	_ =	swait.ge [sflag:s7], $0x180  }
0x39: {  	[sflag:s7] =	ssyncset.done $0x0  }
0x3a: {  	[sflag:s7] =	ssyncadd.s32 $0xFFFFFE80  }
0x3b: {  	[bflag:$0x0] =	sbarrier.arrive $0xFFFF  }
0x3c: {  	[tilespmem:s3], [sflag:$0x1] =	stream.linear.gather [hbm4b:s8+s3], $0x2800, $0x38;
	[tilespmem:$0x5380] =	vst v63  }
0x3d: {  	_ =	swait.ge [sflag:s7], $0x2800  }
0x3e: {  	[sflag:s7] =	ssyncset.done $0x0  }
0x3f: {  	s16 =	simm.s32 $0x0;
	[sflag:s7] =	ssyncadd.s32 $0xFFFFD800  }
0x40: {  	v5 =	vld [tilespmem:s16+$0x0]  }
0x41: {  	s28 =	simm.s32 $0x80  }
0x42: {  	s29 =	simm.s32 $0x100;
	v6 =	vld [tilespmem:s28+$0x0]  }
0x43: {  	v7 =	vld [tilespmem:s29+$0x0];
	_ =	sdelay $0x1  }
0x44: {  	vm0 =	vne.s32 v5, $0xFFFC000  }
0x45: {  	v5 =	vsel vm0, $0x1, v3  }
0x46: {  	vm13 =	vne.s32 v6, $0xFFFC000;
	(xrf0) =	vadd.scan.msk.s32 $0xffff, v5  }
0x47: {  	vm14 =	vne.s32 v7, $0xFFFC000;
	v5 =	vsel vm13, $0x1, v3  }
0x48: {  	(xrf0) =	vadd.scan.msk.s32 $0xffff, v5;
	v5 =	vsel vm14, $0x1, v3  }
0x49: {  	s30 =	simm.s32 $0x180;
	(xrf0) =	vadd.scan.msk.s32 $0xffff, v5  }
0x4a: {  	v6 =	vld [tilespmem:s30+$0x0];
	_ =	sdelay $0x1  }
0x4b: {  	v5, _, _ =	vpop (xrf0)  }
0x4c: {  	(v2sf) =	vpush v5, $0xF  }
0x4d: {  	v5, _, _ =	vpop (xrf0)  }
0x4e: {  	vm15 =	vne.s32 v6, $0xFFFC000;
	(v2sf) =	vpush v5, $0xF;
	v6, _, _ =	vpop (xrf0)  }
0x4f: {  	(v2sf) =	vpush v6, $0xF;
	_ =	sdelay $0x5  }
0x50: {  	s31 =	simm.s32 $0x200;
	v5 =	vsel vm15, $0x1, v3  }
0x51: {  	(xrf0) =	vadd.scan.msk.s32 $0xffff, v5;
	v5 =	vld [tilespmem:s31+$0x0];
	_ =	sdelay $0x1  }
0x52: {  	s17 =	simm.s32 $0xA00;
	s16 =	simm.s32 $0x0  }
.LBB2_2:
0x53: {  	p0 =	sne.s32 s17, $0x9E00  }
.Ltmp2:
0x54: {  	s18 =	sshra.s32 s17, $0x2;
	(pc) =	sbr.rel @p0 .LBB2_2-.Ltmp2, $4  }
0x55: {  	s17 =	sadd.s32 $0x200, s17;
	s19 =	spop (v2sf);
	vm0 =	vne.s32 v5, $0xFFFC000  }
0x56: {  	p1 =	slt.s32 s19, $0x1;
	v5 =	vld [tilespmem:s18+$0x0];
	v7 =	vsel vm0, $0x1, v3  }
0x57: {  	s19 =	simm.s32 @!p1 $0x1;
	(xrf0) =	vadd.scan.msk.s32 $0xffff, v7;
	v6, _, _ =	vpop (xrf0)  }
0x58: {  	s16 =	sadd.s32 s16, s19;
	(v2sf) =	vpush v6, $0xF  }
0x59: {  	_ =	sdelay $0x1  }
0x5a: {  	vm0 =	vne.s32 v5, $0xFFFC000  }
0x5b: {  	v5 =	vsel vm0, $0x1, v3  }
0x5c: {  	(xrf0) =	vadd.scan.msk.s32 $0xffff, v5;
	_ =	sdelay $0x4  }
0x5d: {  	v5, _, _ =	vpop (xrf0)  }
0x5e: {  	(v2sf) =	vpush v5, $0xF;
	v5, _, _ =	vpop (xrf0)  }
0x5f: {  	(v2sf) =	vpush v5, $0xF;
	_ =	sdelay $0x9  }
0x60: {  	s17 =	spop (v2sf)  }
0x61: {  	s18 =	spop (v2sf);
	p0 =	slt.s32 s17, $0x1  }
0x62: {  	s17 =	simm.s32 @!p0 $0x1;
	p0 =	slt.s32 s18, $0x1  }
0x63: {  	s16 =	sadd.s32 s16, s17;
	s18 =	simm.s32 @!p0 $0x1;
	s17 =	spop (v2sf)  }
0x64: {  	s18 =	sadd.s32 s16, s18;
	p0 =	slt.s32 s17, $0x1;
	s19 =	spop (v2sf)  }
0x65: {  	s17 =	simm.s32 @!p0 $0x1;
	p0 =	slt.s32 s19, $0x1;
	s16 =	spop (v2sf)  }
0x66: {  	s17 =	sadd.s32 s18, s17;
	s19 =	simm.s32 @!p0 $0x1;
	p0 =	slt.s32 s16, $0x1  }
0x67: {  	s17 =	sadd.s32 s17, s19;
	s16 =	simm.s32 @!p0 $0x1  }
0x68: {  	s18 =	sadd.s32 s17, s16  }
0x69: {  	s31 =	sshll.u32 s18, $0x3  }
0x6a: {  	p0 =	slt.s32 s31, $0x1  }
.Ltmp3:
0x6b: {  	_ = 	snop;
	(pc) =	sbr.rel @p0 .LBB2_6-.Ltmp3, $1  }
0x6c: {  	_ =	sdelay $0x3  }
0x6d: {  	s21 =	simm.s32 $0x0  }
0x6e: {  	v5 =	vld [tilespmem:s21+$0x0];
	_ =	sdelay $0x1  }
0x6f: {  	s19 =	sshll.u32 s17, $0x3;
	s20 =	sshll.u32 s16, $0x3  }
0x70: {  	s19 =	sadd.s32 s20, s19  }
0x71: {  	v6 =	vadd.s32 s21, v4;
	p0 =	seq.s32 s19, $0x1  }
.Ltmp4:
0x72: {  	v6 =	vand.u32 $0x7F, v6;
	v5 =	vshrl.u32 v5, $0xE;
	(pc) =	sbr.rel @p0 .LBB2_6-.Ltmp4, $4  }
0x73: {  	v6 =	vor.u32 $0x1400, v6;
	v5 =	vsub.s32 v5, v0  }
0x74: {  	vm0 =	vlt.s32 v5, v6  }
0x75: {  	s20 =	simm.s32 $0x2800;
	v5 =	vsel vm0, v5, v6  }
0x76: {  	s22 =	simm.s32 $0x10;
	s21 =	simm.s32 $0x1;
	[tilespmem:s20+$0x0] =	vst v5  }
.LBB2_5:
0x77: {  	v5 =	vld [tilespmem:s22+$0x0];
	s23 =	smov.u32 s21;
	s21 =	sadd.s32 $0x1, s21  }
0x78: {  	p0 =	seq.s32 s19, s21;
	_ =	sdelay $0x2  }
0x79: {  	v6 =	vadd.s32 s23, v4  }
.Ltmp5:
0x7a: {  	v6 =	vand.u32 $0x7F, v6;
	v5 =	vshrl.u32 v5, $0xE;
	(pc) =	sbr.rel @!p0 .LBB2_5-.Ltmp5, $4  }
0x7b: {  	v6 =	vor.u32 $0x1400, v6;
	v5 =	vsub.s32 v5, v0  }
0x7c: {  	vm0 =	vlt.s32 v5, v6  }
0x7d: {  	s20 =	sadd.s32 $0x10, s20;
	v5 =	vsel vm0, v5, v6  }
0x7e: {  	s22 =	sadd.s32 $0x10, s22;
	[tilespmem:s20+$0x0] =	vst v5  }
.LBB2_6:
0x7f: {  	p0 =	slt.s32 s18, $0x1  }
.Ltmp6:
0x80: {  	_ = 	snop;
	(pc) =	sbr.rel @p0 .LBB2_10-.Ltmp6, $1  }
0x81: {  	_ =	sdelay $0x3  }
0x82: {  	s17 =	sadd.s32 s16, s17  }
0x83: {  	p0 =	sne.s32 s17, $0x1  }
.Ltmp7:
0x84: {  	_ = 	snop;
	(pc) =	sbr.rel @!p0 .LBB2_9-.Ltmp7, $4  }
0x85: {  	s16 =	simm.s32 $0x2800  }
0x86: {  	[spmem:s1] =	stream.indirect.scatter.add.f32 [tilespmem:s10], [sflag:$0x1], $0x1, s16, s9, $0xb8;
	[tilespmem:$0x5380] =	vst v63  }
0x87: {  	_ =	swait.ge [sflag:s7], $0x80  }
0x88: {  	s17 =	sadd.s32 $0xFFFFFFFF, s17;
	[sflag:s7] =	ssyncset.done $0x0  }
.LBB2_8:
0x89: {  	p0 =	sne.s32 s17, $0x1;
	[sflag:s7] =	ssyncadd.s32 $0xFFFFFF80;
	s16 =	sadd.s32 $0x80, s16  }
.Ltmp8:
0x8a: {  	s17 =	sadd.s32 $0xFFFFFFFF, s17;
	(pc) =	sbr.rel @p0 .LBB2_8-.Ltmp8, $4  }
0x8b: {  	_ = 	snop  }
0x8c: {  	[spmem:s1] =	stream.indirect.scatter.add.f32 [tilespmem:s10], [sflag:$0x1], $0x1, s16, s9, $0xb8;
	[tilespmem:$0x5380] =	vst v63  }
0x8d: {  	_ =	swait.ge [sflag:s7], $0x80  }
0x8e: {  	[sflag:s7] =	ssyncset.done $0x0  }
.LBB2_9:
0x8f: {  	[sflag:s7] =	ssyncadd.s32 $0xFFFFFF80  }
.LBB2_10:
0x90: {  	s16 =	simm.s32 $0x0  }
0x91: {  	[tilespmem:s16], [sflag:$0x1] =	stream.linear.gather [hbm4b:s11+s16], $0x2800, $0x38;
	[tilespmem:$0x5380] =	vst v63  }
0x92: {  	_ =	swait.ge [sflag:s7], $0x2800  }
0x93: {  	[sflag:s7] =	ssyncset.done $0x0  }
0x94: {  	s17 =	simm.s32 $0x0;
	[sflag:s7] =	ssyncadd.s32 $0xFFFFD800  }
0x95: {  	v5 =	vld [tilespmem:s17+$0x0]  }
0x96: {  	s29 =	simm.s32 $0x80  }
0x97: {  	s30 =	simm.s32 $0x100;
	v6 =	vld [tilespmem:s29+$0x0]  }
0x98: {  	v7 =	vld [tilespmem:s30+$0x0];
	_ =	sdelay $0x1  }
0x99: {  	vm0 =	vne.s32 v5, $0xFFFC000  }
0x9a: {  	v5 =	vsel vm0, $0x1, v3  }
0x9b: {  	vm13 =	vne.s32 v6, $0xFFFC000;
	(xrf0) =	vadd.scan.msk.s32 $0xffff, v5  }
0x9c: {  	vm14 =	vne.s32 v7, $0xFFFC000;
	v5 =	vsel vm13, $0x1, v3  }
0x9d: {  	(xrf0) =	vadd.scan.msk.s32 $0xffff, v5;
	v5 =	vsel vm14, $0x1, v3  }
0x9e: {  	s31 =	simm.s32 $0x180;
	(xrf0) =	vadd.scan.msk.s32 $0xffff, v5  }
0x9f: {  	v6 =	vld [tilespmem:s31+$0x0];
	_ =	sdelay $0x1  }
0xa0: {  	v5, _, _ =	vpop (xrf0)  }
0xa1: {  	(v2sf) =	vpush v5, $0xF  }
0xa2: {  	v5, _, _ =	vpop (xrf0)  }
0xa3: {  	vm15 =	vne.s32 v6, $0xFFFC000;
	(v2sf) =	vpush v5, $0xF;
	v6, _, _ =	vpop (xrf0)  }
0xa4: {  	(v2sf) =	vpush v6, $0xF;
	_ =	sdelay $0x5  }
0xa5: {  	s18 =	simm.s32 $0x200;
	v5 =	vsel vm15, $0x1, v3  }
0xa6: {  	(xrf0) =	vadd.scan.msk.s32 $0xffff, v5;
	v5 =	vld [tilespmem:s18+$0x0];
	_ =	sdelay $0x1  }
0xa7: {  	s17 =	simm.s32 $0xA00  }
.LBB2_11:
0xa8: {  	p0 =	sne.s32 s17, $0x9E00  }
.Ltmp9:
0xa9: {  	s18 =	sshra.s32 s17, $0x2;
	(pc) =	sbr.rel @p0 .LBB2_11-.Ltmp9, $4  }
0xaa: {  	s17 =	sadd.s32 $0x200, s17;
	s19 =	spop (v2sf);
	vm0 =	vne.s32 v5, $0xFFFC000  }
0xab: {  	p1 =	slt.s32 s19, $0x1;
	v5 =	vld [tilespmem:s18+$0x0];
	v7 =	vsel vm0, $0x1, v3  }
0xac: {  	s19 =	simm.s32 @!p1 $0x1;
	(xrf0) =	vadd.scan.msk.s32 $0xffff, v7;
	v6, _, _ =	vpop (xrf0)  }
0xad: {  	s16 =	sadd.s32 s16, s19;
	(v2sf) =	vpush v6, $0xF  }
0xae: {  	_ =	sdelay $0x1  }
0xaf: {  	vm0 =	vne.s32 v5, $0xFFFC000  }
0xb0: {  	v5 =	vsel vm0, $0x1, v3  }
0xb1: {  	(xrf0) =	vadd.scan.msk.s32 $0xffff, v5;
	_ =	sdelay $0x4  }
0xb2: {  	v5, _, _ =	vpop (xrf0)  }
0xb3: {  	(v2sf) =	vpush v5, $0xF;
	v5, _, _ =	vpop (xrf0)  }
0xb4: {  	(v2sf) =	vpush v5, $0xF;
	_ =	sdelay $0x9  }
0xb5: {  	s17 =	spop (v2sf)  }
0xb6: {  	s18 =	spop (v2sf);
	p0 =	slt.s32 s17, $0x1  }
0xb7: {  	s17 =	simm.s32 @!p0 $0x1;
	p0 =	slt.s32 s18, $0x1  }
0xb8: {  	s16 =	sadd.s32 s16, s17;
	s18 =	simm.s32 @!p0 $0x1;
	s17 =	spop (v2sf)  }
0xb9: {  	s18 =	sadd.s32 s16, s18;
	p0 =	slt.s32 s17, $0x1;
	s19 =	spop (v2sf)  }
0xba: {  	s17 =	simm.s32 @!p0 $0x1;
	p0 =	slt.s32 s19, $0x1;
	s16 =	spop (v2sf)  }
0xbb: {  	s17 =	sadd.s32 s18, s17;
	s19 =	simm.s32 @!p0 $0x1;
	p0 =	slt.s32 s16, $0x1  }
0xbc: {  	s17 =	sadd.s32 s17, s19;
	s16 =	simm.s32 @!p0 $0x1  }
0xbd: {  	s18 =	sadd.s32 s17, s16  }
0xbe: {  	s31 =	sshll.u32 s18, $0x3  }
0xbf: {  	p0 =	slt.s32 s31, $0x1  }
.Ltmp10:
0xc0: {  	_ = 	snop;
	(pc) =	sbr.rel @p0 .LBB2_15-.Ltmp10, $1  }
0xc1: {  	_ =	sdelay $0x3  }
0xc2: {  	s21 =	simm.s32 $0x0  }
0xc3: {  	v5 =	vld [tilespmem:s21+$0x0];
	_ =	sdelay $0x1  }
0xc4: {  	s19 =	sshll.u32 s17, $0x3;
	s20 =	sshll.u32 s16, $0x3  }
0xc5: {  	s19 =	sadd.s32 s20, s19  }
0xc6: {  	v6 =	vadd.s32 s21, v4;
	p0 =	seq.s32 s19, $0x1  }
.Ltmp11:
0xc7: {  	v6 =	vand.u32 $0x7F, v6;
	v5 =	vshrl.u32 v5, $0xE;
	(pc) =	sbr.rel @p0 .LBB2_15-.Ltmp11, $4  }
0xc8: {  	v6 =	vor.u32 $0x1400, v6;
	v5 =	vsub.s32 v5, v0  }
0xc9: {  	vm0 =	vlt.s32 v5, v6  }
0xca: {  	s20 =	simm.s32 $0x2800;
	v5 =	vsel vm0, v5, v6  }
0xcb: {  	s22 =	simm.s32 $0x10;
	s21 =	simm.s32 $0x1;
	[tilespmem:s20+$0x0] =	vst v5  }
.LBB2_14:
0xcc: {  	v5 =	vld [tilespmem:s22+$0x0];
	s23 =	smov.u32 s21;
	s21 =	sadd.s32 $0x1, s21  }
0xcd: {  	p0 =	seq.s32 s19, s21;
	_ =	sdelay $0x2  }
0xce: {  	v6 =	vadd.s32 s23, v4  }
.Ltmp12:
0xcf: {  	v6 =	vand.u32 $0x7F, v6;
	v5 =	vshrl.u32 v5, $0xE;
	(pc) =	sbr.rel @!p0 .LBB2_14-.Ltmp12, $4  }
0xd0: {  	v6 =	vor.u32 $0x1400, v6;
	v5 =	vsub.s32 v5, v0  }
0xd1: {  	vm0 =	vlt.s32 v5, v6  }
0xd2: {  	s20 =	sadd.s32 $0x10, s20;
	v5 =	vsel vm0, v5, v6  }
0xd3: {  	s22 =	sadd.s32 $0x10, s22;
	[tilespmem:s20+$0x0] =	vst v5  }
.LBB2_15:
0xd4: {  	p0 =	slt.s32 s18, $0x1  }
.Ltmp13:
0xd5: {  	_ = 	snop;
	(pc) =	sbr.rel @p0 .LBB2_19-.Ltmp13, $1  }
0xd6: {  	_ =	sdelay $0x3  }
0xd7: {  	s17 =	sadd.s32 s16, s17  }
0xd8: {  	p0 =	sne.s32 s17, $0x1  }
.Ltmp14:
0xd9: {  	_ = 	snop;
	(pc) =	sbr.rel @!p0 .LBB2_18-.Ltmp14, $4  }
0xda: {  	s16 =	simm.s32 $0x2800  }
0xdb: {  	[spmem:s1] =	stream.indirect.scatter.add.f32 [tilespmem:s10], [sflag:$0x1], $0x1, s16, s9, $0xb8;
	[tilespmem:$0x5380] =	vst v63  }
0xdc: {  	_ =	swait.ge [sflag:s7], $0x80  }
0xdd: {  	s17 =	sadd.s32 $0xFFFFFFFF, s17;
	[sflag:s7] =	ssyncset.done $0x0  }
.LBB2_17:
0xde: {  	p0 =	sne.s32 s17, $0x1;
	[sflag:s7] =	ssyncadd.s32 $0xFFFFFF80;
	s16 =	sadd.s32 $0x80, s16  }
.Ltmp15:
0xdf: {  	s17 =	sadd.s32 $0xFFFFFFFF, s17;
	(pc) =	sbr.rel @p0 .LBB2_17-.Ltmp15, $4  }
0xe0: {  	_ = 	snop  }
0xe1: {  	[spmem:s1] =	stream.indirect.scatter.add.f32 [tilespmem:s10], [sflag:$0x1], $0x1, s16, s9, $0xb8;
	[tilespmem:$0x5380] =	vst v63  }
0xe2: {  	_ =	swait.ge [sflag:s7], $0x80  }
0xe3: {  	[sflag:s7] =	ssyncset.done $0x0  }
.Ltmp16:
0xe4: {  	_ = 	snop;
	(pc) =	sbr.rel .LBB2_18-.Ltmp16, $1  }
0xe5: {  	_ =	sdelay $0x3  }
.LBB2_20:
0xe6: {  	_ =	sfence.sel $0x180000  }
0xe7: {  	[bflag:$0x0] =	sbarrier.arrive $0xFFFF  }
0xe8: {  	p0 =	sne.s32 s2, $0x0;
	_ =	strace $0x9000004A  }
0xe9: {  	s0 =	sadd.s32 @!p0 $0x100000, s0;
	[bflag:$0x2] =	sbarrier.arrive $0xFFFF  }
0xea: {  	[sflag:s0] =	ssyncadd.tile.s32 @!p0 $0x1;
	_ =	shalt  }
.Lfunc_end2:
_tile_overlayer_lowered:
.L_overlay_start_2:
0xeb: {  	(tag) =	ssettag $0x2  }
0xec: {  	s0 =	rddreg [dreg:$0x0];
	s2 =	stileid.u32  }
0xed: {  	s1 =	rddreg [dreg:$0x1];
	p0 =	sne.s32 s2, $0x0  }
0xee: {  	s3 =	rddreg [dreg:$0x2];
	[bflag:$0x3] =	sbarrier.arrive $0xFFFF;
	s2 =	simm.s32 @!p0 $0x1C01  }
0xef: {  	[timem:s3], [sflag:s2] =	dma.local @!p0 [hbm:s0], s1  }
0xf0: {  	s0 =	simm.s32 @!p0 $0x1  }
0xf1: {  	_ =	swait.ge @!p0 [sflag:s0], s1  }
0xf2: {  	s1 =	ssub.s32 @!p0 $0x0, s1;
	[sflag:s0] =	ssyncset.done @!p0 $0x0  }
0xf3: {  	[sflag:s0] =	ssyncadd.s32 @!p0 s1  }
0xf4: {  	[bflag:$0x3] =	sbarrier.arrive $0xFFFF  }
0xf5: {  	_ =	shalt  }

// kernel: kernel.15.cloned.1.call-start
scs
__scs_entry_jumppad:
0x0: {  	(pc) =	sbr.rel $0x88, $3  }
0x1: {  	(tag) =	ssettag $0x0;
	lr =	simm.s32 $0x1  }
0x2: {  	[smem:$0x3F9B] =	sst lr;
	_ =	strace $0xD0000000  }
0x3: {  	_ = 	snop  }
0x4: {  	_ = 	snop  }
0x5: {  	_ = 	snop  }
0x6: {  	_ = 	snop  }
0x7: {  	_ = 	snop  }
__scs_overlays_trampoline_lowered:
0x8: {  	[smem:$0x3FAA] =	sst s0  }
0x9: {  	[smem:$0x3FAB] =	sst s1  }
0xa: {  	[smem:$0x3FAC] =	sst s2  }
0xb: {  	[smem:$0x3FAD] =	sst s3  }
0xc: {  	[smem:$0x3FAE] =	sst s4  }
0xd: {  	[smem:$0x3FAF] =	sst s5  }
0xe: {  	[smem:$0x3FB0] =	sst s6  }
0xf: {  	[smem:$0x3FB1] =	sst s7  }
0x10: {  	[smem:$0x3FB2] =	sst s8  }
0x11: {  	[smem:$0x3FB3] =	sst s9;
	s0 =	simm.s32 @!p0 $0x0  }
0x12: {  	s1 =	sld [smem:$0x3F99];
	s0 =	simm.s32 @p0 $0x1  }
0x13: {  	[smem:$0x3FB4] =	sst s0;
	s0 =	simm.s32 @!p1 $0x0  }
0x14: {  	s2 =	sld [smem:$0x3F98];
	s0 =	simm.s32 @p1 $0x1  }
0x15: {  	[smem:$0x3FB5] =	sst s0;
	s0 =	simm.s32 @!p2 $0x0  }
0x16: {  	s3 =	sld [smem:$0x3FDB];
	s0 =	simm.s32 @p2 $0x1  }
0x17: {  	s4 =	simm.s32 $0x1BF5;
	[smem:$0x3FB7] =	sst s0  }
0x18: {  	s0 =	sld [smem:$0x3F9A];
	_ =	swait.ge [sflag:s4], $0x0  }
0x19: {  	s7 =	sld [smem:$0x3F9B]  }
0x1a: {  	s8 =	sadd.s32 $0xFFFFE003, lr  }
0x1b: {  	s9 =	sadd.s32 $0xFFFFFEF7, lr;
	s5 =	simm.s32 $0xFFFFFFFF;
	p2 =	slt.u32 s8, $0xFFFFF086  }
0x1c: {  	p1 =	slt.u32 s9, $0xF7A;
	s5 =	simm.s32 @!p2 $0x0  }
0x1d: {  	s5 =	simm.s32 @p1 $0x1;
	p0 =	seq.s32 s7, s2  }
0x1e: {  	s7 =	smul.u32 @!p0 $0xF7A, s2;
	p2 =	seq.s32 @!p0 s5, $0x0  }
0x1f: {  	s9 =	smul.u32 $0xF7A, s1;
	s8 =	simm.s32 @!p0 $0x1BF5;
	p2 =	por !p2, p0  }
0x20: {  	[sflag:s8] =	ssyncset.s32 @!p0 $0xFFFFF086;
	s6 =	sadd.s32 @!p0 s3, s7;
	s7 =	simm.s32 @!p0 $0x108  }
0x21: {  	s3 =	sadd.s32 s3, s9;
	s6 =	sadd.s32 @!p0 $0x88, s6;
	s7 =	simm.s32 @p2 $0x1082  }
0x22: {  	[simem:s7], [sflag:s8] =	dma.local @!p0 [hbm:s6], $0xF7A  }
0x23: {  	s9 =	sor.u32 $0xD0000000, s2;
	s6 =	simm.s32 $0x108;
	_ =	swait.ge @!p0 [sflag:s8], $0x0  }
0x24: {  	s3 =	sadd.s32 $0x88, s3;
	s6 =	simm.s32 @!p1 $0x1082;
	[sflag:s4] =	ssyncset.s32 $0xFFFFF086  }
0x25: {  	[simem:s6], [sflag:s4] =	dma.local [hbm:s3], $0xF7A  }
0x26: {  	[smem:$0x3F9B] =	sst s1;
	(tag) =	ssettag s2;
	_ =	strace s9  }
0x27: {  	s1 =	sld [smem:$0x3FAB]  }
0x28: {  	s2 =	sld [smem:$0x3FAC]  }
0x29: {  	s4 =	sld [smem:$0x3FAE]  }
0x2a: {  	p0 =	seq.s32 s5, $0x0;
	s5 =	sld [smem:$0x3FAF]  }
0x2b: {  	s6 =	sld [smem:$0x3FB0]  }
0x2c: {  	s7 =	sld [smem:$0x3FB1]  }
0x2d: {  	s3 =	simm.s32 $0x108;
	s8 =	sld [smem:$0x3FB2]  }
0x2e: {  	s3 =	simm.s32 @!p0 $0x1082;
	s9 =	sld [smem:$0x3FB3]  }
0x2f: {  	lr =	sadd.s32 s0, s3;
	s0 =	sld [smem:$0x3FAA]  }
0x30: {  	s3 =	sld [smem:$0x3FAD]  }
0x31: {  	[smem:$0x3FB6] =	sst s10  }
0x32: {  	s10 =	sld [smem:$0x3FB4];
	_ =	sdelay $0x3  }
0x33: {  	p0 =	seq.s32 s10, $0x1;
	s10 =	sld [smem:$0x3FB6];
	_ =	sdelay $0x3  }
0x34: {  	[smem:$0x3FB6] =	sst s10  }
0x35: {  	s10 =	sld [smem:$0x3FB5];
	_ =	sdelay $0x3  }
0x36: {  	p1 =	seq.s32 s10, $0x1;
	s10 =	sld [smem:$0x3FB6];
	_ =	sdelay $0x3  }
0x37: {  	[smem:$0x3FB6] =	sst s10  }
0x38: {  	s10 =	sld [smem:$0x3FB7]  }
0x39: {  	_ = 	snop;
	(pc) =	sbr.ind lr, $3  }
0x3a: {  	_ = 	snop  }
0x3b: {  	_ = 	snop  }
0x3c: {  	p2 =	seq.s32 s10, $0x1;
	s10 =	sld [smem:$0x3FB6]  }
0x3d: {  	_ =	shalt  }
0x3e: {  	_ =	shalt  }
0x3f: {  	_ =	shalt  }
0x40: {  	_ =	shalt  }
0x41: {  	_ =	shalt  }
0x42: {  	_ =	shalt  }
0x43: {  	_ =	shalt  }
0x44: {  	_ =	shalt  }
0x45: {  	_ =	shalt  }
0x46: {  	_ =	shalt  }
0x47: {  	_ =	shalt  }
0x48: {  	_ =	shalt  }
0x49: {  	_ =	shalt  }
0x4a: {  	_ =	shalt  }
0x4b: {  	_ =	shalt  }
0x4c: {  	_ =	shalt  }
0x4d: {  	_ =	shalt  }
0x4e: {  	_ =	shalt  }
0x4f: {  	_ =	shalt  }
0x50: {  	_ =	shalt  }
0x51: {  	_ =	shalt  }
0x52: {  	_ =	shalt  }
0x53: {  	_ =	shalt  }
0x54: {  	_ =	shalt  }
0x55: {  	_ =	shalt  }
0x56: {  	_ =	shalt  }
0x57: {  	_ =	shalt  }
0x58: {  	_ =	shalt  }
0x59: {  	_ =	shalt  }
0x5a: {  	_ =	shalt  }
0x5b: {  	_ =	shalt  }
0x5c: {  	_ =	shalt  }
0x5d: {  	_ =	shalt  }
0x5e: {  	_ =	shalt  }
0x5f: {  	_ =	shalt  }
0x60: {  	_ =	shalt  }
0x61: {  	_ =	shalt  }
0x62: {  	_ =	shalt  }
0x63: {  	_ =	shalt  }
0x64: {  	_ =	shalt  }
0x65: {  	_ =	shalt  }
0x66: {  	_ =	shalt  }
0x67: {  	_ =	shalt  }
0x68: {  	_ =	shalt  }
0x69: {  	_ =	shalt  }
0x6a: {  	_ =	shalt  }
0x6b: {  	_ =	shalt  }
0x6c: {  	_ =	shalt  }
0x6d: {  	_ =	shalt  }
0x6e: {  	_ =	shalt  }
0x6f: {  	_ =	shalt  }
0x70: {  	_ =	shalt  }
0x71: {  	_ =	shalt  }
0x72: {  	_ =	shalt  }
0x73: {  	_ =	shalt  }
0x74: {  	_ =	shalt  }
0x75: {  	_ =	shalt  }
0x76: {  	_ =	shalt  }
0x77: {  	_ =	shalt  }
0x78: {  	_ =	shalt  }
0x79: {  	_ =	shalt  }
0x7a: {  	_ =	shalt  }
0x7b: {  	_ =	shalt  }
0x7c: {  	_ =	shalt  }
0x7d: {  	_ =	shalt  }
0x7e: {  	_ =	shalt  }
0x7f: {  	_ =	shalt  }
0x80: {  	_ =	shalt  }
0x81: {  	_ =	shalt  }
0x82: {  	_ =	shalt  }
0x83: {  	_ =	shalt  }
0x84: {  	_ =	shalt  }
0x85: {  	_ =	shalt  }
0x86: {  	_ =	shalt  }
0x87: {  	_ =	shalt  }
.Lfunc_end0:
.L_simem_size_0:
called_computation.2_lowered:
.L_overlay_start_0:
0x88: {  	s2 =	sld [smem:$0x3FD9]  }
0x89: {  	s3 =	sld [smem:$0x3FFE];
	_ =	sdelay $0x1  }
0x8a: {  	s1 =	srdreg.scid  }
0x8b: {  	s0 =	sand.u32 $0x1, s1  }
0x8c: {  	s17 =	sshll.u32 s0, $0xA;
	s2 =	sadd.s32 s3, s2  }
0x8d: {  	s2 =	sadd.s32 s2, s17  }
0x8e: {  	[smem:$0x3FC2] =	sst s2  }
0x8f: {  	_ = 	snop  }
0x90: {  	s2 =	sld [smem:$0x3FD0];
	(tm) =	ssettm $0x1  }
0x91: {  	s18 =	sld [smem:$0x3FFB];
	_ =	sdelay $0x3  }
0x92: {  	_ =	strace s18  }
0x93: {  	s3 =	sld [smem:$0x3FFC];
	_ =	sdelay $0x3  }
0x94: {  	_ =	strace s3  }
0x95: {  	s3 =	sld [smem:$0x3FFD];
	_ =	sdelay $0x3  }
0x96: {  	_ =	strace s3  }
0x97: {  	_ =	strace $0x8FFFFFFF  }
0x98: {  	s19 =	sld [smem:$0x3FDB];
	_ =	sdelay $0x1  }
0x99: {  	s4 =	simm.s32 $_scs_section_size  }
0x9a: {  	s5 =	simm.s32 $_size__tile_overlayer_lowered;
	s6 =	simm.s32 $_tile_overlayer_lowered  }
0x9b: {  	s22 =	simm.s32 $0x1BFF;
	s21 =	sshll.u32 s6, $0x1;
	s3 =	sadd.s32 s4, s19  }
0x9c: {  	s7 =	simm.s32 $0x0;
	s20 =	sshll.u32 s5, $0x1;
	s5 =	sadd.s32 s21, s3  }
0x9d: {  	[timem:s7], [sflag:s22] =	dma.local [hbm:s5], s20  }
0x9e: {  	_ =	swait.ge [sflag:s22], s20  }
0x9f: {  	s4 =	ssub.s32 $0x0, s20;
	[sflag:s22] =	ssyncset.done $0x0  }
0xa0: {  	[sflag:s22] =	ssyncadd.s32 s4;
	_ =	sdelay $0x1  }
0xa1: {  	s23 =	simm.s32 $0x1B8B  }
0xa2: {  	_ =	swait.ge [sflag:s23], $0x1  }
0xa3: {  	[sflag:s23] =	ssyncset.done $0x0  }
0xa4: {  	s25 =	simm.s32 $0x1B8E;
	s24 =	sld [smem:$0x3FFE];
	[sflag:s23] =	ssyncadd.s32 $0xFFFFFFFF  }
0xa5: {  	s26 =	simm.s32 $execute0_lowered;
	[smem:$0x3FD2] =	sst s25  }
0xa6: {  	s5 =	sshll.u32 s26, $0x1;
	_ =	strace $0x8000004C;
	[dreg:$0x1] =	wrdreg $0xFFFFFFFF  }
0xa7: {  	s28 =	simm.s32 $_size_execute0_lowered;
	s3 =	sadd.s32 s3, s5;
	[dreg:$0x0] =	wrdreg $0x0  }
0xa8: {  	s5 =	sshll.u32 s28, $0x1;
	[dreg:$0x2] =	wrdreg s3  }
0xa9: {  	[dreg:$0x3] =	wrdreg s5  }
0xaa: {  	[dreg:$0x4] =	wrdreg $0xC0  }
0xab: {  	_ =	task [dreg:s7], $0x5FFFF  }
0xac: {  	[dreg:$0x1] =	wrdreg $0xFFFFFFFF  }
0xad: {  	[dreg:$0x0] =	wrdreg $0x60  }
0xae: {  	[dreg:$0x2] =	wrdreg s24  }
0xaf: {  	[dreg:$0x3] =	wrdreg s2  }
0xb0: {  	[dreg:$0x4] =	wrdreg $0xEC000  }
0xb1: {  	[dreg:$0x5] =	wrdreg $0x9  }
0xb2: {  	_ =	task.clear_ibuf [dreg:s7], $0x6FFFF;
	_ =	strace $0x9000004C  }
0xb3: {  	s29 =	simm.s32 $0x9;
	_ =	strace $0x8000004E  }
0xb4: {  	_ =	swait.ge [sflag:s29], $0x1  }
0xb5: {  	[sflag:s29] =	ssyncadd.s32 $0xFFFFFFFF  }
0xb6: {  	_ =	strace $0x9000004E  }
0xb7: {  	_ =	sfence  }
0xb8: {  	s30 =	sld [smem:$0x0];
	_ =	sdelay $0x2  }
0xb9: {  	s31 =	sshll.u32 s1, $0xD;
	s1 =	sshrl.u32 s1, $0x2  }
0xba: {  	s3 =	sand.u32 $0x4000, s31;
	s1 =	sadd.s32 s1, s30  }
0xbb: {  	s0 =	sor.u32 s3, s0;
	s1 =	sshll.u32 s1, $0x11  }
0xbc: {  	s0 =	sor.u32 s1, s0  }
0xbd: {  	s0 =	sadd.s32 $0x8F2B, s0  }
0xbe: {  	[sflag:s0] =	ssyncadd.remote.s32 $0x1  }
0xbf: {  	_ =	sfence.sel $0xFFFF  }
0xc0: {  	[dreg:$0x0] =	wrdreg $0xFFFFFFFF;
	(pc) =	sbr.abs _section_cstart, $3  }
0xc1: {  	[dreg:$0x1] =	wrdreg $0xFFFFFFFF  }
0xc2: {  	_ =	task.clear_ibuf [dreg:s7], $0x2FFFF;
	_ =	strace $0x9FFFFFFF  }
0xc3: {  	(tm) =	ssettm $0x7FFFFFFF  }
tec
execute0_lowered:
.L_overlay_start_1:
0x0: {  	(tag) =	ssettag $0x1  }
0x1: {  	s2 =	srdreg.scid  }
0x2: {  	s5 =	rddreg [dreg:$0x0];
	s6 =	sand.u32 $0x1, s2  }
0x3: {  	s2 =	stileid.u32;
	s7 =	smul.u32 $0x14800, s6  }
0x4: {  	s11 =	rddreg [dreg:$0x1];
	s8 =	smul.u32 $0x29000, s2  }
0x5: {  	s1 =	rddreg [dreg:$0x2];
	s13 =	smul.u32 $0x1400, s6  }
0x6: {  	s0 =	rddreg [dreg:$0x3];
	s3 =	simm.s32 $0x0;
	s14 =	smul.u32 $0xA000, s6  }
0x7: {  	[smem:$0x7FF] =	sst s3;
	s4 =	sadd.s32 $0x2A00, s5;
	s16 =	smul.u32 $0x5000, s2  }
0x8: {  	_ =	strace $0x8000004D;
	s26 =	ssub.s32 $0x2, s6;
	s31 =	smul.u32 $0xA00, s2  }
0x9: {  	s19 =	smul.u32 $0x1480, s2;
	s29 =	sshrl.u32 s26, $0x1;
	s12 =	sadd.s32 s7, s5  }
0xa: {  	s28 =	sshrl.u32 s8, $0x2;
	s15 =	ssub.s32 s26, s29;
	s17 =	sadd.s32 s11, s14  }
0xb: {  	s30 =	sshrl.u32 s16, $0x3;
	v0 =	vmov s13;
	s13 =	simm.s32 $0x3;
	s5 =	sadd.s32 s28, s1  }
.Ltmp0:
0xc: {  	s16 =	sadd.s32 $0x500, s30;
	s18 =	sadd.s32 $0x2AA00, s12;
	(pc) =	sbr.rel .LBB2_1-.Ltmp0, $4  }
0xd: {  	s11 =	smax.u32 s15, $0x1;
	s12 =	simm.s32 $0xD000;
	s14 =	sadd.s32 s31, s17  }
0xe: {  	s15 =	simm.s32 $0x5000;
	s6 =	sadd.s32 $0x1C00, s5;
	s7 =	sadd.s32 $0x3800, s5  }
0xf: {  	s8 =	sadd.s32 $0x5400, s5;
	s9 =	sadd.s32 $0x7000, s5;
	s10 =	sadd.s32 $0x8C00, s5  }
0x10: {  	v1 =	vimm.f32 $0.0e+00;
	v2 =	vimm.s32 $0x0;
	v3 =	vlaneseq.u32;
	s16 =	sadd.s32 s16, s17;
	s17 =	sadd.s32 s19, s18;
	s18 =	simm.s32 $0x0  }
.LBB2_30:
0x11: {  	[tilespmem:s25], [sflag:$0x1] =	stream.indirect.gather @!p1 [hbm4b:s4+s24], $0x80, s22, s24, $0xb8;
	[tilespmem:$0x19000] =	vst v63  }
0x12: {  	s19 =	simm.s32 @p0 $0x2  }
0x13: {  	_ =	swait.ge @p0 [sflag:s19], $0x4000  }
0x14: {  	s21 =	simm.s32 @!p0 $0x1;
	[sflag:s19] =	ssyncset.done @p0 $0x0  }
0x15: {  	s22 =	simm.s32 @p0 $0x9000;
	[sflag:s19] =	ssyncadd.s32 @p0 $0xFFFFC000;
	s19 =	simm.s32 @p0 $0x80  }
0x16: {  	[spmem:s1] =	stream.indirect.scatter.add.f32 @p0 [tilespmem:s22], [sflag:$0x3], $0x80, s20, s19, $0xb8;
	[tilespmem:$0x19000] =	vst v63  }
0x17: {  	_ =	swait.ge @!p0 [sflag:s21], $0x4000  }
0x18: {  	s19 =	simm.s32 @!p0 $0x5000;
	s22 =	simm.s32 @!p0 $0x4;
	[sflag:s21] =	ssyncset.done @!p0 $0x0  }
0x19: {  	s22 =	simm.s32 @p0 $0x3;
	[sflag:s21] =	ssyncadd.s32 @!p0 $0xFFFFC000;
	s21 =	simm.s32 @!p0 $0x80  }
0x1a: {  	[spmem:s1] =	stream.indirect.scatter.add.f32 @!p0 [tilespmem:s19], [sflag:$0x4], $0x80, s20, s21, $0xb8;
	[tilespmem:$0x19000] =	vst v63  }
0x1b: {  	_ =	swait.ge [sflag:s22], $0x4000  }
0x1c: {  	[sflag:s22] =	ssyncset.done $0x0  }
0x1d: {  	[sflag:s22] =	ssyncadd.s32 $0xFFFFC000  }
.LBB2_31:
0x1e: {  	s18 =	sadd.s32 $0x1, s18  }
0x1f: {  	s19 =	sshll.u32 s2, $0x6;
	[bflag:$0x0] =	sbarrier.arrive $0xFFFF;
	p0 =	sne.s32 s18, s11  }
.Ltmp1:
0x20: {  	s20 =	sshrl.u32 s5, $0x3;
	s19 =	sor.u32 $0x1C03, s19;
	(pc) =	sbr.rel @!p0 .LBB2_32-.Ltmp1, $4  }
0x21: {  	[hbm:s17], [sflag:s19] =	dma.local [spmem:s20], $0x1480  }
0x22: {  	_ =	swait.ge [sflag:s13], $0x1480  }
0x23: {  	[sflag:s13] =	ssyncset.done $0x0  }
0x24: {  	[sflag:s13] =	ssyncadd.s32 $0xFFFFEB80  }
.LBB2_1:
0x25: {  	s19 =	sand.u32 $0x7E00, s3  }
0x26: {  	s20 =	sand.u32 $0x70, s3;
	s21 =	sshrl.u32 s19, $0x2  }
0x27: {  	s19 =	simm.s32 $0x40;
	s21 =	sor.u32 s20, s21;
	s20 =	simm.s32 $0x0  }
.LBB2_2:
0x28: {  	p0 =	sne.s32 s19, $0x6FC0  }
0x29: {  	[tilespmem:s21+$0xD000] =	vst v1;
	s20 =	sadd.s32 $0x10, s20;
	s21 =	smov.u32 s19;
	s19 =	sadd.s32 $0x40, s19  }
.Ltmp2:
0x2a: {  	(pc) =	sbr.rel @p0 .LBB2_2-.Ltmp2, $4  }
0x2b: {  	_ = 	snop  }
0x2c: {  	s21 =	sand.u32 $0x7E00, s21  }
0x2d: {  	s22 =	sand.u32 $0x70, s20;
	s21 =	sshrl.u32 s21, $0x2  }
0x2e: {  	s21 =	sor.u32 s22, s21  }
0x2f: {  	[tilespmem:s21+$0xD000] =	vst v1  }
0x30: {  	[spmem:s5] =	stream.linear.scatter [tilespmem:s12], [sflag:$0x3], $0x1C00, $0x38;
	[tilespmem:$0x19000] =	vst v63  }
0x31: {  	_ =	swait.ge [sflag:s13], $0x1C00  }
0x32: {  	[sflag:s13] =	ssyncset.done $0x0  }
0x33: {  	[sflag:s13] =	ssyncadd.s32 $0xFFFFE400  }
0x34: {  	[spmem:s6] =	stream.linear.scatter [tilespmem:s12], [sflag:$0x3], $0x1C00, $0x38;
	[tilespmem:$0x19000] =	vst v63  }
0x35: {  	_ =	swait.ge [sflag:s13], $0x1C00  }
0x36: {  	[sflag:s13] =	ssyncset.done $0x0  }
0x37: {  	[sflag:s13] =	ssyncadd.s32 $0xFFFFE400  }
0x38: {  	[spmem:s7] =	stream.linear.scatter [tilespmem:s12], [sflag:$0x3], $0x1C00, $0x38;
	[tilespmem:$0x19000] =	vst v63  }
0x39: {  	_ =	swait.ge [sflag:s13], $0x1C00  }
0x3a: {  	[sflag:s13] =	ssyncset.done $0x0  }
0x3b: {  	[sflag:s13] =	ssyncadd.s32 $0xFFFFE400  }
0x3c: {  	[spmem:s8] =	stream.linear.scatter [tilespmem:s12], [sflag:$0x3], $0x1C00, $0x38;
	[tilespmem:$0x19000] =	vst v63  }
0x3d: {  	_ =	swait.ge [sflag:s13], $0x1C00  }
0x3e: {  	[sflag:s13] =	ssyncset.done $0x0  }
0x3f: {  	[sflag:s13] =	ssyncadd.s32 $0xFFFFE400  }
0x40: {  	[spmem:s9] =	stream.linear.scatter [tilespmem:s12], [sflag:$0x3], $0x1C00, $0x38;
	[tilespmem:$0x19000] =	vst v63  }
0x41: {  	_ =	swait.ge [sflag:s13], $0x1C00  }
0x42: {  	[sflag:s13] =	ssyncset.done $0x0  }
0x43: {  	[sflag:s13] =	ssyncadd.s32 $0xFFFFE400  }
0x44: {  	[spmem:s10] =	stream.linear.scatter [tilespmem:s12], [sflag:$0x3], $0x1800, $0x38;
	[tilespmem:$0x19000] =	vst v63  }
0x45: {  	_ =	swait.ge [sflag:s13], $0x1800  }
0x46: {  	[sflag:s13] =	ssyncset.done $0x0  }
0x47: {  	[sflag:s13] =	ssyncadd.s32 $0xFFFFE800  }
0x48: {  	s19 =	simm.s32 $0x0;
	[bflag:$0x0] =	sbarrier.arrive $0xFFFF  }
0x49: {  	[tilespmem:s19], [sflag:$0x3] =	stream.linear.gather [hbm4b:s14+s19], $0x2800, $0x38;
	[tilespmem:$0x19000] =	vst v63  }
0x4a: {  	_ =	swait.ge [sflag:s13], $0x2800  }
0x4b: {  	[sflag:s13] =	ssyncset.done $0x0  }
0x4c: {  	s20 =	simm.s32 $0x0;
	[sflag:s13] =	ssyncadd.s32 $0xFFFFD800  }
0x4d: {  	v4 =	vld [tilespmem:s20+$0x0]  }
0x4e: {  	s28 =	simm.s32 $0x80  }
0x4f: {  	s29 =	simm.s32 $0x100;
	v5 =	vld [tilespmem:s28+$0x0]  }
0x50: {  	v6 =	vld [tilespmem:s29+$0x0];
	_ =	sdelay $0x1  }
0x51: {  	vm0 =	vne.s32 v4, $0xFFFC000  }
0x52: {  	v4 =	vsel vm0, $0x1, v2  }
0x53: {  	vm13 =	vne.s32 v5, $0xFFFC000;
	(xrf0) =	vadd.scan.msk.s32 $0xffff, v4  }
0x54: {  	vm14 =	vne.s32 v6, $0xFFFC000;
	v4 =	vsel vm13, $0x1, v2  }
0x55: {  	(xrf0) =	vadd.scan.msk.s32 $0xffff, v4;
	v4 =	vsel vm14, $0x1, v2  }
0x56: {  	s30 =	simm.s32 $0x180;
	(xrf0) =	vadd.scan.msk.s32 $0xffff, v4  }
0x57: {  	v5 =	vld [tilespmem:s30+$0x0];
	_ =	sdelay $0x1  }
0x58: {  	v4, _, _ =	vpop (xrf0)  }
0x59: {  	(v2sf) =	vpush v4, $0xF  }
0x5a: {  	v4, _, _ =	vpop (xrf0)  }
0x5b: {  	vm15 =	vne.s32 v5, $0xFFFC000;
	(v2sf) =	vpush v4, $0xF;
	v5, _, _ =	vpop (xrf0)  }
0x5c: {  	(v2sf) =	vpush v5, $0xF;
	_ =	sdelay $0x5  }
0x5d: {  	s31 =	simm.s32 $0x200;
	v4 =	vsel vm15, $0x1, v2  }
0x5e: {  	(xrf0) =	vadd.scan.msk.s32 $0xffff, v4;
	v4 =	vld [tilespmem:s31+$0x0];
	_ =	sdelay $0x1  }
0x5f: {  	s20 =	simm.s32 $0xA00  }
.LBB2_4:
0x60: {  	p0 =	sne.s32 s20, $0x9E00  }
.Ltmp3:
0x61: {  	s21 =	sshra.s32 s20, $0x2;
	(pc) =	sbr.rel @p0 .LBB2_4-.Ltmp3, $4  }
0x62: {  	s20 =	sadd.s32 $0x200, s20;
	s22 =	spop (v2sf);
	vm0 =	vne.s32 v4, $0xFFFC000  }
0x63: {  	p1 =	slt.s32 s22, $0x1;
	v4 =	vld [tilespmem:s21+$0x0];
	v6 =	vsel vm0, $0x1, v2  }
0x64: {  	s22 =	simm.s32 @!p1 $0x1;
	(xrf0) =	vadd.scan.msk.s32 $0xffff, v6;
	v5, _, _ =	vpop (xrf0)  }
0x65: {  	s19 =	sadd.s32 s19, s22;
	(v2sf) =	vpush v5, $0xF  }
0x66: {  	_ =	sdelay $0x1  }
0x67: {  	vm0 =	vne.s32 v4, $0xFFFC000  }
0x68: {  	v4 =	vsel vm0, $0x1, v2  }
0x69: {  	(xrf0) =	vadd.scan.msk.s32 $0xffff, v4;
	_ =	sdelay $0x4  }
0x6a: {  	v4, _, _ =	vpop (xrf0)  }
0x6b: {  	(v2sf) =	vpush v4, $0xF;
	v4, _, _ =	vpop (xrf0)  }
0x6c: {  	(v2sf) =	vpush v4, $0xF;
	_ =	sdelay $0x9  }
0x6d: {  	s20 =	spop (v2sf)  }
0x6e: {  	s21 =	spop (v2sf);
	p0 =	slt.s32 s20, $0x1  }
0x6f: {  	s20 =	simm.s32 @!p0 $0x1;
	p0 =	slt.s32 s21, $0x1  }
0x70: {  	s19 =	sadd.s32 s19, s20;
	s21 =	simm.s32 @!p0 $0x1;
	s22 =	spop (v2sf)  }
0x71: {  	s19 =	sadd.s32 s19, s21;
	p0 =	slt.s32 s22, $0x1;
	s21 =	spop (v2sf)  }
0x72: {  	s22 =	simm.s32 @!p0 $0x1;
	p0 =	slt.s32 s21, $0x1;
	s20 =	spop (v2sf)  }
0x73: {  	s19 =	sadd.s32 s19, s22;
	s21 =	simm.s32 @!p0 $0x1;
	p0 =	slt.s32 s20, $0x1  }
0x74: {  	s21 =	sadd.s32 s19, s21;
	s20 =	simm.s32 @!p0 $0x1  }
0x75: {  	s19 =	sadd.s32 s21, s20  }
0x76: {  	s31 =	sshll.u32 s19, $0x3  }
0x77: {  	p0 =	slt.s32 s31, $0x1  }
.Ltmp4:
0x78: {  	_ = 	snop;
	(pc) =	sbr.rel @p0 .LBB2_13-.Ltmp4, $1  }
0x79: {  	_ =	sdelay $0x3  }
0x7a: {  	s22 =	sshll.u32 s21, $0x3;
	s23 =	sshll.u32 s20, $0x3  }
0x7b: {  	s23 =	sadd.s32 s23, s22  }
0x7c: {  	p1 =	sne.s32 s23, $0x1  }
.Ltmp5:
0x7d: {  	_ = 	snop;
	(pc) =	sbr.rel @!p1 .LBB2_7-.Ltmp5, $4  }
0x7e: {  	s24 =	simm.s32 $0x0;
	s25 =	simm.s32 $0x0  }
0x7f: {  	s31 =	simm.s32 $0x0;
	s30 =	sand.u32 $0x70, s24;
	v4 =	vadd.s32 s25, v3  }
0x80: {  	s22 =	sor.u32 s30, s31;
	v4 =	vand.u32 $0x7F, v4  }
0x81: {  	p0 =	por $0x0, $0x0;
	v5 =	vld [tilespmem:s22+$0x0];
	v4 =	vor.u32 $0x1400, v4  }
0x82: {  	_ = 	snop  }
0x83: {  	p1 =	sne.s32 s23, $0x2  }
.Ltmp6:
0x84: {  	_ = 	snop;
	(pc) =	sbr.rel @!p1 .LBB2_9-.Ltmp6, $4  }
0x85: {  	s25 =	simm.s32 $0x0;
	s24 =	simm.s32 $0x10  }
0x86: {  	s28 =	simm.s32 $0x0;
	s26 =	sand.u32 $0x70, s24;
	v6 =	vadd.s32 s25, v3;
	v7 =	vshrl.u32 v5, $0xE;
	v5 =	vand.u32 $0x3FFF, v5  }
0x87: {  	s25 =	sor.u32 s26, s28;
	v8 =	vand.u32 $0x7F, v6;
	v6 =	vsub.s32 v7, v0;
	[tilespmem:s22+$0x0] =	vst v5  }
0x88: {  	p0 =	por $0x1, $0x1;
	s26 =	simm.s32 $0x2;
	v7 =	vor.u32 $0x1400, v8;
	v5 =	vld [tilespmem:s25+$0x0];
	vm0 =	vlt.s32 v6, v4  }
.LBB2_10:
0x89: {  	v6 =	vsel vm0, v6, v4;
	v4 =	vmov v7;
	s28 =	smov.u32 s26;
	s26 =	sadd.s32 $0x1, s26  }
0x8a: {  	p1 =	sne.s32 s23, s26;
	[tilespmem:s22+$0x2800] =	vst v6;
	s22 =	smov.u32 s25  }
.Ltmp7:
0x8b: {  	(pc) =	sbr.rel @p1 .LBB2_10-.Ltmp7, $4  }
0x8c: {  	s24 =	sadd.s32 $0x10, s24;
	s25 =	sshrl.u32 s28, $0x3  }
0x8d: {  	s28 =	sand.u32 $0x70, s24;
	s29 =	sshll.u32 s25, $0x7;
	v6 =	vadd.s32 s25, v3;
	v7 =	vshrl.u32 v5, $0xE;
	v5 =	vand.u32 $0x3FFF, v5  }
0x8e: {  	s25 =	sor.u32 s28, s29;
	v8 =	vand.u32 $0x7F, v6;
	v6 =	vsub.s32 v7, v0;
	[tilespmem:s22+$0x0] =	vst v5  }
0x8f: {  	v7 =	vor.u32 $0x1400, v8;
	v5 =	vld [tilespmem:s25+$0x0];
	vm0 =	vlt.s32 v6, v4  }
0x90: {  	v8 =	vmov v4;
	s23 =	smov.u32 s22;
	v4 =	vmov v7;
	s22 =	smov.u32 s25  }
.LBB2_12:
0x91: {  	_ =	sdelay $0x2  }
0x92: {  	v7 =	vshrl.u32 v5, $0xE  }
0x93: {  	v6 =	vsel @p0 vm0, v6, v8;
	v7 =	vsub.s32 v7, v0  }
0x94: {  	[tilespmem:s23+$0x2800] =	vst @p0 v6;
	v5 =	vand.u32 $0x3FFF, v5;
	vm15 =	vlt.s32 v7, v4  }
0x95: {  	[tilespmem:s22+$0x0] =	vst v5;
	v4 =	vsel vm15, v7, v4  }
0x96: {  	[tilespmem:s22+$0x2800] =	vst v4  }
.LBB2_13:
0x97: {  	p0 =	slt.s32 s19, $0x1  }
.Ltmp8:
0x98: {  	_ = 	snop;
	(pc) =	sbr.rel @p0 .LBB2_17-.Ltmp8, $1  }
0x99: {  	_ =	sdelay $0x3  }
0x9a: {  	s22 =	simm.s32 $0x80  }
0x9b: {  	s24 =	simm.s32 $0x0;
	s23 =	simm.s32 $0x1;
	p0 =	sle.s32 s19, $0x1  }
0x9c: {  	[tilespmem:s15], [sflag:$0x1] =	stream.indirect.gather [hbm4b:s4+s22], $0x80, s24, s22, $0xb8;
	[tilespmem:$0x19000] =	vst v63  }
0x9d: {  	s25 =	sand.u32 @!p0 $0x1, s23  }
0x9e: {  	p1 =	seq.s32 @!p0 s25, $0x1  }
0x9f: {  	p2 =	por !p1, p0  }
0xa0: {  	s21 =	sadd.s32 s20, s21;
	s25 =	simm.s32 @!p2 $0x80;
	s26 =	simm.s32 @!p2 $0x9000  }
0xa1: {  	[tilespmem:s26], [sflag:$0x2] =	stream.indirect.gather @!p2 [hbm4b:s4+s25], $0x80, s22, s25, $0xb8;
	[tilespmem:$0x19000] =	vst v63  }
0xa2: {  	p2 =	sne.s32 s21, $0x1  }
.Ltmp9:
0xa3: {  	_ = 	snop;
	(pc) =	sbr.rel @!p2 .LBB2_16-.Ltmp9, $3  }
0xa4: {  	_ =	sdelay $0x1  }
0xa5: {  	s20 =	simm.s32 $0x2800;
	s31 =	sand.u32 $0x1, s24;
	p1 =	por p1, p0  }
0xa6: {  	p0 =	seq.s32 s31, $0x1;
	s24 =	simm.s32 @!p1 $0x80;
	s25 =	simm.s32 @!p1 $0x5000  }
.LBB2_15:
0xa7: {  	[tilespmem:s25], [sflag:$0x1] =	stream.indirect.gather @!p1 [hbm4b:s4+s24], $0x80, s22, s24, $0xb8;
	[tilespmem:$0x19000] =	vst v63  }
0xa8: {  	s24 =	smov.u32 s23;
	s23 =	sadd.s32 $0x1, s23  }
0xa9: {  	s25 =	simm.s32 @p0 $0x2;
	s22 =	sadd.s32 $0x80, s22;
	p1 =	sge.s32 s23, s19  }
0xaa: {  	s26 =	simm.s32 @!p0 $0x1;
	_ =	swait.ge @p0 [sflag:s25], $0x4000;
	s28 =	sand.u32 @!p1 $0x1, s23  }
0xab: {  	s29 =	simm.s32 @p0 $0x9000;
	[sflag:s25] =	ssyncset.done @p0 $0x0;
	p3 =	seq.s32 @!p1 s28, $0x1  }
0xac: {  	s28 =	simm.s32 @!p0 $0x4;
	[sflag:s25] =	ssyncadd.s32 @p0 $0xFFFFC000;
	s25 =	simm.s32 @p0 $0x80  }
0xad: {  	[spmem:s1] =	stream.indirect.scatter.add.f32 @p0 [tilespmem:s29], [sflag:$0x3], $0x80, s20, s25, $0xb8;
	[tilespmem:$0x19000] =	vst v63  }
0xae: {  	p2 =	por !p3, p1;
	p1 =	por p3, p1;
	_ =	swait.ge @!p0 [sflag:s26], $0x4000  }
0xaf: {  	s28 =	simm.s32 @p0 $0x3;
	s25 =	simm.s32 @!p0 $0x5000;
	[sflag:s26] =	ssyncset.done @!p0 $0x0  }
0xb0: {  	p3 =	sne.s32 s21, s23;
	[sflag:s26] =	ssyncadd.s32 @!p0 $0xFFFFC000;
	s26 =	simm.s32 @!p0 $0x80  }
0xb1: {  	[spmem:s1] =	stream.indirect.scatter.add.f32 @!p0 [tilespmem:s25], [sflag:$0x4], $0x80, s20, s26, $0xb8;
	[tilespmem:$0x19000] =	vst v63  }
.Ltmp10:
0xb2: {  	s20 =	sadd.s32 $0x80, s20;
	_ =	swait.ge [sflag:s28], $0x4000;
	(pc) =	sbr.rel @p3 .LBB2_15-.Ltmp10, $4  }
0xb3: {  	s25 =	simm.s32 @!p2 $0x80;
	s26 =	simm.s32 @!p2 $0x9000;
	[sflag:s28] =	ssyncset.done $0x0  }
0xb4: {  	s29 =	sand.u32 $0x1, s24;
	[sflag:s28] =	ssyncadd.s32 $0xFFFFC000  }
0xb5: {  	[tilespmem:s26], [sflag:$0x2] =	stream.indirect.gather @!p2 [hbm4b:s4+s25], $0x80, s22, s25, $0xb8;
	[tilespmem:$0x19000] =	vst v63  }
0xb6: {  	s24 =	simm.s32 @!p1 $0x80;
	p0 =	seq.s32 s29, $0x1;
	s25 =	simm.s32 @!p1 $0x5000  }
.LBB2_16:
0xb7: {  	[tilespmem:s25], [sflag:$0x1] =	stream.indirect.gather @!p1 [hbm4b:s4+s24], $0x80, s22, s24, $0xb8;
	[tilespmem:$0x19000] =	vst v63  }
0xb8: {  	s19 =	simm.s32 @p0 $0x2  }
0xb9: {  	_ =	swait.ge @p0 [sflag:s19], $0x4000  }
0xba: {  	s21 =	simm.s32 @!p0 $0x1;
	[sflag:s19] =	ssyncset.done @p0 $0x0  }
0xbb: {  	s22 =	simm.s32 @p0 $0x9000;
	[sflag:s19] =	ssyncadd.s32 @p0 $0xFFFFC000;
	s19 =	simm.s32 @p0 $0x80  }
0xbc: {  	[spmem:s1] =	stream.indirect.scatter.add.f32 @p0 [tilespmem:s22], [sflag:$0x3], $0x80, s20, s19, $0xb8;
	[tilespmem:$0x19000] =	vst v63  }
0xbd: {  	_ =	swait.ge @!p0 [sflag:s21], $0x4000  }
0xbe: {  	s19 =	simm.s32 @!p0 $0x5000;
	s22 =	simm.s32 @!p0 $0x4;
	[sflag:s21] =	ssyncset.done @!p0 $0x0  }
0xbf: {  	s22 =	simm.s32 @p0 $0x3;
	[sflag:s21] =	ssyncadd.s32 @!p0 $0xFFFFC000;
	s21 =	simm.s32 @!p0 $0x80  }
0xc0: {  	[spmem:s1] =	stream.indirect.scatter.add.f32 @!p0 [tilespmem:s19], [sflag:$0x4], $0x80, s20, s21, $0xb8;
	[tilespmem:$0x19000] =	vst v63  }
0xc1: {  	_ =	swait.ge [sflag:s22], $0x4000  }
0xc2: {  	[sflag:s22] =	ssyncset.done $0x0  }
0xc3: {  	[sflag:s22] =	ssyncadd.s32 $0xFFFFC000  }
.LBB2_17:
0xc4: {  	s19 =	simm.s32 $0x0  }
0xc5: {  	[tilespmem:s19], [sflag:$0x3] =	stream.linear.gather [hbm4b:s16+s19], $0x2800, $0x38;
	[tilespmem:$0x19000] =	vst v63  }
0xc6: {  	_ =	swait.ge [sflag:s13], $0x2800  }
0xc7: {  	[sflag:s13] =	ssyncset.done $0x0  }
0xc8: {  	s20 =	simm.s32 $0x0;
	[sflag:s13] =	ssyncadd.s32 $0xFFFFD800  }
0xc9: {  	v4 =	vld [tilespmem:s20+$0x0]  }
0xca: {  	s29 =	simm.s32 $0x80  }
0xcb: {  	s30 =	simm.s32 $0x100;
	v5 =	vld [tilespmem:s29+$0x0]  }
0xcc: {  	v6 =	vld [tilespmem:s30+$0x0];
	_ =	sdelay $0x1  }
0xcd: {  	vm0 =	vne.s32 v4, $0xFFFC000  }
0xce: {  	v4 =	vsel vm0, $0x1, v2  }
0xcf: {  	vm13 =	vne.s32 v5, $0xFFFC000;
	(xrf0) =	vadd.scan.msk.s32 $0xffff, v4  }
0xd0: {  	vm14 =	vne.s32 v6, $0xFFFC000;
	v4 =	vsel vm13, $0x1, v2  }
0xd1: {  	(xrf0) =	vadd.scan.msk.s32 $0xffff, v4;
	v4 =	vsel vm14, $0x1, v2  }
0xd2: {  	s31 =	simm.s32 $0x180;
	(xrf0) =	vadd.scan.msk.s32 $0xffff, v4  }
0xd3: {  	v5 =	vld [tilespmem:s31+$0x0];
	_ =	sdelay $0x1  }
0xd4: {  	v4, _, _ =	vpop (xrf0)  }
0xd5: {  	(v2sf) =	vpush v4, $0xF  }
0xd6: {  	v4, _, _ =	vpop (xrf0)  }
0xd7: {  	vm15 =	vne.s32 v5, $0xFFFC000;
	(v2sf) =	vpush v4, $0xF;
	v5, _, _ =	vpop (xrf0)  }
0xd8: {  	(v2sf) =	vpush v5, $0xF;
	_ =	sdelay $0x5  }
0xd9: {  	s21 =	simm.s32 $0x200;
	v4 =	vsel vm15, $0x1, v2  }
0xda: {  	(xrf0) =	vadd.scan.msk.s32 $0xffff, v4;
	v4 =	vld [tilespmem:s21+$0x0];
	_ =	sdelay $0x1  }
0xdb: {  	s20 =	simm.s32 $0xA00  }
.LBB2_18:
0xdc: {  	p0 =	sne.s32 s20, $0x9E00  }
.Ltmp11:
0xdd: {  	s21 =	sshra.s32 s20, $0x2;
	(pc) =	sbr.rel @p0 .LBB2_18-.Ltmp11, $4  }
0xde: {  	s20 =	sadd.s32 $0x200, s20;
	s22 =	spop (v2sf);
	vm0 =	vne.s32 v4, $0xFFFC000  }
0xdf: {  	p1 =	slt.s32 s22, $0x1;
	v4 =	vld [tilespmem:s21+$0x0];
	v6 =	vsel vm0, $0x1, v2  }
0xe0: {  	s22 =	simm.s32 @!p1 $0x1;
	(xrf0) =	vadd.scan.msk.s32 $0xffff, v6;
	v5, _, _ =	vpop (xrf0)  }
0xe1: {  	s19 =	sadd.s32 s19, s22;
	(v2sf) =	vpush v5, $0xF  }
0xe2: {  	_ =	sdelay $0x1  }
0xe3: {  	vm0 =	vne.s32 v4, $0xFFFC000  }
0xe4: {  	v4 =	vsel vm0, $0x1, v2  }
0xe5: {  	(xrf0) =	vadd.scan.msk.s32 $0xffff, v4;
	_ =	sdelay $0x4  }
0xe6: {  	v4, _, _ =	vpop (xrf0)  }
0xe7: {  	(v2sf) =	vpush v4, $0xF;
	v4, _, _ =	vpop (xrf0)  }
0xe8: {  	(v2sf) =	vpush v4, $0xF;
	_ =	sdelay $0x9  }
0xe9: {  	s20 =	spop (v2sf)  }
0xea: {  	s21 =	spop (v2sf);
	p0 =	slt.s32 s20, $0x1  }
0xeb: {  	s20 =	simm.s32 @!p0 $0x1;
	p0 =	slt.s32 s21, $0x1  }
0xec: {  	s19 =	sadd.s32 s19, s20;
	s21 =	simm.s32 @!p0 $0x1;
	s22 =	spop (v2sf)  }
0xed: {  	s19 =	sadd.s32 s19, s21;
	p0 =	slt.s32 s22, $0x1;
	s21 =	spop (v2sf)  }
0xee: {  	s22 =	simm.s32 @!p0 $0x1;
	p0 =	slt.s32 s21, $0x1;
	s20 =	spop (v2sf)  }
0xef: {  	s19 =	sadd.s32 s19, s22;
	s21 =	simm.s32 @!p0 $0x1;
	p0 =	slt.s32 s20, $0x1  }
0xf0: {  	s21 =	sadd.s32 s19, s21;
	s20 =	simm.s32 @!p0 $0x1  }
0xf1: {  	s19 =	sadd.s32 s21, s20  }
0xf2: {  	s31 =	sshll.u32 s19, $0x3  }
0xf3: {  	p0 =	slt.s32 s31, $0x1  }
.Ltmp12:
0xf4: {  	_ = 	snop;
	(pc) =	sbr.rel @p0 .LBB2_27-.Ltmp12, $1  }
0xf5: {  	_ =	sdelay $0x3  }
0xf6: {  	s22 =	sshll.u32 s21, $0x3;
	s23 =	sshll.u32 s20, $0x3  }
0xf7: {  	s23 =	sadd.s32 s23, s22  }
0xf8: {  	p1 =	sne.s32 s23, $0x1  }
.Ltmp13:
0xf9: {  	_ = 	snop;
	(pc) =	sbr.rel @!p1 .LBB2_21-.Ltmp13, $4  }
0xfa: {  	s24 =	simm.s32 $0x0;
	s25 =	simm.s32 $0x0  }
0xfb: {  	s31 =	simm.s32 $0x0;
	s30 =	sand.u32 $0x70, s24;
	v4 =	vadd.s32 s25, v3  }
0xfc: {  	s22 =	sor.u32 s30, s31;
	v4 =	vand.u32 $0x7F, v4  }
0xfd: {  	p0 =	por $0x0, $0x0;
	v5 =	vld [tilespmem:s22+$0x0];
	v4 =	vor.u32 $0x1400, v4  }
0xfe: {  	_ = 	snop  }
0xff: {  	p1 =	sne.s32 s23, $0x2  }
.Ltmp14:
0x100: {  	_ = 	snop;
	(pc) =	sbr.rel @!p1 .LBB2_23-.Ltmp14, $4  }
0x101: {  	s25 =	simm.s32 $0x0;
	s24 =	simm.s32 $0x10  }
0x102: {  	s28 =	simm.s32 $0x0;
	s26 =	sand.u32 $0x70, s24;
	v6 =	vadd.s32 s25, v3;
	v7 =	vshrl.u32 v5, $0xE;
	v5 =	vand.u32 $0x3FFF, v5  }
0x103: {  	s25 =	sor.u32 s26, s28;
	v8 =	vand.u32 $0x7F, v6;
	v6 =	vsub.s32 v7, v0;
	[tilespmem:s22+$0x0] =	vst v5  }
0x104: {  	p0 =	por $0x1, $0x1;
	s26 =	simm.s32 $0x2;
	v7 =	vor.u32 $0x1400, v8;
	v5 =	vld [tilespmem:s25+$0x0];
	vm0 =	vlt.s32 v6, v4  }
.LBB2_24:
0x105: {  	v6 =	vsel vm0, v6, v4;
	v4 =	vmov v7;
	s28 =	smov.u32 s26;
	s26 =	sadd.s32 $0x1, s26  }
0x106: {  	p1 =	sne.s32 s23, s26;
	[tilespmem:s22+$0x2800] =	vst v6;
	s22 =	smov.u32 s25  }
.Ltmp15:
0x107: {  	(pc) =	sbr.rel @p1 .LBB2_24-.Ltmp15, $4  }
0x108: {  	s24 =	sadd.s32 $0x10, s24;
	s25 =	sshrl.u32 s28, $0x3  }
0x109: {  	s28 =	sand.u32 $0x70, s24;
	s29 =	sshll.u32 s25, $0x7;
	v6 =	vadd.s32 s25, v3;
	v7 =	vshrl.u32 v5, $0xE;
	v5 =	vand.u32 $0x3FFF, v5  }
0x10a: {  	s25 =	sor.u32 s28, s29;
	v8 =	vand.u32 $0x7F, v6;
	v6 =	vsub.s32 v7, v0;
	[tilespmem:s22+$0x0] =	vst v5  }
0x10b: {  	v7 =	vor.u32 $0x1400, v8;
	v5 =	vld [tilespmem:s25+$0x0];
	vm0 =	vlt.s32 v6, v4  }
0x10c: {  	v8 =	vmov v4;
	s23 =	smov.u32 s22;
	v4 =	vmov v7;
	s22 =	smov.u32 s25  }
.LBB2_26:
0x10d: {  	_ =	sdelay $0x2  }
0x10e: {  	v7 =	vshrl.u32 v5, $0xE  }
0x10f: {  	v6 =	vsel @p0 vm0, v6, v8;
	v7 =	vsub.s32 v7, v0  }
0x110: {  	[tilespmem:s23+$0x2800] =	vst @p0 v6;
	v5 =	vand.u32 $0x3FFF, v5;
	vm15 =	vlt.s32 v7, v4  }
0x111: {  	[tilespmem:s22+$0x0] =	vst v5;
	v4 =	vsel vm15, v7, v4  }
0x112: {  	[tilespmem:s22+$0x2800] =	vst v4  }
.LBB2_27:
0x113: {  	p0 =	slt.s32 s19, $0x1  }
.Ltmp16:
0x114: {  	_ = 	snop;
	(pc) =	sbr.rel @p0 .LBB2_31-.Ltmp16, $1  }
0x115: {  	_ =	sdelay $0x3  }
0x116: {  	s22 =	simm.s32 $0x80  }
0x117: {  	s24 =	simm.s32 $0x0;
	s23 =	simm.s32 $0x1;
	p0 =	sle.s32 s19, $0x1  }
0x118: {  	[tilespmem:s15], [sflag:$0x1] =	stream.indirect.gather [hbm4b:s4+s22], $0x80, s24, s22, $0xb8;
	[tilespmem:$0x19000] =	vst v63  }
0x119: {  	s25 =	sand.u32 @!p0 $0x1, s23  }
0x11a: {  	p1 =	seq.s32 @!p0 s25, $0x1  }
0x11b: {  	p2 =	por !p1, p0  }
0x11c: {  	s21 =	sadd.s32 s20, s21;
	s25 =	simm.s32 @!p2 $0x80;
	s26 =	simm.s32 @!p2 $0x9000  }
0x11d: {  	[tilespmem:s26], [sflag:$0x2] =	stream.indirect.gather @!p2 [hbm4b:s4+s25], $0x80, s22, s25, $0xb8;
	[tilespmem:$0x19000] =	vst v63  }
0x11e: {  	p2 =	sne.s32 s21, $0x1  }
.Ltmp17:
0x11f: {  	_ = 	snop;
	(pc) =	sbr.rel @!p2 .LBB2_30-.Ltmp17, $3  }
0x120: {  	_ =	sdelay $0x1  }
0x121: {  	s20 =	simm.s32 $0x2800;
	s31 =	sand.u32 $0x1, s24;
	p1 =	por p1, p0  }
0x122: {  	p0 =	seq.s32 s31, $0x1;
	s24 =	simm.s32 @!p1 $0x80;
	s25 =	simm.s32 @!p1 $0x5000  }
.LBB2_29:
0x123: {  	[tilespmem:s25], [sflag:$0x1] =	stream.indirect.gather @!p1 [hbm4b:s4+s24], $0x80, s22, s24, $0xb8;
	[tilespmem:$0x19000] =	vst v63  }
0x124: {  	s24 =	smov.u32 s23;
	s23 =	sadd.s32 $0x1, s23  }
0x125: {  	s25 =	simm.s32 @p0 $0x2;
	s22 =	sadd.s32 $0x80, s22;
	p1 =	sge.s32 s23, s19  }
0x126: {  	s26 =	simm.s32 @!p0 $0x1;
	_ =	swait.ge @p0 [sflag:s25], $0x4000;
	s28 =	sand.u32 @!p1 $0x1, s23  }
0x127: {  	s29 =	simm.s32 @p0 $0x9000;
	[sflag:s25] =	ssyncset.done @p0 $0x0;
	p3 =	seq.s32 @!p1 s28, $0x1  }
0x128: {  	s28 =	simm.s32 @!p0 $0x4;
	[sflag:s25] =	ssyncadd.s32 @p0 $0xFFFFC000;
	s25 =	simm.s32 @p0 $0x80  }
0x129: {  	[spmem:s1] =	stream.indirect.scatter.add.f32 @p0 [tilespmem:s29], [sflag:$0x3], $0x80, s20, s25, $0xb8;
	[tilespmem:$0x19000] =	vst v63  }
0x12a: {  	p2 =	por !p3, p1;
	p1 =	por p3, p1;
	_ =	swait.ge @!p0 [sflag:s26], $0x4000  }
0x12b: {  	s28 =	simm.s32 @p0 $0x3;
	s25 =	simm.s32 @!p0 $0x5000;
	[sflag:s26] =	ssyncset.done @!p0 $0x0  }
0x12c: {  	p3 =	sne.s32 s21, s23;
	[sflag:s26] =	ssyncadd.s32 @!p0 $0xFFFFC000;
	s26 =	simm.s32 @!p0 $0x80  }
0x12d: {  	[spmem:s1] =	stream.indirect.scatter.add.f32 @!p0 [tilespmem:s25], [sflag:$0x4], $0x80, s20, s26, $0xb8;
	[tilespmem:$0x19000] =	vst v63  }
.Ltmp18:
0x12e: {  	s20 =	sadd.s32 $0x80, s20;
	_ =	swait.ge [sflag:s28], $0x4000;
	(pc) =	sbr.rel @p3 .LBB2_29-.Ltmp18, $4  }
0x12f: {  	s25 =	simm.s32 @!p2 $0x80;
	s26 =	simm.s32 @!p2 $0x9000;
	[sflag:s28] =	ssyncset.done $0x0  }
0x130: {  	s29 =	sand.u32 $0x1, s24;
	[sflag:s28] =	ssyncadd.s32 $0xFFFFC000  }
0x131: {  	[tilespmem:s26], [sflag:$0x2] =	stream.indirect.gather @!p2 [hbm4b:s4+s25], $0x80, s22, s25, $0xb8;
	[tilespmem:$0x19000] =	vst v63  }
0x132: {  	s24 =	simm.s32 @!p1 $0x80;
	p0 =	seq.s32 s29, $0x1;
	s25 =	simm.s32 @!p1 $0x5000  }
.Ltmp19:
0x133: {  	_ = 	snop;
	(pc) =	sbr.rel .LBB2_30-.Ltmp19, $1  }
0x134: {  	_ =	sdelay $0x3  }
.LBB2_7:
.Ltmp20:
0x135: {  	(pc) =	sbr.rel .LBB2_12-.Ltmp20, $2  }
0x136: {  	_ =	sdelay $0x2  }
0x137: {  	_ = 	snop  }
.LBB2_21:
.Ltmp21:
0x138: {  	(pc) =	sbr.rel .LBB2_26-.Ltmp21, $2  }
0x139: {  	_ =	sdelay $0x2  }
0x13a: {  	_ = 	snop  }
.LBB2_9:
.Ltmp22:
0x13b: {  	(pc) =	sbr.rel .LBB2_12-.Ltmp22, $2  }
0x13c: {  	_ =	sdelay $0x2  }
0x13d: {  	v8 =	vmov v4;
	s23 =	smov.u32 s22;
	v4 =	vmov v7;
	s22 =	smov.u32 s25  }
.LBB2_23:
.Ltmp23:
0x13e: {  	(pc) =	sbr.rel .LBB2_26-.Ltmp23, $2  }
0x13f: {  	_ =	sdelay $0x2  }
0x140: {  	v8 =	vmov v4;
	s23 =	smov.u32 s22;
	v4 =	vmov v7;
	s22 =	smov.u32 s25  }
.LBB2_32:
0x141: {  	_ =	sfence.sel $0x180000  }
0x142: {  	[bflag:$0x0] =	sbarrier.arrive $0xFFFF  }
0x143: {  	p0 =	sne.s32 s2, $0x0;
	_ =	strace $0x9000004D  }
0x144: {  	s0 =	sadd.s32 @!p0 $0x100000, s0;
	[bflag:$0x2] =	sbarrier.arrive $0xFFFF  }
0x145: {  	[sflag:s0] =	ssyncadd.tile.s32 @!p0 $0x1;
	_ =	shalt  }
.Lfunc_end2:
_tile_overlayer_lowered:
.L_overlay_start_2:
0x146: {  	(tag) =	ssettag $0x2  }
0x147: {  	s0 =	rddreg [dreg:$0x0];
	s2 =	stileid.u32  }
0x148: {  	s1 =	rddreg [dreg:$0x1];
	p0 =	sne.s32 s2, $0x0  }
0x149: {  	s3 =	rddreg [dreg:$0x2];
	[bflag:$0x3] =	sbarrier.arrive $0xFFFF;
	s2 =	simm.s32 @!p0 $0x1C03  }
0x14a: {  	[timem:s3], [sflag:s2] =	dma.local @!p0 [hbm:s0], s1  }
0x14b: {  	s0 =	simm.s32 @!p0 $0x3  }
0x14c: {  	_ =	swait.ge @!p0 [sflag:s0], s1  }
0x14d: {  	s1 =	ssub.s32 @!p0 $0x0, s1;
	[sflag:s0] =	ssyncset.done @!p0 $0x0  }
0x14e: {  	[sflag:s0] =	ssyncadd.s32 @!p0 s1  }
0x14f: {  	[bflag:$0x3] =	sbarrier.arrive $0xFFFF  }
0x150: {  	_ =	shalt  }

// kernel: kernel.18.cloned.1.call-start
scs
__scs_entry_jumppad:
0x0: {  	(pc) =	sbr.rel $0x88, $3  }
0x1: {  	(tag) =	ssettag $0x0;
	lr =	simm.s32 $0x1  }
0x2: {  	[smem:$0x3F9B] =	sst lr;
	_ =	strace $0xD0000000  }
0x3: {  	_ = 	snop  }
0x4: {  	_ = 	snop  }
0x5: {  	_ = 	snop  }
0x6: {  	_ = 	snop  }
0x7: {  	_ = 	snop  }
__scs_overlays_trampoline_lowered:
0x8: {  	[smem:$0x3FAA] =	sst s0  }
0x9: {  	[smem:$0x3FAB] =	sst s1  }
0xa: {  	[smem:$0x3FAC] =	sst s2  }
0xb: {  	[smem:$0x3FAD] =	sst s3  }
0xc: {  	[smem:$0x3FAE] =	sst s4  }
0xd: {  	[smem:$0x3FAF] =	sst s5  }
0xe: {  	[smem:$0x3FB0] =	sst s6  }
0xf: {  	[smem:$0x3FB1] =	sst s7  }
0x10: {  	[smem:$0x3FB2] =	sst s8  }
0x11: {  	[smem:$0x3FB3] =	sst s9;
	s0 =	simm.s32 @!p0 $0x0  }
0x12: {  	s1 =	sld [smem:$0x3F99];
	s0 =	simm.s32 @p0 $0x1  }
0x13: {  	[smem:$0x3FB4] =	sst s0;
	s0 =	simm.s32 @!p1 $0x0  }
0x14: {  	s2 =	sld [smem:$0x3F98];
	s0 =	simm.s32 @p1 $0x1  }
0x15: {  	[smem:$0x3FB5] =	sst s0;
	s0 =	simm.s32 @!p2 $0x0  }
0x16: {  	s3 =	sld [smem:$0x3FDB];
	s0 =	simm.s32 @p2 $0x1  }
0x17: {  	s4 =	simm.s32 $0x1BF5;
	[smem:$0x3FB7] =	sst s0  }
0x18: {  	s0 =	sld [smem:$0x3F9A];
	_ =	swait.ge [sflag:s4], $0x0  }
0x19: {  	s7 =	sld [smem:$0x3F9B]  }
0x1a: {  	s8 =	sadd.s32 $0xFFFFE003, lr  }
0x1b: {  	s9 =	sadd.s32 $0xFFFFFEF7, lr;
	s5 =	simm.s32 $0xFFFFFFFF;
	p2 =	slt.u32 s8, $0xFFFFF086  }
0x1c: {  	p1 =	slt.u32 s9, $0xF7A;
	s5 =	simm.s32 @!p2 $0x0  }
0x1d: {  	s5 =	simm.s32 @p1 $0x1;
	p0 =	seq.s32 s7, s2  }
0x1e: {  	s7 =	smul.u32 @!p0 $0xF7A, s2;
	p2 =	seq.s32 @!p0 s5, $0x0  }
0x1f: {  	s9 =	smul.u32 $0xF7A, s1;
	s8 =	simm.s32 @!p0 $0x1BF5;
	p2 =	por !p2, p0  }
0x20: {  	[sflag:s8] =	ssyncset.s32 @!p0 $0xFFFFF086;
	s6 =	sadd.s32 @!p0 s3, s7;
	s7 =	simm.s32 @!p0 $0x108  }
0x21: {  	s3 =	sadd.s32 s3, s9;
	s6 =	sadd.s32 @!p0 $0x88, s6;
	s7 =	simm.s32 @p2 $0x1082  }
0x22: {  	[simem:s7], [sflag:s8] =	dma.local @!p0 [hbm:s6], $0xF7A  }
0x23: {  	s9 =	sor.u32 $0xD0000000, s2;
	s6 =	simm.s32 $0x108;
	_ =	swait.ge @!p0 [sflag:s8], $0x0  }
0x24: {  	s3 =	sadd.s32 $0x88, s3;
	s6 =	simm.s32 @!p1 $0x1082;
	[sflag:s4] =	ssyncset.s32 $0xFFFFF086  }
0x25: {  	[simem:s6], [sflag:s4] =	dma.local [hbm:s3], $0xF7A  }
0x26: {  	[smem:$0x3F9B] =	sst s1;
	(tag) =	ssettag s2;
	_ =	strace s9  }
0x27: {  	s1 =	sld [smem:$0x3FAB]  }
0x28: {  	s2 =	sld [smem:$0x3FAC]  }
0x29: {  	s4 =	sld [smem:$0x3FAE]  }
0x2a: {  	p0 =	seq.s32 s5, $0x0;
	s5 =	sld [smem:$0x3FAF]  }
0x2b: {  	s6 =	sld [smem:$0x3FB0]  }
0x2c: {  	s7 =	sld [smem:$0x3FB1]  }
0x2d: {  	s3 =	simm.s32 $0x108;
	s8 =	sld [smem:$0x3FB2]  }
0x2e: {  	s3 =	simm.s32 @!p0 $0x1082;
	s9 =	sld [smem:$0x3FB3]  }
0x2f: {  	lr =	sadd.s32 s0, s3;
	s0 =	sld [smem:$0x3FAA]  }
0x30: {  	s3 =	sld [smem:$0x3FAD]  }
0x31: {  	[smem:$0x3FB6] =	sst s10  }
0x32: {  	s10 =	sld [smem:$0x3FB4];
	_ =	sdelay $0x3  }
0x33: {  	p0 =	seq.s32 s10, $0x1;
	s10 =	sld [smem:$0x3FB6];
	_ =	sdelay $0x3  }
0x34: {  	[smem:$0x3FB6] =	sst s10  }
0x35: {  	s10 =	sld [smem:$0x3FB5];
	_ =	sdelay $0x3  }
0x36: {  	p1 =	seq.s32 s10, $0x1;
	s10 =	sld [smem:$0x3FB6];
	_ =	sdelay $0x3  }
0x37: {  	[smem:$0x3FB6] =	sst s10  }
0x38: {  	s10 =	sld [smem:$0x3FB7]  }
0x39: {  	_ = 	snop;
	(pc) =	sbr.ind lr, $3  }
0x3a: {  	_ = 	snop  }
0x3b: {  	_ = 	snop  }
0x3c: {  	p2 =	seq.s32 s10, $0x1;
	s10 =	sld [smem:$0x3FB6]  }
0x3d: {  	_ =	shalt  }
0x3e: {  	_ =	shalt  }
0x3f: {  	_ =	shalt  }
0x40: {  	_ =	shalt  }
0x41: {  	_ =	shalt  }
0x42: {  	_ =	shalt  }
0x43: {  	_ =	shalt  }
0x44: {  	_ =	shalt  }
0x45: {  	_ =	shalt  }
0x46: {  	_ =	shalt  }
0x47: {  	_ =	shalt  }
0x48: {  	_ =	shalt  }
0x49: {  	_ =	shalt  }
0x4a: {  	_ =	shalt  }
0x4b: {  	_ =	shalt  }
0x4c: {  	_ =	shalt  }
0x4d: {  	_ =	shalt  }
0x4e: {  	_ =	shalt  }
0x4f: {  	_ =	shalt  }
0x50: {  	_ =	shalt  }
0x51: {  	_ =	shalt  }
0x52: {  	_ =	shalt  }
0x53: {  	_ =	shalt  }
0x54: {  	_ =	shalt  }
0x55: {  	_ =	shalt  }
0x56: {  	_ =	shalt  }
0x57: {  	_ =	shalt  }
0x58: {  	_ =	shalt  }
0x59: {  	_ =	shalt  }
0x5a: {  	_ =	shalt  }
0x5b: {  	_ =	shalt  }
0x5c: {  	_ =	shalt  }
0x5d: {  	_ =	shalt  }
0x5e: {  	_ =	shalt  }
0x5f: {  	_ =	shalt  }
0x60: {  	_ =	shalt  }
0x61: {  	_ =	shalt  }
0x62: {  	_ =	shalt  }
0x63: {  	_ =	shalt  }
0x64: {  	_ =	shalt  }
0x65: {  	_ =	shalt  }
0x66: {  	_ =	shalt  }
0x67: {  	_ =	shalt  }
0x68: {  	_ =	shalt  }
0x69: {  	_ =	shalt  }
0x6a: {  	_ =	shalt  }
0x6b: {  	_ =	shalt  }
0x6c: {  	_ =	shalt  }
0x6d: {  	_ =	shalt  }
0x6e: {  	_ =	shalt  }
0x6f: {  	_ =	shalt  }
0x70: {  	_ =	shalt  }
0x71: {  	_ =	shalt  }
0x72: {  	_ =	shalt  }
0x73: {  	_ =	shalt  }
0x74: {  	_ =	shalt  }
0x75: {  	_ =	shalt  }
0x76: {  	_ =	shalt  }
0x77: {  	_ =	shalt  }
0x78: {  	_ =	shalt  }
0x79: {  	_ =	shalt  }
0x7a: {  	_ =	shalt  }
0x7b: {  	_ =	shalt  }
0x7c: {  	_ =	shalt  }
0x7d: {  	_ =	shalt  }
0x7e: {  	_ =	shalt  }
0x7f: {  	_ =	shalt  }
0x80: {  	_ =	shalt  }
0x81: {  	_ =	shalt  }
0x82: {  	_ =	shalt  }
0x83: {  	_ =	shalt  }
0x84: {  	_ =	shalt  }
0x85: {  	_ =	shalt  }
0x86: {  	_ =	shalt  }
0x87: {  	_ =	shalt  }
.Lfunc_end0:
.L_simem_size_0:
called_computation.3_lowered:
.L_overlay_start_0:
0x88: {  	s2 =	sld [smem:$0x3FD9]  }
0x89: {  	s3 =	sld [smem:$0x3FFE];
	_ =	sdelay $0x1  }
0x8a: {  	s1 =	srdreg.scid  }
0x8b: {  	s0 =	sand.u32 $0x1, s1  }
0x8c: {  	s17 =	sshll.u32 s0, $0xA;
	s2 =	sadd.s32 s3, s2  }
0x8d: {  	s2 =	sadd.s32 s2, s17  }
0x8e: {  	[smem:$0x3FC2] =	sst s2  }
0x8f: {  	_ = 	snop  }
0x90: {  	s2 =	sld [smem:$0x3FD0];
	(tm) =	ssettm $0x1  }
0x91: {  	s18 =	sld [smem:$0x3FFB];
	_ =	sdelay $0x3  }
0x92: {  	_ =	strace s18  }
0x93: {  	s3 =	sld [smem:$0x3FFC];
	_ =	sdelay $0x3  }
0x94: {  	_ =	strace s3  }
0x95: {  	s3 =	sld [smem:$0x3FFD];
	_ =	sdelay $0x3  }
0x96: {  	_ =	strace s3  }
0x97: {  	_ =	strace $0x8FFFFFFF  }
0x98: {  	s19 =	sld [smem:$0x3FDB];
	_ =	sdelay $0x1  }
0x99: {  	s4 =	simm.s32 $_scs_section_size  }
0x9a: {  	s5 =	simm.s32 $_size__tile_overlayer_lowered;
	s6 =	simm.s32 $_tile_overlayer_lowered  }
0x9b: {  	s22 =	simm.s32 $0x1BFF;
	s21 =	sshll.u32 s6, $0x1;
	s3 =	sadd.s32 s4, s19  }
0x9c: {  	s7 =	simm.s32 $0x0;
	s20 =	sshll.u32 s5, $0x1;
	s5 =	sadd.s32 s21, s3  }
0x9d: {  	[timem:s7], [sflag:s22] =	dma.local [hbm:s5], s20  }
0x9e: {  	_ =	swait.ge [sflag:s22], s20  }
0x9f: {  	s4 =	ssub.s32 $0x0, s20;
	[sflag:s22] =	ssyncset.done $0x0  }
0xa0: {  	[sflag:s22] =	ssyncadd.s32 s4;
	_ =	sdelay $0x1  }
0xa1: {  	s23 =	simm.s32 $0x1B8B  }
0xa2: {  	_ =	swait.ge [sflag:s23], $0x1  }
0xa3: {  	[sflag:s23] =	ssyncset.done $0x0  }
0xa4: {  	s25 =	simm.s32 $0x1B8E;
	s24 =	sld [smem:$0x3FFE];
	[sflag:s23] =	ssyncadd.s32 $0xFFFFFFFF  }
0xa5: {  	s26 =	simm.s32 $execute0_lowered;
	[smem:$0x3FD2] =	sst s25  }
0xa6: {  	s5 =	sshll.u32 s26, $0x1;
	_ =	strace $0x8000004F;
	[dreg:$0x1] =	wrdreg $0xFFFFFFFF  }
0xa7: {  	s28 =	simm.s32 $_size_execute0_lowered;
	s3 =	sadd.s32 s3, s5;
	[dreg:$0x0] =	wrdreg $0x0  }
0xa8: {  	s5 =	sshll.u32 s28, $0x1;
	[dreg:$0x2] =	wrdreg s3  }
0xa9: {  	[dreg:$0x3] =	wrdreg s5  }
0xaa: {  	[dreg:$0x4] =	wrdreg $0xC0  }
0xab: {  	_ =	task [dreg:s7], $0x5FFFF  }
0xac: {  	[dreg:$0x1] =	wrdreg $0xFFFFFFFF  }
0xad: {  	[dreg:$0x0] =	wrdreg $0x60  }
0xae: {  	[dreg:$0x2] =	wrdreg s24  }
0xaf: {  	[dreg:$0x3] =	wrdreg s2  }
0xb0: {  	[dreg:$0x4] =	wrdreg $0xEC000  }
0xb1: {  	[dreg:$0x5] =	wrdreg $0x9  }
0xb2: {  	_ =	task.clear_ibuf [dreg:s7], $0x6FFFF;
	_ =	strace $0x9000004F  }
0xb3: {  	s29 =	simm.s32 $0x9;
	_ =	strace $0x80000051  }
0xb4: {  	_ =	swait.ge [sflag:s29], $0x1  }
0xb5: {  	[sflag:s29] =	ssyncadd.s32 $0xFFFFFFFF  }
0xb6: {  	_ =	strace $0x90000051  }
0xb7: {  	_ =	sfence  }
0xb8: {  	s30 =	sld [smem:$0x0];
	_ =	sdelay $0x2  }
0xb9: {  	s31 =	sshll.u32 s1, $0xD;
	s1 =	sshrl.u32 s1, $0x2  }
0xba: {  	s3 =	sand.u32 $0x4000, s31;
	s1 =	sadd.s32 s1, s30  }
0xbb: {  	s0 =	sor.u32 s3, s0;
	s1 =	sshll.u32 s1, $0x11  }
0xbc: {  	s0 =	sor.u32 s1, s0  }
0xbd: {  	s0 =	sadd.s32 $0x8F2B, s0  }
0xbe: {  	[sflag:s0] =	ssyncadd.remote.s32 $0x1  }
0xbf: {  	_ =	sfence.sel $0xFFFF  }
0xc0: {  	[dreg:$0x0] =	wrdreg $0xFFFFFFFF;
	(pc) =	sbr.abs _section_cstart, $3  }
0xc1: {  	[dreg:$0x1] =	wrdreg $0xFFFFFFFF  }
0xc2: {  	_ =	task.clear_ibuf [dreg:s7], $0x2FFFF;
	_ =	strace $0x9FFFFFFF  }
0xc3: {  	(tm) =	ssettm $0x7FFFFFFF  }
tec
execute0_lowered:
.L_overlay_start_1:
0x0: {  	(tag) =	ssettag $0x1  }
0x1: {  	s2 =	srdreg.scid  }
0x2: {  	s5 =	rddreg [dreg:$0x0];
	s6 =	sand.u32 $0x1, s2  }
0x3: {  	s2 =	stileid.u32;
	s7 =	smul.u32 $0x14800, s6  }
0x4: {  	s11 =	rddreg [dreg:$0x1];
	s8 =	smul.u32 $0x29000, s2  }
0x5: {  	s1 =	rddreg [dreg:$0x2];
	s13 =	smul.u32 $0x1400, s6  }
0x6: {  	s0 =	rddreg [dreg:$0x3];
	s3 =	simm.s32 $0x0;
	s14 =	smul.u32 $0xA000, s6  }
0x7: {  	[smem:$0x7FF] =	sst s3;
	s4 =	sadd.s32 $0x2A00, s5;
	s16 =	smul.u32 $0x5000, s2  }
0x8: {  	_ =	strace $0x80000050;
	s26 =	ssub.s32 $0x2, s6;
	s31 =	smul.u32 $0xA00, s2  }
0x9: {  	s19 =	smul.u32 $0x1480, s2;
	s29 =	sshrl.u32 s26, $0x1;
	s12 =	sadd.s32 s7, s5  }
0xa: {  	s28 =	sshrl.u32 s8, $0x2;
	s15 =	ssub.s32 s26, s29;
	s17 =	sadd.s32 s11, s14  }
0xb: {  	s30 =	sshrl.u32 s16, $0x3;
	v0 =	vmov s13;
	s13 =	simm.s32 $0x3;
	s5 =	sadd.s32 s28, s1  }
.Ltmp0:
0xc: {  	s16 =	sadd.s32 $0x500, s30;
	s18 =	sadd.s32 $0x2AA00, s12;
	(pc) =	sbr.rel .LBB2_1-.Ltmp0, $4  }
0xd: {  	s11 =	smax.u32 s15, $0x1;
	s12 =	simm.s32 $0xD000;
	s14 =	sadd.s32 s31, s17  }
0xe: {  	s15 =	simm.s32 $0x5000;
	s6 =	sadd.s32 $0x1C00, s5;
	s7 =	sadd.s32 $0x3800, s5  }
0xf: {  	s8 =	sadd.s32 $0x5400, s5;
	s9 =	sadd.s32 $0x7000, s5;
	s10 =	sadd.s32 $0x8C00, s5  }
0x10: {  	v1 =	vimm.f32 $0.0e+00;
	v2 =	vimm.s32 $0x0;
	v3 =	vlaneseq.u32;
	s16 =	sadd.s32 s16, s17;
	s17 =	sadd.s32 s19, s18;
	s18 =	simm.s32 $0x0  }
.LBB2_30:
0x11: {  	[tilespmem:s25], [sflag:$0x1] =	stream.indirect.gather @!p1 [hbm4b:s4+s24], $0x80, s22, s24, $0xb8;
	[tilespmem:$0x19000] =	vst v63  }
0x12: {  	s19 =	simm.s32 @p0 $0x2  }
0x13: {  	_ =	swait.ge @p0 [sflag:s19], $0x4000  }
0x14: {  	s21 =	simm.s32 @!p0 $0x1;
	[sflag:s19] =	ssyncset.done @p0 $0x0  }
0x15: {  	s22 =	simm.s32 @p0 $0x9000;
	[sflag:s19] =	ssyncadd.s32 @p0 $0xFFFFC000;
	s19 =	simm.s32 @p0 $0x80  }
0x16: {  	[spmem:s1] =	stream.indirect.scatter.add.f32 @p0 [tilespmem:s22], [sflag:$0x3], $0x80, s20, s19, $0xb8;
	[tilespmem:$0x19000] =	vst v63  }
0x17: {  	_ =	swait.ge @!p0 [sflag:s21], $0x4000  }
0x18: {  	s19 =	simm.s32 @!p0 $0x5000;
	s22 =	simm.s32 @!p0 $0x4;
	[sflag:s21] =	ssyncset.done @!p0 $0x0  }
0x19: {  	s22 =	simm.s32 @p0 $0x3;
	[sflag:s21] =	ssyncadd.s32 @!p0 $0xFFFFC000;
	s21 =	simm.s32 @!p0 $0x80  }
0x1a: {  	[spmem:s1] =	stream.indirect.scatter.add.f32 @!p0 [tilespmem:s19], [sflag:$0x4], $0x80, s20, s21, $0xb8;
	[tilespmem:$0x19000] =	vst v63  }
0x1b: {  	_ =	swait.ge [sflag:s22], $0x4000  }
0x1c: {  	[sflag:s22] =	ssyncset.done $0x0  }
0x1d: {  	[sflag:s22] =	ssyncadd.s32 $0xFFFFC000  }
.LBB2_31:
0x1e: {  	s18 =	sadd.s32 $0x1, s18  }
0x1f: {  	s19 =	sshll.u32 s2, $0x6;
	[bflag:$0x0] =	sbarrier.arrive $0xFFFF;
	p0 =	sne.s32 s18, s11  }
.Ltmp1:
0x20: {  	s20 =	sshrl.u32 s5, $0x3;
	s19 =	sor.u32 $0x1C03, s19;
	(pc) =	sbr.rel @!p0 .LBB2_32-.Ltmp1, $4  }
0x21: {  	[hbm:s17], [sflag:s19] =	dma.local [spmem:s20], $0x1480  }
0x22: {  	_ =	swait.ge [sflag:s13], $0x1480  }
0x23: {  	[sflag:s13] =	ssyncset.done $0x0  }
0x24: {  	[sflag:s13] =	ssyncadd.s32 $0xFFFFEB80  }
.LBB2_1:
0x25: {  	s19 =	sand.u32 $0x7E00, s3  }
0x26: {  	s20 =	sand.u32 $0x70, s3;
	s21 =	sshrl.u32 s19, $0x2  }
0x27: {  	s19 =	simm.s32 $0x40;
	s21 =	sor.u32 s20, s21;
	s20 =	simm.s32 $0x0  }
.LBB2_2:
0x28: {  	p0 =	sne.s32 s19, $0x6FC0  }
0x29: {  	[tilespmem:s21+$0xD000] =	vst v1;
	s20 =	sadd.s32 $0x10, s20;
	s21 =	smov.u32 s19;
	s19 =	sadd.s32 $0x40, s19  }
.Ltmp2:
0x2a: {  	(pc) =	sbr.rel @p0 .LBB2_2-.Ltmp2, $4  }
0x2b: {  	_ = 	snop  }
0x2c: {  	s21 =	sand.u32 $0x7E00, s21  }
0x2d: {  	s22 =	sand.u32 $0x70, s20;
	s21 =	sshrl.u32 s21, $0x2  }
0x2e: {  	s21 =	sor.u32 s22, s21  }
0x2f: {  	[tilespmem:s21+$0xD000] =	vst v1  }
0x30: {  	[spmem:s5] =	stream.linear.scatter [tilespmem:s12], [sflag:$0x3], $0x1C00, $0x38;
	[tilespmem:$0x19000] =	vst v63  }
0x31: {  	_ =	swait.ge [sflag:s13], $0x1C00  }
0x32: {  	[sflag:s13] =	ssyncset.done $0x0  }
0x33: {  	[sflag:s13] =	ssyncadd.s32 $0xFFFFE400  }
0x34: {  	[spmem:s6] =	stream.linear.scatter [tilespmem:s12], [sflag:$0x3], $0x1C00, $0x38;
	[tilespmem:$0x19000] =	vst v63  }
0x35: {  	_ =	swait.ge [sflag:s13], $0x1C00  }
0x36: {  	[sflag:s13] =	ssyncset.done $0x0  }
0x37: {  	[sflag:s13] =	ssyncadd.s32 $0xFFFFE400  }
0x38: {  	[spmem:s7] =	stream.linear.scatter [tilespmem:s12], [sflag:$0x3], $0x1C00, $0x38;
	[tilespmem:$0x19000] =	vst v63  }
0x39: {  	_ =	swait.ge [sflag:s13], $0x1C00  }
0x3a: {  	[sflag:s13] =	ssyncset.done $0x0  }
0x3b: {  	[sflag:s13] =	ssyncadd.s32 $0xFFFFE400  }
0x3c: {  	[spmem:s8] =	stream.linear.scatter [tilespmem:s12], [sflag:$0x3], $0x1C00, $0x38;
	[tilespmem:$0x19000] =	vst v63  }
0x3d: {  	_ =	swait.ge [sflag:s13], $0x1C00  }
0x3e: {  	[sflag:s13] =	ssyncset.done $0x0  }
0x3f: {  	[sflag:s13] =	ssyncadd.s32 $0xFFFFE400  }
0x40: {  	[spmem:s9] =	stream.linear.scatter [tilespmem:s12], [sflag:$0x3], $0x1C00, $0x38;
	[tilespmem:$0x19000] =	vst v63  }
0x41: {  	_ =	swait.ge [sflag:s13], $0x1C00  }
0x42: {  	[sflag:s13] =	ssyncset.done $0x0  }
0x43: {  	[sflag:s13] =	ssyncadd.s32 $0xFFFFE400  }
0x44: {  	[spmem:s10] =	stream.linear.scatter [tilespmem:s12], [sflag:$0x3], $0x1800, $0x38;
	[tilespmem:$0x19000] =	vst v63  }
0x45: {  	_ =	swait.ge [sflag:s13], $0x1800  }
0x46: {  	[sflag:s13] =	ssyncset.done $0x0  }
0x47: {  	[sflag:s13] =	ssyncadd.s32 $0xFFFFE800  }
0x48: {  	s19 =	simm.s32 $0x0;
	[bflag:$0x0] =	sbarrier.arrive $0xFFFF  }
0x49: {  	[tilespmem:s19], [sflag:$0x3] =	stream.linear.gather [hbm4b:s14+s19], $0x2800, $0x38;
	[tilespmem:$0x19000] =	vst v63  }
0x4a: {  	_ =	swait.ge [sflag:s13], $0x2800  }
0x4b: {  	[sflag:s13] =	ssyncset.done $0x0  }
0x4c: {  	s20 =	simm.s32 $0x0;
	[sflag:s13] =	ssyncadd.s32 $0xFFFFD800  }
0x4d: {  	v4 =	vld [tilespmem:s20+$0x0]  }
0x4e: {  	s28 =	simm.s32 $0x80  }
0x4f: {  	s29 =	simm.s32 $0x100;
	v5 =	vld [tilespmem:s28+$0x0]  }
0x50: {  	v6 =	vld [tilespmem:s29+$0x0];
	_ =	sdelay $0x1  }
0x51: {  	vm0 =	vne.s32 v4, $0xFFFC000  }
0x52: {  	v4 =	vsel vm0, $0x1, v2  }
0x53: {  	vm13 =	vne.s32 v5, $0xFFFC000;
	(xrf0) =	vadd.scan.msk.s32 $0xffff, v4  }
0x54: {  	vm14 =	vne.s32 v6, $0xFFFC000;
	v4 =	vsel vm13, $0x1, v2  }
0x55: {  	(xrf0) =	vadd.scan.msk.s32 $0xffff, v4;
	v4 =	vsel vm14, $0x1, v2  }
0x56: {  	s30 =	simm.s32 $0x180;
	(xrf0) =	vadd.scan.msk.s32 $0xffff, v4  }
0x57: {  	v5 =	vld [tilespmem:s30+$0x0];
	_ =	sdelay $0x1  }
0x58: {  	v4, _, _ =	vpop (xrf0)  }
0x59: {  	(v2sf) =	vpush v4, $0xF  }
0x5a: {  	v4, _, _ =	vpop (xrf0)  }
0x5b: {  	vm15 =	vne.s32 v5, $0xFFFC000;
	(v2sf) =	vpush v4, $0xF;
	v5, _, _ =	vpop (xrf0)  }
0x5c: {  	(v2sf) =	vpush v5, $0xF;
	_ =	sdelay $0x5  }
0x5d: {  	s31 =	simm.s32 $0x200;
	v4 =	vsel vm15, $0x1, v2  }
0x5e: {  	(xrf0) =	vadd.scan.msk.s32 $0xffff, v4;
	v4 =	vld [tilespmem:s31+$0x0];
	_ =	sdelay $0x1  }
0x5f: {  	s20 =	simm.s32 $0xA00  }
.LBB2_4:
0x60: {  	p0 =	sne.s32 s20, $0x9E00  }
.Ltmp3:
0x61: {  	s21 =	sshra.s32 s20, $0x2;
	(pc) =	sbr.rel @p0 .LBB2_4-.Ltmp3, $4  }
0x62: {  	s20 =	sadd.s32 $0x200, s20;
	s22 =	spop (v2sf);
	vm0 =	vne.s32 v4, $0xFFFC000  }
0x63: {  	p1 =	slt.s32 s22, $0x1;
	v4 =	vld [tilespmem:s21+$0x0];
	v6 =	vsel vm0, $0x1, v2  }
0x64: {  	s22 =	simm.s32 @!p1 $0x1;
	(xrf0) =	vadd.scan.msk.s32 $0xffff, v6;
	v5, _, _ =	vpop (xrf0)  }
0x65: {  	s19 =	sadd.s32 s19, s22;
	(v2sf) =	vpush v5, $0xF  }
0x66: {  	_ =	sdelay $0x1  }
0x67: {  	vm0 =	vne.s32 v4, $0xFFFC000  }
0x68: {  	v4 =	vsel vm0, $0x1, v2  }
0x69: {  	(xrf0) =	vadd.scan.msk.s32 $0xffff, v4;
	_ =	sdelay $0x4  }
0x6a: {  	v4, _, _ =	vpop (xrf0)  }
0x6b: {  	(v2sf) =	vpush v4, $0xF;
	v4, _, _ =	vpop (xrf0)  }
0x6c: {  	(v2sf) =	vpush v4, $0xF;
	_ =	sdelay $0x9  }
0x6d: {  	s20 =	spop (v2sf)  }
0x6e: {  	s21 =	spop (v2sf);
	p0 =	slt.s32 s20, $0x1  }
0x6f: {  	s20 =	simm.s32 @!p0 $0x1;
	p0 =	slt.s32 s21, $0x1  }
0x70: {  	s19 =	sadd.s32 s19, s20;
	s21 =	simm.s32 @!p0 $0x1;
	s22 =	spop (v2sf)  }
0x71: {  	s19 =	sadd.s32 s19, s21;
	p0 =	slt.s32 s22, $0x1;
	s21 =	spop (v2sf)  }
0x72: {  	s22 =	simm.s32 @!p0 $0x1;
	p0 =	slt.s32 s21, $0x1;
	s20 =	spop (v2sf)  }
0x73: {  	s19 =	sadd.s32 s19, s22;
	s21 =	simm.s32 @!p0 $0x1;
	p0 =	slt.s32 s20, $0x1  }
0x74: {  	s21 =	sadd.s32 s19, s21;
	s20 =	simm.s32 @!p0 $0x1  }
0x75: {  	s19 =	sadd.s32 s21, s20  }
0x76: {  	s31 =	sshll.u32 s19, $0x3  }
0x77: {  	p0 =	slt.s32 s31, $0x1  }
.Ltmp4:
0x78: {  	_ = 	snop;
	(pc) =	sbr.rel @p0 .LBB2_13-.Ltmp4, $1  }
0x79: {  	_ =	sdelay $0x3  }
0x7a: {  	s22 =	sshll.u32 s21, $0x3;
	s23 =	sshll.u32 s20, $0x3  }
0x7b: {  	s23 =	sadd.s32 s23, s22  }
0x7c: {  	p1 =	sne.s32 s23, $0x1  }
.Ltmp5:
0x7d: {  	_ = 	snop;
	(pc) =	sbr.rel @!p1 .LBB2_7-.Ltmp5, $4  }
0x7e: {  	s24 =	simm.s32 $0x0;
	s25 =	simm.s32 $0x0  }
0x7f: {  	s31 =	simm.s32 $0x0;
	s30 =	sand.u32 $0x70, s24;
	v4 =	vadd.s32 s25, v3  }
0x80: {  	s22 =	sor.u32 s30, s31;
	v4 =	vand.u32 $0x7F, v4  }
0x81: {  	p0 =	por $0x0, $0x0;
	v5 =	vld [tilespmem:s22+$0x0];
	v4 =	vor.u32 $0x1400, v4  }
0x82: {  	_ = 	snop  }
0x83: {  	p1 =	sne.s32 s23, $0x2  }
.Ltmp6:
0x84: {  	_ = 	snop;
	(pc) =	sbr.rel @!p1 .LBB2_9-.Ltmp6, $4  }
0x85: {  	s25 =	simm.s32 $0x0;
	s24 =	simm.s32 $0x10  }
0x86: {  	s28 =	simm.s32 $0x0;
	s26 =	sand.u32 $0x70, s24;
	v6 =	vadd.s32 s25, v3;
	v7 =	vshrl.u32 v5, $0xE;
	v5 =	vand.u32 $0x3FFF, v5  }
0x87: {  	s25 =	sor.u32 s26, s28;
	v8 =	vand.u32 $0x7F, v6;
	v6 =	vsub.s32 v7, v0;
	[tilespmem:s22+$0x0] =	vst v5  }
0x88: {  	p0 =	por $0x1, $0x1;
	s26 =	simm.s32 $0x2;
	v7 =	vor.u32 $0x1400, v8;
	v5 =	vld [tilespmem:s25+$0x0];
	vm0 =	vlt.s32 v6, v4  }
.LBB2_10:
0x89: {  	v6 =	vsel vm0, v6, v4;
	v4 =	vmov v7;
	s28 =	smov.u32 s26;
	s26 =	sadd.s32 $0x1, s26  }
0x8a: {  	p1 =	sne.s32 s23, s26;
	[tilespmem:s22+$0x2800] =	vst v6;
	s22 =	smov.u32 s25  }
.Ltmp7:
0x8b: {  	(pc) =	sbr.rel @p1 .LBB2_10-.Ltmp7, $4  }
0x8c: {  	s24 =	sadd.s32 $0x10, s24;
	s25 =	sshrl.u32 s28, $0x3  }
0x8d: {  	s28 =	sand.u32 $0x70, s24;
	s29 =	sshll.u32 s25, $0x7;
	v6 =	vadd.s32 s25, v3;
	v7 =	vshrl.u32 v5, $0xE;
	v5 =	vand.u32 $0x3FFF, v5  }
0x8e: {  	s25 =	sor.u32 s28, s29;
	v8 =	vand.u32 $0x7F, v6;
	v6 =	vsub.s32 v7, v0;
	[tilespmem:s22+$0x0] =	vst v5  }
0x8f: {  	v7 =	vor.u32 $0x1400, v8;
	v5 =	vld [tilespmem:s25+$0x0];
	vm0 =	vlt.s32 v6, v4  }
0x90: {  	v8 =	vmov v4;
	s23 =	smov.u32 s22;
	v4 =	vmov v7;
	s22 =	smov.u32 s25  }
.LBB2_12:
0x91: {  	_ =	sdelay $0x2  }
0x92: {  	v7 =	vshrl.u32 v5, $0xE  }
0x93: {  	v6 =	vsel @p0 vm0, v6, v8;
	v7 =	vsub.s32 v7, v0  }
0x94: {  	[tilespmem:s23+$0x2800] =	vst @p0 v6;
	v5 =	vand.u32 $0x3FFF, v5;
	vm15 =	vlt.s32 v7, v4  }
0x95: {  	[tilespmem:s22+$0x0] =	vst v5;
	v4 =	vsel vm15, v7, v4  }
0x96: {  	[tilespmem:s22+$0x2800] =	vst v4  }
.LBB2_13:
0x97: {  	p0 =	slt.s32 s19, $0x1  }
.Ltmp8:
0x98: {  	_ = 	snop;
	(pc) =	sbr.rel @p0 .LBB2_17-.Ltmp8, $1  }
0x99: {  	_ =	sdelay $0x3  }
0x9a: {  	s22 =	simm.s32 $0x80  }
0x9b: {  	s24 =	simm.s32 $0x0;
	s23 =	simm.s32 $0x1;
	p0 =	sle.s32 s19, $0x1  }
0x9c: {  	[tilespmem:s15], [sflag:$0x1] =	stream.indirect.gather [hbm4b:s4+s22], $0x80, s24, s22, $0xb8;
	[tilespmem:$0x19000] =	vst v63  }
0x9d: {  	s25 =	sand.u32 @!p0 $0x1, s23  }
0x9e: {  	p1 =	seq.s32 @!p0 s25, $0x1  }
0x9f: {  	p2 =	por !p1, p0  }
0xa0: {  	s21 =	sadd.s32 s20, s21;
	s25 =	simm.s32 @!p2 $0x80;
	s26 =	simm.s32 @!p2 $0x9000  }
0xa1: {  	[tilespmem:s26], [sflag:$0x2] =	stream.indirect.gather @!p2 [hbm4b:s4+s25], $0x80, s22, s25, $0xb8;
	[tilespmem:$0x19000] =	vst v63  }
0xa2: {  	p2 =	sne.s32 s21, $0x1  }
.Ltmp9:
0xa3: {  	_ = 	snop;
	(pc) =	sbr.rel @!p2 .LBB2_16-.Ltmp9, $3  }
0xa4: {  	_ =	sdelay $0x1  }
0xa5: {  	s20 =	simm.s32 $0x2800;
	s31 =	sand.u32 $0x1, s24;
	p1 =	por p1, p0  }
0xa6: {  	p0 =	seq.s32 s31, $0x1;
	s24 =	simm.s32 @!p1 $0x80;
	s25 =	simm.s32 @!p1 $0x5000  }
.LBB2_15:
0xa7: {  	[tilespmem:s25], [sflag:$0x1] =	stream.indirect.gather @!p1 [hbm4b:s4+s24], $0x80, s22, s24, $0xb8;
	[tilespmem:$0x19000] =	vst v63  }
0xa8: {  	s24 =	smov.u32 s23;
	s23 =	sadd.s32 $0x1, s23  }
0xa9: {  	s25 =	simm.s32 @p0 $0x2;
	s22 =	sadd.s32 $0x80, s22;
	p1 =	sge.s32 s23, s19  }
0xaa: {  	s26 =	simm.s32 @!p0 $0x1;
	_ =	swait.ge @p0 [sflag:s25], $0x4000;
	s28 =	sand.u32 @!p1 $0x1, s23  }
0xab: {  	s29 =	simm.s32 @p0 $0x9000;
	[sflag:s25] =	ssyncset.done @p0 $0x0;
	p3 =	seq.s32 @!p1 s28, $0x1  }
0xac: {  	s28 =	simm.s32 @!p0 $0x4;
	[sflag:s25] =	ssyncadd.s32 @p0 $0xFFFFC000;
	s25 =	simm.s32 @p0 $0x80  }
0xad: {  	[spmem:s1] =	stream.indirect.scatter.add.f32 @p0 [tilespmem:s29], [sflag:$0x3], $0x80, s20, s25, $0xb8;
	[tilespmem:$0x19000] =	vst v63  }
0xae: {  	p2 =	por !p3, p1;
	p1 =	por p3, p1;
	_ =	swait.ge @!p0 [sflag:s26], $0x4000  }
0xaf: {  	s28 =	simm.s32 @p0 $0x3;
	s25 =	simm.s32 @!p0 $0x5000;
	[sflag:s26] =	ssyncset.done @!p0 $0x0  }
0xb0: {  	p3 =	sne.s32 s21, s23;
	[sflag:s26] =	ssyncadd.s32 @!p0 $0xFFFFC000;
	s26 =	simm.s32 @!p0 $0x80  }
0xb1: {  	[spmem:s1] =	stream.indirect.scatter.add.f32 @!p0 [tilespmem:s25], [sflag:$0x4], $0x80, s20, s26, $0xb8;
	[tilespmem:$0x19000] =	vst v63  }
.Ltmp10:
0xb2: {  	s20 =	sadd.s32 $0x80, s20;
	_ =	swait.ge [sflag:s28], $0x4000;
	(pc) =	sbr.rel @p3 .LBB2_15-.Ltmp10, $4  }
0xb3: {  	s25 =	simm.s32 @!p2 $0x80;
	s26 =	simm.s32 @!p2 $0x9000;
	[sflag:s28] =	ssyncset.done $0x0  }
0xb4: {  	s29 =	sand.u32 $0x1, s24;
	[sflag:s28] =	ssyncadd.s32 $0xFFFFC000  }
0xb5: {  	[tilespmem:s26], [sflag:$0x2] =	stream.indirect.gather @!p2 [hbm4b:s4+s25], $0x80, s22, s25, $0xb8;
	[tilespmem:$0x19000] =	vst v63  }
0xb6: {  	s24 =	simm.s32 @!p1 $0x80;
	p0 =	seq.s32 s29, $0x1;
	s25 =	simm.s32 @!p1 $0x5000  }
.LBB2_16:
0xb7: {  	[tilespmem:s25], [sflag:$0x1] =	stream.indirect.gather @!p1 [hbm4b:s4+s24], $0x80, s22, s24, $0xb8;
	[tilespmem:$0x19000] =	vst v63  }
0xb8: {  	s19 =	simm.s32 @p0 $0x2  }
0xb9: {  	_ =	swait.ge @p0 [sflag:s19], $0x4000  }
0xba: {  	s21 =	simm.s32 @!p0 $0x1;
	[sflag:s19] =	ssyncset.done @p0 $0x0  }
0xbb: {  	s22 =	simm.s32 @p0 $0x9000;
	[sflag:s19] =	ssyncadd.s32 @p0 $0xFFFFC000;
	s19 =	simm.s32 @p0 $0x80  }
0xbc: {  	[spmem:s1] =	stream.indirect.scatter.add.f32 @p0 [tilespmem:s22], [sflag:$0x3], $0x80, s20, s19, $0xb8;
	[tilespmem:$0x19000] =	vst v63  }
0xbd: {  	_ =	swait.ge @!p0 [sflag:s21], $0x4000  }
0xbe: {  	s19 =	simm.s32 @!p0 $0x5000;
	s22 =	simm.s32 @!p0 $0x4;
	[sflag:s21] =	ssyncset.done @!p0 $0x0  }
0xbf: {  	s22 =	simm.s32 @p0 $0x3;
	[sflag:s21] =	ssyncadd.s32 @!p0 $0xFFFFC000;
	s21 =	simm.s32 @!p0 $0x80  }
0xc0: {  	[spmem:s1] =	stream.indirect.scatter.add.f32 @!p0 [tilespmem:s19], [sflag:$0x4], $0x80, s20, s21, $0xb8;
	[tilespmem:$0x19000] =	vst v63  }
0xc1: {  	_ =	swait.ge [sflag:s22], $0x4000  }
0xc2: {  	[sflag:s22] =	ssyncset.done $0x0  }
0xc3: {  	[sflag:s22] =	ssyncadd.s32 $0xFFFFC000  }
.LBB2_17:
0xc4: {  	s19 =	simm.s32 $0x0  }
0xc5: {  	[tilespmem:s19], [sflag:$0x3] =	stream.linear.gather [hbm4b:s16+s19], $0x2800, $0x38;
	[tilespmem:$0x19000] =	vst v63  }
0xc6: {  	_ =	swait.ge [sflag:s13], $0x2800  }
0xc7: {  	[sflag:s13] =	ssyncset.done $0x0  }
0xc8: {  	s20 =	simm.s32 $0x0;
	[sflag:s13] =	ssyncadd.s32 $0xFFFFD800  }
0xc9: {  	v4 =	vld [tilespmem:s20+$0x0]  }
0xca: {  	s29 =	simm.s32 $0x80  }
0xcb: {  	s30 =	simm.s32 $0x100;
	v5 =	vld [tilespmem:s29+$0x0]  }
0xcc: {  	v6 =	vld [tilespmem:s30+$0x0];
	_ =	sdelay $0x1  }
0xcd: {  	vm0 =	vne.s32 v4, $0xFFFC000  }
0xce: {  	v4 =	vsel vm0, $0x1, v2  }
0xcf: {  	vm13 =	vne.s32 v5, $0xFFFC000;
	(xrf0) =	vadd.scan.msk.s32 $0xffff, v4  }
0xd0: {  	vm14 =	vne.s32 v6, $0xFFFC000;
	v4 =	vsel vm13, $0x1, v2  }
0xd1: {  	(xrf0) =	vadd.scan.msk.s32 $0xffff, v4;
	v4 =	vsel vm14, $0x1, v2  }
0xd2: {  	s31 =	simm.s32 $0x180;
	(xrf0) =	vadd.scan.msk.s32 $0xffff, v4  }
0xd3: {  	v5 =	vld [tilespmem:s31+$0x0];
	_ =	sdelay $0x1  }
0xd4: {  	v4, _, _ =	vpop (xrf0)  }
0xd5: {  	(v2sf) =	vpush v4, $0xF  }
0xd6: {  	v4, _, _ =	vpop (xrf0)  }
0xd7: {  	vm15 =	vne.s32 v5, $0xFFFC000;
	(v2sf) =	vpush v4, $0xF;
	v5, _, _ =	vpop (xrf0)  }
0xd8: {  	(v2sf) =	vpush v5, $0xF;
	_ =	sdelay $0x5  }
0xd9: {  	s21 =	simm.s32 $0x200;
	v4 =	vsel vm15, $0x1, v2  }
0xda: {  	(xrf0) =	vadd.scan.msk.s32 $0xffff, v4;
	v4 =	vld [tilespmem:s21+$0x0];
	_ =	sdelay $0x1  }
0xdb: {  	s20 =	simm.s32 $0xA00  }
.LBB2_18:
0xdc: {  	p0 =	sne.s32 s20, $0x9E00  }
.Ltmp11:
0xdd: {  	s21 =	sshra.s32 s20, $0x2;
	(pc) =	sbr.rel @p0 .LBB2_18-.Ltmp11, $4  }
0xde: {  	s20 =	sadd.s32 $0x200, s20;
	s22 =	spop (v2sf);
	vm0 =	vne.s32 v4, $0xFFFC000  }
0xdf: {  	p1 =	slt.s32 s22, $0x1;
	v4 =	vld [tilespmem:s21+$0x0];
	v6 =	vsel vm0, $0x1, v2  }
0xe0: {  	s22 =	simm.s32 @!p1 $0x1;
	(xrf0) =	vadd.scan.msk.s32 $0xffff, v6;
	v5, _, _ =	vpop (xrf0)  }
0xe1: {  	s19 =	sadd.s32 s19, s22;
	(v2sf) =	vpush v5, $0xF  }
0xe2: {  	_ =	sdelay $0x1  }
0xe3: {  	vm0 =	vne.s32 v4, $0xFFFC000  }
0xe4: {  	v4 =	vsel vm0, $0x1, v2  }
0xe5: {  	(xrf0) =	vadd.scan.msk.s32 $0xffff, v4;
	_ =	sdelay $0x4  }
0xe6: {  	v4, _, _ =	vpop (xrf0)  }
0xe7: {  	(v2sf) =	vpush v4, $0xF;
	v4, _, _ =	vpop (xrf0)  }
0xe8: {  	(v2sf) =	vpush v4, $0xF;
	_ =	sdelay $0x9  }
0xe9: {  	s20 =	spop (v2sf)  }
0xea: {  	s21 =	spop (v2sf);
	p0 =	slt.s32 s20, $0x1  }
0xeb: {  	s20 =	simm.s32 @!p0 $0x1;
	p0 =	slt.s32 s21, $0x1  }
0xec: {  	s19 =	sadd.s32 s19, s20;
	s21 =	simm.s32 @!p0 $0x1;
	s22 =	spop (v2sf)  }
0xed: {  	s19 =	sadd.s32 s19, s21;
	p0 =	slt.s32 s22, $0x1;
	s21 =	spop (v2sf)  }
0xee: {  	s22 =	simm.s32 @!p0 $0x1;
	p0 =	slt.s32 s21, $0x1;
	s20 =	spop (v2sf)  }
0xef: {  	s19 =	sadd.s32 s19, s22;
	s21 =	simm.s32 @!p0 $0x1;
	p0 =	slt.s32 s20, $0x1  }
0xf0: {  	s21 =	sadd.s32 s19, s21;
	s20 =	simm.s32 @!p0 $0x1  }
0xf1: {  	s19 =	sadd.s32 s21, s20  }
0xf2: {  	s31 =	sshll.u32 s19, $0x3  }
0xf3: {  	p0 =	slt.s32 s31, $0x1  }
.Ltmp12:
0xf4: {  	_ = 	snop;
	(pc) =	sbr.rel @p0 .LBB2_27-.Ltmp12, $1  }
0xf5: {  	_ =	sdelay $0x3  }
0xf6: {  	s22 =	sshll.u32 s21, $0x3;
	s23 =	sshll.u32 s20, $0x3  }
0xf7: {  	s23 =	sadd.s32 s23, s22  }
0xf8: {  	p1 =	sne.s32 s23, $0x1  }
.Ltmp13:
0xf9: {  	_ = 	snop;
	(pc) =	sbr.rel @!p1 .LBB2_21-.Ltmp13, $4  }
0xfa: {  	s24 =	simm.s32 $0x0;
	s25 =	simm.s32 $0x0  }
0xfb: {  	s31 =	simm.s32 $0x0;
	s30 =	sand.u32 $0x70, s24;
	v4 =	vadd.s32 s25, v3  }
0xfc: {  	s22 =	sor.u32 s30, s31;
	v4 =	vand.u32 $0x7F, v4  }
0xfd: {  	p0 =	por $0x0, $0x0;
	v5 =	vld [tilespmem:s22+$0x0];
	v4 =	vor.u32 $0x1400, v4  }
0xfe: {  	_ = 	snop  }
0xff: {  	p1 =	sne.s32 s23, $0x2  }
.Ltmp14:
0x100: {  	_ = 	snop;
	(pc) =	sbr.rel @!p1 .LBB2_23-.Ltmp14, $4  }
0x101: {  	s25 =	simm.s32 $0x0;
	s24 =	simm.s32 $0x10  }
0x102: {  	s28 =	simm.s32 $0x0;
	s26 =	sand.u32 $0x70, s24;
	v6 =	vadd.s32 s25, v3;
	v7 =	vshrl.u32 v5, $0xE;
	v5 =	vand.u32 $0x3FFF, v5  }
0x103: {  	s25 =	sor.u32 s26, s28;
	v8 =	vand.u32 $0x7F, v6;
	v6 =	vsub.s32 v7, v0;
	[tilespmem:s22+$0x0] =	vst v5  }
0x104: {  	p0 =	por $0x1, $0x1;
	s26 =	simm.s32 $0x2;
	v7 =	vor.u32 $0x1400, v8;
	v5 =	vld [tilespmem:s25+$0x0];
	vm0 =	vlt.s32 v6, v4  }
.LBB2_24:
0x105: {  	v6 =	vsel vm0, v6, v4;
	v4 =	vmov v7;
	s28 =	smov.u32 s26;
	s26 =	sadd.s32 $0x1, s26  }
0x106: {  	p1 =	sne.s32 s23, s26;
	[tilespmem:s22+$0x2800] =	vst v6;
	s22 =	smov.u32 s25  }
.Ltmp15:
0x107: {  	(pc) =	sbr.rel @p1 .LBB2_24-.Ltmp15, $4  }
0x108: {  	s24 =	sadd.s32 $0x10, s24;
	s25 =	sshrl.u32 s28, $0x3  }
0x109: {  	s28 =	sand.u32 $0x70, s24;
	s29 =	sshll.u32 s25, $0x7;
	v6 =	vadd.s32 s25, v3;
	v7 =	vshrl.u32 v5, $0xE;
	v5 =	vand.u32 $0x3FFF, v5  }
0x10a: {  	s25 =	sor.u32 s28, s29;
	v8 =	vand.u32 $0x7F, v6;
	v6 =	vsub.s32 v7, v0;
	[tilespmem:s22+$0x0] =	vst v5  }
0x10b: {  	v7 =	vor.u32 $0x1400, v8;
	v5 =	vld [tilespmem:s25+$0x0];
	vm0 =	vlt.s32 v6, v4  }
0x10c: {  	v8 =	vmov v4;
	s23 =	smov.u32 s22;
	v4 =	vmov v7;
	s22 =	smov.u32 s25  }
.LBB2_26:
0x10d: {  	_ =	sdelay $0x2  }
0x10e: {  	v7 =	vshrl.u32 v5, $0xE  }
0x10f: {  	v6 =	vsel @p0 vm0, v6, v8;
	v7 =	vsub.s32 v7, v0  }
0x110: {  	[tilespmem:s23+$0x2800] =	vst @p0 v6;
	v5 =	vand.u32 $0x3FFF, v5;
	vm15 =	vlt.s32 v7, v4  }
0x111: {  	[tilespmem:s22+$0x0] =	vst v5;
	v4 =	vsel vm15, v7, v4  }
0x112: {  	[tilespmem:s22+$0x2800] =	vst v4  }
.LBB2_27:
0x113: {  	p0 =	slt.s32 s19, $0x1  }
.Ltmp16:
0x114: {  	_ = 	snop;
	(pc) =	sbr.rel @p0 .LBB2_31-.Ltmp16, $1  }
0x115: {  	_ =	sdelay $0x3  }
0x116: {  	s22 =	simm.s32 $0x80  }
0x117: {  	s24 =	simm.s32 $0x0;
	s23 =	simm.s32 $0x1;
	p0 =	sle.s32 s19, $0x1  }
0x118: {  	[tilespmem:s15], [sflag:$0x1] =	stream.indirect.gather [hbm4b:s4+s22], $0x80, s24, s22, $0xb8;
	[tilespmem:$0x19000] =	vst v63  }
0x119: {  	s25 =	sand.u32 @!p0 $0x1, s23  }
0x11a: {  	p1 =	seq.s32 @!p0 s25, $0x1  }
0x11b: {  	p2 =	por !p1, p0  }
0x11c: {  	s21 =	sadd.s32 s20, s21;
	s25 =	simm.s32 @!p2 $0x80;
	s26 =	simm.s32 @!p2 $0x9000  }
0x11d: {  	[tilespmem:s26], [sflag:$0x2] =	stream.indirect.gather @!p2 [hbm4b:s4+s25], $0x80, s22, s25, $0xb8;
	[tilespmem:$0x19000] =	vst v63  }
0x11e: {  	p2 =	sne.s32 s21, $0x1  }
.Ltmp17:
0x11f: {  	_ = 	snop;
	(pc) =	sbr.rel @!p2 .LBB2_30-.Ltmp17, $3  }
0x120: {  	_ =	sdelay $0x1  }
0x121: {  	s20 =	simm.s32 $0x2800;
	s31 =	sand.u32 $0x1, s24;
	p1 =	por p1, p0  }
0x122: {  	p0 =	seq.s32 s31, $0x1;
	s24 =	simm.s32 @!p1 $0x80;
	s25 =	simm.s32 @!p1 $0x5000  }
.LBB2_29:
0x123: {  	[tilespmem:s25], [sflag:$0x1] =	stream.indirect.gather @!p1 [hbm4b:s4+s24], $0x80, s22, s24, $0xb8;
	[tilespmem:$0x19000] =	vst v63  }
0x124: {  	s24 =	smov.u32 s23;
	s23 =	sadd.s32 $0x1, s23  }
0x125: {  	s25 =	simm.s32 @p0 $0x2;
	s22 =	sadd.s32 $0x80, s22;
	p1 =	sge.s32 s23, s19  }
0x126: {  	s26 =	simm.s32 @!p0 $0x1;
	_ =	swait.ge @p0 [sflag:s25], $0x4000;
	s28 =	sand.u32 @!p1 $0x1, s23  }
0x127: {  	s29 =	simm.s32 @p0 $0x9000;
	[sflag:s25] =	ssyncset.done @p0 $0x0;
	p3 =	seq.s32 @!p1 s28, $0x1  }
0x128: {  	s28 =	simm.s32 @!p0 $0x4;
	[sflag:s25] =	ssyncadd.s32 @p0 $0xFFFFC000;
	s25 =	simm.s32 @p0 $0x80  }
0x129: {  	[spmem:s1] =	stream.indirect.scatter.add.f32 @p0 [tilespmem:s29], [sflag:$0x3], $0x80, s20, s25, $0xb8;
	[tilespmem:$0x19000] =	vst v63  }
0x12a: {  	p2 =	por !p3, p1;
	p1 =	por p3, p1;
	_ =	swait.ge @!p0 [sflag:s26], $0x4000  }
0x12b: {  	s28 =	simm.s32 @p0 $0x3;
	s25 =	simm.s32 @!p0 $0x5000;
	[sflag:s26] =	ssyncset.done @!p0 $0x0  }
0x12c: {  	p3 =	sne.s32 s21, s23;
	[sflag:s26] =	ssyncadd.s32 @!p0 $0xFFFFC000;
	s26 =	simm.s32 @!p0 $0x80  }
0x12d: {  	[spmem:s1] =	stream.indirect.scatter.add.f32 @!p0 [tilespmem:s25], [sflag:$0x4], $0x80, s20, s26, $0xb8;
	[tilespmem:$0x19000] =	vst v63  }
.Ltmp18:
0x12e: {  	s20 =	sadd.s32 $0x80, s20;
	_ =	swait.ge [sflag:s28], $0x4000;
	(pc) =	sbr.rel @p3 .LBB2_29-.Ltmp18, $4  }
0x12f: {  	s25 =	simm.s32 @!p2 $0x80;
	s26 =	simm.s32 @!p2 $0x9000;
	[sflag:s28] =	ssyncset.done $0x0  }
0x130: {  	s29 =	sand.u32 $0x1, s24;
	[sflag:s28] =	ssyncadd.s32 $0xFFFFC000  }
0x131: {  	[tilespmem:s26], [sflag:$0x2] =	stream.indirect.gather @!p2 [hbm4b:s4+s25], $0x80, s22, s25, $0xb8;
	[tilespmem:$0x19000] =	vst v63  }
0x132: {  	s24 =	simm.s32 @!p1 $0x80;
	p0 =	seq.s32 s29, $0x1;
	s25 =	simm.s32 @!p1 $0x5000  }
.Ltmp19:
0x133: {  	_ = 	snop;
	(pc) =	sbr.rel .LBB2_30-.Ltmp19, $1  }
0x134: {  	_ =	sdelay $0x3  }
.LBB2_7:
.Ltmp20:
0x135: {  	(pc) =	sbr.rel .LBB2_12-.Ltmp20, $2  }
0x136: {  	_ =	sdelay $0x2  }
0x137: {  	_ = 	snop  }
.LBB2_21:
.Ltmp21:
0x138: {  	(pc) =	sbr.rel .LBB2_26-.Ltmp21, $2  }
0x139: {  	_ =	sdelay $0x2  }
0x13a: {  	_ = 	snop  }
.LBB2_9:
.Ltmp22:
0x13b: {  	(pc) =	sbr.rel .LBB2_12-.Ltmp22, $2  }
0x13c: {  	_ =	sdelay $0x2  }
0x13d: {  	v8 =	vmov v4;
	s23 =	smov.u32 s22;
	v4 =	vmov v7;
	s22 =	smov.u32 s25  }
.LBB2_23:
.Ltmp23:
0x13e: {  	(pc) =	sbr.rel .LBB2_26-.Ltmp23, $2  }
0x13f: {  	_ =	sdelay $0x2  }
0x140: {  	v8 =	vmov v4;
	s23 =	smov.u32 s22;
	v4 =	vmov v7;
	s22 =	smov.u32 s25  }
.LBB2_32:
0x141: {  	_ =	sfence.sel $0x180000  }
0x142: {  	[bflag:$0x0] =	sbarrier.arrive $0xFFFF  }
0x143: {  	p0 =	sne.s32 s2, $0x0;
	_ =	strace $0x90000050  }
0x144: {  	s0 =	sadd.s32 @!p0 $0x100000, s0;
	[bflag:$0x2] =	sbarrier.arrive $0xFFFF  }
0x145: {  	[sflag:s0] =	ssyncadd.tile.s32 @!p0 $0x1;
	_ =	shalt  }
.Lfunc_end2:
_tile_overlayer_lowered:
.L_overlay_start_2:
0x146: {  	(tag) =	ssettag $0x2  }
0x147: {  	s0 =	rddreg [dreg:$0x0];
	s2 =	stileid.u32  }
0x148: {  	s1 =	rddreg [dreg:$0x1];
	p0 =	sne.s32 s2, $0x0  }
0x149: {  	s3 =	rddreg [dreg:$0x2];
	[bflag:$0x3] =	sbarrier.arrive $0xFFFF;
	s2 =	simm.s32 @!p0 $0x1C03  }
0x14a: {  	[timem:s3], [sflag:s2] =	dma.local @!p0 [hbm:s0], s1  }
0x14b: {  	s0 =	simm.s32 @!p0 $0x3  }
0x14c: {  	_ =	swait.ge @!p0 [sflag:s0], s1  }
0x14d: {  	s1 =	ssub.s32 @!p0 $0x0, s1;
	[sflag:s0] =	ssyncset.done @!p0 $0x0  }
0x14e: {  	[sflag:s0] =	ssyncadd.s32 @!p0 s1  }
0x14f: {  	[bflag:$0x3] =	sbarrier.arrive $0xFFFF  }
0x150: {  	_ =	shalt  }

// kernel: kernel.9.cloned.1.call-start
scs
__scs_entry_jumppad:
0x0: {  	(pc) =	sbr.rel $0x88, $3  }
0x1: {  	(tag) =	ssettag $0x0;
	lr =	simm.s32 $0x1  }
0x2: {  	[smem:$0x3F9B] =	sst lr;
	_ =	strace $0xD0000000  }
0x3: {  	_ = 	snop  }
0x4: {  	_ = 	snop  }
0x5: {  	_ = 	snop  }
0x6: {  	_ = 	snop  }
0x7: {  	_ = 	snop  }
__scs_overlays_trampoline_lowered:
0x8: {  	[smem:$0x3FAA] =	sst s0  }
0x9: {  	[smem:$0x3FAB] =	sst s1  }
0xa: {  	[smem:$0x3FAC] =	sst s2  }
0xb: {  	[smem:$0x3FAD] =	sst s3  }
0xc: {  	[smem:$0x3FAE] =	sst s4  }
0xd: {  	[smem:$0x3FAF] =	sst s5  }
0xe: {  	[smem:$0x3FB0] =	sst s6  }
0xf: {  	[smem:$0x3FB1] =	sst s7  }
0x10: {  	[smem:$0x3FB2] =	sst s8  }
0x11: {  	[smem:$0x3FB3] =	sst s9;
	s0 =	simm.s32 @!p0 $0x0  }
0x12: {  	s1 =	sld [smem:$0x3F99];
	s0 =	simm.s32 @p0 $0x1  }
0x13: {  	[smem:$0x3FB4] =	sst s0;
	s0 =	simm.s32 @!p1 $0x0  }
0x14: {  	s2 =	sld [smem:$0x3F98];
	s0 =	simm.s32 @p1 $0x1  }
0x15: {  	[smem:$0x3FB5] =	sst s0;
	s0 =	simm.s32 @!p2 $0x0  }
0x16: {  	s3 =	sld [smem:$0x3FDB];
	s0 =	simm.s32 @p2 $0x1  }
0x17: {  	s4 =	simm.s32 $0x1BF5;
	[smem:$0x3FB7] =	sst s0  }
0x18: {  	s0 =	sld [smem:$0x3F9A];
	_ =	swait.ge [sflag:s4], $0x0  }
0x19: {  	s7 =	sld [smem:$0x3F9B]  }
0x1a: {  	s8 =	sadd.s32 $0xFFFFE003, lr  }
0x1b: {  	s9 =	sadd.s32 $0xFFFFFEF7, lr;
	s5 =	simm.s32 $0xFFFFFFFF;
	p2 =	slt.u32 s8, $0xFFFFF086  }
0x1c: {  	p1 =	slt.u32 s9, $0xF7A;
	s5 =	simm.s32 @!p2 $0x0  }
0x1d: {  	s5 =	simm.s32 @p1 $0x1;
	p0 =	seq.s32 s7, s2  }
0x1e: {  	s7 =	smul.u32 @!p0 $0xF7A, s2;
	p2 =	seq.s32 @!p0 s5, $0x0  }
0x1f: {  	s9 =	smul.u32 $0xF7A, s1;
	s8 =	simm.s32 @!p0 $0x1BF5;
	p2 =	por !p2, p0  }
0x20: {  	[sflag:s8] =	ssyncset.s32 @!p0 $0xFFFFF086;
	s6 =	sadd.s32 @!p0 s3, s7;
	s7 =	simm.s32 @!p0 $0x108  }
0x21: {  	s3 =	sadd.s32 s3, s9;
	s6 =	sadd.s32 @!p0 $0x88, s6;
	s7 =	simm.s32 @p2 $0x1082  }
0x22: {  	[simem:s7], [sflag:s8] =	dma.local @!p0 [hbm:s6], $0xF7A  }
0x23: {  	s9 =	sor.u32 $0xD0000000, s2;
	s6 =	simm.s32 $0x108;
	_ =	swait.ge @!p0 [sflag:s8], $0x0  }
0x24: {  	s3 =	sadd.s32 $0x88, s3;
	s6 =	simm.s32 @!p1 $0x1082;
	[sflag:s4] =	ssyncset.s32 $0xFFFFF086  }
0x25: {  	[simem:s6], [sflag:s4] =	dma.local [hbm:s3], $0xF7A  }
0x26: {  	[smem:$0x3F9B] =	sst s1;
	(tag) =	ssettag s2;
	_ =	strace s9  }
0x27: {  	s1 =	sld [smem:$0x3FAB]  }
0x28: {  	s2 =	sld [smem:$0x3FAC]  }
0x29: {  	s4 =	sld [smem:$0x3FAE]  }
0x2a: {  	p0 =	seq.s32 s5, $0x0;
	s5 =	sld [smem:$0x3FAF]  }
0x2b: {  	s6 =	sld [smem:$0x3FB0]  }
0x2c: {  	s7 =	sld [smem:$0x3FB1]  }
0x2d: {  	s3 =	simm.s32 $0x108;
	s8 =	sld [smem:$0x3FB2]  }
0x2e: {  	s3 =	simm.s32 @!p0 $0x1082;
	s9 =	sld [smem:$0x3FB3]  }
0x2f: {  	lr =	sadd.s32 s0, s3;
	s0 =	sld [smem:$0x3FAA]  }
0x30: {  	s3 =	sld [smem:$0x3FAD]  }
0x31: {  	[smem:$0x3FB6] =	sst s10  }
0x32: {  	s10 =	sld [smem:$0x3FB4];
	_ =	sdelay $0x3  }
0x33: {  	p0 =	seq.s32 s10, $0x1;
	s10 =	sld [smem:$0x3FB6];
	_ =	sdelay $0x3  }
0x34: {  	[smem:$0x3FB6] =	sst s10  }
0x35: {  	s10 =	sld [smem:$0x3FB5];
	_ =	sdelay $0x3  }
0x36: {  	p1 =	seq.s32 s10, $0x1;
	s10 =	sld [smem:$0x3FB6];
	_ =	sdelay $0x3  }
0x37: {  	[smem:$0x3FB6] =	sst s10  }
0x38: {  	s10 =	sld [smem:$0x3FB7]  }
0x39: {  	_ = 	snop;
	(pc) =	sbr.ind lr, $3  }
0x3a: {  	_ = 	snop  }
0x3b: {  	_ = 	snop  }
0x3c: {  	p2 =	seq.s32 s10, $0x1;
	s10 =	sld [smem:$0x3FB6]  }
0x3d: {  	_ =	shalt  }
0x3e: {  	_ =	shalt  }
0x3f: {  	_ =	shalt  }
0x40: {  	_ =	shalt  }
0x41: {  	_ =	shalt  }
0x42: {  	_ =	shalt  }
0x43: {  	_ =	shalt  }
0x44: {  	_ =	shalt  }
0x45: {  	_ =	shalt  }
0x46: {  	_ =	shalt  }
0x47: {  	_ =	shalt  }
0x48: {  	_ =	shalt  }
0x49: {  	_ =	shalt  }
0x4a: {  	_ =	shalt  }
0x4b: {  	_ =	shalt  }
0x4c: {  	_ =	shalt  }
0x4d: {  	_ =	shalt  }
0x4e: {  	_ =	shalt  }
0x4f: {  	_ =	shalt  }
0x50: {  	_ =	shalt  }
0x51: {  	_ =	shalt  }
0x52: {  	_ =	shalt  }
0x53: {  	_ =	shalt  }
0x54: {  	_ =	shalt  }
0x55: {  	_ =	shalt  }
0x56: {  	_ =	shalt  }
0x57: {  	_ =	shalt  }
0x58: {  	_ =	shalt  }
0x59: {  	_ =	shalt  }
0x5a: {  	_ =	shalt  }
0x5b: {  	_ =	shalt  }
0x5c: {  	_ =	shalt  }
0x5d: {  	_ =	shalt  }
0x5e: {  	_ =	shalt  }
0x5f: {  	_ =	shalt  }
0x60: {  	_ =	shalt  }
0x61: {  	_ =	shalt  }
0x62: {  	_ =	shalt  }
0x63: {  	_ =	shalt  }
0x64: {  	_ =	shalt  }
0x65: {  	_ =	shalt  }
0x66: {  	_ =	shalt  }
0x67: {  	_ =	shalt  }
0x68: {  	_ =	shalt  }
0x69: {  	_ =	shalt  }
0x6a: {  	_ =	shalt  }
0x6b: {  	_ =	shalt  }
0x6c: {  	_ =	shalt  }
0x6d: {  	_ =	shalt  }
0x6e: {  	_ =	shalt  }
0x6f: {  	_ =	shalt  }
0x70: {  	_ =	shalt  }
0x71: {  	_ =	shalt  }
0x72: {  	_ =	shalt  }
0x73: {  	_ =	shalt  }
0x74: {  	_ =	shalt  }
0x75: {  	_ =	shalt  }
0x76: {  	_ =	shalt  }
0x77: {  	_ =	shalt  }
0x78: {  	_ =	shalt  }
0x79: {  	_ =	shalt  }
0x7a: {  	_ =	shalt  }
0x7b: {  	_ =	shalt  }
0x7c: {  	_ =	shalt  }
0x7d: {  	_ =	shalt  }
0x7e: {  	_ =	shalt  }
0x7f: {  	_ =	shalt  }
0x80: {  	_ =	shalt  }
0x81: {  	_ =	shalt  }
0x82: {  	_ =	shalt  }
0x83: {  	_ =	shalt  }
0x84: {  	_ =	shalt  }
0x85: {  	_ =	shalt  }
0x86: {  	_ =	shalt  }
0x87: {  	_ =	shalt  }
.Lfunc_end0:
.L_simem_size_0:
called_computation_lowered:
.L_overlay_start_0:
0x88: {  	s2 =	sld [smem:$0x3FD9]  }
0x89: {  	s3 =	sld [smem:$0x3FFE];
	_ =	sdelay $0x1  }
0x8a: {  	s1 =	srdreg.scid  }
0x8b: {  	s0 =	sand.u32 $0x1, s1  }
0x8c: {  	s17 =	sshll.u32 s0, $0xA;
	s2 =	sadd.s32 s3, s2  }
0x8d: {  	s2 =	sadd.s32 s2, s17  }
0x8e: {  	[smem:$0x3FC2] =	sst s2  }
0x8f: {  	_ = 	snop  }
0x90: {  	s2 =	sld [smem:$0x3FD0];
	(tm) =	ssettm $0x1  }
0x91: {  	s18 =	sld [smem:$0x3FFB];
	_ =	sdelay $0x3  }
0x92: {  	_ =	strace s18  }
0x93: {  	s3 =	sld [smem:$0x3FFC];
	_ =	sdelay $0x3  }
0x94: {  	_ =	strace s3  }
0x95: {  	s3 =	sld [smem:$0x3FFD];
	_ =	sdelay $0x3  }
0x96: {  	_ =	strace s3  }
0x97: {  	_ =	strace $0x8FFFFFFF  }
0x98: {  	s19 =	sld [smem:$0x3FDB];
	_ =	sdelay $0x1  }
0x99: {  	s4 =	simm.s32 $_scs_section_size  }
0x9a: {  	s5 =	simm.s32 $_size__tile_overlayer_lowered;
	s6 =	simm.s32 $_tile_overlayer_lowered  }
0x9b: {  	s22 =	simm.s32 $0x1BFF;
	s21 =	sshll.u32 s6, $0x1;
	s3 =	sadd.s32 s4, s19  }
0x9c: {  	s7 =	simm.s32 $0x0;
	s20 =	sshll.u32 s5, $0x1;
	s5 =	sadd.s32 s21, s3  }
0x9d: {  	[timem:s7], [sflag:s22] =	dma.local [hbm:s5], s20  }
0x9e: {  	_ =	swait.ge [sflag:s22], s20  }
0x9f: {  	s4 =	ssub.s32 $0x0, s20;
	[sflag:s22] =	ssyncset.done $0x0  }
0xa0: {  	[sflag:s22] =	ssyncadd.s32 s4;
	_ =	sdelay $0x1  }
0xa1: {  	s23 =	simm.s32 $0x1B8B  }
0xa2: {  	_ =	swait.ge [sflag:s23], $0x1  }
0xa3: {  	[sflag:s23] =	ssyncset.done $0x0  }
0xa4: {  	s25 =	simm.s32 $0x1B8E;
	s24 =	sld [smem:$0x3FFE];
	[sflag:s23] =	ssyncadd.s32 $0xFFFFFFFF  }
0xa5: {  	s26 =	simm.s32 $execute0_lowered;
	[smem:$0x3FD2] =	sst s25  }
0xa6: {  	s5 =	sshll.u32 s26, $0x1;
	_ =	strace $0x80000046;
	[dreg:$0x1] =	wrdreg $0xFFFFFFFF  }
0xa7: {  	s28 =	simm.s32 $_size_execute0_lowered;
	s3 =	sadd.s32 s3, s5;
	[dreg:$0x0] =	wrdreg $0x0  }
0xa8: {  	s5 =	sshll.u32 s28, $0x1;
	[dreg:$0x2] =	wrdreg s3  }
0xa9: {  	[dreg:$0x3] =	wrdreg s5  }
0xaa: {  	[dreg:$0x4] =	wrdreg $0xC0  }
0xab: {  	_ =	task [dreg:s7], $0x5FFFF  }
0xac: {  	[dreg:$0x1] =	wrdreg $0xFFFFFFFF  }
0xad: {  	[dreg:$0x0] =	wrdreg $0x60  }
0xae: {  	[dreg:$0x2] =	wrdreg s24  }
0xaf: {  	[dreg:$0x3] =	wrdreg s2  }
0xb0: {  	[dreg:$0x4] =	wrdreg $0x9  }
0xb1: {  	_ =	task.clear_ibuf [dreg:s7], $0x5FFFF;
	_ =	strace $0x90000046  }
0xb2: {  	s29 =	simm.s32 $0x9;
	_ =	strace $0x80000048  }
0xb3: {  	_ =	swait.ge [sflag:s29], $0x1  }
0xb4: {  	[sflag:s29] =	ssyncadd.s32 $0xFFFFFFFF  }
0xb5: {  	_ =	strace $0x90000048  }
0xb6: {  	_ =	sfence  }
0xb7: {  	s30 =	sld [smem:$0x0];
	_ =	sdelay $0x2  }
0xb8: {  	s31 =	sshll.u32 s1, $0xD;
	s1 =	sshrl.u32 s1, $0x2  }
0xb9: {  	s3 =	sand.u32 $0x4000, s31;
	s1 =	sadd.s32 s1, s30  }
0xba: {  	s0 =	sor.u32 s3, s0;
	s1 =	sshll.u32 s1, $0x11  }
0xbb: {  	s0 =	sor.u32 s1, s0  }
0xbc: {  	s0 =	sadd.s32 $0x8F2B, s0  }
0xbd: {  	[sflag:s0] =	ssyncadd.remote.s32 $0x1  }
0xbe: {  	_ =	sfence.sel $0xFFFF  }
0xbf: {  	[dreg:$0x0] =	wrdreg $0xFFFFFFFF;
	(pc) =	sbr.abs _section_cstart, $3  }
0xc0: {  	[dreg:$0x1] =	wrdreg $0xFFFFFFFF  }
0xc1: {  	_ =	task.clear_ibuf [dreg:s7], $0x2FFFF;
	_ =	strace $0x9FFFFFFF  }
0xc2: {  	(tm) =	ssettm $0x7FFFFFFF  }
0xc3: {  	_ =	shalt  }
tec
execute0_lowered:
.L_overlay_start_1:
0x0: {  	(tag) =	ssettag $0x1  }
0x1: {  	s4 =	rddreg [dreg:$0x0]  }
0x2: {  	s0 =	srdreg.scid;
	s5 =	rddreg [dreg:$0x1]  }
0x3: {  	s2 =	simm.s32 $0x0;
	s7 =	simm.s32 $0x2800;
	s3 =	sand.u32 $0x1, s0  }
0x4: {  	s8 =	simm.s32 $0x5080;
	s0 =	stileid.u32;
	s1 =	sshll.u32 s3, $0x4  }
0x5: {  	s9 =	simm.s32 $0x7900;
	s12 =	simm.s32 $0x0;
	s6 =	sor.u32 s0, s1  }
0x6: {  	[smem:$0x7FF] =	sst s2;
	s3 =	ssub.s32 $0x2, s3;
	s10 =	smul.u32 $0x500, s6  }
0x7: {  	s11 =	sadd.s32 $0xA000, s5;
	s1 =	rddreg [dreg:$0x2];
	s31 =	sshrl.u32 s3, $0x1  }
0x8: {  	_ =	strace $0x80000047;
	s6 =	ssub.s32 s3, s31;
	s4 =	sadd.s32 s10, s4  }
0x9: {  	s3 =	sadd.s32 $0x2A00, s4;
	s4 =	sadd.s32 s5, s10;
	s5 =	smax.u32 s6, $0x1  }
0xa: {  	v0 =	vimm.s32 $0xFFFC000;
	v1 =	vimm.s32 $0x0;
	s6 =	simm.s32 $0x1;
	s10 =	sadd.s32 s10, s11;
	s11 =	simm.s32 $0xA100  }
.LBB2_1:
0xb: {  	[tilespmem:s2], [sflag:$0x1] =	stream.linear.gather [hbm4b:s3+s2], $0x2800, $0x38;
	[tilespmem:$0xC900] =	vst v63  }
0xc: {  	_ =	swait.ge [sflag:s6], $0x2800  }
0xd: {  	[sflag:s6] =	ssyncset.done $0x0  }
0xe: {  	s14 =	simm.s32 $0x40;
	s13 =	simm.s32 $0x0;
	[sflag:s6] =	ssyncadd.s32 $0xFFFFD800  }
.LBB2_2:
0xf: {  	p0 =	sne.s32 s14, $0xA000;
	[tilespmem:s13+$0x2800] =	vst v0;
	s15 =	smov.u32 s14;
	s14 =	sadd.s32 $0x40, s14  }
.Ltmp0:
0x10: {  	[tilespmem:s13+$0x5080] =	vst v0;
	(pc) =	sbr.rel @p0 .LBB2_2-.Ltmp0, $2  }
0x11: {  	_ =	sdelay $0x2  }
0x12: {  	s13 =	sshra.s32 s15, $0x2  }
0x13: {  	s14 =	simm.s32 $0x0  }
0x14: {  	s15 =	sand.u32 $0xFE00, s14  }
0x15: {  	[tilespmem:s13+$0x2800] =	vst v0;
	s16 =	sand.u32 $0x70, s14;
	s15 =	sshrl.u32 s15, $0x2  }
0x16: {  	[tilespmem:s13+$0x5080] =	vst v0;
	s30 =	sor.u32 s16, s15  }
0x17: {  	v2 =	vld [tilespmem:s30+$0x0];
	_ =	sdelay $0x4  }
0x18: {  	vm0 =	vlt.u32 v2, $0x5000000  }
0x19: {  	vm1 =	vgt.u32 v2, $0x4FFFFFF;
	v3 =	vsel vm0, $0x1, v1  }
0x1a: {  	v4 =	vsel vm1, $0x1, v1;
	(xrf0) =	vadd.scan.msk.s32 $0xffff, v3  }
0x1b: {  	(xrf0) =	vadd.scan.msk.s32 $0xffff, v4;
	_ =	sdelay $0x3  }
0x1c: {  	v3 =	vsel vm0, $0xFFFFFFFF, v1  }
0x1d: {  	v4 =	vsel vm1, $0xFFFFFFFF, v1;
	v3 =	vadd.s32 s14, v3;
	v5, _, _ =	vpop (xrf0)  }
0x1e: {  	v4 =	vadd.s32 s14, v4;
	v3 =	vadd.s32 v5, v3;
	v6, _, _ =	vpop (xrf0);
	(v2sf) =	vpush v5, $0xF  }
0x1f: {  	v4 =	vadd.s32 v6, v4;
	_ =	sdelay $0x1  }
0x20: {  	s13 =	simm.s32 $0x40  }
0x21: {  	s31 =	sand.u32 $0xFE00, s13;
	s15 =	simm.s32 $0x10  }
0x22: {  	s16 =	sshrl.u32 s31, $0x2;
	s17 =	sand.u32 $0x70, s15;
	[tilespmem:v3+s7+$0x0] =	vst.idx.msk vm0, v2  }
0x23: {  	s16 =	sor.u32 s17, s16;
	[tilespmem:v4+s8+$0x0] =	vst.idx.msk vm1, v2  }
0x24: {  	v2 =	vld [tilespmem:s16+$0x0];
	_ =	sdelay $0x4  }
0x25: {  	vm1 =	vlt.u32 v2, $0x5000000  }
0x26: {  	vm0 =	vgt.u32 v2, $0x4FFFFFF;
	v4 =	vsel vm1, $0x1, v1  }
0x27: {  	s18 =	simm.s32 $0x0;
	s17 =	simm.s32 $0xC0;
	s16 =	simm.s32 $0x80;
	v3 =	vsel vm0, $0x1, v1;
	(xrf0) =	vadd.scan.msk.s32 $0xffff, v4  }
.LBB2_4:
0x28: {  	p0 =	sne.s32 s17, $0x9FC0;
	(xrf0) =	vadd.scan.msk.s32 $0xffff, v3;
	s19 =	spop (v2sf)  }
0x29: {  	s14 =	sadd.s32 s14, s19;
	s18 =	ssub.s32 s18, s19  }
0x2a: {  	s18 =	sadd.s32 $0x10, s18;
	_ =	sdelay $0x1  }
0x2b: {  	v3 =	vsel vm1, $0xFFFFFFFF, v1  }
0x2c: {  	v4 =	vsel vm0, $0xFFFFFFFF, v1;
	v3 =	vadd.s32 s14, v3;
	v5, _, _ =	vpop (xrf0)  }
0x2d: {  	v4 =	vadd.s32 s18, v4;
	v3 =	vadd.s32 v5, v3;
	v6, _, _ =	vpop (xrf0);
	(v2sf) =	vpush v5, $0xF  }
0x2e: {  	v4 =	vadd.s32 v6, v4;
	_ =	sdelay $0x2  }
0x2f: {  	s15 =	sadd.s32 $0x10, s15;
	s19 =	sand.u32 $0xFE00, s16;
	s16 =	smov.u32 s17  }
0x30: {  	s20 =	sand.u32 $0x70, s15;
	s19 =	sshrl.u32 s19, $0x2;
	[tilespmem:v3+s7+$0x0] =	vst.idx.msk vm1, v2  }
0x31: {  	s19 =	sor.u32 s20, s19;
	[tilespmem:v4+s8+$0x0] =	vst.idx.msk vm0, v2  }
0x32: {  	v2 =	vld [tilespmem:s19+$0x0];
	_ =	sdelay $0x2  }
.Ltmp1:
0x33: {  	(pc) =	sbr.rel @p0 .LBB2_4-.Ltmp1, $4  }
0x34: {  	_ = 	snop  }
0x35: {  	vm1 =	vlt.u32 v2, $0x5000000  }
0x36: {  	vm0 =	vgt.u32 v2, $0x4FFFFFF;
	v4 =	vsel vm1, $0x1, v1  }
0x37: {  	s17 =	sadd.s32 $0x40, s17;
	v3 =	vsel vm0, $0x1, v1;
	(xrf0) =	vadd.scan.msk.s32 $0xffff, v4  }
0x38: {  	(xrf0) =	vadd.scan.msk.s32 $0xffff, v3;
	_ =	sdelay $0x2  }
0x39: {  	s17 =	spop (v2sf)  }
0x3a: {  	v3 =	vsel vm1, $0xFFFFFFFF, v1;
	s14 =	sadd.s32 s14, s17;
	s17 =	ssub.s32 s18, s17  }
0x3b: {  	v4 =	vsel vm0, $0xFFFFFFFF, v1;
	s17 =	sadd.s32 $0x10, s17;
	v3 =	vadd.s32 s14, v3;
	v5, _, _ =	vpop (xrf0)  }
0x3c: {  	v4 =	vadd.s32 s17, v4;
	v3 =	vadd.s32 v5, v3;
	v6, _, _ =	vpop (xrf0)  }
0x3d: {  	v4 =	vadd.s32 v6, v4;
	_ =	sdelay $0x2  }
0x3e: {  	s16 =	sand.u32 $0xFE00, s16;
	s15 =	sadd.s32 $0x10, s15  }
0x3f: {  	s15 =	sand.u32 $0x70, s15;
	s16 =	sshrl.u32 s16, $0x2;
	[tilespmem:v3+s7+$0x0] =	vst.idx.msk vm1, v2  }
0x40: {  	s15 =	sor.u32 s15, s16;
	[tilespmem:v4+s8+$0x0] =	vst.idx.msk vm0, v2  }
0x41: {  	v2 =	vld [tilespmem:s15+$0x0];
	_ =	sdelay $0x2  }
0x42: {  	(v2sf) =	vpush v5, $0xF;
	_ =	sdelay $0x1  }
0x43: {  	vm14 =	vlt.u32 v2, $0x5000000  }
0x44: {  	v3 =	vsel vm14, $0x1, v1  }
0x45: {  	(xrf0) =	vadd.scan.msk.s32 $0xffff, v3;
	_ =	sdelay $0x5  }
0x46: {  	vm15 =	vgt.u32 v2, $0x4FFFFFF;
	v3, _, _ =	vpop (xrf0)  }
0x47: {  	v4 =	vsel vm15, $0x1, v1;
	(v2sf) =	vpush v3, $0xF  }
0x48: {  	(xrf0) =	vadd.scan.msk.s32 $0xffff, v4;
	_ =	sdelay $0x2  }
0x49: {  	v5 =	vsel vm15, $0xFFFFFFFF, v1;
	s30 =	spop (v2sf)  }
0x4a: {  	s14 =	sadd.s32 s14, s30;
	s15 =	ssub.s32 s17, s30;
	v4 =	vsel vm14, $0xFFFFFFFF, v1  }
0x4b: {  	s15 =	sadd.s32 $0x10, s15;
	v4 =	vadd.s32 s14, v4  }
0x4c: {  	v3 =	vadd.s32 v3, v4;
	v4 =	vadd.s32 s15, v5;
	v5, _, _ =	vpop (xrf0)  }
0x4d: {  	v4 =	vadd.s32 v5, v4;
	_ =	sdelay $0x3  }
0x4e: {  	[tilespmem:v3+s7+$0x0] =	vst.idx.msk vm14, v2  }
0x4f: {  	s14 =	simm.s32 $0x0;
	[tilespmem:v4+s8+$0x0] =	vst.idx.msk vm15, v2  }
0x50: {  	v2 =	vld [tilespmem:s14+$0x5080]  }
0x51: {  	v3 =	vld [tilespmem:s14+$0x2800];
	s31 =	spop (v2sf)  }
.LBB2_6:
0x52: {  	p0 =	sne.s32 s13, $0x9FC0  }
.Ltmp2:
0x53: {  	_ = 	snop;
	(pc) =	sbr.rel @p0 .LBB2_6-.Ltmp2, $4  }
0x54: {  	_ = 	snop  }
0x55: {  	s15 =	sshra.s32 s13, $0x2;
	s13 =	sadd.s32 $0x40, s13;
	[tilespmem:s14+$0xA100] =	vst v2  }
0x56: {  	v2 =	vld [tilespmem:s15+$0x5080];
	[tilespmem:s14+$0x7900] =	vst v3;
	s14 =	smov.u32 s15  }
0x57: {  	v3 =	vld [tilespmem:s14+$0x2800]  }
0x58: {  	_ =	sdelay $0x2  }
0x59: {  	[tilespmem:s14+$0xA100] =	vst v2  }
0x5a: {  	[tilespmem:s14+$0x7900] =	vst v3  }
0x5b: {  	[hbm4b:s4+s2] =	stream.linear.scatter [tilespmem:s9], [sflag:$0x1], $0x2800, $0x38;
	[tilespmem:$0xC900] =	vst v63  }
0x5c: {  	s12 =	sadd.s32 $0x1, s12;
	_ =	swait.ge [sflag:s6], $0x2800  }
0x5d: {  	p0 =	sne.s32 s12, s5;
	[sflag:s6] =	ssyncset.done $0x0  }
.Ltmp3:
0x5e: {  	[sflag:s6] =	ssyncadd.s32 $0xFFFFD800;
	(pc) =	sbr.rel @p0 .LBB2_1-.Ltmp3, $4  }
0x5f: {  	[hbm4b:s10+s2] =	stream.linear.scatter [tilespmem:s11], [sflag:$0x1], $0x2800, $0x38;
	[tilespmem:$0xC900] =	vst v63  }
0x60: {  	_ =	swait.ge [sflag:s6], $0x2800  }
0x61: {  	[sflag:s6] =	ssyncset.done $0x0  }
0x62: {  	[sflag:s6] =	ssyncadd.s32 $0xFFFFD800  }
0x63: {  	_ =	sfence.sel $0x180000  }
0x64: {  	[bflag:$0x0] =	sbarrier.arrive $0xFFFF  }
0x65: {  	p0 =	sne.s32 s0, $0x0;
	_ =	strace $0x90000047  }
0x66: {  	s0 =	sadd.s32 @!p0 $0x100000, s1;
	[bflag:$0x2] =	sbarrier.arrive $0xFFFF  }
0x67: {  	[sflag:s0] =	ssyncadd.tile.s32 @!p0 $0x1;
	_ =	shalt  }
.Lfunc_end2:
_tile_overlayer_lowered:
.L_overlay_start_2:
0x68: {  	(tag) =	ssettag $0x2  }
0x69: {  	s0 =	rddreg [dreg:$0x0];
	s2 =	stileid.u32  }
0x6a: {  	s1 =	rddreg [dreg:$0x1];
	p0 =	sne.s32 s2, $0x0  }
0x6b: {  	s3 =	rddreg [dreg:$0x2];
	[bflag:$0x3] =	sbarrier.arrive $0xFFFF;
	s2 =	simm.s32 @!p0 $0x1C01  }
0x6c: {  	[timem:s3], [sflag:s2] =	dma.local @!p0 [hbm:s0], s1  }
0x6d: {  	s0 =	simm.s32 @!p0 $0x1  }
0x6e: {  	_ =	swait.ge @!p0 [sflag:s0], s1  }
0x6f: {  	s1 =	ssub.s32 @!p0 $0x0, s1;
	[sflag:s0] =	ssyncset.done @!p0 $0x0  }
0x70: {  	[sflag:s0] =	ssyncadd.s32 @!p0 s1  }
0x71: {  	[bflag:$0x3] =	sbarrier.arrive $0xFFFF  }
0x72: {  	_ =	shalt  }

</sc_bundles>
